<compile_context>
chip_gen: v7x
topology: tpu7x:2x2x1
jax: 0.10.2.dev20260603
libtpu: 0.0.44.dev20260713+nightly
codegen_flags: <defaults>
</compile_context>

<pallas_src>
import functools

import jax
import jax.numpy as jnp
import numpy as np
from jax import lax
from jax.experimental import pallas as pl
from jax.experimental.pallas import tpu as pltpu
from jax.experimental.pallas import tpu_sc as plsc

N = 10000
E = 320000
D_NODE = 128
D_EDGE = 16
HID = 16
OUT = 128

NC = 2
NS = 16
NW = NC * NS
B = 80
EPT = 10240
E_PAD = NW * EPT
CHUNKS = EPT // B
N_PAD = 10112
ROWS_PER_TILE = N_PAD // NS
PAIRS = 9
TCOLS = PAIRS * 32
NBUF = 2
STG = 624



def _pack_i32(t):
    a = lax.bitcast_convert_type(t[:, :TCOLS // 2].astype(jnp.bfloat16),
                                 jnp.uint16).astype(jnp.int32)
    b = lax.bitcast_convert_type(t[:, TCOLS // 2:].astype(jnp.bfloat16),
                                 jnp.uint16).astype(jnp.int32)
    return lax.bitwise_or(a, lax.shift_left(b, 16))


def _mm_body(pack, x_ref, w_ref, o_ref):
    t = jnp.dot(x_ref[...], w_ref[...], preferred_element_type=jnp.float32)
    o_ref[...] = _pack_i32(t) if pack else t


def _tc_matmul(x, w, pack=False):
    n_out = w.shape[1] // 2 if pack else w.shape[1]
    dt = jnp.int32 if pack else jnp.float32
    return pl.pallas_call(
        functools.partial(_mm_body, pack),
        out_shape=jax.ShapeDtypeStruct((x.shape[0], n_out), dt),
    )(x, w)


def _mmb_body(x_ref, w_ref, b_ref, o_ref):
    o_ref[...] = jnp.dot(x_ref[...], w_ref[...],
                         preferred_element_type=jnp.float32) + b_ref[...]


def _tc_matmul_bias(x, w, b):
    return pl.pallas_call(
        _mmb_body,
        out_shape=jax.ShapeDtypeStruct((x.shape[0], w.shape[1]), jnp.float32),
    )(x, w, b)


def _sd_body(ei_ref, o_ref):
    o_ref[0:1, :E] = ei_ref[0:1, :]
    o_ref[1:2, :E] = ei_ref[1:2, :]
    o_ref[0:1, E:] = jnp.zeros((1, E_PAD - E), jnp.int32)
    o_ref[1:2, E:] = jnp.full((1, E_PAD - E), N, jnp.int32)


def _tc_sd(edge_index):
    return pl.pallas_call(
        _sd_body,
        out_shape=jax.ShapeDtypeStruct((2, E_PAD), jnp.int32),
    )(edge_index)


def _combine_body(make_t2, agg_ref, x_ref, root_ref, bias_ref, gamma_ref,
                  beta_ref, w2_ref, h_ref, t2_ref=None):
    agg = agg_ref[0, :N, :] + agg_ref[1, :N, :]
    h = agg + jnp.dot(x_ref[...], root_ref[...],
                      preferred_element_type=jnp.float32) + bias_ref[...]
    mean = jnp.mean(h, axis=0, keepdims=True)
    d = h - mean
    var = jnp.mean(d * d, axis=0, keepdims=True)
    hn = d * lax.rsqrt(var + 1e-5) * gamma_ref[...] + beta_ref[...]
    hact = jnp.where(hn > 0, hn, 0.01 * hn)
    h_ref[...] = hact
    if make_t2:
        t2_ref[...] = _pack_i32(jnp.dot(hact, w2_ref[...],
                                        preferred_element_type=jnp.float32))


def _tc_combine(agg, x, root, bias, gamma, beta, w2, make_t2):
    out_shape = [jax.ShapeDtypeStruct((N, root.shape[1]), jnp.float32)]
    if make_t2:
        out_shape.append(
            jax.ShapeDtypeStruct((N, w2.shape[1] // 2), jnp.int32))
    res = pl.pallas_call(
        functools.partial(_combine_body, make_t2),
        out_shape=out_shape,
    )(agg, x, root, bias, gamma, beta, w2)
    return res



_MESH = plsc.VectorSubcoreMesh(core_axis_name="c", subcore_axis_name="s")

_GDN = lax.GatherDimensionNumbers(
    offset_dims=(), collapsed_slice_dims=(0,), start_index_map=(0,))


def _lane_bcast(vec, k):
    idx = jnp.full((16, 1), k, jnp.int32)
    return lax.gather(vec, idx, _GDN, slice_sizes=(1,),
                      mode=lax.GatherScatterMode.PROMISE_IN_BOUNDS)


def _lo(v):
    return lax.bitcast_convert_type(lax.shift_left(v, 16), jnp.float32)


def _hi(v):
    return lax.bitcast_convert_type(v, jnp.float32)


@functools.partial(
    pl.kernel,
    out_type=jax.ShapeDtypeStruct((NC, N_PAD, HID), jnp.float32),
    mesh=_MESH,
    scratch_types=[
        pltpu.VMEM((NBUF, 2, B), jnp.int32),
        pltpu.VMEM((NBUF, B, D_EDGE), jnp.float32),
        pltpu.VMEM((NBUF, B, TCOLS // 2), jnp.int32),
        pltpu.VMEM((B, HID), jnp.float32),
        pltpu.VMEM_SHARED((N, TCOLS // 2), jnp.int32),
        pltpu.VMEM_SHARED((N_PAD, HID), jnp.float32),
        pltpu.SemaphoreType.DMA((NBUF, 4)),
        pltpu.SemaphoreType.DMA((NBUF,)),
        pltpu.SemaphoreType.DMA((NBUF,)),
    ],
    compiler_params=pltpu.CompilerParams(use_tc_tiling_on_sc=False),
)
def _edge_pass(table_hbm, sd_hbm, ef_hbm, zero_hbm, out_hbm,
               sd_v, ef_v, rows_v, msg_v, tbl_sh, agg_sh, gsem, esem, isem):
    c = lax.axis_index("c")
    s = lax.axis_index("s")
    wid = s * NC + c

    pltpu.sync_copy(zero_hbm, agg_sh.at[pl.ds(s * ROWS_PER_TILE,
                                              ROWS_PER_TILE)])
    pltpu.sync_copy(table_hbm.at[pl.ds(s * STG, STG)],
                    tbl_sh.at[pl.ds(s * STG, STG)])

    @pl.when(s == 0)
    def _():
        pltpu.sync_copy(table_hbm.at[pl.ds(NS * STG, N - NS * STG)],
                        tbl_sh.at[pl.ds(NS * STG, N - NS * STG)])

    plsc.subcore_barrier()

    def start_idx(j, slot):
        e0 = (wid * CHUNKS + j) * B
        pltpu.async_copy(sd_hbm.at[:, pl.ds(e0, B)], sd_v.at[slot],
                         isem.at[slot])

    def wait_idx(j, slot):
        e0 = (wid * CHUNKS + j) * B
        pltpu.make_async_copy(sd_hbm.at[:, pl.ds(e0, B)], sd_v.at[slot],
                              isem.at[slot]).wait()

    SPLITS = ((0, 24), (24, 24), (48, 16), (64, 16))

    def start_gather(j, slot):
        e0 = jnp.minimum((wid * CHUNKS + j) * B, E - B)
        pltpu.async_copy(ef_hbm.at[pl.ds(e0, B)], ef_v.at[slot],
                         esem.at[slot])
        for h, (o, n) in enumerate(SPLITS):
            pltpu.async_copy(tbl_sh.at[sd_v.at[slot, 0, pl.ds(o, n)]],
                             rows_v.at[slot, pl.ds(o, n)],
                             gsem.at[slot, h])

    def wait_gather(j, slot):
        e0 = jnp.minimum((wid * CHUNKS + j) * B, E - B)
        pltpu.make_async_copy(ef_hbm.at[pl.ds(e0, B)], ef_v.at[slot],
                              esem.at[slot]).wait()
        for h, (o, n) in enumerate(SPLITS):
            pltpu.make_async_copy(tbl_sh.at[sd_v.at[slot, 0, pl.ds(o, n)]],
                                  rows_v.at[slot, pl.ds(o, n)],
                                  gsem.at[slot, h]).wait()

    def process(j, slot):
        def _one_edge(b):
            efr = ef_v[slot, b, :]
            paccs = [rows_v[slot, b, pl.ds(8 * 16, 16)], None, None, None]
            paccs[0] = _lo(paccs[0])
            for p in range(8):
                pair = rows_v[slot, b, pl.ds(p * 16, 16)]
                lane = p % 4
                term = (_lane_bcast(efr, 2 * p) * _lo(pair)
                        + _lane_bcast(efr, 2 * p + 1) * _hi(pair))
                if paccs[lane] is None:
                    paccs[lane] = term
                else:
                    paccs[lane] = paccs[lane] + term
            msg_v[b, :] = (paccs[0] + paccs[1]) + (paccs[2] + paccs[3])

        def _body(bb, carry2):
            _one_edge(2 * bb)
            _one_edge(2 * bb + 1)
            return carry2

        lax.fori_loop(0, B // 2, _body, 0)
        pltpu.sync_copy(msg_v, agg_sh.at[sd_v.at[slot, 1]], add=True)

    start_idx(0, 0)
    wait_idx(0, 0)
    start_gather(0, 0)
    start_idx(1, 1)

    def outer(jj, carry):
        for slot in range(NBUF):
            j = jj * NBUF + slot
            nslot = (slot + 1) % NBUF

            @pl.when(j + 1 < CHUNKS)
            def _():
                wait_idx(j + 1, nslot)
                start_gather(j + 1, nslot)

            wait_gather(j, slot)
            process(j, slot)

            @pl.when(j + 2 < CHUNKS)
            def _():
                start_idx(j + 2, slot)
        return carry

    lax.fori_loop(0, CHUNKS // NBUF, outer, 0)
    plsc.subcore_barrier()
    pltpu.sync_copy(agg_sh.at[pl.ds(s * ROWS_PER_TILE, ROWS_PER_TILE)],
                    out_hbm.at[c, pl.ds(s * ROWS_PER_TILE, ROWS_PER_TILE)])



_PERM = np.zeros((TCOLS,), np.int32)
for _p in range(PAIRS):
    for _o in range(16):
        _PERM[_p * 16 + _o] = (2 * _p) * 16 + _o
        _PERM[TCOLS // 2 + _p * 16 + _o] = (2 * _p + 1) * 16 + _o


def _pack_wcat(We, be, in_c, out_c):
    Wr = We.reshape(in_c, out_c, D_EDGE).transpose(0, 2, 1)
    Wr = Wr.reshape(in_c, D_EDGE * out_c)
    br = be.reshape(in_c, out_c)
    wcat = jnp.concatenate(
        [Wr, br, jnp.zeros((in_c, 16), jnp.float32)], axis=1)
    return wcat[:, _PERM]


@jax.jit
def kernel(node_features, edge_index, edge_features, batch,
           We1, be1, root1, bias1, gamma1, beta1,
           We2, be2, root2, bias2, gamma2, beta2,
           Wl, bl):
    x = node_features

    sd = _tc_sd(edge_index)
    zero_rows = jnp.zeros((ROWS_PER_TILE, HID), jnp.float32)

    wcat1 = _pack_wcat(We1, be1, D_NODE, HID)
    wcat2 = _pack_wcat(We2, be2, HID, HID)

    t1i = _tc_matmul(x, wcat1, pack=True)
    agg1 = _edge_pass(t1i, sd, edge_features, zero_rows)
    h1, t2 = _tc_combine(agg1, x, root1, bias1.reshape(1, HID),
                         gamma1.reshape(1, HID), beta1.reshape(1, HID),
                         wcat2, True)
    agg2 = _edge_pass(t2, sd, edge_features, zero_rows)
    (h2,) = _tc_combine(agg2, h1, root2, bias2.reshape(1, HID),
                        gamma2.reshape(1, HID), beta2.reshape(1, HID),
                        wcat2, False)
    return _tc_matmul_bias(h2, Wl.T, bl.reshape(1, OUT))

# --- scband reference (transcript-rebuilt; emitter-appended) ---
"""Pipeline reference for scband-uvnet-graph-encoder-72834055406398 (READ-ONLY COPY).

The authoritative reference and input builder live on the scoring server;
editing this copy changes nothing except your own understanding.
"""

import jax, jax.numpy as jnp
import numpy as np

N = 10000
E = 320000
D_NODE = 128
D_EDGE = 16
HID = 16
OUT = 128


def setup_inputs(seed: int = 0) -> dict:
    key = jax.random.key(seed)
    ks = jax.random.split(key, 24)
    inp = {}
    inp['node_features'] = jax.random.normal(ks[0], (N, D_NODE), jnp.float32)
    inp['edge_index'] = jax.random.randint(ks[1], (2, E), 0, N, dtype=jnp.int32)
    inp['edge_features'] = jax.random.normal(ks[2], (E, D_EDGE), jnp.float32)
    inp['batch'] = jnp.zeros((N,), dtype=jnp.int32)
    # layer 1: NNConv(in=D_NODE, out=HID, edge_nn: Linear(D_EDGE, D_NODE*HID))
    s1 = 1.0 / np.sqrt(D_EDGE)
    inp['We1'] = jax.random.uniform(ks[3], (D_NODE * HID, D_EDGE), jnp.float32, -s1, s1)
    inp['be1'] = jax.random.uniform(ks[4], (D_NODE * HID,), jnp.float32, -s1, s1)
    inp['root1'] = jax.random.normal(ks[5], (D_NODE, HID), jnp.float32) * (1.0 / np.sqrt(D_NODE))
    inp['bias1'] = jnp.zeros((HID,), jnp.float32)
    inp['gamma1'] = jnp.ones((HID,), jnp.float32)
    inp['beta1'] = jnp.zeros((HID,), jnp.float32)
    # layer 2: NNConv(in=HID, out=HID, edge_nn: Linear(D_EDGE, HID*HID))  (edge feats reused, dim must equal hidden_dim)
    inp['We2'] = jax.random.uniform(ks[6], (HID * HID, D_EDGE), jnp.float32, -s1, s1)
    inp['be2'] = jax.random.uniform(ks[7], (HID * HID,), jnp.float32, -s1, s1)
    inp['root2'] = jax.random.normal(ks[8], (HID, HID), jnp.float32) * (1.0 / np.sqrt(HID))
    inp['bias2'] = jnp.zeros((HID,), jnp.float32)
    inp['gamma2'] = jnp.ones((HID,), jnp.float32)
    inp['beta2'] = jnp.zeros((HID,), jnp.float32)
    # final linear
    s2 = 1.0 / np.sqrt(HID)
    inp['Wl'] = jax.random.uniform(ks[9], (OUT, HID), jnp.float32, -s2, s2)
    inp['bl'] = jax.random.uniform(ks[10], (OUT,), jnp.float32, -s2, s2)
    return inp


def _node_conv(x, edge_index, e, We, be, root, bias, gamma, beta):
    in_c = x.shape[1]
    out_c = root.shape[1]
    src = edge_index[0]
    dst = edge_index[1]
    # per-edge weight matrix from edge nn
    theta = (e @ We.T + be).reshape(e.shape[0], in_c, out_c)
    msg = jnp.einsum('ei,eio->eo', x[src], theta)
    agg = jax.ops.segment_sum(msg, dst, num_segments=x.shape[0])
    h = agg + x @ root + bias
    # BatchNorm1d (training mode: batch statistics, biased variance)
    mean = h.mean(axis=0)
    var = h.var(axis=0)
    hn = (h - mean) / jnp.sqrt(var + 1e-5) * gamma + beta
    return jax.nn.leaky_relu(hn, negative_slope=0.01)


def reference(node_features, edge_index, edge_features, batch,
              We1, be1, root1, bias1, gamma1, beta1,
              We2, be2, root2, bias2, gamma2, beta2,
              Wl, bl):
    h = _node_conv(node_features, edge_index, edge_features, We1, be1, root1, bias1, gamma1, beta1)
    h = _node_conv(h, edge_index, edge_features, We2, be2, root2, bias2, gamma2, beta2)
    # dropout: identity (deterministic eval)
    out = h @ Wl.T + bl
    return out

if __name__ == "__main__":
    import jax
    _d = setup_inputs()
    print(jax.jit(kernel)(*tuple(_d.values())))

</pallas_src>

<mosaic_0001>
#map = affine_map<(d0, d1) -> (0, 0)>
#map1 = affine_map<(d0, d1) -> (0, 0, 0)>
module attributes {stable_mosaic.version = 14 : i64} {
  func.func @_edge_pass(%arg0: i32, %arg1: i32, %arg2: memref<10000x144xi32, #tpu.memory_space<hbm>>, %arg3: memref<2x327680xi32, #tpu.memory_space<hbm>>, %arg4: memref<320000x16xf32, #tpu.memory_space<hbm>>, %arg5: memref<632x16xf32, #tpu.memory_space<hbm>>, %arg6: memref<2x10112x16xf32, #tpu.memory_space<hbm>>, %arg7: memref<2x2x80xi32, #tpu.memory_space<vmem>>, %arg8: memref<2x80x16xf32, #tpu.memory_space<vmem>>, %arg9: memref<2x80x144xi32, #tpu.memory_space<vmem>>, %arg10: memref<80x16xf32, #tpu.memory_space<vmem>>, %arg11: memref<10000x144xi32, #tpu.memory_space<vmem_shared>>, %arg12: memref<10112x16xf32, #tpu.memory_space<vmem_shared>>, %arg13: memref<2x4x!tpu.dma_semaphore, #tpu.memory_space<semaphore_mem>>, %arg14: memref<2x!tpu.dma_semaphore, #tpu.memory_space<semaphore_mem>>, %arg15: memref<2x!tpu.dma_semaphore, #tpu.memory_space<semaphore_mem>>) attributes {dimension_semantics = [#tpu.dimension_semantics<core_parallel>, #tpu.dimension_semantics<subcore_parallel>], iteration_bounds = array<i64: 2, 16>, scalar_prefetch = 0 : i64, scratch_operands = 9 : i64, tpu.core_type = #tpu.core_type<sc_vector_subcore>, window_params = [{transform_indices = #map}, {transform_indices = #map}, {transform_indices = #map}, {transform_indices = #map}, {transform_indices = #map1}]} {
    %mul3A = arith.constant 2 : i32
    %mul3A_0 = arith.muli %arg1, %mul3A : i32
    %add3A = arith.addi %mul3A_0, %arg0 : i32
    %mul3A_1 = arith.constant 632 : i32
    %mul3A_2 = arith.muli %arg1, %mul3A_1 : i32
    "tpu.region"() ({
      %run_scoped3A = tpu.sem_alloc : memref<!tpu.dma_semaphore, #tpu.memory_space<semaphore_mem>>
      %dma_start3A_174 = arith.constant 0 : i32
      %dma_start3A_175 = tpu.memref_slice %arg12[%mul3A_2, %dma_start3A_174] : memref<10112x16xf32, #tpu.memory_space<vmem_shared>> -> memref<632x16xf32, #tpu.memory_space<vmem_shared>>
      tpu.enqueue_dma source(%arg5 : memref<632x16xf32, #tpu.memory_space<hbm>>) target(%dma_start3A_175 : memref<632x16xf32, #tpu.memory_space<vmem_shared>>) target_semaphore(%run_scoped3A : memref<!tpu.dma_semaphore, #tpu.memory_space<semaphore_mem>>)
      %dma_wait3A_176 = arith.constant 0 : i32
      %dma_wait3A_177 = tpu.memref_slice %arg12[%mul3A_2, %dma_wait3A_176] : memref<10112x16xf32, #tpu.memory_space<vmem_shared>> -> memref<632x16xf32, #tpu.memory_space<vmem_shared>>
      tpu.wait_dma2 semaphore(%run_scoped3A : memref<!tpu.dma_semaphore, #tpu.memory_space<semaphore_mem>>) src(%arg5 : memref<632x16xf32, #tpu.memory_space<hbm>>) dst(%dma_wait3A_177 : memref<632x16xf32, #tpu.memory_space<vmem_shared>>)
      tpu.yield
    }) : () -> ()
    %mul3A_3 = arith.constant 624 : i32
    %mul3A_4 = arith.muli %arg1, %mul3A_3 : i32
    %mul3A_5 = arith.constant 624 : i32
    %mul3A_6 = arith.muli %arg1, %mul3A_5 : i32
    "tpu.region"() ({
      %run_scoped3A = tpu.sem_alloc : memref<!tpu.dma_semaphore, #tpu.memory_space<semaphore_mem>>
      %dma_start3A_174 = arith.constant 0 : i32
      %dma_start3A_175 = tpu.memref_slice %arg11[%mul3A_6, %dma_start3A_174] : memref<10000x144xi32, #tpu.memory_space<vmem_shared>> -> memref<624x144xi32, #tpu.memory_space<vmem_shared>>
      %dma_start3A_176 = arith.constant 0 : i32
      %dma_start3A_177 = tpu.memref_slice %arg2[%mul3A_4, %dma_start3A_176] : memref<10000x144xi32, #tpu.memory_space<hbm>> -> memref<624x144xi32, #tpu.memory_space<hbm>>
      tpu.enqueue_dma source(%dma_start3A_177 : memref<624x144xi32, #tpu.memory_space<hbm>>) target(%dma_start3A_175 : memref<624x144xi32, #tpu.memory_space<vmem_shared>>) target_semaphore(%run_scoped3A : memref<!tpu.dma_semaphore, #tpu.memory_space<semaphore_mem>>)
      %dma_wait3A_178 = arith.constant 0 : i32
      %dma_wait3A_179 = tpu.memref_slice %arg11[%mul3A_6, %dma_wait3A_178] : memref<10000x144xi32, #tpu.memory_space<vmem_shared>> -> memref<624x144xi32, #tpu.memory_space<vmem_shared>>
      %dma_wait3A_180 = arith.constant 0 : i32
      %dma_wait3A_181 = tpu.memref_slice %arg2[%mul3A_4, %dma_wait3A_180] : memref<10000x144xi32, #tpu.memory_space<hbm>> -> memref<624x144xi32, #tpu.memory_space<hbm>>
      tpu.wait_dma2 semaphore(%run_scoped3A : memref<!tpu.dma_semaphore, #tpu.memory_space<semaphore_mem>>) src(%dma_wait3A_181 : memref<624x144xi32, #tpu.memory_space<hbm>>) dst(%dma_wait3A_179 : memref<624x144xi32, #tpu.memory_space<vmem_shared>>)
      tpu.yield
    }) : () -> ()
    %eq3A = arith.constant 0 : i32
    %eq3A_7 = arith.cmpi eq, %arg1, %eq3A : i32
    %convert_element_type3A = arith.extui %eq3A_7 : i1 to i32
    %cond3A = arith.constant 0 : i32
    %cond3A_8 = arith.cmpi ne, %convert_element_type3A, %cond3A : i32
    scf.if %cond3A_8 {
      "tpu.region"() ({
        %run_scoped3A = tpu.sem_alloc : memref<!tpu.dma_semaphore, #tpu.memory_space<semaphore_mem>>
        %dma_start3A_174 = arith.constant 9984 : i32
        %dma_start3A_175 = arith.constant 0 : i32
        %dma_start3A_176 = tpu.memref_slice %arg11[%dma_start3A_174, %dma_start3A_175] : memref<10000x144xi32, #tpu.memory_space<vmem_shared>> -> memref<16x144xi32, #tpu.memory_space<vmem_shared>>
        %dma_start3A_177 = arith.constant 9984 : i32
        %dma_start3A_178 = arith.constant 0 : i32
        %dma_start3A_179 = tpu.memref_slice %arg2[%dma_start3A_177, %dma_start3A_178] : memref<10000x144xi32, #tpu.memory_space<hbm>> -> memref<16x144xi32, #tpu.memory_space<hbm>>
        tpu.enqueue_dma source(%dma_start3A_179 : memref<16x144xi32, #tpu.memory_space<hbm>>) target(%dma_start3A_176 : memref<16x144xi32, #tpu.memory_space<vmem_shared>>) target_semaphore(%run_scoped3A : memref<!tpu.dma_semaphore, #tpu.memory_space<semaphore_mem>>)
        %dma_wait3A_180 = arith.constant 9984 : i32
        %dma_wait3A_181 = arith.constant 0 : i32
        %dma_wait3A_182 = tpu.memref_slice %arg11[%dma_wait3A_180, %dma_wait3A_181] : memref<10000x144xi32, #tpu.memory_space<vmem_shared>> -> memref<16x144xi32, #tpu.memory_space<vmem_shared>>
        %dma_wait3A_183 = arith.constant 9984 : i32
        %dma_wait3A_184 = arith.constant 0 : i32
        %dma_wait3A_185 = tpu.memref_slice %arg2[%dma_wait3A_183, %dma_wait3A_184] : memref<10000x144xi32, #tpu.memory_space<hbm>> -> memref<16x144xi32, #tpu.memory_space<hbm>>
        tpu.wait_dma2 semaphore(%run_scoped3A : memref<!tpu.dma_semaphore, #tpu.memory_space<semaphore_mem>>) src(%dma_wait3A_185 : memref<16x144xi32, #tpu.memory_space<hbm>>) dst(%dma_wait3A_182 : memref<16x144xi32, #tpu.memory_space<vmem_shared>>)
        tpu.yield
      }) : () -> ()
    } else {
    }
    %barrier3A = arith.constant 0 : index
    tpu.barrier barrier_id(%barrier3A)
    %mul3A_9 = arith.constant 128 : i32
    %mul3A_10 = arith.muli %add3A, %mul3A_9 : i32
    %add3A_11 = arith.constant 0 : i32
    %add3A_12 = arith.addi %mul3A_10, %add3A_11 : i32
    %mul3A_13 = arith.constant 80 : i32
    %mul3A_14 = arith.muli %add3A_12, %mul3A_13 : i32
    %dma_start3A = arith.constant 0 : i32
    %dma_start3A_15 = arith.constant 0 : i32
    %dma_start3A_16 = arith.constant 0 : i32
    %dma_start3A_17 = arith.constant 0 : i32
    %dma_start3A_18 = tpu.memref_slice %arg7[%dma_start3A, %dma_start3A_16, %dma_start3A_17] : memref<2x2x80xi32, #tpu.memory_space<vmem>> -> memref<1x2x80xi32, #tpu.memory_space<vmem>>
    %dma_start3A_19 = tpu.memref_squeeze %dma_start3A_18 : memref<1x2x80xi32, #tpu.memory_space<vmem>> -> memref<2x80xi32, #tpu.memory_space<vmem>>
    %dma_start3A_20 = arith.constant 0 : i32
    %dma_start3A_21 = tpu.memref_slice %arg3[%dma_start3A_20, %mul3A_14] : memref<2x327680xi32, #tpu.memory_space<hbm>> -> memref<2x80xi32, #tpu.memory_space<hbm>>
    %dma_start3A_22 = tpu.memref_slice %arg15[%dma_start3A_15] : memref<2x!tpu.dma_semaphore, #tpu.memory_space<semaphore_mem>> -> memref<1x!tpu.dma_semaphore, #tpu.memory_space<semaphore_mem>>
    %dma_start3A_23 = tpu.memref_squeeze %dma_start3A_22 : memref<1x!tpu.dma_semaphore, #tpu.memory_space<semaphore_mem>> -> memref<!tpu.dma_semaphore, #tpu.memory_space<semaphore_mem>>
    %dma_start3A_24 = arith.constant 0 : i32
    %dma_start3A_25 = arith.constant 0 : i32
    %dma_start3A_26 = tpu.memref_slice %arg7[%dma_start3A, %dma_start3A_24, %dma_start3A_25] : memref<2x2x80xi32, #tpu.memory_space<vmem>> -> memref<1x2x80xi32, #tpu.memory_space<vmem>>
    %dma_start3A_27 = tpu.memref_squeeze %dma_start3A_26 : memref<1x2x80xi32, #tpu.memory_space<vmem>> -> memref<2x80xi32, #tpu.memory_space<vmem>>
    %dma_start3A_28 = arith.constant 0 : i32
    %dma_start3A_29 = tpu.memref_slice %arg3[%dma_start3A_28, %mul3A_14] : memref<2x327680xi32, #tpu.memory_space<hbm>> -> memref<2x80xi32, #tpu.memory_space<hbm>>
    tpu.enqueue_dma source(%dma_start3A_29 : memref<2x80xi32, #tpu.memory_space<hbm>>) target(%dma_start3A_27 : memref<2x80xi32, #tpu.memory_space<vmem>>) target_semaphore(%dma_start3A_23 : memref<!tpu.dma_semaphore, #tpu.memory_space<semaphore_mem>>)
    %mul3A_30 = arith.constant 128 : i32
    %mul3A_31 = arith.muli %add3A, %mul3A_30 : i32
    %add3A_32 = arith.constant 0 : i32
    %add3A_33 = arith.addi %mul3A_31, %add3A_32 : i32
    %mul3A_34 = arith.constant 80 : i32
    %mul3A_35 = arith.muli %add3A_33, %mul3A_34 : i32
    %dma_wait3A = arith.constant 0 : i32
    %dma_wait3A_36 = arith.constant 0 : i32
    %dma_wait3A_37 = arith.constant 0 : i32
    %dma_wait3A_38 = arith.constant 0 : i32
    %dma_wait3A_39 = tpu.memref_slice %arg7[%dma_wait3A, %dma_wait3A_37, %dma_wait3A_38] : memref<2x2x80xi32, #tpu.memory_space<vmem>> -> memref<1x2x80xi32, #tpu.memory_space<vmem>>
    %dma_wait3A_40 = tpu.memref_squeeze %dma_wait3A_39 : memref<1x2x80xi32, #tpu.memory_space<vmem>> -> memref<2x80xi32, #tpu.memory_space<vmem>>
    %dma_wait3A_41 = arith.constant 0 : i32
    %dma_wait3A_42 = tpu.memref_slice %arg3[%dma_wait3A_41, %mul3A_35] : memref<2x327680xi32, #tpu.memory_space<hbm>> -> memref<2x80xi32, #tpu.memory_space<hbm>>
    %dma_wait3A_43 = tpu.memref_slice %arg15[%dma_wait3A_36] : memref<2x!tpu.dma_semaphore, #tpu.memory_space<semaphore_mem>> -> memref<1x!tpu.dma_semaphore, #tpu.memory_space<semaphore_mem>>
    %dma_wait3A_44 = tpu.memref_squeeze %dma_wait3A_43 : memref<1x!tpu.dma_semaphore, #tpu.memory_space<semaphore_mem>> -> memref<!tpu.dma_semaphore, #tpu.memory_space<semaphore_mem>>
    %dma_wait3A_45 = arith.constant 0 : i32
    %dma_wait3A_46 = arith.constant 0 : i32
    %dma_wait3A_47 = tpu.memref_slice %arg7[%dma_wait3A, %dma_wait3A_45, %dma_wait3A_46] : memref<2x2x80xi32, #tpu.memory_space<vmem>> -> memref<1x2x80xi32, #tpu.memory_space<vmem>>
    %dma_wait3A_48 = tpu.memref_squeeze %dma_wait3A_47 : memref<1x2x80xi32, #tpu.memory_space<vmem>> -> memref<2x80xi32, #tpu.memory_space<vmem>>
    %dma_wait3A_49 = arith.constant 0 : i32
    %dma_wait3A_50 = tpu.memref_slice %arg3[%dma_wait3A_49, %mul3A_35] : memref<2x327680xi32, #tpu.memory_space<hbm>> -> memref<2x80xi32, #tpu.memory_space<hbm>>
    tpu.wait_dma2 semaphore(%dma_wait3A_44 : memref<!tpu.dma_semaphore, #tpu.memory_space<semaphore_mem>>) src(%dma_wait3A_50 : memref<2x80xi32, #tpu.memory_space<hbm>>) dst(%dma_wait3A_48 : memref<2x80xi32, #tpu.memory_space<vmem>>)
    %mul3A_51 = arith.constant 128 : i32
    %mul3A_52 = arith.muli %add3A, %mul3A_51 : i32
    %add3A_53 = arith.constant 0 : i32
    %add3A_54 = arith.addi %mul3A_52, %add3A_53 : i32
    %mul3A_55 = arith.constant 80 : i32
    %mul3A_56 = arith.muli %add3A_54, %mul3A_55 : i32
    %min3A = arith.constant 319920 : i32
    %min3A_57 = arith.minsi %mul3A_56, %min3A : i32
    %dma_start3A_58 = arith.constant 0 : i32
    %dma_start3A_59 = arith.constant 0 : i32
    %dma_start3A_60 = arith.constant 0 : i32
    %dma_start3A_61 = arith.constant 0 : i32
    %dma_start3A_62 = tpu.memref_slice %arg8[%dma_start3A_58, %dma_start3A_60, %dma_start3A_61] : memref<2x80x16xf32, #tpu.memory_space<vmem>> -> memref<1x80x16xf32, #tpu.memory_space<vmem>>
    %dma_start3A_63 = tpu.memref_squeeze %dma_start3A_62 : memref<1x80x16xf32, #tpu.memory_space<vmem>> -> memref<80x16xf32, #tpu.memory_space<vmem>>
    %dma_start3A_64 = arith.constant 0 : i32
    %dma_start3A_65 = tpu.memref_slice %arg4[%min3A_57, %dma_start3A_64] : memref<320000x16xf32, #tpu.memory_space<hbm>> -> memref<80x16xf32, #tpu.memory_space<hbm>>
    %dma_start3A_66 = tpu.memref_slice %arg14[%dma_start3A_59] : memref<2x!tpu.dma_semaphore, #tpu.memory_space<semaphore_mem>> -> memref<1x!tpu.dma_semaphore, #tpu.memory_space<semaphore_mem>>
    %dma_start3A_67 = tpu.memref_squeeze %dma_start3A_66 : memref<1x!tpu.dma_semaphore, #tpu.memory_space<semaphore_mem>> -> memref<!tpu.dma_semaphore, #tpu.memory_space<semaphore_mem>>
    %dma_start3A_68 = arith.constant 0 : i32
    %dma_start3A_69 = arith.constant 0 : i32
    %dma_start3A_70 = tpu.memref_slice %arg8[%dma_start3A_58, %dma_start3A_68, %dma_start3A_69] : memref<2x80x16xf32, #tpu.memory_space<vmem>> -> memref<1x80x16xf32, #tpu.memory_space<vmem>>
    %dma_start3A_71 = tpu.memref_squeeze %dma_start3A_70 : memref<1x80x16xf32, #tpu.memory_space<vmem>> -> memref<80x16xf32, #tpu.memory_space<vmem>>
    %dma_start3A_72 = arith.constant 0 : i32
    %dma_start3A_73 = tpu.memref_slice %arg4[%min3A_57, %dma_start3A_72] : memref<320000x16xf32, #tpu.memory_space<hbm>> -> memref<80x16xf32, #tpu.memory_space<hbm>>
    tpu.enqueue_dma source(%dma_start3A_73 : memref<80x16xf32, #tpu.memory_space<hbm>>) target(%dma_start3A_71 : memref<80x16xf32, #tpu.memory_space<vmem>>) target_semaphore(%dma_start3A_67 : memref<!tpu.dma_semaphore, #tpu.memory_space<semaphore_mem>>)
    %dma_start3A_74 = arith.constant 0 : i32
    %dma_start3A_75 = arith.constant 0 : i32
    %dma_start3A_76 = arith.constant 0 : i32
    %dma_start3A_77 = arith.constant 0 : i32
    %dma_start3A_78 = arith.constant 0 : i32
    %dma_start3A_79 = arith.constant 0 : i32
    %dma_start3A_80 = arith.constant 0 : i32
    %dma_start3A_81 = tpu.memref_slice %arg9[%dma_start3A_76, %dma_start3A_79, %dma_start3A_80] : memref<2x80x144xi32, #tpu.memory_space<vmem>> -> memref<1x24x144xi32, #tpu.memory_space<vmem>>
    %dma_start3A_82 = tpu.memref_squeeze %dma_start3A_81 : memref<1x24x144xi32, #tpu.memory_space<vmem>> -> memref<24x144xi32, #tpu.memory_space<vmem>>
    %dma_start3A_83 = arith.constant 0 : i32
    %dma_start3A_84 = tpu.memref_slice %arg7[%dma_start3A_74, %dma_start3A_75, %dma_start3A_83] : memref<2x2x80xi32, #tpu.memory_space<vmem>> -> memref<1x1x24xi32, #tpu.memory_space<vmem>>
    %dma_start3A_85 = tpu.memref_squeeze %dma_start3A_84 : memref<1x1x24xi32, #tpu.memory_space<vmem>> -> memref<24xi32, #tpu.memory_space<vmem>>
    %dma_start3A_86 = arith.constant 0 : i32
    %dma_start3A_87 = arith.constant 0 : i32
    %dma_start3A_88 = tpu.memref_slice %arg11[%dma_start3A_86, %dma_start3A_87] : memref<10000x144xi32, #tpu.memory_space<vmem_shared>> -> memref<10000x144xi32, #tpu.memory_space<vmem_shared>>
    %dma_start3A_89 = tpu.memref_slice %arg13[%dma_start3A_77, %dma_start3A_78] : memref<2x4x!tpu.dma_semaphore, #tpu.memory_space<semaphore_mem>> -> memref<1x1x!tpu.dma_semaphore, #tpu.memory_space<semaphore_mem>>
    %dma_start3A_90 = tpu.memref_squeeze %dma_start3A_89 : memref<1x1x!tpu.dma_semaphore, #tpu.memory_space<semaphore_mem>> -> memref<!tpu.dma_semaphore, #tpu.memory_space<semaphore_mem>>
    tpu.enqueue_indirect_dma source(%dma_start3A_88 : memref<10000x144xi32, #tpu.memory_space<vmem_shared>>) target(%dma_start3A_82 : memref<24x144xi32, #tpu.memory_space<vmem>>) offsets(%dma_start3A_85 : memref<24xi32, #tpu.memory_space<vmem>>) semaphore(%dma_start3A_90 : memref<!tpu.dma_semaphore, #tpu.memory_space<semaphore_mem>>)
    %dma_start3A_91 = arith.constant 0 : i32
    %dma_start3A_92 = arith.constant 0 : i32
    %dma_start3A_93 = arith.constant 0 : i32
    %dma_start3A_94 = arith.constant 0 : i32
    %dma_start3A_95 = arith.constant 1 : i32
    %dma_start3A_96 = arith.constant 24 : i32
    %dma_start3A_97 = arith.constant 0 : i32
    %dma_start3A_98 = tpu.memref_slice %arg9[%dma_start3A_93, %dma_start3A_96, %dma_start3A_97] : memref<2x80x144xi32, #tpu.memory_space<vmem>> -> memref<1x24x144xi32, #tpu.memory_space<vmem>>
    %dma_start3A_99 = tpu.memref_squeeze %dma_start3A_98 : memref<1x24x144xi32, #tpu.memory_space<vmem>> -> memref<24x144xi32, #tpu.memory_space<vmem>>
    %dma_start3A_100 = arith.constant 24 : i32
    %dma_start3A_101 = tpu.memref_slice %arg7[%dma_start3A_91, %dma_start3A_92, %dma_start3A_100] : memref<2x2x80xi32, #tpu.memory_space<vmem>> -> memref<1x1x24xi32, #tpu.memory_space<vmem>>
    %dma_start3A_102 = tpu.memref_squeeze %dma_start3A_101 : memref<1x1x24xi32, #tpu.memory_space<vmem>> -> memref<24xi32, #tpu.memory_space<vmem>>
    %dma_start3A_103 = arith.constant 0 : i32
    %dma_start3A_104 = arith.constant 0 : i32
    %dma_start3A_105 = tpu.memref_slice %arg11[%dma_start3A_103, %dma_start3A_104] : memref<10000x144xi32, #tpu.memory_space<vmem_shared>> -> memref<10000x144xi32, #tpu.memory_space<vmem_shared>>
    %dma_start3A_106 = tpu.memref_slice %arg13[%dma_start3A_94, %dma_start3A_95] : memref<2x4x!tpu.dma_semaphore, #tpu.memory_space<semaphore_mem>> -> memref<1x1x!tpu.dma_semaphore, #tpu.memory_space<semaphore_mem>>
    %dma_start3A_107 = tpu.memref_squeeze %dma_start3A_106 : memref<1x1x!tpu.dma_semaphore, #tpu.memory_space<semaphore_mem>> -> memref<!tpu.dma_semaphore, #tpu.memory_space<semaphore_mem>>
    tpu.enqueue_indirect_dma source(%dma_start3A_105 : memref<10000x144xi32, #tpu.memory_space<vmem_shared>>) target(%dma_start3A_99 : memref<24x144xi32, #tpu.memory_space<vmem>>) offsets(%dma_start3A_102 : memref<24xi32, #tpu.memory_space<vmem>>) semaphore(%dma_start3A_107 : memref<!tpu.dma_semaphore, #tpu.memory_space<semaphore_mem>>)
    %dma_start3A_108 = arith.constant 0 : i32
    %dma_start3A_109 = arith.constant 0 : i32
    %dma_start3A_110 = arith.constant 0 : i32
    %dma_start3A_111 = arith.constant 0 : i32
    %dma_start3A_112 = arith.constant 2 : i32
    %dma_start3A_113 = arith.constant 48 : i32
    %dma_start3A_114 = arith.constant 0 : i32
    %dma_start3A_115 = tpu.memref_slice %arg9[%dma_start3A_110, %dma_start3A_113, %dma_start3A_114] : memref<2x80x144xi32, #tpu.memory_space<vmem>> -> memref<1x16x144xi32, #tpu.memory_space<vmem>>
    %dma_start3A_116 = tpu.memref_squeeze %dma_start3A_115 : memref<1x16x144xi32, #tpu.memory_space<vmem>> -> memref<16x144xi32, #tpu.memory_space<vmem>>
    %dma_start3A_117 = arith.constant 48 : i32
    %dma_start3A_118 = tpu.memref_slice %arg7[%dma_start3A_108, %dma_start3A_109, %dma_start3A_117] : memref<2x2x80xi32, #tpu.memory_space<vmem>> -> memref<1x1x16xi32, #tpu.memory_space<vmem>>
    %dma_start3A_119 = tpu.memref_squeeze %dma_start3A_118 : memref<1x1x16xi32, #tpu.memory_space<vmem>> -> memref<16xi32, #tpu.memory_space<vmem>>
    %dma_start3A_120 = arith.constant 0 : i32
    %dma_start3A_121 = arith.constant 0 : i32
    %dma_start3A_122 = tpu.memref_slice %arg11[%dma_start3A_120, %dma_start3A_121] : memref<10000x144xi32, #tpu.memory_space<vmem_shared>> -> memref<10000x144xi32, #tpu.memory_space<vmem_shared>>
    %dma_start3A_123 = tpu.memref_slice %arg13[%dma_start3A_111, %dma_start3A_112] : memref<2x4x!tpu.dma_semaphore, #tpu.memory_space<semaphore_mem>> -> memref<1x1x!tpu.dma_semaphore, #tpu.memory_space<semaphore_mem>>
    %dma_start3A_124 = tpu.memref_squeeze %dma_start3A_123 : memref<1x1x!tpu.dma_semaphore, #tpu.memory_space<semaphore_mem>> -> memref<!tpu.dma_semaphore, #tpu.memory_space<semaphore_mem>>
    tpu.enqueue_indirect_dma source(%dma_start3A_122 : memref<10000x144xi32, #tpu.memory_space<vmem_shared>>) target(%dma_start3A_116 : memref<16x144xi32, #tpu.memory_space<vmem>>) offsets(%dma_start3A_119 : memref<16xi32, #tpu.memory_space<vmem>>) semaphore(%dma_start3A_124 : memref<!tpu.dma_semaphore, #tpu.memory_space<semaphore_mem>>)
    %dma_start3A_125 = arith.constant 0 : i32
    %dma_start3A_126 = arith.constant 0 : i32
    %dma_start3A_127 = arith.constant 0 : i32
    %dma_start3A_128 = arith.constant 0 : i32
    %dma_start3A_129 = arith.constant 3 : i32
    %dma_start3A_130 = arith.constant 64 : i32
    %dma_start3A_131 = arith.constant 0 : i32
    %dma_start3A_132 = tpu.memref_slice %arg9[%dma_start3A_127, %dma_start3A_130, %dma_start3A_131] : memref<2x80x144xi32, #tpu.memory_space<vmem>> -> memref<1x16x144xi32, #tpu.memory_space<vmem>>
    %dma_start3A_133 = tpu.memref_squeeze %dma_start3A_132 : memref<1x16x144xi32, #tpu.memory_space<vmem>> -> memref<16x144xi32, #tpu.memory_space<vmem>>
    %dma_start3A_134 = arith.constant 64 : i32
    %dma_start3A_135 = tpu.memref_slice %arg7[%dma_start3A_125, %dma_start3A_126, %dma_start3A_134] : memref<2x2x80xi32, #tpu.memory_space<vmem>> -> memref<1x1x16xi32, #tpu.memory_space<vmem>>
    %dma_start3A_136 = tpu.memref_squeeze %dma_start3A_135 : memref<1x1x16xi32, #tpu.memory_space<vmem>> -> memref<16xi32, #tpu.memory_space<vmem>>
    %dma_start3A_137 = arith.constant 0 : i32
    %dma_start3A_138 = arith.constant 0 : i32
    %dma_start3A_139 = tpu.memref_slice %arg11[%dma_start3A_137, %dma_start3A_138] : memref<10000x144xi32, #tpu.memory_space<vmem_shared>> -> memref<10000x144xi32, #tpu.memory_space<vmem_shared>>
    %dma_start3A_140 = tpu.memref_slice %arg13[%dma_start3A_128, %dma_start3A_129] : memref<2x4x!tpu.dma_semaphore, #tpu.memory_space<semaphore_mem>> -> memref<1x1x!tpu.dma_semaphore, #tpu.memory_space<semaphore_mem>>
    %dma_start3A_141 = tpu.memref_squeeze %dma_start3A_140 : memref<1x1x!tpu.dma_semaphore, #tpu.memory_space<semaphore_mem>> -> memref<!tpu.dma_semaphore, #tpu.memory_space<semaphore_mem>>
    tpu.enqueue_indirect_dma source(%dma_start3A_139 : memref<10000x144xi32, #tpu.memory_space<vmem_shared>>) target(%dma_start3A_133 : memref<16x144xi32, #tpu.memory_space<vmem>>) offsets(%dma_start3A_136 : memref<16xi32, #tpu.memory_space<vmem>>) semaphore(%dma_start3A_141 : memref<!tpu.dma_semaphore, #tpu.memory_space<semaphore_mem>>)
    %mul3A_142 = arith.constant 128 : i32
    %mul3A_143 = arith.muli %add3A, %mul3A_142 : i32
    %add3A_144 = arith.constant 1 : i32
    %add3A_145 = arith.addi %mul3A_143, %add3A_144 : i32
    %mul3A_146 = arith.constant 80 : i32
    %mul3A_147 = arith.muli %add3A_145, %mul3A_146 : i32
    %dma_start3A_148 = arith.constant 1 : i32
    %dma_start3A_149 = arith.constant 1 : i32
    %dma_start3A_150 = arith.constant 0 : i32
    %dma_start3A_151 = arith.constant 0 : i32
    %dma_start3A_152 = tpu.memref_slice %arg7[%dma_start3A_148, %dma_start3A_150, %dma_start3A_151] : memref<2x2x80xi32, #tpu.memory_space<vmem>> -> memref<1x2x80xi32, #tpu.memory_space<vmem>>
    %dma_start3A_153 = tpu.memref_squeeze %dma_start3A_152 : memref<1x2x80xi32, #tpu.memory_space<vmem>> -> memref<2x80xi32, #tpu.memory_space<vmem>>
    %dma_start3A_154 = arith.constant 0 : i32
    %dma_start3A_155 = tpu.memref_slice %arg3[%dma_start3A_154, %mul3A_147] : memref<2x327680xi32, #tpu.memory_space<hbm>> -> memref<2x80xi32, #tpu.memory_space<hbm>>
    %dma_start3A_156 = tpu.memref_slice %arg15[%dma_start3A_149] : memref<2x!tpu.dma_semaphore, #tpu.memory_space<semaphore_mem>> -> memref<1x!tpu.dma_semaphore, #tpu.memory_space<semaphore_mem>>
    %dma_start3A_157 = tpu.memref_squeeze %dma_start3A_156 : memref<1x!tpu.dma_semaphore, #tpu.memory_space<semaphore_mem>> -> memref<!tpu.dma_semaphore, #tpu.memory_space<semaphore_mem>>
    %dma_start3A_158 = arith.constant 0 : i32
    %dma_start3A_159 = arith.constant 0 : i32
    %dma_start3A_160 = tpu.memref_slice %arg7[%dma_start3A_148, %dma_start3A_158, %dma_start3A_159] : memref<2x2x80xi32, #tpu.memory_space<vmem>> -> memref<1x2x80xi32, #tpu.memory_space<vmem>>
    %dma_start3A_161 = tpu.memref_squeeze %dma_start3A_160 : memref<1x2x80xi32, #tpu.memory_space<vmem>> -> memref<2x80xi32, #tpu.memory_space<vmem>>
    %dma_start3A_162 = arith.constant 0 : i32
    %dma_start3A_163 = tpu.memref_slice %arg3[%dma_start3A_162, %mul3A_147] : memref<2x327680xi32, #tpu.memory_space<hbm>> -> memref<2x80xi32, #tpu.memory_space<hbm>>
    tpu.enqueue_dma source(%dma_start3A_163 : memref<2x80xi32, #tpu.memory_space<hbm>>) target(%dma_start3A_161 : memref<2x80xi32, #tpu.memory_space<vmem>>) target_semaphore(%dma_start3A_157 : memref<!tpu.dma_semaphore, #tpu.memory_space<semaphore_mem>>)
    %scan3A = arith.constant 0 : i32
    %scan3A_164 = arith.constant 0 : i32
    %scan3A_165 = arith.constant 64 : i32
    %scan3A_166 = arith.addi %scan3A_164, %scan3A_165 : i32
    %scan3A_167 = arith.constant 1 : i32
    scf.for %scan3A_174 = %scan3A_164 to %scan3A_166 step %scan3A_167  : i32 {
      %mul3A_175 = arith.constant 2 : i32
      %mul3A_176 = arith.muli %scan3A_174, %mul3A_175 : i32
      %add3A_177 = arith.constant 0 : i32
      %add3A_178 = arith.addi %mul3A_176, %add3A_177 : i32
      %add3A_179 = arith.constant 1 : i32
      %add3A_180 = arith.addi %add3A_178, %add3A_179 : i32
      %lt3A = arith.constant 128 : i32
      %lt3A_181 = arith.cmpi slt, %add3A_180, %lt3A : i32
      %convert_element_type3A_182 = arith.extui %lt3A_181 : i1 to i32
      %cond3A_183 = arith.constant 0 : i32
      %cond3A_184 = arith.cmpi ne, %convert_element_type3A_182, %cond3A_183 : i32
      scf.if %cond3A_184 {
        %add3A_407 = arith.constant 1 : i32
        %add3A_408 = arith.addi %add3A_178, %add3A_407 : i32
        %mul3A_409 = arith.constant 128 : i32
        %mul3A_410 = arith.muli %add3A, %mul3A_409 : i32
        %add3A_411 = arith.addi %mul3A_410, %add3A_408 : i32
        %mul3A_412 = arith.constant 80 : i32
        %mul3A_413 = arith.muli %add3A_411, %mul3A_412 : i32
        %dma_wait3A_414 = arith.constant 1 : i32
        %dma_wait3A_415 = arith.constant 1 : i32
        %dma_wait3A_416 = arith.constant 0 : i32
        %dma_wait3A_417 = arith.constant 0 : i32
        %dma_wait3A_418 = tpu.memref_slice %arg7[%dma_wait3A_414, %dma_wait3A_416, %dma_wait3A_417] : memref<2x2x80xi32, #tpu.memory_space<vmem>> -> memref<1x2x80xi32, #tpu.memory_space<vmem>>
        %dma_wait3A_419 = tpu.memref_squeeze %dma_wait3A_418 : memref<1x2x80xi32, #tpu.memory_space<vmem>> -> memref<2x80xi32, #tpu.memory_space<vmem>>
        %dma_wait3A_420 = arith.constant 0 : i32
        %dma_wait3A_421 = tpu.memref_slice %arg3[%dma_wait3A_420, %mul3A_413] : memref<2x327680xi32, #tpu.memory_space<hbm>> -> memref<2x80xi32, #tpu.memory_space<hbm>>
        %dma_wait3A_422 = tpu.memref_slice %arg15[%dma_wait3A_415] : memref<2x!tpu.dma_semaphore, #tpu.memory_space<semaphore_mem>> -> memref<1x!tpu.dma_semaphore, #tpu.memory_space<semaphore_mem>>
        %dma_wait3A_423 = tpu.memref_squeeze %dma_wait3A_422 : memref<1x!tpu.dma_semaphore, #tpu.memory_space<semaphore_mem>> -> memref<!tpu.dma_semaphore, #tpu.memory_space<semaphore_mem>>
        %dma_wait3A_424 = arith.constant 0 : i32
        %dma_wait3A_425 = arith.constant 0 : i32
        %dma_wait3A_426 = tpu.memref_slice %arg7[%dma_wait3A_414, %dma_wait3A_424, %dma_wait3A_425] : memref<2x2x80xi32, #tpu.memory_space<vmem>> -> memref<1x2x80xi32, #tpu.memory_space<vmem>>
        %dma_wait3A_427 = tpu.memref_squeeze %dma_wait3A_426 : memref<1x2x80xi32, #tpu.memory_space<vmem>> -> memref<2x80xi32, #tpu.memory_space<vmem>>
        %dma_wait3A_428 = arith.constant 0 : i32
        %dma_wait3A_429 = tpu.memref_slice %arg3[%dma_wait3A_428, %mul3A_413] : memref<2x327680xi32, #tpu.memory_space<hbm>> -> memref<2x80xi32, #tpu.memory_space<hbm>>
        tpu.wait_dma2 semaphore(%dma_wait3A_423 : memref<!tpu.dma_semaphore, #tpu.memory_space<semaphore_mem>>) src(%dma_wait3A_429 : memref<2x80xi32, #tpu.memory_space<hbm>>) dst(%dma_wait3A_427 : memref<2x80xi32, #tpu.memory_space<vmem>>)
        %add3A_430 = arith.constant 1 : i32
        %add3A_431 = arith.addi %add3A_178, %add3A_430 : i32
        %mul3A_432 = arith.constant 128 : i32
        %mul3A_433 = arith.muli %add3A, %mul3A_432 : i32
        %add3A_434 = arith.addi %mul3A_433, %add3A_431 : i32
        %mul3A_435 = arith.constant 80 : i32
        %mul3A_436 = arith.muli %add3A_434, %mul3A_435 : i32
        %min3A_437 = arith.constant 319920 : i32
        %min3A_438 = arith.minsi %mul3A_436, %min3A_437 : i32
        %dma_start3A_439 = arith.constant 1 : i32
        %dma_start3A_440 = arith.constant 1 : i32
        %dma_start3A_441 = arith.constant 0 : i32
        %dma_start3A_442 = arith.constant 0 : i32
        %dma_start3A_443 = tpu.memref_slice %arg8[%dma_start3A_439, %dma_start3A_441, %dma_start3A_442] : memref<2x80x16xf32, #tpu.memory_space<vmem>> -> memref<1x80x16xf32, #tpu.memory_space<vmem>>
        %dma_start3A_444 = tpu.memref_squeeze %dma_start3A_443 : memref<1x80x16xf32, #tpu.memory_space<vmem>> -> memref<80x16xf32, #tpu.memory_space<vmem>>
        %dma_start3A_445 = arith.constant 0 : i32
        %dma_start3A_446 = tpu.memref_slice %arg4[%min3A_438, %dma_start3A_445] : memref<320000x16xf32, #tpu.memory_space<hbm>> -> memref<80x16xf32, #tpu.memory_space<hbm>>
        %dma_start3A_447 = tpu.memref_slice %arg14[%dma_start3A_440] : memref<2x!tpu.dma_semaphore, #tpu.memory_space<semaphore_mem>> -> memref<1x!tpu.dma_semaphore, #tpu.memory_space<semaphore_mem>>
        %dma_start3A_448 = tpu.memref_squeeze %dma_start3A_447 : memref<1x!tpu.dma_semaphore, #tpu.memory_space<semaphore_mem>> -> memref<!tpu.dma_semaphore, #tpu.memory_space<semaphore_mem>>
        %dma_start3A_449 = arith.constant 0 : i32
        %dma_start3A_450 = arith.constant 0 : i32
        %dma_start3A_451 = tpu.memref_slice %arg8[%dma_start3A_439, %dma_start3A_449, %dma_start3A_450] : memref<2x80x16xf32, #tpu.memory_space<vmem>> -> memref<1x80x16xf32, #tpu.memory_space<vmem>>
        %dma_start3A_452 = tpu.memref_squeeze %dma_start3A_451 : memref<1x80x16xf32, #tpu.memory_space<vmem>> -> memref<80x16xf32, #tpu.memory_space<vmem>>
        %dma_start3A_453 = arith.constant 0 : i32
        %dma_start3A_454 = tpu.memref_slice %arg4[%min3A_438, %dma_start3A_453] : memref<320000x16xf32, #tpu.memory_space<hbm>> -> memref<80x16xf32, #tpu.memory_space<hbm>>
        tpu.enqueue_dma source(%dma_start3A_454 : memref<80x16xf32, #tpu.memory_space<hbm>>) target(%dma_start3A_452 : memref<80x16xf32, #tpu.memory_space<vmem>>) target_semaphore(%dma_start3A_448 : memref<!tpu.dma_semaphore, #tpu.memory_space<semaphore_mem>>)
        %dma_start3A_455 = arith.constant 1 : i32
        %dma_start3A_456 = arith.constant 0 : i32
        %dma_start3A_457 = arith.constant 1 : i32
        %dma_start3A_458 = arith.constant 1 : i32
        %dma_start3A_459 = arith.constant 0 : i32
        %dma_start3A_460 = arith.constant 0 : i32
        %dma_start3A_461 = arith.constant 0 : i32
        %dma_start3A_462 = tpu.memref_slice %arg9[%dma_start3A_457, %dma_start3A_460, %dma_start3A_461] : memref<2x80x144xi32, #tpu.memory_space<vmem>> -> memref<1x24x144xi32, #tpu.memory_space<vmem>>
        %dma_start3A_463 = tpu.memref_squeeze %dma_start3A_462 : memref<1x24x144xi32, #tpu.memory_space<vmem>> -> memref<24x144xi32, #tpu.memory_space<vmem>>
        %dma_start3A_464 = arith.constant 0 : i32
        %dma_start3A_465 = tpu.memref_slice %arg7[%dma_start3A_455, %dma_start3A_456, %dma_start3A_464] : memref<2x2x80xi32, #tpu.memory_space<vmem>> -> memref<1x1x24xi32, #tpu.memory_space<vmem>>
        %dma_start3A_466 = tpu.memref_squeeze %dma_start3A_465 : memref<1x1x24xi32, #tpu.memory_space<vmem>> -> memref<24xi32, #tpu.memory_space<vmem>>
        %dma_start3A_467 = arith.constant 0 : i32
        %dma_start3A_468 = arith.constant 0 : i32
        %dma_start3A_469 = tpu.memref_slice %arg11[%dma_start3A_467, %dma_start3A_468] : memref<10000x144xi32, #tpu.memory_space<vmem_shared>> -> memref<10000x144xi32, #tpu.memory_space<vmem_shared>>
        %dma_start3A_470 = tpu.memref_slice %arg13[%dma_start3A_458, %dma_start3A_459] : memref<2x4x!tpu.dma_semaphore, #tpu.memory_space<semaphore_mem>> -> memref<1x1x!tpu.dma_semaphore, #tpu.memory_space<semaphore_mem>>
        %dma_start3A_471 = tpu.memref_squeeze %dma_start3A_470 : memref<1x1x!tpu.dma_semaphore, #tpu.memory_space<semaphore_mem>> -> memref<!tpu.dma_semaphore, #tpu.memory_space<semaphore_mem>>
        tpu.enqueue_indirect_dma source(%dma_start3A_469 : memref<10000x144xi32, #tpu.memory_space<vmem_shared>>) target(%dma_start3A_463 : memref<24x144xi32, #tpu.memory_space<vmem>>) offsets(%dma_start3A_466 : memref<24xi32, #tpu.memory_space<vmem>>) semaphore(%dma_start3A_471 : memref<!tpu.dma_semaphore, #tpu.memory_space<semaphore_mem>>)
        %dma_start3A_472 = arith.constant 1 : i32
        %dma_start3A_473 = arith.constant 0 : i32
        %dma_start3A_474 = arith.constant 1 : i32
        %dma_start3A_475 = arith.constant 1 : i32
        %dma_start3A_476 = arith.constant 1 : i32
        %dma_start3A_477 = arith.constant 24 : i32
        %dma_start3A_478 = arith.constant 0 : i32
        %dma_start3A_479 = tpu.memref_slice %arg9[%dma_start3A_474, %dma_start3A_477, %dma_start3A_478] : memref<2x80x144xi32, #tpu.memory_space<vmem>> -> memref<1x24x144xi32, #tpu.memory_space<vmem>>
        %dma_start3A_480 = tpu.memref_squeeze %dma_start3A_479 : memref<1x24x144xi32, #tpu.memory_space<vmem>> -> memref<24x144xi32, #tpu.memory_space<vmem>>
        %dma_start3A_481 = arith.constant 24 : i32
        %dma_start3A_482 = tpu.memref_slice %arg7[%dma_start3A_472, %dma_start3A_473, %dma_start3A_481] : memref<2x2x80xi32, #tpu.memory_space<vmem>> -> memref<1x1x24xi32, #tpu.memory_space<vmem>>
        %dma_start3A_483 = tpu.memref_squeeze %dma_start3A_482 : memref<1x1x24xi32, #tpu.memory_space<vmem>> -> memref<24xi32, #tpu.memory_space<vmem>>
        %dma_start3A_484 = arith.constant 0 : i32
        %dma_start3A_485 = arith.constant 0 : i32
        %dma_start3A_486 = tpu.memref_slice %arg11[%dma_start3A_484, %dma_start3A_485] : memref<10000x144xi32, #tpu.memory_space<vmem_shared>> -> memref<10000x144xi32, #tpu.memory_space<vmem_shared>>
        %dma_start3A_487 = tpu.memref_slice %arg13[%dma_start3A_475, %dma_start3A_476] : memref<2x4x!tpu.dma_semaphore, #tpu.memory_space<semaphore_mem>> -> memref<1x1x!tpu.dma_semaphore, #tpu.memory_space<semaphore_mem>>
        %dma_start3A_488 = tpu.memref_squeeze %dma_start3A_487 : memref<1x1x!tpu.dma_semaphore, #tpu.memory_space<semaphore_mem>> -> memref<!tpu.dma_semaphore, #tpu.memory_space<semaphore_mem>>
        tpu.enqueue_indirect_dma source(%dma_start3A_486 : memref<10000x144xi32, #tpu.memory_space<vmem_shared>>) target(%dma_start3A_480 : memref<24x144xi32, #tpu.memory_space<vmem>>) offsets(%dma_start3A_483 : memref<24xi32, #tpu.memory_space<vmem>>) semaphore(%dma_start3A_488 : memref<!tpu.dma_semaphore, #tpu.memory_space<semaphore_mem>>)
        %dma_start3A_489 = arith.constant 1 : i32
        %dma_start3A_490 = arith.constant 0 : i32
        %dma_start3A_491 = arith.constant 1 : i32
        %dma_start3A_492 = arith.constant 1 : i32
        %dma_start3A_493 = arith.constant 2 : i32
        %dma_start3A_494 = arith.constant 48 : i32
        %dma_start3A_495 = arith.constant 0 : i32
        %dma_start3A_496 = tpu.memref_slice %arg9[%dma_start3A_491, %dma_start3A_494, %dma_start3A_495] : memref<2x80x144xi32, #tpu.memory_space<vmem>> -> memref<1x16x144xi32, #tpu.memory_space<vmem>>
        %dma_start3A_497 = tpu.memref_squeeze %dma_start3A_496 : memref<1x16x144xi32, #tpu.memory_space<vmem>> -> memref<16x144xi32, #tpu.memory_space<vmem>>
        %dma_start3A_498 = arith.constant 48 : i32
        %dma_start3A_499 = tpu.memref_slice %arg7[%dma_start3A_489, %dma_start3A_490, %dma_start3A_498] : memref<2x2x80xi32, #tpu.memory_space<vmem>> -> memref<1x1x16xi32, #tpu.memory_space<vmem>>
        %dma_start3A_500 = tpu.memref_squeeze %dma_start3A_499 : memref<1x1x16xi32, #tpu.memory_space<vmem>> -> memref<16xi32, #tpu.memory_space<vmem>>
        %dma_start3A_501 = arith.constant 0 : i32
        %dma_start3A_502 = arith.constant 0 : i32
        %dma_start3A_503 = tpu.memref_slice %arg11[%dma_start3A_501, %dma_start3A_502] : memref<10000x144xi32, #tpu.memory_space<vmem_shared>> -> memref<10000x144xi32, #tpu.memory_space<vmem_shared>>
        %dma_start3A_504 = tpu.memref_slice %arg13[%dma_start3A_492, %dma_start3A_493] : memref<2x4x!tpu.dma_semaphore, #tpu.memory_space<semaphore_mem>> -> memref<1x1x!tpu.dma_semaphore, #tpu.memory_space<semaphore_mem>>
        %dma_start3A_505 = tpu.memref_squeeze %dma_start3A_504 : memref<1x1x!tpu.dma_semaphore, #tpu.memory_space<semaphore_mem>> -> memref<!tpu.dma_semaphore, #tpu.memory_space<semaphore_mem>>
        tpu.enqueue_indirect_dma source(%dma_start3A_503 : memref<10000x144xi32, #tpu.memory_space<vmem_shared>>) target(%dma_start3A_497 : memref<16x144xi32, #tpu.memory_space<vmem>>) offsets(%dma_start3A_500 : memref<16xi32, #tpu.memory_space<vmem>>) semaphore(%dma_start3A_505 : memref<!tpu.dma_semaphore, #tpu.memory_space<semaphore_mem>>)
        %dma_start3A_506 = arith.constant 1 : i32
        %dma_start3A_507 = arith.constant 0 : i32
        %dma_start3A_508 = arith.constant 1 : i32
        %dma_start3A_509 = arith.constant 1 : i32
        %dma_start3A_510 = arith.constant 3 : i32
        %dma_start3A_511 = arith.constant 64 : i32
        %dma_start3A_512 = arith.constant 0 : i32
        %dma_start3A_513 = tpu.memref_slice %arg9[%dma_start3A_508, %dma_start3A_511, %dma_start3A_512] : memref<2x80x144xi32, #tpu.memory_space<vmem>> -> memref<1x16x144xi32, #tpu.memory_space<vmem>>
        %dma_start3A_514 = tpu.memref_squeeze %dma_start3A_513 : memref<1x16x144xi32, #tpu.memory_space<vmem>> -> memref<16x144xi32, #tpu.memory_space<vmem>>
        %dma_start3A_515 = arith.constant 64 : i32
        %dma_start3A_516 = tpu.memref_slice %arg7[%dma_start3A_506, %dma_start3A_507, %dma_start3A_515] : memref<2x2x80xi32, #tpu.memory_space<vmem>> -> memref<1x1x16xi32, #tpu.memory_space<vmem>>
        %dma_start3A_517 = tpu.memref_squeeze %dma_start3A_516 : memref<1x1x16xi32, #tpu.memory_space<vmem>> -> memref<16xi32, #tpu.memory_space<vmem>>
        %dma_start3A_518 = arith.constant 0 : i32
        %dma_start3A_519 = arith.constant 0 : i32
        %dma_start3A_520 = tpu.memref_slice %arg11[%dma_start3A_518, %dma_start3A_519] : memref<10000x144xi32, #tpu.memory_space<vmem_shared>> -> memref<10000x144xi32, #tpu.memory_space<vmem_shared>>
        %dma_start3A_521 = tpu.memref_slice %arg13[%dma_start3A_509, %dma_start3A_510] : memref<2x4x!tpu.dma_semaphore, #tpu.memory_space<semaphore_mem>> -> memref<1x1x!tpu.dma_semaphore, #tpu.memory_space<semaphore_mem>>
        %dma_start3A_522 = tpu.memref_squeeze %dma_start3A_521 : memref<1x1x!tpu.dma_semaphore, #tpu.memory_space<semaphore_mem>> -> memref<!tpu.dma_semaphore, #tpu.memory_space<semaphore_mem>>
        tpu.enqueue_indirect_dma source(%dma_start3A_520 : memref<10000x144xi32, #tpu.memory_space<vmem_shared>>) target(%dma_start3A_514 : memref<16x144xi32, #tpu.memory_space<vmem>>) offsets(%dma_start3A_517 : memref<16xi32, #tpu.memory_space<vmem>>) semaphore(%dma_start3A_522 : memref<!tpu.dma_semaphore, #tpu.memory_space<semaphore_mem>>)
      } else {
      }
      %mul3A_185 = arith.constant 128 : i32
      %mul3A_186 = arith.muli %add3A, %mul3A_185 : i32
      %add3A_187 = arith.addi %mul3A_186, %add3A_178 : i32
      %mul3A_188 = arith.constant 80 : i32
      %mul3A_189 = arith.muli %add3A_187, %mul3A_188 : i32
      %min3A_190 = arith.constant 319920 : i32
      %min3A_191 = arith.minsi %mul3A_189, %min3A_190 : i32
      %dma_wait3A_192 = arith.constant 0 : i32
      %dma_wait3A_193 = arith.constant 0 : i32
      %dma_wait3A_194 = arith.constant 0 : i32
      %dma_wait3A_195 = arith.constant 0 : i32
      %dma_wait3A_196 = tpu.memref_slice %arg8[%dma_wait3A_192, %dma_wait3A_194, %dma_wait3A_195] : memref<2x80x16xf32, #tpu.memory_space<vmem>> -> memref<1x80x16xf32, #tpu.memory_space<vmem>>
      %dma_wait3A_197 = tpu.memref_squeeze %dma_wait3A_196 : memref<1x80x16xf32, #tpu.memory_space<vmem>> -> memref<80x16xf32, #tpu.memory_space<vmem>>
      %dma_wait3A_198 = arith.constant 0 : i32
      %dma_wait3A_199 = tpu.memref_slice %arg4[%min3A_191, %dma_wait3A_198] : memref<320000x16xf32, #tpu.memory_space<hbm>> -> memref<80x16xf32, #tpu.memory_space<hbm>>
      %dma_wait3A_200 = tpu.memref_slice %arg14[%dma_wait3A_193] : memref<2x!tpu.dma_semaphore, #tpu.memory_space<semaphore_mem>> -> memref<1x!tpu.dma_semaphore, #tpu.memory_space<semaphore_mem>>
      %dma_wait3A_201 = tpu.memref_squeeze %dma_wait3A_200 : memref<1x!tpu.dma_semaphore, #tpu.memory_space<semaphore_mem>> -> memref<!tpu.dma_semaphore, #tpu.memory_space<semaphore_mem>>
      %dma_wait3A_202 = arith.constant 0 : i32
      %dma_wait3A_203 = arith.constant 0 : i32
      %dma_wait3A_204 = tpu.memref_slice %arg8[%dma_wait3A_192, %dma_wait3A_202, %dma_wait3A_203] : memref<2x80x16xf32, #tpu.memory_space<vmem>> -> memref<1x80x16xf32, #tpu.memory_space<vmem>>
      %dma_wait3A_205 = tpu.memref_squeeze %dma_wait3A_204 : memref<1x80x16xf32, #tpu.memory_space<vmem>> -> memref<80x16xf32, #tpu.memory_space<vmem>>
      %dma_wait3A_206 = arith.constant 0 : i32
      %dma_wait3A_207 = tpu.memref_slice %arg4[%min3A_191, %dma_wait3A_206] : memref<320000x16xf32, #tpu.memory_space<hbm>> -> memref<80x16xf32, #tpu.memory_space<hbm>>
      tpu.wait_dma2 semaphore(%dma_wait3A_201 : memref<!tpu.dma_semaphore, #tpu.memory_space<semaphore_mem>>) src(%dma_wait3A_207 : memref<80x16xf32, #tpu.memory_space<hbm>>) dst(%dma_wait3A_205 : memref<80x16xf32, #tpu.memory_space<vmem>>)
      %dma_wait3A_208 = arith.constant 0 : i32
      %dma_wait3A_209 = arith.constant 0 : i32
      %dma_wait3A_210 = arith.constant 0 : i32
      %dma_wait3A_211 = arith.constant 0 : i32
      %dma_wait3A_212 = arith.constant 0 : i32
      %dma_wait3A_213 = arith.constant 0 : i32
      %dma_wait3A_214 = arith.constant 0 : i32
      %dma_wait3A_215 = tpu.memref_slice %arg9[%dma_wait3A_210, %dma_wait3A_213, %dma_wait3A_214] : memref<2x80x144xi32, #tpu.memory_space<vmem>> -> memref<1x24x144xi32, #tpu.memory_space<vmem>>
      %dma_wait3A_216 = tpu.memref_squeeze %dma_wait3A_215 : memref<1x24x144xi32, #tpu.memory_space<vmem>> -> memref<24x144xi32, #tpu.memory_space<vmem>>
      %dma_wait3A_217 = arith.constant 0 : i32
      %dma_wait3A_218 = tpu.memref_slice %arg7[%dma_wait3A_208, %dma_wait3A_209, %dma_wait3A_217] : memref<2x2x80xi32, #tpu.memory_space<vmem>> -> memref<1x1x24xi32, #tpu.memory_space<vmem>>
      %dma_wait3A_219 = tpu.memref_squeeze %dma_wait3A_218 : memref<1x1x24xi32, #tpu.memory_space<vmem>> -> memref<24xi32, #tpu.memory_space<vmem>>
      %dma_wait3A_220 = arith.constant 0 : i32
      %dma_wait3A_221 = arith.constant 0 : i32
      %dma_wait3A_222 = tpu.memref_slice %arg11[%dma_wait3A_220, %dma_wait3A_221] : memref<10000x144xi32, #tpu.memory_space<vmem_shared>> -> memref<10000x144xi32, #tpu.memory_space<vmem_shared>>
      %dma_wait3A_223 = tpu.memref_slice %arg13[%dma_wait3A_211, %dma_wait3A_212] : memref<2x4x!tpu.dma_semaphore, #tpu.memory_space<semaphore_mem>> -> memref<1x1x!tpu.dma_semaphore, #tpu.memory_space<semaphore_mem>>
      %dma_wait3A_224 = tpu.memref_squeeze %dma_wait3A_223 : memref<1x1x!tpu.dma_semaphore, #tpu.memory_space<semaphore_mem>> -> memref<!tpu.dma_semaphore, #tpu.memory_space<semaphore_mem>>
      tpu.wait_indirect_dma semaphore(%dma_wait3A_224 : memref<!tpu.dma_semaphore, #tpu.memory_space<semaphore_mem>>) src(%dma_wait3A_222 : memref<10000x144xi32, #tpu.memory_space<vmem_shared>>) dst(%dma_wait3A_216 : memref<24x144xi32, #tpu.memory_space<vmem>>)
      %dma_wait3A_225 = arith.constant 0 : i32
      %dma_wait3A_226 = arith.constant 0 : i32
      %dma_wait3A_227 = arith.constant 0 : i32
      %dma_wait3A_228 = arith.constant 0 : i32
      %dma_wait3A_229 = arith.constant 1 : i32
      %dma_wait3A_230 = arith.constant 24 : i32
      %dma_wait3A_231 = arith.constant 0 : i32
      %dma_wait3A_232 = tpu.memref_slice %arg9[%dma_wait3A_227, %dma_wait3A_230, %dma_wait3A_231] : memref<2x80x144xi32, #tpu.memory_space<vmem>> -> memref<1x24x144xi32, #tpu.memory_space<vmem>>
      %dma_wait3A_233 = tpu.memref_squeeze %dma_wait3A_232 : memref<1x24x144xi32, #tpu.memory_space<vmem>> -> memref<24x144xi32, #tpu.memory_space<vmem>>
      %dma_wait3A_234 = arith.constant 24 : i32
      %dma_wait3A_235 = tpu.memref_slice %arg7[%dma_wait3A_225, %dma_wait3A_226, %dma_wait3A_234] : memref<2x2x80xi32, #tpu.memory_space<vmem>> -> memref<1x1x24xi32, #tpu.memory_space<vmem>>
      %dma_wait3A_236 = tpu.memref_squeeze %dma_wait3A_235 : memref<1x1x24xi32, #tpu.memory_space<vmem>> -> memref<24xi32, #tpu.memory_space<vmem>>
      %dma_wait3A_237 = arith.constant 0 : i32
      %dma_wait3A_238 = arith.constant 0 : i32
      %dma_wait3A_239 = tpu.memref_slice %arg11[%dma_wait3A_237, %dma_wait3A_238] : memref<10000x144xi32, #tpu.memory_space<vmem_shared>> -> memref<10000x144xi32, #tpu.memory_space<vmem_shared>>
      %dma_wait3A_240 = tpu.memref_slice %arg13[%dma_wait3A_228, %dma_wait3A_229] : memref<2x4x!tpu.dma_semaphore, #tpu.memory_space<semaphore_mem>> -> memref<1x1x!tpu.dma_semaphore, #tpu.memory_space<semaphore_mem>>
      %dma_wait3A_241 = tpu.memref_squeeze %dma_wait3A_240 : memref<1x1x!tpu.dma_semaphore, #tpu.memory_space<semaphore_mem>> -> memref<!tpu.dma_semaphore, #tpu.memory_space<semaphore_mem>>
      tpu.wait_indirect_dma semaphore(%dma_wait3A_241 : memref<!tpu.dma_semaphore, #tpu.memory_space<semaphore_mem>>) src(%dma_wait3A_239 : memref<10000x144xi32, #tpu.memory_space<vmem_shared>>) dst(%dma_wait3A_233 : memref<24x144xi32, #tpu.memory_space<vmem>>)
      %dma_wait3A_242 = arith.constant 0 : i32
      %dma_wait3A_243 = arith.constant 0 : i32
      %dma_wait3A_244 = arith.constant 0 : i32
      %dma_wait3A_245 = arith.constant 0 : i32
      %dma_wait3A_246 = arith.constant 2 : i32
      %dma_wait3A_247 = arith.constant 48 : i32
      %dma_wait3A_248 = arith.constant 0 : i32
      %dma_wait3A_249 = tpu.memref_slice %arg9[%dma_wait3A_244, %dma_wait3A_247, %dma_wait3A_248] : memref<2x80x144xi32, #tpu.memory_space<vmem>> -> memref<1x16x144xi32, #tpu.memory_space<vmem>>
      %dma_wait3A_250 = tpu.memref_squeeze %dma_wait3A_249 : memref<1x16x144xi32, #tpu.memory_space<vmem>> -> memref<16x144xi32, #tpu.memory_space<vmem>>
      %dma_wait3A_251 = arith.constant 48 : i32
      %dma_wait3A_252 = tpu.memref_slice %arg7[%dma_wait3A_242, %dma_wait3A_243, %dma_wait3A_251] : memref<2x2x80xi32, #tpu.memory_space<vmem>> -> memref<1x1x16xi32, #tpu.memory_space<vmem>>
      %dma_wait3A_253 = tpu.memref_squeeze %dma_wait3A_252 : memref<1x1x16xi32, #tpu.memory_space<vmem>> -> memref<16xi32, #tpu.memory_space<vmem>>
      %dma_wait3A_254 = arith.constant 0 : i32
      %dma_wait3A_255 = arith.constant 0 : i32
      %dma_wait3A_256 = tpu.memref_slice %arg11[%dma_wait3A_254, %dma_wait3A_255] : memref<10000x144xi32, #tpu.memory_space<vmem_shared>> -> memref<10000x144xi32, #tpu.memory_space<vmem_shared>>
      %dma_wait3A_257 = tpu.memref_slice %arg13[%dma_wait3A_245, %dma_wait3A_246] : memref<2x4x!tpu.dma_semaphore, #tpu.memory_space<semaphore_mem>> -> memref<1x1x!tpu.dma_semaphore, #tpu.memory_space<semaphore_mem>>
      %dma_wait3A_258 = tpu.memref_squeeze %dma_wait3A_257 : memref<1x1x!tpu.dma_semaphore, #tpu.memory_space<semaphore_mem>> -> memref<!tpu.dma_semaphore, #tpu.memory_space<semaphore_mem>>
      tpu.wait_indirect_dma semaphore(%dma_wait3A_258 : memref<!tpu.dma_semaphore, #tpu.memory_space<semaphore_mem>>) src(%dma_wait3A_256 : memref<10000x144xi32, #tpu.memory_space<vmem_shared>>) dst(%dma_wait3A_250 : memref<16x144xi32, #tpu.memory_space<vmem>>)
      %dma_wait3A_259 = arith.constant 0 : i32
      %dma_wait3A_260 = arith.constant 0 : i32
      %dma_wait3A_261 = arith.constant 0 : i32
      %dma_wait3A_262 = arith.constant 0 : i32
      %dma_wait3A_263 = arith.constant 3 : i32
      %dma_wait3A_264 = arith.constant 64 : i32
      %dma_wait3A_265 = arith.constant 0 : i32
      %dma_wait3A_266 = tpu.memref_slice %arg9[%dma_wait3A_261, %dma_wait3A_264, %dma_wait3A_265] : memref<2x80x144xi32, #tpu.memory_space<vmem>> -> memref<1x16x144xi32, #tpu.memory_space<vmem>>
      %dma_wait3A_267 = tpu.memref_squeeze %dma_wait3A_266 : memref<1x16x144xi32, #tpu.memory_space<vmem>> -> memref<16x144xi32, #tpu.memory_space<vmem>>
      %dma_wait3A_268 = arith.constant 64 : i32
      %dma_wait3A_269 = tpu.memref_slice %arg7[%dma_wait3A_259, %dma_wait3A_260, %dma_wait3A_268] : memref<2x2x80xi32, #tpu.memory_space<vmem>> -> memref<1x1x16xi32, #tpu.memory_space<vmem>>
      %dma_wait3A_270 = tpu.memref_squeeze %dma_wait3A_269 : memref<1x1x16xi32, #tpu.memory_space<vmem>> -> memref<16xi32, #tpu.memory_space<vmem>>
      %dma_wait3A_271 = arith.constant 0 : i32
      %dma_wait3A_272 = arith.constant 0 : i32
      %dma_wait3A_273 = tpu.memref_slice %arg11[%dma_wait3A_271, %dma_wait3A_272] : memref<10000x144xi32, #tpu.memory_space<vmem_shared>> -> memref<10000x144xi32, #tpu.memory_space<vmem_shared>>
      %dma_wait3A_274 = tpu.memref_slice %arg13[%dma_wait3A_262, %dma_wait3A_263] : memref<2x4x!tpu.dma_semaphore, #tpu.memory_space<semaphore_mem>> -> memref<1x1x!tpu.dma_semaphore, #tpu.memory_space<semaphore_mem>>
      %dma_wait3A_275 = tpu.memref_squeeze %dma_wait3A_274 : memref<1x1x!tpu.dma_semaphore, #tpu.memory_space<semaphore_mem>> -> memref<!tpu.dma_semaphore, #tpu.memory_space<semaphore_mem>>
      tpu.wait_indirect_dma semaphore(%dma_wait3A_275 : memref<!tpu.dma_semaphore, #tpu.memory_space<semaphore_mem>>) src(%dma_wait3A_273 : memref<10000x144xi32, #tpu.memory_space<vmem_shared>>) dst(%dma_wait3A_267 : memref<16x144xi32, #tpu.memory_space<vmem>>)
      %scan3A_276 = arith.constant 0 : i32
      %scan3A_277 = arith.constant 0 : i32
      %scan3A_278 = arith.constant 40 : i32
      %scan3A_279 = arith.addi %scan3A_277, %scan3A_278 : i32
      %scan3A_280 = arith.constant 1 : i32
      scf.for %scan3A_407 = %scan3A_277 to %scan3A_279 step %scan3A_280  : i32 {
        %mul3A_408 = arith.constant 2 : i32
        %mul3A_409 = arith.muli %mul3A_408, %scan3A_407 : i32
        %get3A = arith.constant 0 : i32
        %get3A_410 = arith.index_cast %get3A : i32 to index
        %get3A_411 = arith.index_cast %mul3A_409 : i32 to index
        %get3A_412 = arith.constant 0 : index
        %get3A_413 = tpu.vector_load %arg8[%get3A_410, %get3A_411, %get3A_412] {strides = array<i32>} : memref<2x80x16xf32, #tpu.memory_space<vmem>>, vector<1x1x16xf32>,
        %get3A_414 = vector.shape_cast %get3A_413 : vector<1x1x16xf32> to vector<16xf32>
        %get3A_415 = arith.constant 0 : i32
        %get3A_416 = arith.index_cast %get3A_415 : i32 to index
        %get3A_417 = arith.index_cast %mul3A_409 : i32 to index
        %get3A_418 = arith.constant 128 : index
        %get3A_419 = tpu.vector_load %arg9[%get3A_416, %get3A_417, %get3A_418] {strides = array<i32>} : memref<2x80x144xi32, #tpu.memory_space<vmem>>, vector<1x1x16xi32>,
        %get3A_420 = vector.shape_cast %get3A_419 : vector<1x1x16xi32> to vector<16xi32>
        %shift_left3A = arith.constant 16 : i32
        %shift_left3A_421 = vector.broadcast %shift_left3A : i32 to vector<16xi32>
        %shift_left3A_422 = arith.shli %get3A_420, %shift_left3A_421 : vector<16xi32>
        %bitcast_convert_type3A = tpu.bitcast %shift_left3A_422 : vector<16xi32> -> vector<16xf32>
        %get3A_423 = arith.constant 0 : i32
        %get3A_424 = arith.index_cast %get3A_423 : i32 to index
        %get3A_425 = arith.index_cast %mul3A_409 : i32 to index
        %get3A_426 = arith.constant 0 : index
        %get3A_427 = tpu.vector_load %arg9[%get3A_424, %get3A_425, %get3A_426] {strides = array<i32>} : memref<2x80x144xi32, #tpu.memory_space<vmem>>, vector<1x1x16xi32>,
        %get3A_428 = vector.shape_cast %get3A_427 : vector<1x1x16xi32> to vector<16xi32>
        %broadcast_in_dim3A = arith.constant 0 : i32
        %broadcast_in_dim3A_429 = vector.broadcast %broadcast_in_dim3A : i32 to vector<16x1xi32>
        %gather3A = vector.shape_cast %broadcast_in_dim3A_429 : vector<16x1xi32> to vector<16xi32>
        %gather3A_430 = tpu.dynamic_gather %get3A_414[%gather3A] in [0] : vector<16xf32>, vector<16xi32> -> vector<16xf32>
        %shift_left3A_431 = arith.constant 16 : i32
        %shift_left3A_432 = vector.broadcast %shift_left3A_431 : i32 to vector<16xi32>
        %shift_left3A_433 = arith.shli %get3A_428, %shift_left3A_432 : vector<16xi32>
        %bitcast_convert_type3A_434 = tpu.bitcast %shift_left3A_433 : vector<16xi32> -> vector<16xf32>
        %mul3A_435 = arith.mulf %gather3A_430, %bitcast_convert_type3A_434 : vector<16xf32>
        %broadcast_in_dim3A_436 = arith.constant 1 : i32
        %broadcast_in_dim3A_437 = vector.broadcast %broadcast_in_dim3A_436 : i32 to vector<16x1xi32>
        %gather3A_438 = vector.shape_cast %broadcast_in_dim3A_437 : vector<16x1xi32> to vector<16xi32>
        %gather3A_439 = tpu.dynamic_gather %get3A_414[%gather3A_438] in [0] : vector<16xf32>, vector<16xi32> -> vector<16xf32>
        %bitcast_convert_type3A_440 = tpu.bitcast %get3A_428 : vector<16xi32> -> vector<16xf32>
        %mul3A_441 = arith.mulf %gather3A_439, %bitcast_convert_type3A_440 : vector<16xf32>
        %add3A_442 = arith.addf %mul3A_435, %mul3A_441 : vector<16xf32>
        %add3A_443 = arith.addf %bitcast_convert_type3A, %add3A_442 : vector<16xf32>
        %get3A_444 = arith.constant 0 : i32
        %get3A_445 = arith.index_cast %get3A_444 : i32 to index
        %get3A_446 = arith.index_cast %mul3A_409 : i32 to index
        %get3A_447 = arith.constant 16 : index
        %get3A_448 = tpu.vector_load %arg9[%get3A_445, %get3A_446, %get3A_447] {strides = array<i32>} : memref<2x80x144xi32, #tpu.memory_space<vmem>>, vector<1x1x16xi32>,
        %get3A_449 = vector.shape_cast %get3A_448 : vector<1x1x16xi32> to vector<16xi32>
        %broadcast_in_dim3A_450 = arith.constant 2 : i32
        %broadcast_in_dim3A_451 = vector.broadcast %broadcast_in_dim3A_450 : i32 to vector<16x1xi32>
        %gather3A_452 = vector.shape_cast %broadcast_in_dim3A_451 : vector<16x1xi32> to vector<16xi32>
        %gather3A_453 = tpu.dynamic_gather %get3A_414[%gather3A_452] in [0] : vector<16xf32>, vector<16xi32> -> vector<16xf32>
        %shift_left3A_454 = arith.constant 16 : i32
        %shift_left3A_455 = vector.broadcast %shift_left3A_454 : i32 to vector<16xi32>
        %shift_left3A_456 = arith.shli %get3A_449, %shift_left3A_455 : vector<16xi32>
        %bitcast_convert_type3A_457 = tpu.bitcast %shift_left3A_456 : vector<16xi32> -> vector<16xf32>
        %mul3A_458 = arith.mulf %gather3A_453, %bitcast_convert_type3A_457 : vector<16xf32>
        %broadcast_in_dim3A_459 = arith.constant 3 : i32
        %broadcast_in_dim3A_460 = vector.broadcast %broadcast_in_dim3A_459 : i32 to vector<16x1xi32>
        %gather3A_461 = vector.shape_cast %broadcast_in_dim3A_460 : vector<16x1xi32> to vector<16xi32>
        %gather3A_462 = tpu.dynamic_gather %get3A_414[%gather3A_461] in [0] : vector<16xf32>, vector<16xi32> -> vector<16xf32>
        %bitcast_convert_type3A_463 = tpu.bitcast %get3A_449 : vector<16xi32> -> vector<16xf32>
        %mul3A_464 = arith.mulf %gather3A_462, %bitcast_convert_type3A_463 : vector<16xf32>
        %add3A_465 = arith.addf %mul3A_458, %mul3A_464 : vector<16xf32>
        %get3A_466 = arith.constant 0 : i32
        %get3A_467 = arith.index_cast %get3A_466 : i32 to index
        %get3A_468 = arith.index_cast %mul3A_409 : i32 to index
        %get3A_469 = arith.constant 32 : index
        %get3A_470 = tpu.vector_load %arg9[%get3A_467, %get3A_468, %get3A_469] {strides = array<i32>} : memref<2x80x144xi32, #tpu.memory_space<vmem>>, vector<1x1x16xi32>,
        %get3A_471 = vector.shape_cast %get3A_470 : vector<1x1x16xi32> to vector<16xi32>
        %broadcast_in_dim3A_472 = arith.constant 4 : i32
        %broadcast_in_dim3A_473 = vector.broadcast %broadcast_in_dim3A_472 : i32 to vector<16x1xi32>
        %gather3A_474 = vector.shape_cast %broadcast_in_dim3A_473 : vector<16x1xi32> to vector<16xi32>
        %gather3A_475 = tpu.dynamic_gather %get3A_414[%gather3A_474] in [0] : vector<16xf32>, vector<16xi32> -> vector<16xf32>
        %shift_left3A_476 = arith.constant 16 : i32
        %shift_left3A_477 = vector.broadcast %shift_left3A_476 : i32 to vector<16xi32>
        %shift_left3A_478 = arith.shli %get3A_471, %shift_left3A_477 : vector<16xi32>
        %bitcast_convert_type3A_479 = tpu.bitcast %shift_left3A_478 : vector<16xi32> -> vector<16xf32>
        %mul3A_480 = arith.mulf %gather3A_475, %bitcast_convert_type3A_479 : vector<16xf32>
        %broadcast_in_dim3A_481 = arith.constant 5 : i32
        %broadcast_in_dim3A_482 = vector.broadcast %broadcast_in_dim3A_481 : i32 to vector<16x1xi32>
        %gather3A_483 = vector.shape_cast %broadcast_in_dim3A_482 : vector<16x1xi32> to vector<16xi32>
        %gather3A_484 = tpu.dynamic_gather %get3A_414[%gather3A_483] in [0] : vector<16xf32>, vector<16xi32> -> vector<16xf32>
        %bitcast_convert_type3A_485 = tpu.bitcast %get3A_471 : vector<16xi32> -> vector<16xf32>
        %mul3A_486 = arith.mulf %gather3A_484, %bitcast_convert_type3A_485 : vector<16xf32>
        %add3A_487 = arith.addf %mul3A_480, %mul3A_486 : vector<16xf32>
        %get3A_488 = arith.constant 0 : i32
        %get3A_489 = arith.index_cast %get3A_488 : i32 to index
        %get3A_490 = arith.index_cast %mul3A_409 : i32 to index
        %get3A_491 = arith.constant 48 : index
        %get3A_492 = tpu.vector_load %arg9[%get3A_489, %get3A_490, %get3A_491] {strides = array<i32>} : memref<2x80x144xi32, #tpu.memory_space<vmem>>, vector<1x1x16xi32>,
        %get3A_493 = vector.shape_cast %get3A_492 : vector<1x1x16xi32> to vector<16xi32>
        %broadcast_in_dim3A_494 = arith.constant 6 : i32
        %broadcast_in_dim3A_495 = vector.broadcast %broadcast_in_dim3A_494 : i32 to vector<16x1xi32>
        %gather3A_496 = vector.shape_cast %broadcast_in_dim3A_495 : vector<16x1xi32> to vector<16xi32>
        %gather3A_497 = tpu.dynamic_gather %get3A_414[%gather3A_496] in [0] : vector<16xf32>, vector<16xi32> -> vector<16xf32>
        %shift_left3A_498 = arith.constant 16 : i32
        %shift_left3A_499 = vector.broadcast %shift_left3A_498 : i32 to vector<16xi32>
        %shift_left3A_500 = arith.shli %get3A_493, %shift_left3A_499 : vector<16xi32>
        %bitcast_convert_type3A_501 = tpu.bitcast %shift_left3A_500 : vector<16xi32> -> vector<16xf32>
        %mul3A_502 = arith.mulf %gather3A_497, %bitcast_convert_type3A_501 : vector<16xf32>
        %broadcast_in_dim3A_503 = arith.constant 7 : i32
        %broadcast_in_dim3A_504 = vector.broadcast %broadcast_in_dim3A_503 : i32 to vector<16x1xi32>
        %gather3A_505 = vector.shape_cast %broadcast_in_dim3A_504 : vector<16x1xi32> to vector<16xi32>
        %gather3A_506 = tpu.dynamic_gather %get3A_414[%gather3A_505] in [0] : vector<16xf32>, vector<16xi32> -> vector<16xf32>
        %bitcast_convert_type3A_507 = tpu.bitcast %get3A_493 : vector<16xi32> -> vector<16xf32>
        %mul3A_508 = arith.mulf %gather3A_506, %bitcast_convert_type3A_507 : vector<16xf32>
        %add3A_509 = arith.addf %mul3A_502, %mul3A_508 : vector<16xf32>
        %get3A_510 = arith.constant 0 : i32
        %get3A_511 = arith.index_cast %get3A_510 : i32 to index
        %get3A_512 = arith.index_cast %mul3A_409 : i32 to index
        %get3A_513 = arith.constant 64 : index
        %get3A_514 = tpu.vector_load %arg9[%get3A_511, %get3A_512, %get3A_513] {strides = array<i32>} : memref<2x80x144xi32, #tpu.memory_space<vmem>>, vector<1x1x16xi32>,
        %get3A_515 = vector.shape_cast %get3A_514 : vector<1x1x16xi32> to vector<16xi32>
        %broadcast_in_dim3A_516 = arith.constant 8 : i32
        %broadcast_in_dim3A_517 = vector.broadcast %broadcast_in_dim3A_516 : i32 to vector<16x1xi32>
        %gather3A_518 = vector.shape_cast %broadcast_in_dim3A_517 : vector<16x1xi32> to vector<16xi32>
        %gather3A_519 = tpu.dynamic_gather %get3A_414[%gather3A_518] in [0] : vector<16xf32>, vector<16xi32> -> vector<16xf32>
        %shift_left3A_520 = arith.constant 16 : i32
        %shift_left3A_521 = vector.broadcast %shift_left3A_520 : i32 to vector<16xi32>
        %shift_left3A_522 = arith.shli %get3A_515, %shift_left3A_521 : vector<16xi32>
        %bitcast_convert_type3A_523 = tpu.bitcast %shift_left3A_522 : vector<16xi32> -> vector<16xf32>
        %mul3A_524 = arith.mulf %gather3A_519, %bitcast_convert_type3A_523 : vector<16xf32>
        %broadcast_in_dim3A_525 = arith.constant 9 : i32
        %broadcast_in_dim3A_526 = vector.broadcast %broadcast_in_dim3A_525 : i32 to vector<16x1xi32>
        %gather3A_527 = vector.shape_cast %broadcast_in_dim3A_526 : vector<16x1xi32> to vector<16xi32>
        %gather3A_528 = tpu.dynamic_gather %get3A_414[%gather3A_527] in [0] : vector<16xf32>, vector<16xi32> -> vector<16xf32>
        %bitcast_convert_type3A_529 = tpu.bitcast %get3A_515 : vector<16xi32> -> vector<16xf32>
        %mul3A_530 = arith.mulf %gather3A_528, %bitcast_convert_type3A_529 : vector<16xf32>
        %add3A_531 = arith.addf %mul3A_524, %mul3A_530 : vector<16xf32>
        %add3A_532 = arith.addf %add3A_443, %add3A_531 : vector<16xf32>
        %get3A_533 = arith.constant 0 : i32
        %get3A_534 = arith.index_cast %get3A_533 : i32 to index
        %get3A_535 = arith.index_cast %mul3A_409 : i32 to index
        %get3A_536 = arith.constant 80 : index
        %get3A_537 = tpu.vector_load %arg9[%get3A_534, %get3A_535, %get3A_536] {strides = array<i32>} : memref<2x80x144xi32, #tpu.memory_space<vmem>>, vector<1x1x16xi32>,
        %get3A_538 = vector.shape_cast %get3A_537 : vector<1x1x16xi32> to vector<16xi32>
        %broadcast_in_dim3A_539 = arith.constant 10 : i32
        %broadcast_in_dim3A_540 = vector.broadcast %broadcast_in_dim3A_539 : i32 to vector<16x1xi32>
        %gather3A_541 = vector.shape_cast %broadcast_in_dim3A_540 : vector<16x1xi32> to vector<16xi32>
        %gather3A_542 = tpu.dynamic_gather %get3A_414[%gather3A_541] in [0] : vector<16xf32>, vector<16xi32> -> vector<16xf32>
        %shift_left3A_543 = arith.constant 16 : i32
        %shift_left3A_544 = vector.broadcast %shift_left3A_543 : i32 to vector<16xi32>
        %shift_left3A_545 = arith.shli %get3A_538, %shift_left3A_544 : vector<16xi32>
        %bitcast_convert_type3A_546 = tpu.bitcast %shift_left3A_545 : vector<16xi32> -> vector<16xf32>
        %mul3A_547 = arith.mulf %gather3A_542, %bitcast_convert_type3A_546 : vector<16xf32>
        %broadcast_in_dim3A_548 = arith.constant 11 : i32
        %broadcast_in_dim3A_549 = vector.broadcast %broadcast_in_dim3A_548 : i32 to vector<16x1xi32>
        %gather3A_550 = vector.shape_cast %broadcast_in_dim3A_549 : vector<16x1xi32> to vector<16xi32>
        %gather3A_551 = tpu.dynamic_gather %get3A_414[%gather3A_550] in [0] : vector<16xf32>, vector<16xi32> -> vector<16xf32>
        %bitcast_convert_type3A_552 = tpu.bitcast %get3A_538 : vector<16xi32> -> vector<16xf32>
        %mul3A_553 = arith.mulf %gather3A_551, %bitcast_convert_type3A_552 : vector<16xf32>
        %add3A_554 = arith.addf %mul3A_547, %mul3A_553 : vector<16xf32>
        %add3A_555 = arith.addf %add3A_465, %add3A_554 : vector<16xf32>
        %get3A_556 = arith.constant 0 : i32
        %get3A_557 = arith.index_cast %get3A_556 : i32 to index
        %get3A_558 = arith.index_cast %mul3A_409 : i32 to index
        %get3A_559 = arith.constant 96 : index
        %get3A_560 = tpu.vector_load %arg9[%get3A_557, %get3A_558, %get3A_559] {strides = array<i32>} : memref<2x80x144xi32, #tpu.memory_space<vmem>>, vector<1x1x16xi32>,
        %get3A_561 = vector.shape_cast %get3A_560 : vector<1x1x16xi32> to vector<16xi32>
        %broadcast_in_dim3A_562 = arith.constant 12 : i32
        %broadcast_in_dim3A_563 = vector.broadcast %broadcast_in_dim3A_562 : i32 to vector<16x1xi32>
        %gather3A_564 = vector.shape_cast %broadcast_in_dim3A_563 : vector<16x1xi32> to vector<16xi32>
        %gather3A_565 = tpu.dynamic_gather %get3A_414[%gather3A_564] in [0] : vector<16xf32>, vector<16xi32> -> vector<16xf32>
        %shift_left3A_566 = arith.constant 16 : i32
        %shift_left3A_567 = vector.broadcast %shift_left3A_566 : i32 to vector<16xi32>
        %shift_left3A_568 = arith.shli %get3A_561, %shift_left3A_567 : vector<16xi32>
        %bitcast_convert_type3A_569 = tpu.bitcast %shift_left3A_568 : vector<16xi32> -> vector<16xf32>
        %mul3A_570 = arith.mulf %gather3A_565, %bitcast_convert_type3A_569 : vector<16xf32>
        %broadcast_in_dim3A_571 = arith.constant 13 : i32
        %broadcast_in_dim3A_572 = vector.broadcast %broadcast_in_dim3A_571 : i32 to vector<16x1xi32>
        %gather3A_573 = vector.shape_cast %broadcast_in_dim3A_572 : vector<16x1xi32> to vector<16xi32>
        %gather3A_574 = tpu.dynamic_gather %get3A_414[%gather3A_573] in [0] : vector<16xf32>, vector<16xi32> -> vector<16xf32>
        %bitcast_convert_type3A_575 = tpu.bitcast %get3A_561 : vector<16xi32> -> vector<16xf32>
        %mul3A_576 = arith.mulf %gather3A_574, %bitcast_convert_type3A_575 : vector<16xf32>
        %add3A_577 = arith.addf %mul3A_570, %mul3A_576 : vector<16xf32>
        %add3A_578 = arith.addf %add3A_487, %add3A_577 : vector<16xf32>
        %get3A_579 = arith.constant 0 : i32
        %get3A_580 = arith.index_cast %get3A_579 : i32 to index
        %get3A_581 = arith.index_cast %mul3A_409 : i32 to index
        %get3A_582 = arith.constant 112 : index
        %get3A_583 = tpu.vector_load %arg9[%get3A_580, %get3A_581, %get3A_582] {strides = array<i32>} : memref<2x80x144xi32, #tpu.memory_space<vmem>>, vector<1x1x16xi32>,
        %get3A_584 = vector.shape_cast %get3A_583 : vector<1x1x16xi32> to vector<16xi32>
        %broadcast_in_dim3A_585 = arith.constant 14 : i32
        %broadcast_in_dim3A_586 = vector.broadcast %broadcast_in_dim3A_585 : i32 to vector<16x1xi32>
        %gather3A_587 = vector.shape_cast %broadcast_in_dim3A_586 : vector<16x1xi32> to vector<16xi32>
        %gather3A_588 = tpu.dynamic_gather %get3A_414[%gather3A_587] in [0] : vector<16xf32>, vector<16xi32> -> vector<16xf32>
        %shift_left3A_589 = arith.constant 16 : i32
        %shift_left3A_590 = vector.broadcast %shift_left3A_589 : i32 to vector<16xi32>
        %shift_left3A_591 = arith.shli %get3A_584, %shift_left3A_590 : vector<16xi32>
        %bitcast_convert_type3A_592 = tpu.bitcast %shift_left3A_591 : vector<16xi32> -> vector<16xf32>
        %mul3A_593 = arith.mulf %gather3A_588, %bitcast_convert_type3A_592 : vector<16xf32>
        %broadcast_in_dim3A_594 = arith.constant 15 : i32
        %broadcast_in_dim3A_595 = vector.broadcast %broadcast_in_dim3A_594 : i32 to vector<16x1xi32>
        %gather3A_596 = vector.shape_cast %broadcast_in_dim3A_595 : vector<16x1xi32> to vector<16xi32>
        %gather3A_597 = tpu.dynamic_gather %get3A_414[%gather3A_596] in [0] : vector<16xf32>, vector<16xi32> -> vector<16xf32>
        %bitcast_convert_type3A_598 = tpu.bitcast %get3A_584 : vector<16xi32> -> vector<16xf32>
        %mul3A_599 = arith.mulf %gather3A_597, %bitcast_convert_type3A_598 : vector<16xf32>
        %add3A_600 = arith.addf %mul3A_593, %mul3A_599 : vector<16xf32>
        %add3A_601 = arith.addf %add3A_509, %add3A_600 : vector<16xf32>
        %add3A_602 = arith.addf %add3A_532, %add3A_555 : vector<16xf32>
        %add3A_603 = arith.addf %add3A_578, %add3A_601 : vector<16xf32>
        %add3A_604 = arith.addf %add3A_602, %add3A_603 : vector<16xf32>
        %swap3A = arith.index_cast %mul3A_409 : i32 to index
        %swap3A_605 = arith.constant 0 : index
        %swap3A_606 = tpu.vector_load %arg10[%swap3A, %swap3A_605] {strides = array<i32>} : memref<80x16xf32, #tpu.memory_space<vmem>>, vector<1x16xf32>,
        %swap3A_607 = vector.shape_cast %swap3A_606 : vector<1x16xf32> to vector<16xf32>
        %swap3A_608 = vector.shape_cast %add3A_604 : vector<16xf32> to vector<1x16xf32>
        tpu.vector_store %arg10[%swap3A, %swap3A_605], %swap3A_608 {strides = array<i32>} : memref<80x16xf32, #tpu.memory_space<vmem>>, vector<1x16xf32>,
        %mul3A_609 = arith.constant 2 : i32
        %mul3A_610 = arith.muli %mul3A_609, %scan3A_407 : i32
        %add3A_611 = arith.constant 1 : i32
        %add3A_612 = arith.addi %mul3A_610, %add3A_611 : i32
        %get3A_613 = arith.constant 0 : i32
        %get3A_614 = arith.index_cast %get3A_613 : i32 to index
        %get3A_615 = arith.index_cast %add3A_612 : i32 to index
        %get3A_616 = arith.constant 0 : index
        %get3A_617 = tpu.vector_load %arg8[%get3A_614, %get3A_615, %get3A_616] {strides = array<i32>} : memref<2x80x16xf32, #tpu.memory_space<vmem>>, vector<1x1x16xf32>,
        %get3A_618 = vector.shape_cast %get3A_617 : vector<1x1x16xf32> to vector<16xf32>
        %get3A_619 = arith.constant 0 : i32
        %get3A_620 = arith.index_cast %get3A_619 : i32 to index
        %get3A_621 = arith.index_cast %add3A_612 : i32 to index
        %get3A_622 = arith.constant 128 : index
        %get3A_623 = tpu.vector_load %arg9[%get3A_620, %get3A_621, %get3A_622] {strides = array<i32>} : memref<2x80x144xi32, #tpu.memory_space<vmem>>, vector<1x1x16xi32>,
        %get3A_624 = vector.shape_cast %get3A_623 : vector<1x1x16xi32> to vector<16xi32>
        %shift_left3A_625 = arith.constant 16 : i32
        %shift_left3A_626 = vector.broadcast %shift_left3A_625 : i32 to vector<16xi32>
        %shift_left3A_627 = arith.shli %get3A_624, %shift_left3A_626 : vector<16xi32>
        %bitcast_convert_type3A_628 = tpu.bitcast %shift_left3A_627 : vector<16xi32> -> vector<16xf32>
        %get3A_629 = arith.constant 0 : i32
        %get3A_630 = arith.index_cast %get3A_629 : i32 to index
        %get3A_631 = arith.index_cast %add3A_612 : i32 to index
        %get3A_632 = arith.constant 0 : index
        %get3A_633 = tpu.vector_load %arg9[%get3A_630, %get3A_631, %get3A_632] {strides = array<i32>} : memref<2x80x144xi32, #tpu.memory_space<vmem>>, vector<1x1x16xi32>,
        %get3A_634 = vector.shape_cast %get3A_633 : vector<1x1x16xi32> to vector<16xi32>
        %broadcast_in_dim3A_635 = arith.constant 0 : i32
        %broadcast_in_dim3A_636 = vector.broadcast %broadcast_in_dim3A_635 : i32 to vector<16x1xi32>
        %gather3A_637 = vector.shape_cast %broadcast_in_dim3A_636 : vector<16x1xi32> to vector<16xi32>
        %gather3A_638 = tpu.dynamic_gather %get3A_618[%gather3A_637] in [0] : vector<16xf32>, vector<16xi32> -> vector<16xf32>
        %shift_left3A_639 = arith.constant 16 : i32
        %shift_left3A_640 = vector.broadcast %shift_left3A_639 : i32 to vector<16xi32>
        %shift_left3A_641 = arith.shli %get3A_634, %shift_left3A_640 : vector<16xi32>
        %bitcast_convert_type3A_642 = tpu.bitcast %shift_left3A_641 : vector<16xi32> -> vector<16xf32>
        %mul3A_643 = arith.mulf %gather3A_638, %bitcast_convert_type3A_642 : vector<16xf32>
        %broadcast_in_dim3A_644 = arith.constant 1 : i32
        %broadcast_in_dim3A_645 = vector.broadcast %broadcast_in_dim3A_644 : i32 to vector<16x1xi32>
        %gather3A_646 = vector.shape_cast %broadcast_in_dim3A_645 : vector<16x1xi32> to vector<16xi32>
        %gather3A_647 = tpu.dynamic_gather %get3A_618[%gather3A_646] in [0] : vector<16xf32>, vector<16xi32> -> vector<16xf32>
        %bitcast_convert_type3A_648 = tpu.bitcast %get3A_634 : vector<16xi32> -> vector<16xf32>
        %mul3A_649 = arith.mulf %gather3A_647, %bitcast_convert_type3A_648 : vector<16xf32>
        %add3A_650 = arith.addf %mul3A_643, %mul3A_649 : vector<16xf32>
        %add3A_651 = arith.addf %bitcast_convert_type3A_628, %add3A_650 : vector<16xf32>
        %get3A_652 = arith.constant 0 : i32
        %get3A_653 = arith.index_cast %get3A_652 : i32 to index
        %get3A_654 = arith.index_cast %add3A_612 : i32 to index
        %get3A_655 = arith.constant 16 : index
        %get3A_656 = tpu.vector_load %arg9[%get3A_653, %get3A_654, %get3A_655] {strides = array<i32>} : memref<2x80x144xi32, #tpu.memory_space<vmem>>, vector<1x1x16xi32>,
        %get3A_657 = vector.shape_cast %get3A_656 : vector<1x1x16xi32> to vector<16xi32>
        %broadcast_in_dim3A_658 = arith.constant 2 : i32
        %broadcast_in_dim3A_659 = vector.broadcast %broadcast_in_dim3A_658 : i32 to vector<16x1xi32>
        %gather3A_660 = vector.shape_cast %broadcast_in_dim3A_659 : vector<16x1xi32> to vector<16xi32>
        %gather3A_661 = tpu.dynamic_gather %get3A_618[%gather3A_660] in [0] : vector<16xf32>, vector<16xi32> -> vector<16xf32>
        %shift_left3A_662 = arith.constant 16 : i32
        %shift_left3A_663 = vector.broadcast %shift_left3A_662 : i32 to vector<16xi32>
        %shift_left3A_664 = arith.shli %get3A_657, %shift_left3A_663 : vector<16xi32>
        %bitcast_convert_type3A_665 = tpu.bitcast %shift_left3A_664 : vector<16xi32> -> vector<16xf32>
        %mul3A_666 = arith.mulf %gather3A_661, %bitcast_convert_type3A_665 : vector<16xf32>
        %broadcast_in_dim3A_667 = arith.constant 3 : i32
        %broadcast_in_dim3A_668 = vector.broadcast %broadcast_in_dim3A_667 : i32 to vector<16x1xi32>
        %gather3A_669 = vector.shape_cast %broadcast_in_dim3A_668 : vector<16x1xi32> to vector<16xi32>
        %gather3A_670 = tpu.dynamic_gather %get3A_618[%gather3A_669] in [0] : vector<16xf32>, vector<16xi32> -> vector<16xf32>
        %bitcast_convert_type3A_671 = tpu.bitcast %get3A_657 : vector<16xi32> -> vector<16xf32>
        %mul3A_672 = arith.mulf %gather3A_670, %bitcast_convert_type3A_671 : vector<16xf32>
        %add3A_673 = arith.addf %mul3A_666, %mul3A_672 : vector<16xf32>
        %get3A_674 = arith.constant 0 : i32
        %get3A_675 = arith.index_cast %get3A_674 : i32 to index
        %get3A_676 = arith.index_cast %add3A_612 : i32 to index
        %get3A_677 = arith.constant 32 : index
        %get3A_678 = tpu.vector_load %arg9[%get3A_675, %get3A_676, %get3A_677] {strides = array<i32>} : memref<2x80x144xi32, #tpu.memory_space<vmem>>, vector<1x1x16xi32>,
        %get3A_679 = vector.shape_cast %get3A_678 : vector<1x1x16xi32> to vector<16xi32>
        %broadcast_in_dim3A_680 = arith.constant 4 : i32
        %broadcast_in_dim3A_681 = vector.broadcast %broadcast_in_dim3A_680 : i32 to vector<16x1xi32>
        %gather3A_682 = vector.shape_cast %broadcast_in_dim3A_681 : vector<16x1xi32> to vector<16xi32>
        %gather3A_683 = tpu.dynamic_gather %get3A_618[%gather3A_682] in [0] : vector<16xf32>, vector<16xi32> -> vector<16xf32>
        %shift_left3A_684 = arith.constant 16 : i32
        %shift_left3A_685 = vector.broadcast %shift_left3A_684 : i32 to vector<16xi32>
        %shift_left3A_686 = arith.shli %get3A_679, %shift_left3A_685 : vector<16xi32>
        %bitcast_convert_type3A_687 = tpu.bitcast %shift_left3A_686 : vector<16xi32> -> vector<16xf32>
        %mul3A_688 = arith.mulf %gather3A_683, %bitcast_convert_type3A_687 : vector<16xf32>
        %broadcast_in_dim3A_689 = arith.constant 5 : i32
        %broadcast_in_dim3A_690 = vector.broadcast %broadcast_in_dim3A_689 : i32 to vector<16x1xi32>
        %gather3A_691 = vector.shape_cast %broadcast_in_dim3A_690 : vector<16x1xi32> to vector<16xi32>
        %gather3A_692 = tpu.dynamic_gather %get3A_618[%gather3A_691] in [0] : vector<16xf32>, vector<16xi32> -> vector<16xf32>
        %bitcast_convert_type3A_693 = tpu.bitcast %get3A_679 : vector<16xi32> -> vector<16xf32>
        %mul3A_694 = arith.mulf %gather3A_692, %bitcast_convert_type3A_693 : vector<16xf32>
        %add3A_695 = arith.addf %mul3A_688, %mul3A_694 : vector<16xf32>
        %get3A_696 = arith.constant 0 : i32
        %get3A_697 = arith.index_cast %get3A_696 : i32 to index
        %get3A_698 = arith.index_cast %add3A_612 : i32 to index
        %get3A_699 = arith.constant 48 : index
        %get3A_700 = tpu.vector_load %arg9[%get3A_697, %get3A_698, %get3A_699] {strides = array<i32>} : memref<2x80x144xi32, #tpu.memory_space<vmem>>, vector<1x1x16xi32>,
        %get3A_701 = vector.shape_cast %get3A_700 : vector<1x1x16xi32> to vector<16xi32>
        %broadcast_in_dim3A_702 = arith.constant 6 : i32
        %broadcast_in_dim3A_703 = vector.broadcast %broadcast_in_dim3A_702 : i32 to vector<16x1xi32>
        %gather3A_704 = vector.shape_cast %broadcast_in_dim3A_703 : vector<16x1xi32> to vector<16xi32>
        %gather3A_705 = tpu.dynamic_gather %get3A_618[%gather3A_704] in [0] : vector<16xf32>, vector<16xi32> -> vector<16xf32>
        %shift_left3A_706 = arith.constant 16 : i32
        %shift_left3A_707 = vector.broadcast %shift_left3A_706 : i32 to vector<16xi32>
        %shift_left3A_708 = arith.shli %get3A_701, %shift_left3A_707 : vector<16xi32>
        %bitcast_convert_type3A_709 = tpu.bitcast %shift_left3A_708 : vector<16xi32> -> vector<16xf32>
        %mul3A_710 = arith.mulf %gather3A_705, %bitcast_convert_type3A_709 : vector<16xf32>
        %broadcast_in_dim3A_711 = arith.constant 7 : i32
        %broadcast_in_dim3A_712 = vector.broadcast %broadcast_in_dim3A_711 : i32 to vector<16x1xi32>
        %gather3A_713 = vector.shape_cast %broadcast_in_dim3A_712 : vector<16x1xi32> to vector<16xi32>
        %gather3A_714 = tpu.dynamic_gather %get3A_618[%gather3A_713] in [0] : vector<16xf32>, vector<16xi32> -> vector<16xf32>
        %bitcast_convert_type3A_715 = tpu.bitcast %get3A_701 : vector<16xi32> -> vector<16xf32>
        %mul3A_716 = arith.mulf %gather3A_714, %bitcast_convert_type3A_715 : vector<16xf32>
        %add3A_717 = arith.addf %mul3A_710, %mul3A_716 : vector<16xf32>
        %get3A_718 = arith.constant 0 : i32
        %get3A_719 = arith.index_cast %get3A_718 : i32 to index
        %get3A_720 = arith.index_cast %add3A_612 : i32 to index
        %get3A_721 = arith.constant 64 : index
        %get3A_722 = tpu.vector_load %arg9[%get3A_719, %get3A_720, %get3A_721] {strides = array<i32>} : memref<2x80x144xi32, #tpu.memory_space<vmem>>, vector<1x1x16xi32>,
        %get3A_723 = vector.shape_cast %get3A_722 : vector<1x1x16xi32> to vector<16xi32>
        %broadcast_in_dim3A_724 = arith.constant 8 : i32
        %broadcast_in_dim3A_725 = vector.broadcast %broadcast_in_dim3A_724 : i32 to vector<16x1xi32>
        %gather3A_726 = vector.shape_cast %broadcast_in_dim3A_725 : vector<16x1xi32> to vector<16xi32>
        %gather3A_727 = tpu.dynamic_gather %get3A_618[%gather3A_726] in [0] : vector<16xf32>, vector<16xi32> -> vector<16xf32>
        %shift_left3A_728 = arith.constant 16 : i32
        %shift_left3A_729 = vector.broadcast %shift_left3A_728 : i32 to vector<16xi32>
        %shift_left3A_730 = arith.shli %get3A_723, %shift_left3A_729 : vector<16xi32>
        %bitcast_convert_type3A_731 = tpu.bitcast %shift_left3A_730 : vector<16xi32> -> vector<16xf32>
        %mul3A_732 = arith.mulf %gather3A_727, %bitcast_convert_type3A_731 : vector<16xf32>
        %broadcast_in_dim3A_733 = arith.constant 9 : i32
        %broadcast_in_dim3A_734 = vector.broadcast %broadcast_in_dim3A_733 : i32 to vector<16x1xi32>
        %gather3A_735 = vector.shape_cast %broadcast_in_dim3A_734 : vector<16x1xi32> to vector<16xi32>
        %gather3A_736 = tpu.dynamic_gather %get3A_618[%gather3A_735] in [0] : vector<16xf32>, vector<16xi32> -> vector<16xf32>
        %bitcast_convert_type3A_737 = tpu.bitcast %get3A_723 : vector<16xi32> -> vector<16xf32>
        %mul3A_738 = arith.mulf %gather3A_736, %bitcast_convert_type3A_737 : vector<16xf32>
        %add3A_739 = arith.addf %mul3A_732, %mul3A_738 : vector<16xf32>
        %add3A_740 = arith.addf %add3A_651, %add3A_739 : vector<16xf32>
        %get3A_741 = arith.constant 0 : i32
        %get3A_742 = arith.index_cast %get3A_741 : i32 to index
        %get3A_743 = arith.index_cast %add3A_612 : i32 to index
        %get3A_744 = arith.constant 80 : index
        %get3A_745 = tpu.vector_load %arg9[%get3A_742, %get3A_743, %get3A_744] {strides = array<i32>} : memref<2x80x144xi32, #tpu.memory_space<vmem>>, vector<1x1x16xi32>,
        %get3A_746 = vector.shape_cast %get3A_745 : vector<1x1x16xi32> to vector<16xi32>
        %broadcast_in_dim3A_747 = arith.constant 10 : i32
        %broadcast_in_dim3A_748 = vector.broadcast %broadcast_in_dim3A_747 : i32 to vector<16x1xi32>
        %gather3A_749 = vector.shape_cast %broadcast_in_dim3A_748 : vector<16x1xi32> to vector<16xi32>
        %gather3A_750 = tpu.dynamic_gather %get3A_618[%gather3A_749] in [0] : vector<16xf32>, vector<16xi32> -> vector<16xf32>
        %shift_left3A_751 = arith.constant 16 : i32
        %shift_left3A_752 = vector.broadcast %shift_left3A_751 : i32 to vector<16xi32>
        %shift_left3A_753 = arith.shli %get3A_746, %shift_left3A_752 : vector<16xi32>
        %bitcast_convert_type3A_754 = tpu.bitcast %shift_left3A_753 : vector<16xi32> -> vector<16xf32>
        %mul3A_755 = arith.mulf %gather3A_750, %bitcast_convert_type3A_754 : vector<16xf32>
        %broadcast_in_dim3A_756 = arith.constant 11 : i32
        %broadcast_in_dim3A_757 = vector.broadcast %broadcast_in_dim3A_756 : i32 to vector<16x1xi32>
        %gather3A_758 = vector.shape_cast %broadcast_in_dim3A_757 : vector<16x1xi32> to vector<16xi32>
        %gather3A_759 = tpu.dynamic_gather %get3A_618[%gather3A_758] in [0] : vector<16xf32>, vector<16xi32> -> vector<16xf32>
        %bitcast_convert_type3A_760 = tpu.bitcast %get3A_746 : vector<16xi32> -> vector<16xf32>
        %mul3A_761 = arith.mulf %gather3A_759, %bitcast_convert_type3A_760 : vector<16xf32>
        %add3A_762 = arith.addf %mul3A_755, %mul3A_761 : vector<16xf32>
        %add3A_763 = arith.addf %add3A_673, %add3A_762 : vector<16xf32>
        %get3A_764 = arith.constant 0 : i32
        %get3A_765 = arith.index_cast %get3A_764 : i32 to index
        %get3A_766 = arith.index_cast %add3A_612 : i32 to index
        %get3A_767 = arith.constant 96 : index
        %get3A_768 = tpu.vector_load %arg9[%get3A_765, %get3A_766, %get3A_767] {strides = array<i32>} : memref<2x80x144xi32, #tpu.memory_space<vmem>>, vector<1x1x16xi32>,
        %get3A_769 = vector.shape_cast %get3A_768 : vector<1x1x16xi32> to vector<16xi32>
        %broadcast_in_dim3A_770 = arith.constant 12 : i32
        %broadcast_in_dim3A_771 = vector.broadcast %broadcast_in_dim3A_770 : i32 to vector<16x1xi32>
        %gather3A_772 = vector.shape_cast %broadcast_in_dim3A_771 : vector<16x1xi32> to vector<16xi32>
        %gather3A_773 = tpu.dynamic_gather %get3A_618[%gather3A_772] in [0] : vector<16xf32>, vector<16xi32> -> vector<16xf32>
        %shift_left3A_774 = arith.constant 16 : i32
        %shift_left3A_775 = vector.broadcast %shift_left3A_774 : i32 to vector<16xi32>
        %shift_left3A_776 = arith.shli %get3A_769, %shift_left3A_775 : vector<16xi32>
        %bitcast_convert_type3A_777 = tpu.bitcast %shift_left3A_776 : vector<16xi32> -> vector<16xf32>
        %mul3A_778 = arith.mulf %gather3A_773, %bitcast_convert_type3A_777 : vector<16xf32>
        %broadcast_in_dim3A_779 = arith.constant 13 : i32
        %broadcast_in_dim3A_780 = vector.broadcast %broadcast_in_dim3A_779 : i32 to vector<16x1xi32>
        %gather3A_781 = vector.shape_cast %broadcast_in_dim3A_780 : vector<16x1xi32> to vector<16xi32>
        %gather3A_782 = tpu.dynamic_gather %get3A_618[%gather3A_781] in [0] : vector<16xf32>, vector<16xi32> -> vector<16xf32>
        %bitcast_convert_type3A_783 = tpu.bitcast %get3A_769 : vector<16xi32> -> vector<16xf32>
        %mul3A_784 = arith.mulf %gather3A_782, %bitcast_convert_type3A_783 : vector<16xf32>
        %add3A_785 = arith.addf %mul3A_778, %mul3A_784 : vector<16xf32>
        %add3A_786 = arith.addf %add3A_695, %add3A_785 : vector<16xf32>
        %get3A_787 = arith.constant 0 : i32
        %get3A_788 = arith.index_cast %get3A_787 : i32 to index
        %get3A_789 = arith.index_cast %add3A_612 : i32 to index
        %get3A_790 = arith.constant 112 : index
        %get3A_791 = tpu.vector_load %arg9[%get3A_788, %get3A_789, %get3A_790] {strides = array<i32>} : memref<2x80x144xi32, #tpu.memory_space<vmem>>, vector<1x1x16xi32>,
        %get3A_792 = vector.shape_cast %get3A_791 : vector<1x1x16xi32> to vector<16xi32>
        %broadcast_in_dim3A_793 = arith.constant 14 : i32
        %broadcast_in_dim3A_794 = vector.broadcast %broadcast_in_dim3A_793 : i32 to vector<16x1xi32>
        %gather3A_795 = vector.shape_cast %broadcast_in_dim3A_794 : vector<16x1xi32> to vector<16xi32>
        %gather3A_796 = tpu.dynamic_gather %get3A_618[%gather3A_795] in [0] : vector<16xf32>, vector<16xi32> -> vector<16xf32>
        %shift_left3A_797 = arith.constant 16 : i32
        %shift_left3A_798 = vector.broadcast %shift_left3A_797 : i32 to vector<16xi32>
        %shift_left3A_799 = arith.shli %get3A_792, %shift_left3A_798 : vector<16xi32>
        %bitcast_convert_type3A_800 = tpu.bitcast %shift_left3A_799 : vector<16xi32> -> vector<16xf32>
        %mul3A_801 = arith.mulf %gather3A_796, %bitcast_convert_type3A_800 : vector<16xf32>
        %broadcast_in_dim3A_802 = arith.constant 15 : i32
        %broadcast_in_dim3A_803 = vector.broadcast %broadcast_in_dim3A_802 : i32 to vector<16x1xi32>
        %gather3A_804 = vector.shape_cast %broadcast_in_dim3A_803 : vector<16x1xi32> to vector<16xi32>
        %gather3A_805 = tpu.dynamic_gather %get3A_618[%gather3A_804] in [0] : vector<16xf32>, vector<16xi32> -> vector<16xf32>
        %bitcast_convert_type3A_806 = tpu.bitcast %get3A_792 : vector<16xi32> -> vector<16xf32>
        %mul3A_807 = arith.mulf %gather3A_805, %bitcast_convert_type3A_806 : vector<16xf32>
        %add3A_808 = arith.addf %mul3A_801, %mul3A_807 : vector<16xf32>
        %add3A_809 = arith.addf %add3A_717, %add3A_808 : vector<16xf32>
        %add3A_810 = arith.addf %add3A_740, %add3A_763 : vector<16xf32>
        %add3A_811 = arith.addf %add3A_786, %add3A_809 : vector<16xf32>
        %add3A_812 = arith.addf %add3A_810, %add3A_811 : vector<16xf32>
        %swap3A_813 = arith.index_cast %add3A_612 : i32 to index
        %swap3A_814 = arith.constant 0 : index
        %swap3A_815 = tpu.vector_load %arg10[%swap3A_813, %swap3A_814] {strides = array<i32>} : memref<80x16xf32, #tpu.memory_space<vmem>>, vector<1x16xf32>,
        %swap3A_816 = vector.shape_cast %swap3A_815 : vector<1x16xf32> to vector<16xf32>
        %swap3A_817 = vector.shape_cast %add3A_812 : vector<16xf32> to vector<1x16xf32>
        tpu.vector_store %arg10[%swap3A_813, %swap3A_814], %swap3A_817 {strides = array<i32>} : memref<80x16xf32, #tpu.memory_space<vmem>>, vector<1x16xf32>,
      }
      %scan3A_281 = arith.constant 40 : i32
      %run_scoped3A = arith.constant 0 : i32
      %run_scoped3A_282 = arith.constant 1 : i32
      "tpu.region"() ({
        %run_scoped3A_407 = tpu.sem_alloc : memref<!tpu.dma_semaphore, #tpu.memory_space<semaphore_mem>>
        %dma_start3A_408 = arith.constant 0 : i32
        %dma_start3A_409 = tpu.memref_slice %arg7[%run_scoped3A, %run_scoped3A_282, %dma_start3A_408] : memref<2x2x80xi32, #tpu.memory_space<vmem>> -> memref<1x1x80xi32, #tpu.memory_space<vmem>>
        %dma_start3A_410 = tpu.memref_squeeze %dma_start3A_409 : memref<1x1x80xi32, #tpu.memory_space<vmem>> -> memref<80xi32, #tpu.memory_space<vmem>>
        %dma_start3A_411 = arith.constant 0 : i32
        %dma_start3A_412 = arith.constant 0 : i32
        %dma_start3A_413 = tpu.memref_slice %arg12[%dma_start3A_411, %dma_start3A_412] : memref<10112x16xf32, #tpu.memory_space<vmem_shared>> -> memref<10112x16xf32, #tpu.memory_space<vmem_shared>>
        tpu.enqueue_indirect_dma source(%arg10 : memref<80x16xf32, #tpu.memory_space<vmem>>) target(%dma_start3A_413 : memref<10112x16xf32, #tpu.memory_space<vmem_shared>>) offsets(%dma_start3A_410 : memref<80xi32, #tpu.memory_space<vmem>>) semaphore(%run_scoped3A_407 : memref<!tpu.dma_semaphore, #tpu.memory_space<semaphore_mem>>) {add = true}
        %dma_wait3A_414 = arith.constant 0 : i32
        %dma_wait3A_415 = tpu.memref_slice %arg7[%run_scoped3A, %run_scoped3A_282, %dma_wait3A_414] : memref<2x2x80xi32, #tpu.memory_space<vmem>> -> memref<1x1x80xi32, #tpu.memory_space<vmem>>
        %dma_wait3A_416 = tpu.memref_squeeze %dma_wait3A_415 : memref<1x1x80xi32, #tpu.memory_space<vmem>> -> memref<80xi32, #tpu.memory_space<vmem>>
        %dma_wait3A_417 = arith.constant 0 : i32
        %dma_wait3A_418 = arith.constant 0 : i32
        %dma_wait3A_419 = tpu.memref_slice %arg12[%dma_wait3A_417, %dma_wait3A_418] : memref<10112x16xf32, #tpu.memory_space<vmem_shared>> -> memref<10112x16xf32, #tpu.memory_space<vmem_shared>>
        tpu.wait_indirect_dma semaphore(%run_scoped3A_407 : memref<!tpu.dma_semaphore, #tpu.memory_space<semaphore_mem>>) src(%arg10 : memref<80x16xf32, #tpu.memory_space<vmem>>) dst(%dma_wait3A_419 : memref<10112x16xf32, #tpu.memory_space<vmem_shared>>)
        tpu.yield
      }) : () -> ()
      %add3A_283 = arith.constant 2 : i32
      %add3A_284 = arith.addi %add3A_178, %add3A_283 : i32
      %lt3A_285 = arith.constant 128 : i32
      %lt3A_286 = arith.cmpi slt, %add3A_284, %lt3A_285 : i32
      %convert_element_type3A_287 = arith.extui %lt3A_286 : i1 to i32
      %cond3A_288 = arith.constant 0 : i32
      %cond3A_289 = arith.cmpi ne, %convert_element_type3A_287, %cond3A_288 : i32
      scf.if %cond3A_289 {
        %add3A_407 = arith.constant 2 : i32
        %add3A_408 = arith.addi %add3A_178, %add3A_407 : i32
        %mul3A_409 = arith.constant 128 : i32
        %mul3A_410 = arith.muli %add3A, %mul3A_409 : i32
        %add3A_411 = arith.addi %mul3A_410, %add3A_408 : i32
        %mul3A_412 = arith.constant 80 : i32
        %mul3A_413 = arith.muli %add3A_411, %mul3A_412 : i32
        %dma_start3A_414 = arith.constant 0 : i32
        %dma_start3A_415 = arith.constant 0 : i32
        %dma_start3A_416 = arith.constant 0 : i32
        %dma_start3A_417 = arith.constant 0 : i32
        %dma_start3A_418 = tpu.memref_slice %arg7[%dma_start3A_414, %dma_start3A_416, %dma_start3A_417] : memref<2x2x80xi32, #tpu.memory_space<vmem>> -> memref<1x2x80xi32, #tpu.memory_space<vmem>>
        %dma_start3A_419 = tpu.memref_squeeze %dma_start3A_418 : memref<1x2x80xi32, #tpu.memory_space<vmem>> -> memref<2x80xi32, #tpu.memory_space<vmem>>
        %dma_start3A_420 = arith.constant 0 : i32
        %dma_start3A_421 = tpu.memref_slice %arg3[%dma_start3A_420, %mul3A_413] : memref<2x327680xi32, #tpu.memory_space<hbm>> -> memref<2x80xi32, #tpu.memory_space<hbm>>
        %dma_start3A_422 = tpu.memref_slice %arg15[%dma_start3A_415] : memref<2x!tpu.dma_semaphore, #tpu.memory_space<semaphore_mem>> -> memref<1x!tpu.dma_semaphore, #tpu.memory_space<semaphore_mem>>
        %dma_start3A_423 = tpu.memref_squeeze %dma_start3A_422 : memref<1x!tpu.dma_semaphore, #tpu.memory_space<semaphore_mem>> -> memref<!tpu.dma_semaphore, #tpu.memory_space<semaphore_mem>>
        %dma_start3A_424 = arith.constant 0 : i32
        %dma_start3A_425 = arith.constant 0 : i32
        %dma_start3A_426 = tpu.memref_slice %arg7[%dma_start3A_414, %dma_start3A_424, %dma_start3A_425] : memref<2x2x80xi32, #tpu.memory_space<vmem>> -> memref<1x2x80xi32, #tpu.memory_space<vmem>>
        %dma_start3A_427 = tpu.memref_squeeze %dma_start3A_426 : memref<1x2x80xi32, #tpu.memory_space<vmem>> -> memref<2x80xi32, #tpu.memory_space<vmem>>
        %dma_start3A_428 = arith.constant 0 : i32
        %dma_start3A_429 = tpu.memref_slice %arg3[%dma_start3A_428, %mul3A_413] : memref<2x327680xi32, #tpu.memory_space<hbm>> -> memref<2x80xi32, #tpu.memory_space<hbm>>
        tpu.enqueue_dma source(%dma_start3A_429 : memref<2x80xi32, #tpu.memory_space<hbm>>) target(%dma_start3A_427 : memref<2x80xi32, #tpu.memory_space<vmem>>) target_semaphore(%dma_start3A_423 : memref<!tpu.dma_semaphore, #tpu.memory_space<semaphore_mem>>)
      } else {
      }
      %mul3A_290 = arith.constant 2 : i32
      %mul3A_291 = arith.muli %scan3A_174, %mul3A_290 : i32
      %add3A_292 = arith.constant 1 : i32
      %add3A_293 = arith.addi %mul3A_291, %add3A_292 : i32
      %add3A_294 = arith.constant 1 : i32
      %add3A_295 = arith.addi %add3A_293, %add3A_294 : i32
      %lt3A_296 = arith.constant 128 : i32
      %lt3A_297 = arith.cmpi slt, %add3A_295, %lt3A_296 : i32
      %convert_element_type3A_298 = arith.extui %lt3A_297 : i1 to i32
      %cond3A_299 = arith.constant 0 : i32
      %cond3A_300 = arith.cmpi ne, %convert_element_type3A_298, %cond3A_299 : i32
      scf.if %cond3A_300 {
        %add3A_407 = arith.constant 1 : i32
        %add3A_408 = arith.addi %add3A_293, %add3A_407 : i32
        %mul3A_409 = arith.constant 128 : i32
        %mul3A_410 = arith.muli %add3A, %mul3A_409 : i32
        %add3A_411 = arith.addi %mul3A_410, %add3A_408 : i32
        %mul3A_412 = arith.constant 80 : i32
        %mul3A_413 = arith.muli %add3A_411, %mul3A_412 : i32
        %dma_wait3A_414 = arith.constant 0 : i32
        %dma_wait3A_415 = arith.constant 0 : i32
        %dma_wait3A_416 = arith.constant 0 : i32
        %dma_wait3A_417 = arith.constant 0 : i32
        %dma_wait3A_418 = tpu.memref_slice %arg7[%dma_wait3A_414, %dma_wait3A_416, %dma_wait3A_417] : memref<2x2x80xi32, #tpu.memory_space<vmem>> -> memref<1x2x80xi32, #tpu.memory_space<vmem>>
        %dma_wait3A_419 = tpu.memref_squeeze %dma_wait3A_418 : memref<1x2x80xi32, #tpu.memory_space<vmem>> -> memref<2x80xi32, #tpu.memory_space<vmem>>
        %dma_wait3A_420 = arith.constant 0 : i32
        %dma_wait3A_421 = tpu.memref_slice %arg3[%dma_wait3A_420, %mul3A_413] : memref<2x327680xi32, #tpu.memory_space<hbm>> -> memref<2x80xi32, #tpu.memory_space<hbm>>
        %dma_wait3A_422 = tpu.memref_slice %arg15[%dma_wait3A_415] : memref<2x!tpu.dma_semaphore, #tpu.memory_space<semaphore_mem>> -> memref<1x!tpu.dma_semaphore, #tpu.memory_space<semaphore_mem>>
        %dma_wait3A_423 = tpu.memref_squeeze %dma_wait3A_422 : memref<1x!tpu.dma_semaphore, #tpu.memory_space<semaphore_mem>> -> memref<!tpu.dma_semaphore, #tpu.memory_space<semaphore_mem>>
        %dma_wait3A_424 = arith.constant 0 : i32
        %dma_wait3A_425 = arith.constant 0 : i32
        %dma_wait3A_426 = tpu.memref_slice %arg7[%dma_wait3A_414, %dma_wait3A_424, %dma_wait3A_425] : memref<2x2x80xi32, #tpu.memory_space<vmem>> -> memref<1x2x80xi32, #tpu.memory_space<vmem>>
        %dma_wait3A_427 = tpu.memref_squeeze %dma_wait3A_426 : memref<1x2x80xi32, #tpu.memory_space<vmem>> -> memref<2x80xi32, #tpu.memory_space<vmem>>
        %dma_wait3A_428 = arith.constant 0 : i32
        %dma_wait3A_429 = tpu.memref_slice %arg3[%dma_wait3A_428, %mul3A_413] : memref<2x327680xi32, #tpu.memory_space<hbm>> -> memref<2x80xi32, #tpu.memory_space<hbm>>
        tpu.wait_dma2 semaphore(%dma_wait3A_423 : memref<!tpu.dma_semaphore, #tpu.memory_space<semaphore_mem>>) src(%dma_wait3A_429 : memref<2x80xi32, #tpu.memory_space<hbm>>) dst(%dma_wait3A_427 : memref<2x80xi32, #tpu.memory_space<vmem>>)
        %add3A_430 = arith.constant 1 : i32
        %add3A_431 = arith.addi %add3A_293, %add3A_430 : i32
        %mul3A_432 = arith.constant 128 : i32
        %mul3A_433 = arith.muli %add3A, %mul3A_432 : i32
        %add3A_434 = arith.addi %mul3A_433, %add3A_431 : i32
        %mul3A_435 = arith.constant 80 : i32
        %mul3A_436 = arith.muli %add3A_434, %mul3A_435 : i32
        %min3A_437 = arith.constant 319920 : i32
        %min3A_438 = arith.minsi %mul3A_436, %min3A_437 : i32
        %dma_start3A_439 = arith.constant 0 : i32
        %dma_start3A_440 = arith.constant 0 : i32
        %dma_start3A_441 = arith.constant 0 : i32
        %dma_start3A_442 = arith.constant 0 : i32
        %dma_start3A_443 = tpu.memref_slice %arg8[%dma_start3A_439, %dma_start3A_441, %dma_start3A_442] : memref<2x80x16xf32, #tpu.memory_space<vmem>> -> memref<1x80x16xf32, #tpu.memory_space<vmem>>
        %dma_start3A_444 = tpu.memref_squeeze %dma_start3A_443 : memref<1x80x16xf32, #tpu.memory_space<vmem>> -> memref<80x16xf32, #tpu.memory_space<vmem>>
        %dma_start3A_445 = arith.constant 0 : i32
        %dma_start3A_446 = tpu.memref_slice %arg4[%min3A_438, %dma_start3A_445] : memref<320000x16xf32, #tpu.memory_space<hbm>> -> memref<80x16xf32, #tpu.memory_space<hbm>>
        %dma_start3A_447 = tpu.memref_slice %arg14[%dma_start3A_440] : memref<2x!tpu.dma_semaphore, #tpu.memory_space<semaphore_mem>> -> memref<1x!tpu.dma_semaphore, #tpu.memory_space<semaphore_mem>>
        %dma_start3A_448 = tpu.memref_squeeze %dma_start3A_447 : memref<1x!tpu.dma_semaphore, #tpu.memory_space<semaphore_mem>> -> memref<!tpu.dma_semaphore, #tpu.memory_space<semaphore_mem>>
        %dma_start3A_449 = arith.constant 0 : i32
        %dma_start3A_450 = arith.constant 0 : i32
        %dma_start3A_451 = tpu.memref_slice %arg8[%dma_start3A_439, %dma_start3A_449, %dma_start3A_450] : memref<2x80x16xf32, #tpu.memory_space<vmem>> -> memref<1x80x16xf32, #tpu.memory_space<vmem>>
        %dma_start3A_452 = tpu.memref_squeeze %dma_start3A_451 : memref<1x80x16xf32, #tpu.memory_space<vmem>> -> memref<80x16xf32, #tpu.memory_space<vmem>>
        %dma_start3A_453 = arith.constant 0 : i32
        %dma_start3A_454 = tpu.memref_slice %arg4[%min3A_438, %dma_start3A_453] : memref<320000x16xf32, #tpu.memory_space<hbm>> -> memref<80x16xf32, #tpu.memory_space<hbm>>
        tpu.enqueue_dma source(%dma_start3A_454 : memref<80x16xf32, #tpu.memory_space<hbm>>) target(%dma_start3A_452 : memref<80x16xf32, #tpu.memory_space<vmem>>) target_semaphore(%dma_start3A_448 : memref<!tpu.dma_semaphore, #tpu.memory_space<semaphore_mem>>)
        %dma_start3A_455 = arith.constant 0 : i32
        %dma_start3A_456 = arith.constant 0 : i32
        %dma_start3A_457 = arith.constant 0 : i32
        %dma_start3A_458 = arith.constant 0 : i32
        %dma_start3A_459 = arith.constant 0 : i32
        %dma_start3A_460 = arith.constant 0 : i32
        %dma_start3A_461 = arith.constant 0 : i32
        %dma_start3A_462 = tpu.memref_slice %arg9[%dma_start3A_457, %dma_start3A_460, %dma_start3A_461] : memref<2x80x144xi32, #tpu.memory_space<vmem>> -> memref<1x24x144xi32, #tpu.memory_space<vmem>>
        %dma_start3A_463 = tpu.memref_squeeze %dma_start3A_462 : memref<1x24x144xi32, #tpu.memory_space<vmem>> -> memref<24x144xi32, #tpu.memory_space<vmem>>
        %dma_start3A_464 = arith.constant 0 : i32
        %dma_start3A_465 = tpu.memref_slice %arg7[%dma_start3A_455, %dma_start3A_456, %dma_start3A_464] : memref<2x2x80xi32, #tpu.memory_space<vmem>> -> memref<1x1x24xi32, #tpu.memory_space<vmem>>
        %dma_start3A_466 = tpu.memref_squeeze %dma_start3A_465 : memref<1x1x24xi32, #tpu.memory_space<vmem>> -> memref<24xi32, #tpu.memory_space<vmem>>
        %dma_start3A_467 = arith.constant 0 : i32
        %dma_start3A_468 = arith.constant 0 : i32
        %dma_start3A_469 = tpu.memref_slice %arg11[%dma_start3A_467, %dma_start3A_468] : memref<10000x144xi32, #tpu.memory_space<vmem_shared>> -> memref<10000x144xi32, #tpu.memory_space<vmem_shared>>
        %dma_start3A_470 = tpu.memref_slice %arg13[%dma_start3A_458, %dma_start3A_459] : memref<2x4x!tpu.dma_semaphore, #tpu.memory_space<semaphore_mem>> -> memref<1x1x!tpu.dma_semaphore, #tpu.memory_space<semaphore_mem>>
        %dma_start3A_471 = tpu.memref_squeeze %dma_start3A_470 : memref<1x1x!tpu.dma_semaphore, #tpu.memory_space<semaphore_mem>> -> memref<!tpu.dma_semaphore, #tpu.memory_space<semaphore_mem>>
        tpu.enqueue_indirect_dma source(%dma_start3A_469 : memref<10000x144xi32, #tpu.memory_space<vmem_shared>>) target(%dma_start3A_463 : memref<24x144xi32, #tpu.memory_space<vmem>>) offsets(%dma_start3A_466 : memref<24xi32, #tpu.memory_space<vmem>>) semaphore(%dma_start3A_471 : memref<!tpu.dma_semaphore, #tpu.memory_space<semaphore_mem>>)
        %dma_start3A_472 = arith.constant 0 : i32
        %dma_start3A_473 = arith.constant 0 : i32
        %dma_start3A_474 = arith.constant 0 : i32
        %dma_start3A_475 = arith.constant 0 : i32
        %dma_start3A_476 = arith.constant 1 : i32
        %dma_start3A_477 = arith.constant 24 : i32
        %dma_start3A_478 = arith.constant 0 : i32
        %dma_start3A_479 = tpu.memref_slice %arg9[%dma_start3A_474, %dma_start3A_477, %dma_start3A_478] : memref<2x80x144xi32, #tpu.memory_space<vmem>> -> memref<1x24x144xi32, #tpu.memory_space<vmem>>
        %dma_start3A_480 = tpu.memref_squeeze %dma_start3A_479 : memref<1x24x144xi32, #tpu.memory_space<vmem>> -> memref<24x144xi32, #tpu.memory_space<vmem>>
        %dma_start3A_481 = arith.constant 24 : i32
        %dma_start3A_482 = tpu.memref_slice %arg7[%dma_start3A_472, %dma_start3A_473, %dma_start3A_481] : memref<2x2x80xi32, #tpu.memory_space<vmem>> -> memref<1x1x24xi32, #tpu.memory_space<vmem>>
        %dma_start3A_483 = tpu.memref_squeeze %dma_start3A_482 : memref<1x1x24xi32, #tpu.memory_space<vmem>> -> memref<24xi32, #tpu.memory_space<vmem>>
        %dma_start3A_484 = arith.constant 0 : i32
        %dma_start3A_485 = arith.constant 0 : i32
        %dma_start3A_486 = tpu.memref_slice %arg11[%dma_start3A_484, %dma_start3A_485] : memref<10000x144xi32, #tpu.memory_space<vmem_shared>> -> memref<10000x144xi32, #tpu.memory_space<vmem_shared>>
        %dma_start3A_487 = tpu.memref_slice %arg13[%dma_start3A_475, %dma_start3A_476] : memref<2x4x!tpu.dma_semaphore, #tpu.memory_space<semaphore_mem>> -> memref<1x1x!tpu.dma_semaphore, #tpu.memory_space<semaphore_mem>>
        %dma_start3A_488 = tpu.memref_squeeze %dma_start3A_487 : memref<1x1x!tpu.dma_semaphore, #tpu.memory_space<semaphore_mem>> -> memref<!tpu.dma_semaphore, #tpu.memory_space<semaphore_mem>>
        tpu.enqueue_indirect_dma source(%dma_start3A_486 : memref<10000x144xi32, #tpu.memory_space<vmem_shared>>) target(%dma_start3A_480 : memref<24x144xi32, #tpu.memory_space<vmem>>) offsets(%dma_start3A_483 : memref<24xi32, #tpu.memory_space<vmem>>) semaphore(%dma_start3A_488 : memref<!tpu.dma_semaphore, #tpu.memory_space<semaphore_mem>>)
        %dma_start3A_489 = arith.constant 0 : i32
        %dma_start3A_490 = arith.constant 0 : i32
        %dma_start3A_491 = arith.constant 0 : i32
        %dma_start3A_492 = arith.constant 0 : i32
        %dma_start3A_493 = arith.constant 2 : i32
        %dma_start3A_494 = arith.constant 48 : i32
        %dma_start3A_495 = arith.constant 0 : i32
        %dma_start3A_496 = tpu.memref_slice %arg9[%dma_start3A_491, %dma_start3A_494, %dma_start3A_495] : memref<2x80x144xi32, #tpu.memory_space<vmem>> -> memref<1x16x144xi32, #tpu.memory_space<vmem>>
        %dma_start3A_497 = tpu.memref_squeeze %dma_start3A_496 : memref<1x16x144xi32, #tpu.memory_space<vmem>> -> memref<16x144xi32, #tpu.memory_space<vmem>>
        %dma_start3A_498 = arith.constant 48 : i32
        %dma_start3A_499 = tpu.memref_slice %arg7[%dma_start3A_489, %dma_start3A_490, %dma_start3A_498] : memref<2x2x80xi32, #tpu.memory_space<vmem>> -> memref<1x1x16xi32, #tpu.memory_space<vmem>>
        %dma_start3A_500 = tpu.memref_squeeze %dma_start3A_499 : memref<1x1x16xi32, #tpu.memory_space<vmem>> -> memref<16xi32, #tpu.memory_space<vmem>>
        %dma_start3A_501 = arith.constant 0 : i32
        %dma_start3A_502 = arith.constant 0 : i32
        %dma_start3A_503 = tpu.memref_slice %arg11[%dma_start3A_501, %dma_start3A_502] : memref<10000x144xi32, #tpu.memory_space<vmem_shared>> -> memref<10000x144xi32, #tpu.memory_space<vmem_shared>>
        %dma_start3A_504 = tpu.memref_slice %arg13[%dma_start3A_492, %dma_start3A_493] : memref<2x4x!tpu.dma_semaphore, #tpu.memory_space<semaphore_mem>> -> memref<1x1x!tpu.dma_semaphore, #tpu.memory_space<semaphore_mem>>
        %dma_start3A_505 = tpu.memref_squeeze %dma_start3A_504 : memref<1x1x!tpu.dma_semaphore, #tpu.memory_space<semaphore_mem>> -> memref<!tpu.dma_semaphore, #tpu.memory_space<semaphore_mem>>
        tpu.enqueue_indirect_dma source(%dma_start3A_503 : memref<10000x144xi32, #tpu.memory_space<vmem_shared>>) target(%dma_start3A_497 : memref<16x144xi32, #tpu.memory_space<vmem>>) offsets(%dma_start3A_500 : memref<16xi32, #tpu.memory_space<vmem>>) semaphore(%dma_start3A_505 : memref<!tpu.dma_semaphore, #tpu.memory_space<semaphore_mem>>)
        %dma_start3A_506 = arith.constant 0 : i32
        %dma_start3A_507 = arith.constant 0 : i32
        %dma_start3A_508 = arith.constant 0 : i32
        %dma_start3A_509 = arith.constant 0 : i32
        %dma_start3A_510 = arith.constant 3 : i32
        %dma_start3A_511 = arith.constant 64 : i32
        %dma_start3A_512 = arith.constant 0 : i32
        %dma_start3A_513 = tpu.memref_slice %arg9[%dma_start3A_508, %dma_start3A_511, %dma_start3A_512] : memref<2x80x144xi32, #tpu.memory_space<vmem>> -> memref<1x16x144xi32, #tpu.memory_space<vmem>>
        %dma_start3A_514 = tpu.memref_squeeze %dma_start3A_513 : memref<1x16x144xi32, #tpu.memory_space<vmem>> -> memref<16x144xi32, #tpu.memory_space<vmem>>
        %dma_start3A_515 = arith.constant 64 : i32
        %dma_start3A_516 = tpu.memref_slice %arg7[%dma_start3A_506, %dma_start3A_507, %dma_start3A_515] : memref<2x2x80xi32, #tpu.memory_space<vmem>> -> memref<1x1x16xi32, #tpu.memory_space<vmem>>
        %dma_start3A_517 = tpu.memref_squeeze %dma_start3A_516 : memref<1x1x16xi32, #tpu.memory_space<vmem>> -> memref<16xi32, #tpu.memory_space<vmem>>
        %dma_start3A_518 = arith.constant 0 : i32
        %dma_start3A_519 = arith.constant 0 : i32
        %dma_start3A_520 = tpu.memref_slice %arg11[%dma_start3A_518, %dma_start3A_519] : memref<10000x144xi32, #tpu.memory_space<vmem_shared>> -> memref<10000x144xi32, #tpu.memory_space<vmem_shared>>
        %dma_start3A_521 = tpu.memref_slice %arg13[%dma_start3A_509, %dma_start3A_510] : memref<2x4x!tpu.dma_semaphore, #tpu.memory_space<semaphore_mem>> -> memref<1x1x!tpu.dma_semaphore, #tpu.memory_space<semaphore_mem>>
        %dma_start3A_522 = tpu.memref_squeeze %dma_start3A_521 : memref<1x1x!tpu.dma_semaphore, #tpu.memory_space<semaphore_mem>> -> memref<!tpu.dma_semaphore, #tpu.memory_space<semaphore_mem>>
        tpu.enqueue_indirect_dma source(%dma_start3A_520 : memref<10000x144xi32, #tpu.memory_space<vmem_shared>>) target(%dma_start3A_514 : memref<16x144xi32, #tpu.memory_space<vmem>>) offsets(%dma_start3A_517 : memref<16xi32, #tpu.memory_space<vmem>>) semaphore(%dma_start3A_522 : memref<!tpu.dma_semaphore, #tpu.memory_space<semaphore_mem>>)
      } else {
      }
      %mul3A_301 = arith.constant 128 : i32
      %mul3A_302 = arith.muli %add3A, %mul3A_301 : i32
      %add3A_303 = arith.addi %mul3A_302, %add3A_293 : i32
      %mul3A_304 = arith.constant 80 : i32
      %mul3A_305 = arith.muli %add3A_303, %mul3A_304 : i32
      %min3A_306 = arith.constant 319920 : i32
      %min3A_307 = arith.minsi %mul3A_305, %min3A_306 : i32
      %dma_wait3A_308 = arith.constant 1 : i32
      %dma_wait3A_309 = arith.constant 1 : i32
      %dma_wait3A_310 = arith.constant 0 : i32
      %dma_wait3A_311 = arith.constant 0 : i32
      %dma_wait3A_312 = tpu.memref_slice %arg8[%dma_wait3A_308, %dma_wait3A_310, %dma_wait3A_311] : memref<2x80x16xf32, #tpu.memory_space<vmem>> -> memref<1x80x16xf32, #tpu.memory_space<vmem>>
      %dma_wait3A_313 = tpu.memref_squeeze %dma_wait3A_312 : memref<1x80x16xf32, #tpu.memory_space<vmem>> -> memref<80x16xf32, #tpu.memory_space<vmem>>
      %dma_wait3A_314 = arith.constant 0 : i32
      %dma_wait3A_315 = tpu.memref_slice %arg4[%min3A_307, %dma_wait3A_314] : memref<320000x16xf32, #tpu.memory_space<hbm>> -> memref<80x16xf32, #tpu.memory_space<hbm>>
      %dma_wait3A_316 = tpu.memref_slice %arg14[%dma_wait3A_309] : memref<2x!tpu.dma_semaphore, #tpu.memory_space<semaphore_mem>> -> memref<1x!tpu.dma_semaphore, #tpu.memory_space<semaphore_mem>>
      %dma_wait3A_317 = tpu.memref_squeeze %dma_wait3A_316 : memref<1x!tpu.dma_semaphore, #tpu.memory_space<semaphore_mem>> -> memref<!tpu.dma_semaphore, #tpu.memory_space<semaphore_mem>>
      %dma_wait3A_318 = arith.constant 0 : i32
      %dma_wait3A_319 = arith.constant 0 : i32
      %dma_wait3A_320 = tpu.memref_slice %arg8[%dma_wait3A_308, %dma_wait3A_318, %dma_wait3A_319] : memref<2x80x16xf32, #tpu.memory_space<vmem>> -> memref<1x80x16xf32, #tpu.memory_space<vmem>>
      %dma_wait3A_321 = tpu.memref_squeeze %dma_wait3A_320 : memref<1x80x16xf32, #tpu.memory_space<vmem>> -> memref<80x16xf32, #tpu.memory_space<vmem>>
      %dma_wait3A_322 = arith.constant 0 : i32
      %dma_wait3A_323 = tpu.memref_slice %arg4[%min3A_307, %dma_wait3A_322] : memref<320000x16xf32, #tpu.memory_space<hbm>> -> memref<80x16xf32, #tpu.memory_space<hbm>>
      tpu.wait_dma2 semaphore(%dma_wait3A_317 : memref<!tpu.dma_semaphore, #tpu.memory_space<semaphore_mem>>) src(%dma_wait3A_323 : memref<80x16xf32, #tpu.memory_space<hbm>>) dst(%dma_wait3A_321 : memref<80x16xf32, #tpu.memory_space<vmem>>)
      %dma_wait3A_324 = arith.constant 1 : i32
      %dma_wait3A_325 = arith.constant 0 : i32
      %dma_wait3A_326 = arith.constant 1 : i32
      %dma_wait3A_327 = arith.constant 1 : i32
      %dma_wait3A_328 = arith.constant 0 : i32
      %dma_wait3A_329 = arith.constant 0 : i32
      %dma_wait3A_330 = arith.constant 0 : i32
      %dma_wait3A_331 = tpu.memref_slice %arg9[%dma_wait3A_326, %dma_wait3A_329, %dma_wait3A_330] : memref<2x80x144xi32, #tpu.memory_space<vmem>> -> memref<1x24x144xi32, #tpu.memory_space<vmem>>
      %dma_wait3A_332 = tpu.memref_squeeze %dma_wait3A_331 : memref<1x24x144xi32, #tpu.memory_space<vmem>> -> memref<24x144xi32, #tpu.memory_space<vmem>>
      %dma_wait3A_333 = arith.constant 0 : i32
      %dma_wait3A_334 = tpu.memref_slice %arg7[%dma_wait3A_324, %dma_wait3A_325, %dma_wait3A_333] : memref<2x2x80xi32, #tpu.memory_space<vmem>> -> memref<1x1x24xi32, #tpu.memory_space<vmem>>
      %dma_wait3A_335 = tpu.memref_squeeze %dma_wait3A_334 : memref<1x1x24xi32, #tpu.memory_space<vmem>> -> memref<24xi32, #tpu.memory_space<vmem>>
      %dma_wait3A_336 = arith.constant 0 : i32
      %dma_wait3A_337 = arith.constant 0 : i32
      %dma_wait3A_338 = tpu.memref_slice %arg11[%dma_wait3A_336, %dma_wait3A_337] : memref<10000x144xi32, #tpu.memory_space<vmem_shared>> -> memref<10000x144xi32, #tpu.memory_space<vmem_shared>>
      %dma_wait3A_339 = tpu.memref_slice %arg13[%dma_wait3A_327, %dma_wait3A_328] : memref<2x4x!tpu.dma_semaphore, #tpu.memory_space<semaphore_mem>> -> memref<1x1x!tpu.dma_semaphore, #tpu.memory_space<semaphore_mem>>
      %dma_wait3A_340 = tpu.memref_squeeze %dma_wait3A_339 : memref<1x1x!tpu.dma_semaphore, #tpu.memory_space<semaphore_mem>> -> memref<!tpu.dma_semaphore, #tpu.memory_space<semaphore_mem>>
      tpu.wait_indirect_dma semaphore(%dma_wait3A_340 : memref<!tpu.dma_semaphore, #tpu.memory_space<semaphore_mem>>) src(%dma_wait3A_338 : memref<10000x144xi32, #tpu.memory_space<vmem_shared>>) dst(%dma_wait3A_332 : memref<24x144xi32, #tpu.memory_space<vmem>>)
      %dma_wait3A_341 = arith.constant 1 : i32
      %dma_wait3A_342 = arith.constant 0 : i32
      %dma_wait3A_343 = arith.constant 1 : i32
      %dma_wait3A_344 = arith.constant 1 : i32
      %dma_wait3A_345 = arith.constant 1 : i32
      %dma_wait3A_346 = arith.constant 24 : i32
      %dma_wait3A_347 = arith.constant 0 : i32
      %dma_wait3A_348 = tpu.memref_slice %arg9[%dma_wait3A_343, %dma_wait3A_346, %dma_wait3A_347] : memref<2x80x144xi32, #tpu.memory_space<vmem>> -> memref<1x24x144xi32, #tpu.memory_space<vmem>>
      %dma_wait3A_349 = tpu.memref_squeeze %dma_wait3A_348 : memref<1x24x144xi32, #tpu.memory_space<vmem>> -> memref<24x144xi32, #tpu.memory_space<vmem>>
      %dma_wait3A_350 = arith.constant 24 : i32
      %dma_wait3A_351 = tpu.memref_slice %arg7[%dma_wait3A_341, %dma_wait3A_342, %dma_wait3A_350] : memref<2x2x80xi32, #tpu.memory_space<vmem>> -> memref<1x1x24xi32, #tpu.memory_space<vmem>>
      %dma_wait3A_352 = tpu.memref_squeeze %dma_wait3A_351 : memref<1x1x24xi32, #tpu.memory_space<vmem>> -> memref<24xi32, #tpu.memory_space<vmem>>
      %dma_wait3A_353 = arith.constant 0 : i32
      %dma_wait3A_354 = arith.constant 0 : i32
      %dma_wait3A_355 = tpu.memref_slice %arg11[%dma_wait3A_353, %dma_wait3A_354] : memref<10000x144xi32, #tpu.memory_space<vmem_shared>> -> memref<10000x144xi32, #tpu.memory_space<vmem_shared>>
      %dma_wait3A_356 = tpu.memref_slice %arg13[%dma_wait3A_344, %dma_wait3A_345] : memref<2x4x!tpu.dma_semaphore, #tpu.memory_space<semaphore_mem>> -> memref<1x1x!tpu.dma_semaphore, #tpu.memory_space<semaphore_mem>>
      %dma_wait3A_357 = tpu.memref_squeeze %dma_wait3A_356 : memref<1x1x!tpu.dma_semaphore, #tpu.memory_space<semaphore_mem>> -> memref<!tpu.dma_semaphore, #tpu.memory_space<semaphore_mem>>
      tpu.wait_indirect_dma semaphore(%dma_wait3A_357 : memref<!tpu.dma_semaphore, #tpu.memory_space<semaphore_mem>>) src(%dma_wait3A_355 : memref<10000x144xi32, #tpu.memory_space<vmem_shared>>) dst(%dma_wait3A_349 : memref<24x144xi32, #tpu.memory_space<vmem>>)
      %dma_wait3A_358 = arith.constant 1 : i32
      %dma_wait3A_359 = arith.constant 0 : i32
      %dma_wait3A_360 = arith.constant 1 : i32
      %dma_wait3A_361 = arith.constant 1 : i32
      %dma_wait3A_362 = arith.constant 2 : i32
      %dma_wait3A_363 = arith.constant 48 : i32
      %dma_wait3A_364 = arith.constant 0 : i32
      %dma_wait3A_365 = tpu.memref_slice %arg9[%dma_wait3A_360, %dma_wait3A_363, %dma_wait3A_364] : memref<2x80x144xi32, #tpu.memory_space<vmem>> -> memref<1x16x144xi32, #tpu.memory_space<vmem>>
      %dma_wait3A_366 = tpu.memref_squeeze %dma_wait3A_365 : memref<1x16x144xi32, #tpu.memory_space<vmem>> -> memref<16x144xi32, #tpu.memory_space<vmem>>
      %dma_wait3A_367 = arith.constant 48 : i32
      %dma_wait3A_368 = tpu.memref_slice %arg7[%dma_wait3A_358, %dma_wait3A_359, %dma_wait3A_367] : memref<2x2x80xi32, #tpu.memory_space<vmem>> -> memref<1x1x16xi32, #tpu.memory_space<vmem>>
      %dma_wait3A_369 = tpu.memref_squeeze %dma_wait3A_368 : memref<1x1x16xi32, #tpu.memory_space<vmem>> -> memref<16xi32, #tpu.memory_space<vmem>>
      %dma_wait3A_370 = arith.constant 0 : i32
      %dma_wait3A_371 = arith.constant 0 : i32
      %dma_wait3A_372 = tpu.memref_slice %arg11[%dma_wait3A_370, %dma_wait3A_371] : memref<10000x144xi32, #tpu.memory_space<vmem_shared>> -> memref<10000x144xi32, #tpu.memory_space<vmem_shared>>
      %dma_wait3A_373 = tpu.memref_slice %arg13[%dma_wait3A_361, %dma_wait3A_362] : memref<2x4x!tpu.dma_semaphore, #tpu.memory_space<semaphore_mem>> -> memref<1x1x!tpu.dma_semaphore, #tpu.memory_space<semaphore_mem>>
      %dma_wait3A_374 = tpu.memref_squeeze %dma_wait3A_373 : memref<1x1x!tpu.dma_semaphore, #tpu.memory_space<semaphore_mem>> -> memref<!tpu.dma_semaphore, #tpu.memory_space<semaphore_mem>>
      tpu.wait_indirect_dma semaphore(%dma_wait3A_374 : memref<!tpu.dma_semaphore, #tpu.memory_space<semaphore_mem>>) src(%dma_wait3A_372 : memref<10000x144xi32, #tpu.memory_space<vmem_shared>>) dst(%dma_wait3A_366 : memref<16x144xi32, #tpu.memory_space<vmem>>)
      %dma_wait3A_375 = arith.constant 1 : i32
      %dma_wait3A_376 = arith.constant 0 : i32
      %dma_wait3A_377 = arith.constant 1 : i32
      %dma_wait3A_378 = arith.constant 1 : i32
      %dma_wait3A_379 = arith.constant 3 : i32
      %dma_wait3A_380 = arith.constant 64 : i32
      %dma_wait3A_381 = arith.constant 0 : i32
      %dma_wait3A_382 = tpu.memref_slice %arg9[%dma_wait3A_377, %dma_wait3A_380, %dma_wait3A_381] : memref<2x80x144xi32, #tpu.memory_space<vmem>> -> memref<1x16x144xi32, #tpu.memory_space<vmem>>
      %dma_wait3A_383 = tpu.memref_squeeze %dma_wait3A_382 : memref<1x16x144xi32, #tpu.memory_space<vmem>> -> memref<16x144xi32, #tpu.memory_space<vmem>>
      %dma_wait3A_384 = arith.constant 64 : i32
      %dma_wait3A_385 = tpu.memref_slice %arg7[%dma_wait3A_375, %dma_wait3A_376, %dma_wait3A_384] : memref<2x2x80xi32, #tpu.memory_space<vmem>> -> memref<1x1x16xi32, #tpu.memory_space<vmem>>
      %dma_wait3A_386 = tpu.memref_squeeze %dma_wait3A_385 : memref<1x1x16xi32, #tpu.memory_space<vmem>> -> memref<16xi32, #tpu.memory_space<vmem>>
      %dma_wait3A_387 = arith.constant 0 : i32
      %dma_wait3A_388 = arith.constant 0 : i32
      %dma_wait3A_389 = tpu.memref_slice %arg11[%dma_wait3A_387, %dma_wait3A_388] : memref<10000x144xi32, #tpu.memory_space<vmem_shared>> -> memref<10000x144xi32, #tpu.memory_space<vmem_shared>>
      %dma_wait3A_390 = tpu.memref_slice %arg13[%dma_wait3A_378, %dma_wait3A_379] : memref<2x4x!tpu.dma_semaphore, #tpu.memory_space<semaphore_mem>> -> memref<1x1x!tpu.dma_semaphore, #tpu.memory_space<semaphore_mem>>
      %dma_wait3A_391 = tpu.memref_squeeze %dma_wait3A_390 : memref<1x1x!tpu.dma_semaphore, #tpu.memory_space<semaphore_mem>> -> memref<!tpu.dma_semaphore, #tpu.memory_space<semaphore_mem>>
      tpu.wait_indirect_dma semaphore(%dma_wait3A_391 : memref<!tpu.dma_semaphore, #tpu.memory_space<semaphore_mem>>) src(%dma_wait3A_389 : memref<10000x144xi32, #tpu.memory_space<vmem_shared>>) dst(%dma_wait3A_383 : memref<16x144xi32, #tpu.memory_space<vmem>>)
      %scan3A_392 = arith.constant 0 : i32
      %scan3A_393 = arith.constant 0 : i32
      %scan3A_394 = arith.constant 40 : i32
      %scan3A_395 = arith.addi %scan3A_393, %scan3A_394 : i32
      %scan3A_396 = arith.constant 1 : i32
      scf.for %scan3A_407 = %scan3A_393 to %scan3A_395 step %scan3A_396  : i32 {
        %mul3A_408 = arith.constant 2 : i32
        %mul3A_409 = arith.muli %mul3A_408, %scan3A_407 : i32
        %get3A = arith.constant 1 : i32
        %get3A_410 = arith.index_cast %get3A : i32 to index
        %get3A_411 = arith.index_cast %mul3A_409 : i32 to index
        %get3A_412 = arith.constant 0 : index
        %get3A_413 = tpu.vector_load %arg8[%get3A_410, %get3A_411, %get3A_412] {strides = array<i32>} : memref<2x80x16xf32, #tpu.memory_space<vmem>>, vector<1x1x16xf32>,
        %get3A_414 = vector.shape_cast %get3A_413 : vector<1x1x16xf32> to vector<16xf32>
        %get3A_415 = arith.constant 1 : i32
        %get3A_416 = arith.index_cast %get3A_415 : i32 to index
        %get3A_417 = arith.index_cast %mul3A_409 : i32 to index
        %get3A_418 = arith.constant 128 : index
        %get3A_419 = tpu.vector_load %arg9[%get3A_416, %get3A_417, %get3A_418] {strides = array<i32>} : memref<2x80x144xi32, #tpu.memory_space<vmem>>, vector<1x1x16xi32>,
        %get3A_420 = vector.shape_cast %get3A_419 : vector<1x1x16xi32> to vector<16xi32>
        %shift_left3A = arith.constant 16 : i32
        %shift_left3A_421 = vector.broadcast %shift_left3A : i32 to vector<16xi32>
        %shift_left3A_422 = arith.shli %get3A_420, %shift_left3A_421 : vector<16xi32>
        %bitcast_convert_type3A = tpu.bitcast %shift_left3A_422 : vector<16xi32> -> vector<16xf32>
        %get3A_423 = arith.constant 1 : i32
        %get3A_424 = arith.index_cast %get3A_423 : i32 to index
        %get3A_425 = arith.index_cast %mul3A_409 : i32 to index
        %get3A_426 = arith.constant 0 : index
        %get3A_427 = tpu.vector_load %arg9[%get3A_424, %get3A_425, %get3A_426] {strides = array<i32>} : memref<2x80x144xi32, #tpu.memory_space<vmem>>, vector<1x1x16xi32>,
        %get3A_428 = vector.shape_cast %get3A_427 : vector<1x1x16xi32> to vector<16xi32>
        %broadcast_in_dim3A = arith.constant 0 : i32
        %broadcast_in_dim3A_429 = vector.broadcast %broadcast_in_dim3A : i32 to vector<16x1xi32>
        %gather3A = vector.shape_cast %broadcast_in_dim3A_429 : vector<16x1xi32> to vector<16xi32>
        %gather3A_430 = tpu.dynamic_gather %get3A_414[%gather3A] in [0] : vector<16xf32>, vector<16xi32> -> vector<16xf32>
        %shift_left3A_431 = arith.constant 16 : i32
        %shift_left3A_432 = vector.broadcast %shift_left3A_431 : i32 to vector<16xi32>
        %shift_left3A_433 = arith.shli %get3A_428, %shift_left3A_432 : vector<16xi32>
        %bitcast_convert_type3A_434 = tpu.bitcast %shift_left3A_433 : vector<16xi32> -> vector<16xf32>
        %mul3A_435 = arith.mulf %gather3A_430, %bitcast_convert_type3A_434 : vector<16xf32>
        %broadcast_in_dim3A_436 = arith.constant 1 : i32
        %broadcast_in_dim3A_437 = vector.broadcast %broadcast_in_dim3A_436 : i32 to vector<16x1xi32>
        %gather3A_438 = vector.shape_cast %broadcast_in_dim3A_437 : vector<16x1xi32> to vector<16xi32>
        %gather3A_439 = tpu.dynamic_gather %get3A_414[%gather3A_438] in [0] : vector<16xf32>, vector<16xi32> -> vector<16xf32>
        %bitcast_convert_type3A_440 = tpu.bitcast %get3A_428 : vector<16xi32> -> vector<16xf32>
        %mul3A_441 = arith.mulf %gather3A_439, %bitcast_convert_type3A_440 : vector<16xf32>
        %add3A_442 = arith.addf %mul3A_435, %mul3A_441 : vector<16xf32>
        %add3A_443 = arith.addf %bitcast_convert_type3A, %add3A_442 : vector<16xf32>
        %get3A_444 = arith.constant 1 : i32
        %get3A_445 = arith.index_cast %get3A_444 : i32 to index
        %get3A_446 = arith.index_cast %mul3A_409 : i32 to index
        %get3A_447 = arith.constant 16 : index
        %get3A_448 = tpu.vector_load %arg9[%get3A_445, %get3A_446, %get3A_447] {strides = array<i32>} : memref<2x80x144xi32, #tpu.memory_space<vmem>>, vector<1x1x16xi32>,
        %get3A_449 = vector.shape_cast %get3A_448 : vector<1x1x16xi32> to vector<16xi32>
        %broadcast_in_dim3A_450 = arith.constant 2 : i32
        %broadcast_in_dim3A_451 = vector.broadcast %broadcast_in_dim3A_450 : i32 to vector<16x1xi32>
        %gather3A_452 = vector.shape_cast %broadcast_in_dim3A_451 : vector<16x1xi32> to vector<16xi32>
        %gather3A_453 = tpu.dynamic_gather %get3A_414[%gather3A_452] in [0] : vector<16xf32>, vector<16xi32> -> vector<16xf32>
        %shift_left3A_454 = arith.constant 16 : i32
        %shift_left3A_455 = vector.broadcast %shift_left3A_454 : i32 to vector<16xi32>
        %shift_left3A_456 = arith.shli %get3A_449, %shift_left3A_455 : vector<16xi32>
        %bitcast_convert_type3A_457 = tpu.bitcast %shift_left3A_456 : vector<16xi32> -> vector<16xf32>
        %mul3A_458 = arith.mulf %gather3A_453, %bitcast_convert_type3A_457 : vector<16xf32>
        %broadcast_in_dim3A_459 = arith.constant 3 : i32
        %broadcast_in_dim3A_460 = vector.broadcast %broadcast_in_dim3A_459 : i32 to vector<16x1xi32>
        %gather3A_461 = vector.shape_cast %broadcast_in_dim3A_460 : vector<16x1xi32> to vector<16xi32>
        %gather3A_462 = tpu.dynamic_gather %get3A_414[%gather3A_461] in [0] : vector<16xf32>, vector<16xi32> -> vector<16xf32>
        %bitcast_convert_type3A_463 = tpu.bitcast %get3A_449 : vector<16xi32> -> vector<16xf32>
        %mul3A_464 = arith.mulf %gather3A_462, %bitcast_convert_type3A_463 : vector<16xf32>
        %add3A_465 = arith.addf %mul3A_458, %mul3A_464 : vector<16xf32>
        %get3A_466 = arith.constant 1 : i32
        %get3A_467 = arith.index_cast %get3A_466 : i32 to index
        %get3A_468 = arith.index_cast %mul3A_409 : i32 to index
        %get3A_469 = arith.constant 32 : index
        %get3A_470 = tpu.vector_load %arg9[%get3A_467, %get3A_468, %get3A_469] {strides = array<i32>} : memref<2x80x144xi32, #tpu.memory_space<vmem>>, vector<1x1x16xi32>,
        %get3A_471 = vector.shape_cast %get3A_470 : vector<1x1x16xi32> to vector<16xi32>
        %broadcast_in_dim3A_472 = arith.constant 4 : i32
        %broadcast_in_dim3A_473 = vector.broadcast %broadcast_in_dim3A_472 : i32 to vector<16x1xi32>
        %gather3A_474 = vector.shape_cast %broadcast_in_dim3A_473 : vector<16x1xi32> to vector<16xi32>
        %gather3A_475 = tpu.dynamic_gather %get3A_414[%gather3A_474] in [0] : vector<16xf32>, vector<16xi32> -> vector<16xf32>
        %shift_left3A_476 = arith.constant 16 : i32
        %shift_left3A_477 = vector.broadcast %shift_left3A_476 : i32 to vector<16xi32>
        %shift_left3A_478 = arith.shli %get3A_471, %shift_left3A_477 : vector<16xi32>
        %bitcast_convert_type3A_479 = tpu.bitcast %shift_left3A_478 : vector<16xi32> -> vector<16xf32>
        %mul3A_480 = arith.mulf %gather3A_475, %bitcast_convert_type3A_479 : vector<16xf32>
        %broadcast_in_dim3A_481 = arith.constant 5 : i32
        %broadcast_in_dim3A_482 = vector.broadcast %broadcast_in_dim3A_481 : i32 to vector<16x1xi32>
        %gather3A_483 = vector.shape_cast %broadcast_in_dim3A_482 : vector<16x1xi32> to vector<16xi32>
        %gather3A_484 = tpu.dynamic_gather %get3A_414[%gather3A_483] in [0] : vector<16xf32>, vector<16xi32> -> vector<16xf32>
        %bitcast_convert_type3A_485 = tpu.bitcast %get3A_471 : vector<16xi32> -> vector<16xf32>
        %mul3A_486 = arith.mulf %gather3A_484, %bitcast_convert_type3A_485 : vector<16xf32>
        %add3A_487 = arith.addf %mul3A_480, %mul3A_486 : vector<16xf32>
        %get3A_488 = arith.constant 1 : i32
        %get3A_489 = arith.index_cast %get3A_488 : i32 to index
        %get3A_490 = arith.index_cast %mul3A_409 : i32 to index
        %get3A_491 = arith.constant 48 : index
        %get3A_492 = tpu.vector_load %arg9[%get3A_489, %get3A_490, %get3A_491] {strides = array<i32>} : memref<2x80x144xi32, #tpu.memory_space<vmem>>, vector<1x1x16xi32>,
        %get3A_493 = vector.shape_cast %get3A_492 : vector<1x1x16xi32> to vector<16xi32>
        %broadcast_in_dim3A_494 = arith.constant 6 : i32
        %broadcast_in_dim3A_495 = vector.broadcast %broadcast_in_dim3A_494 : i32 to vector<16x1xi32>
        %gather3A_496 = vector.shape_cast %broadcast_in_dim3A_495 : vector<16x1xi32> to vector<16xi32>
        %gather3A_497 = tpu.dynamic_gather %get3A_414[%gather3A_496] in [0] : vector<16xf32>, vector<16xi32> -> vector<16xf32>
        %shift_left3A_498 = arith.constant 16 : i32
        %shift_left3A_499 = vector.broadcast %shift_left3A_498 : i32 to vector<16xi32>
        %shift_left3A_500 = arith.shli %get3A_493, %shift_left3A_499 : vector<16xi32>
        %bitcast_convert_type3A_501 = tpu.bitcast %shift_left3A_500 : vector<16xi32> -> vector<16xf32>
        %mul3A_502 = arith.mulf %gather3A_497, %bitcast_convert_type3A_501 : vector<16xf32>
        %broadcast_in_dim3A_503 = arith.constant 7 : i32
        %broadcast_in_dim3A_504 = vector.broadcast %broadcast_in_dim3A_503 : i32 to vector<16x1xi32>
        %gather3A_505 = vector.shape_cast %broadcast_in_dim3A_504 : vector<16x1xi32> to vector<16xi32>
        %gather3A_506 = tpu.dynamic_gather %get3A_414[%gather3A_505] in [0] : vector<16xf32>, vector<16xi32> -> vector<16xf32>
        %bitcast_convert_type3A_507 = tpu.bitcast %get3A_493 : vector<16xi32> -> vector<16xf32>
        %mul3A_508 = arith.mulf %gather3A_506, %bitcast_convert_type3A_507 : vector<16xf32>
        %add3A_509 = arith.addf %mul3A_502, %mul3A_508 : vector<16xf32>
        %get3A_510 = arith.constant 1 : i32
        %get3A_511 = arith.index_cast %get3A_510 : i32 to index
        %get3A_512 = arith.index_cast %mul3A_409 : i32 to index
        %get3A_513 = arith.constant 64 : index
        %get3A_514 = tpu.vector_load %arg9[%get3A_511, %get3A_512, %get3A_513] {strides = array<i32>} : memref<2x80x144xi32, #tpu.memory_space<vmem>>, vector<1x1x16xi32>,
        %get3A_515 = vector.shape_cast %get3A_514 : vector<1x1x16xi32> to vector<16xi32>
        %broadcast_in_dim3A_516 = arith.constant 8 : i32
        %broadcast_in_dim3A_517 = vector.broadcast %broadcast_in_dim3A_516 : i32 to vector<16x1xi32>
        %gather3A_518 = vector.shape_cast %broadcast_in_dim3A_517 : vector<16x1xi32> to vector<16xi32>
        %gather3A_519 = tpu.dynamic_gather %get3A_414[%gather3A_518] in [0] : vector<16xf32>, vector<16xi32> -> vector<16xf32>
        %shift_left3A_520 = arith.constant 16 : i32
        %shift_left3A_521 = vector.broadcast %shift_left3A_520 : i32 to vector<16xi32>
        %shift_left3A_522 = arith.shli %get3A_515, %shift_left3A_521 : vector<16xi32>
        %bitcast_convert_type3A_523 = tpu.bitcast %shift_left3A_522 : vector<16xi32> -> vector<16xf32>
        %mul3A_524 = arith.mulf %gather3A_519, %bitcast_convert_type3A_523 : vector<16xf32>
        %broadcast_in_dim3A_525 = arith.constant 9 : i32
        %broadcast_in_dim3A_526 = vector.broadcast %broadcast_in_dim3A_525 : i32 to vector<16x1xi32>
        %gather3A_527 = vector.shape_cast %broadcast_in_dim3A_526 : vector<16x1xi32> to vector<16xi32>
        %gather3A_528 = tpu.dynamic_gather %get3A_414[%gather3A_527] in [0] : vector<16xf32>, vector<16xi32> -> vector<16xf32>
        %bitcast_convert_type3A_529 = tpu.bitcast %get3A_515 : vector<16xi32> -> vector<16xf32>
        %mul3A_530 = arith.mulf %gather3A_528, %bitcast_convert_type3A_529 : vector<16xf32>
        %add3A_531 = arith.addf %mul3A_524, %mul3A_530 : vector<16xf32>
        %add3A_532 = arith.addf %add3A_443, %add3A_531 : vector<16xf32>
        %get3A_533 = arith.constant 1 : i32
        %get3A_534 = arith.index_cast %get3A_533 : i32 to index
        %get3A_535 = arith.index_cast %mul3A_409 : i32 to index
        %get3A_536 = arith.constant 80 : index
        %get3A_537 = tpu.vector_load %arg9[%get3A_534, %get3A_535, %get3A_536] {strides = array<i32>} : memref<2x80x144xi32, #tpu.memory_space<vmem>>, vector<1x1x16xi32>,
        %get3A_538 = vector.shape_cast %get3A_537 : vector<1x1x16xi32> to vector<16xi32>
        %broadcast_in_dim3A_539 = arith.constant 10 : i32
        %broadcast_in_dim3A_540 = vector.broadcast %broadcast_in_dim3A_539 : i32 to vector<16x1xi32>
        %gather3A_541 = vector.shape_cast %broadcast_in_dim3A_540 : vector<16x1xi32> to vector<16xi32>
        %gather3A_542 = tpu.dynamic_gather %get3A_414[%gather3A_541] in [0] : vector<16xf32>, vector<16xi32> -> vector<16xf32>
        %shift_left3A_543 = arith.constant 16 : i32
        %shift_left3A_544 = vector.broadcast %shift_left3A_543 : i32 to vector<16xi32>
        %shift_left3A_545 = arith.shli %get3A_538, %shift_left3A_544 : vector<16xi32>
        %bitcast_convert_type3A_546 = tpu.bitcast %shift_left3A_545 : vector<16xi32> -> vector<16xf32>
        %mul3A_547 = arith.mulf %gather3A_542, %bitcast_convert_type3A_546 : vector<16xf32>
        %broadcast_in_dim3A_548 = arith.constant 11 : i32
        %broadcast_in_dim3A_549 = vector.broadcast %broadcast_in_dim3A_548 : i32 to vector<16x1xi32>
        %gather3A_550 = vector.shape_cast %broadcast_in_dim3A_549 : vector<16x1xi32> to vector<16xi32>
        %gather3A_551 = tpu.dynamic_gather %get3A_414[%gather3A_550] in [0] : vector<16xf32>, vector<16xi32> -> vector<16xf32>
        %bitcast_convert_type3A_552 = tpu.bitcast %get3A_538 : vector<16xi32> -> vector<16xf32>
        %mul3A_553 = arith.mulf %gather3A_551, %bitcast_convert_type3A_552 : vector<16xf32>
        %add3A_554 = arith.addf %mul3A_547, %mul3A_553 : vector<16xf32>
        %add3A_555 = arith.addf %add3A_465, %add3A_554 : vector<16xf32>
        %get3A_556 = arith.constant 1 : i32
        %get3A_557 = arith.index_cast %get3A_556 : i32 to index
        %get3A_558 = arith.index_cast %mul3A_409 : i32 to index
        %get3A_559 = arith.constant 96 : index
        %get3A_560 = tpu.vector_load %arg9[%get3A_557, %get3A_558, %get3A_559] {strides = array<i32>} : memref<2x80x144xi32, #tpu.memory_space<vmem>>, vector<1x1x16xi32>,
        %get3A_561 = vector.shape_cast %get3A_560 : vector<1x1x16xi32> to vector<16xi32>
        %broadcast_in_dim3A_562 = arith.constant 12 : i32
        %broadcast_in_dim3A_563 = vector.broadcast %broadcast_in_dim3A_562 : i32 to vector<16x1xi32>
        %gather3A_564 = vector.shape_cast %broadcast_in_dim3A_563 : vector<16x1xi32> to vector<16xi32>
        %gather3A_565 = tpu.dynamic_gather %get3A_414[%gather3A_564] in [0] : vector<16xf32>, vector<16xi32> -> vector<16xf32>
        %shift_left3A_566 = arith.constant 16 : i32
        %shift_left3A_567 = vector.broadcast %shift_left3A_566 : i32 to vector<16xi32>
        %shift_left3A_568 = arith.shli %get3A_561, %shift_left3A_567 : vector<16xi32>
        %bitcast_convert_type3A_569 = tpu.bitcast %shift_left3A_568 : vector<16xi32> -> vector<16xf32>
        %mul3A_570 = arith.mulf %gather3A_565, %bitcast_convert_type3A_569 : vector<16xf32>
        %broadcast_in_dim3A_571 = arith.constant 13 : i32
        %broadcast_in_dim3A_572 = vector.broadcast %broadcast_in_dim3A_571 : i32 to vector<16x1xi32>
        %gather3A_573 = vector.shape_cast %broadcast_in_dim3A_572 : vector<16x1xi32> to vector<16xi32>
        %gather3A_574 = tpu.dynamic_gather %get3A_414[%gather3A_573] in [0] : vector<16xf32>, vector<16xi32> -> vector<16xf32>
        %bitcast_convert_type3A_575 = tpu.bitcast %get3A_561 : vector<16xi32> -> vector<16xf32>
        %mul3A_576 = arith.mulf %gather3A_574, %bitcast_convert_type3A_575 : vector<16xf32>
        %add3A_577 = arith.addf %mul3A_570, %mul3A_576 : vector<16xf32>
        %add3A_578 = arith.addf %add3A_487, %add3A_577 : vector<16xf32>
        %get3A_579 = arith.constant 1 : i32
        %get3A_580 = arith.index_cast %get3A_579 : i32 to index
        %get3A_581 = arith.index_cast %mul3A_409 : i32 to index
        %get3A_582 = arith.constant 112 : index
        %get3A_583 = tpu.vector_load %arg9[%get3A_580, %get3A_581, %get3A_582] {strides = array<i32>} : memref<2x80x144xi32, #tpu.memory_space<vmem>>, vector<1x1x16xi32>,
        %get3A_584 = vector.shape_cast %get3A_583 : vector<1x1x16xi32> to vector<16xi32>
        %broadcast_in_dim3A_585 = arith.constant 14 : i32
        %broadcast_in_dim3A_586 = vector.broadcast %broadcast_in_dim3A_585 : i32 to vector<16x1xi32>
        %gather3A_587 = vector.shape_cast %broadcast_in_dim3A_586 : vector<16x1xi32> to vector<16xi32>
        %gather3A_588 = tpu.dynamic_gather %get3A_414[%gather3A_587] in [0] : vector<16xf32>, vector<16xi32> -> vector<16xf32>
        %shift_left3A_589 = arith.constant 16 : i32
        %shift_left3A_590 = vector.broadcast %shift_left3A_589 : i32 to vector<16xi32>
        %shift_left3A_591 = arith.shli %get3A_584, %shift_left3A_590 : vector<16xi32>
        %bitcast_convert_type3A_592 = tpu.bitcast %shift_left3A_591 : vector<16xi32> -> vector<16xf32>
        %mul3A_593 = arith.mulf %gather3A_588, %bitcast_convert_type3A_592 : vector<16xf32>
        %broadcast_in_dim3A_594 = arith.constant 15 : i32
        %broadcast_in_dim3A_595 = vector.broadcast %broadcast_in_dim3A_594 : i32 to vector<16x1xi32>
        %gather3A_596 = vector.shape_cast %broadcast_in_dim3A_595 : vector<16x1xi32> to vector<16xi32>
        %gather3A_597 = tpu.dynamic_gather %get3A_414[%gather3A_596] in [0] : vector<16xf32>, vector<16xi32> -> vector<16xf32>
        %bitcast_convert_type3A_598 = tpu.bitcast %get3A_584 : vector<16xi32> -> vector<16xf32>
        %mul3A_599 = arith.mulf %gather3A_597, %bitcast_convert_type3A_598 : vector<16xf32>
        %add3A_600 = arith.addf %mul3A_593, %mul3A_599 : vector<16xf32>
        %add3A_601 = arith.addf %add3A_509, %add3A_600 : vector<16xf32>
        %add3A_602 = arith.addf %add3A_532, %add3A_555 : vector<16xf32>
        %add3A_603 = arith.addf %add3A_578, %add3A_601 : vector<16xf32>
        %add3A_604 = arith.addf %add3A_602, %add3A_603 : vector<16xf32>
        %swap3A = arith.index_cast %mul3A_409 : i32 to index
        %swap3A_605 = arith.constant 0 : index
        %swap3A_606 = tpu.vector_load %arg10[%swap3A, %swap3A_605] {strides = array<i32>} : memref<80x16xf32, #tpu.memory_space<vmem>>, vector<1x16xf32>,
        %swap3A_607 = vector.shape_cast %swap3A_606 : vector<1x16xf32> to vector<16xf32>
        %swap3A_608 = vector.shape_cast %add3A_604 : vector<16xf32> to vector<1x16xf32>
        tpu.vector_store %arg10[%swap3A, %swap3A_605], %swap3A_608 {strides = array<i32>} : memref<80x16xf32, #tpu.memory_space<vmem>>, vector<1x16xf32>,
        %mul3A_609 = arith.constant 2 : i32
        %mul3A_610 = arith.muli %mul3A_609, %scan3A_407 : i32
        %add3A_611 = arith.constant 1 : i32
        %add3A_612 = arith.addi %mul3A_610, %add3A_611 : i32
        %get3A_613 = arith.constant 1 : i32
        %get3A_614 = arith.index_cast %get3A_613 : i32 to index
        %get3A_615 = arith.index_cast %add3A_612 : i32 to index
        %get3A_616 = arith.constant 0 : index
        %get3A_617 = tpu.vector_load %arg8[%get3A_614, %get3A_615, %get3A_616] {strides = array<i32>} : memref<2x80x16xf32, #tpu.memory_space<vmem>>, vector<1x1x16xf32>,
        %get3A_618 = vector.shape_cast %get3A_617 : vector<1x1x16xf32> to vector<16xf32>
        %get3A_619 = arith.constant 1 : i32
        %get3A_620 = arith.index_cast %get3A_619 : i32 to index
        %get3A_621 = arith.index_cast %add3A_612 : i32 to index
        %get3A_622 = arith.constant 128 : index
        %get3A_623 = tpu.vector_load %arg9[%get3A_620, %get3A_621, %get3A_622] {strides = array<i32>} : memref<2x80x144xi32, #tpu.memory_space<vmem>>, vector<1x1x16xi32>,
        %get3A_624 = vector.shape_cast %get3A_623 : vector<1x1x16xi32> to vector<16xi32>
        %shift_left3A_625 = arith.constant 16 : i32
        %shift_left3A_626 = vector.broadcast %shift_left3A_625 : i32 to vector<16xi32>
        %shift_left3A_627 = arith.shli %get3A_624, %shift_left3A_626 : vector<16xi32>
        %bitcast_convert_type3A_628 = tpu.bitcast %shift_left3A_627 : vector<16xi32> -> vector<16xf32>
        %get3A_629 = arith.constant 1 : i32
        %get3A_630 = arith.index_cast %get3A_629 : i32 to index
        %get3A_631 = arith.index_cast %add3A_612 : i32 to index
        %get3A_632 = arith.constant 0 : index
        %get3A_633 = tpu.vector_load %arg9[%get3A_630, %get3A_631, %get3A_632] {strides = array<i32>} : memref<2x80x144xi32, #tpu.memory_space<vmem>>, vector<1x1x16xi32>,
        %get3A_634 = vector.shape_cast %get3A_633 : vector<1x1x16xi32> to vector<16xi32>
        %broadcast_in_dim3A_635 = arith.constant 0 : i32
        %broadcast_in_dim3A_636 = vector.broadcast %broadcast_in_dim3A_635 : i32 to vector<16x1xi32>
        %gather3A_637 = vector.shape_cast %broadcast_in_dim3A_636 : vector<16x1xi32> to vector<16xi32>
        %gather3A_638 = tpu.dynamic_gather %get3A_618[%gather3A_637] in [0] : vector<16xf32>, vector<16xi32> -> vector<16xf32>
        %shift_left3A_639 = arith.constant 16 : i32
        %shift_left3A_640 = vector.broadcast %shift_left3A_639 : i32 to vector<16xi32>
        %shift_left3A_641 = arith.shli %get3A_634, %shift_left3A_640 : vector<16xi32>
        %bitcast_convert_type3A_642 = tpu.bitcast %shift_left3A_641 : vector<16xi32> -> vector<16xf32>
        %mul3A_643 = arith.mulf %gather3A_638, %bitcast_convert_type3A_642 : vector<16xf32>
        %broadcast_in_dim3A_644 = arith.constant 1 : i32
        %broadcast_in_dim3A_645 = vector.broadcast %broadcast_in_dim3A_644 : i32 to vector<16x1xi32>
        %gather3A_646 = vector.shape_cast %broadcast_in_dim3A_645 : vector<16x1xi32> to vector<16xi32>
        %gather3A_647 = tpu.dynamic_gather %get3A_618[%gather3A_646] in [0] : vector<16xf32>, vector<16xi32> -> vector<16xf32>
        %bitcast_convert_type3A_648 = tpu.bitcast %get3A_634 : vector<16xi32> -> vector<16xf32>
        %mul3A_649 = arith.mulf %gather3A_647, %bitcast_convert_type3A_648 : vector<16xf32>
        %add3A_650 = arith.addf %mul3A_643, %mul3A_649 : vector<16xf32>
        %add3A_651 = arith.addf %bitcast_convert_type3A_628, %add3A_650 : vector<16xf32>
        %get3A_652 = arith.constant 1 : i32
        %get3A_653 = arith.index_cast %get3A_652 : i32 to index
        %get3A_654 = arith.index_cast %add3A_612 : i32 to index
        %get3A_655 = arith.constant 16 : index
        %get3A_656 = tpu.vector_load %arg9[%get3A_653, %get3A_654, %get3A_655] {strides = array<i32>} : memref<2x80x144xi32, #tpu.memory_space<vmem>>, vector<1x1x16xi32>,
        %get3A_657 = vector.shape_cast %get3A_656 : vector<1x1x16xi32> to vector<16xi32>
        %broadcast_in_dim3A_658 = arith.constant 2 : i32
        %broadcast_in_dim3A_659 = vector.broadcast %broadcast_in_dim3A_658 : i32 to vector<16x1xi32>
        %gather3A_660 = vector.shape_cast %broadcast_in_dim3A_659 : vector<16x1xi32> to vector<16xi32>
        %gather3A_661 = tpu.dynamic_gather %get3A_618[%gather3A_660] in [0] : vector<16xf32>, vector<16xi32> -> vector<16xf32>
        %shift_left3A_662 = arith.constant 16 : i32
        %shift_left3A_663 = vector.broadcast %shift_left3A_662 : i32 to vector<16xi32>
        %shift_left3A_664 = arith.shli %get3A_657, %shift_left3A_663 : vector<16xi32>
        %bitcast_convert_type3A_665 = tpu.bitcast %shift_left3A_664 : vector<16xi32> -> vector<16xf32>
        %mul3A_666 = arith.mulf %gather3A_661, %bitcast_convert_type3A_665 : vector<16xf32>
        %broadcast_in_dim3A_667 = arith.constant 3 : i32
        %broadcast_in_dim3A_668 = vector.broadcast %broadcast_in_dim3A_667 : i32 to vector<16x1xi32>
        %gather3A_669 = vector.shape_cast %broadcast_in_dim3A_668 : vector<16x1xi32> to vector<16xi32>
        %gather3A_670 = tpu.dynamic_gather %get3A_618[%gather3A_669] in [0] : vector<16xf32>, vector<16xi32> -> vector<16xf32>
        %bitcast_convert_type3A_671 = tpu.bitcast %get3A_657 : vector<16xi32> -> vector<16xf32>
        %mul3A_672 = arith.mulf %gather3A_670, %bitcast_convert_type3A_671 : vector<16xf32>
        %add3A_673 = arith.addf %mul3A_666, %mul3A_672 : vector<16xf32>
        %get3A_674 = arith.constant 1 : i32
        %get3A_675 = arith.index_cast %get3A_674 : i32 to index
        %get3A_676 = arith.index_cast %add3A_612 : i32 to index
        %get3A_677 = arith.constant 32 : index
        %get3A_678 = tpu.vector_load %arg9[%get3A_675, %get3A_676, %get3A_677] {strides = array<i32>} : memref<2x80x144xi32, #tpu.memory_space<vmem>>, vector<1x1x16xi32>,
        %get3A_679 = vector.shape_cast %get3A_678 : vector<1x1x16xi32> to vector<16xi32>
        %broadcast_in_dim3A_680 = arith.constant 4 : i32
        %broadcast_in_dim3A_681 = vector.broadcast %broadcast_in_dim3A_680 : i32 to vector<16x1xi32>
        %gather3A_682 = vector.shape_cast %broadcast_in_dim3A_681 : vector<16x1xi32> to vector<16xi32>
        %gather3A_683 = tpu.dynamic_gather %get3A_618[%gather3A_682] in [0] : vector<16xf32>, vector<16xi32> -> vector<16xf32>
        %shift_left3A_684 = arith.constant 16 : i32
        %shift_left3A_685 = vector.broadcast %shift_left3A_684 : i32 to vector<16xi32>
        %shift_left3A_686 = arith.shli %get3A_679, %shift_left3A_685 : vector<16xi32>
        %bitcast_convert_type3A_687 = tpu.bitcast %shift_left3A_686 : vector<16xi32> -> vector<16xf32>
        %mul3A_688 = arith.mulf %gather3A_683, %bitcast_convert_type3A_687 : vector<16xf32>
        %broadcast_in_dim3A_689 = arith.constant 5 : i32
        %broadcast_in_dim3A_690 = vector.broadcast %broadcast_in_dim3A_689 : i32 to vector<16x1xi32>
        %gather3A_691 = vector.shape_cast %broadcast_in_dim3A_690 : vector<16x1xi32> to vector<16xi32>
        %gather3A_692 = tpu.dynamic_gather %get3A_618[%gather3A_691] in [0] : vector<16xf32>, vector<16xi32> -> vector<16xf32>
        %bitcast_convert_type3A_693 = tpu.bitcast %get3A_679 : vector<16xi32> -> vector<16xf32>
        %mul3A_694 = arith.mulf %gather3A_692, %bitcast_convert_type3A_693 : vector<16xf32>
        %add3A_695 = arith.addf %mul3A_688, %mul3A_694 : vector<16xf32>
        %get3A_696 = arith.constant 1 : i32
        %get3A_697 = arith.index_cast %get3A_696 : i32 to index
        %get3A_698 = arith.index_cast %add3A_612 : i32 to index
        %get3A_699 = arith.constant 48 : index
        %get3A_700 = tpu.vector_load %arg9[%get3A_697, %get3A_698, %get3A_699] {strides = array<i32>} : memref<2x80x144xi32, #tpu.memory_space<vmem>>, vector<1x1x16xi32>,
        %get3A_701 = vector.shape_cast %get3A_700 : vector<1x1x16xi32> to vector<16xi32>
        %broadcast_in_dim3A_702 = arith.constant 6 : i32
        %broadcast_in_dim3A_703 = vector.broadcast %broadcast_in_dim3A_702 : i32 to vector<16x1xi32>
        %gather3A_704 = vector.shape_cast %broadcast_in_dim3A_703 : vector<16x1xi32> to vector<16xi32>
        %gather3A_705 = tpu.dynamic_gather %get3A_618[%gather3A_704] in [0] : vector<16xf32>, vector<16xi32> -> vector<16xf32>
        %shift_left3A_706 = arith.constant 16 : i32
        %shift_left3A_707 = vector.broadcast %shift_left3A_706 : i32 to vector<16xi32>
        %shift_left3A_708 = arith.shli %get3A_701, %shift_left3A_707 : vector<16xi32>
        %bitcast_convert_type3A_709 = tpu.bitcast %shift_left3A_708 : vector<16xi32> -> vector<16xf32>
        %mul3A_710 = arith.mulf %gather3A_705, %bitcast_convert_type3A_709 : vector<16xf32>
        %broadcast_in_dim3A_711 = arith.constant 7 : i32
        %broadcast_in_dim3A_712 = vector.broadcast %broadcast_in_dim3A_711 : i32 to vector<16x1xi32>
        %gather3A_713 = vector.shape_cast %broadcast_in_dim3A_712 : vector<16x1xi32> to vector<16xi32>
        %gather3A_714 = tpu.dynamic_gather %get3A_618[%gather3A_713] in [0] : vector<16xf32>, vector<16xi32> -> vector<16xf32>
        %bitcast_convert_type3A_715 = tpu.bitcast %get3A_701 : vector<16xi32> -> vector<16xf32>
        %mul3A_716 = arith.mulf %gather3A_714, %bitcast_convert_type3A_715 : vector<16xf32>
        %add3A_717 = arith.addf %mul3A_710, %mul3A_716 : vector<16xf32>
        %get3A_718 = arith.constant 1 : i32
        %get3A_719 = arith.index_cast %get3A_718 : i32 to index
        %get3A_720 = arith.index_cast %add3A_612 : i32 to index
        %get3A_721 = arith.constant 64 : index
        %get3A_722 = tpu.vector_load %arg9[%get3A_719, %get3A_720, %get3A_721] {strides = array<i32>} : memref<2x80x144xi32, #tpu.memory_space<vmem>>, vector<1x1x16xi32>,
        %get3A_723 = vector.shape_cast %get3A_722 : vector<1x1x16xi32> to vector<16xi32>
        %broadcast_in_dim3A_724 = arith.constant 8 : i32
        %broadcast_in_dim3A_725 = vector.broadcast %broadcast_in_dim3A_724 : i32 to vector<16x1xi32>
        %gather3A_726 = vector.shape_cast %broadcast_in_dim3A_725 : vector<16x1xi32> to vector<16xi32>
        %gather3A_727 = tpu.dynamic_gather %get3A_618[%gather3A_726] in [0] : vector<16xf32>, vector<16xi32> -> vector<16xf32>
        %shift_left3A_728 = arith.constant 16 : i32
        %shift_left3A_729 = vector.broadcast %shift_left3A_728 : i32 to vector<16xi32>
        %shift_left3A_730 = arith.shli %get3A_723, %shift_left3A_729 : vector<16xi32>
        %bitcast_convert_type3A_731 = tpu.bitcast %shift_left3A_730 : vector<16xi32> -> vector<16xf32>
        %mul3A_732 = arith.mulf %gather3A_727, %bitcast_convert_type3A_731 : vector<16xf32>
        %broadcast_in_dim3A_733 = arith.constant 9 : i32
        %broadcast_in_dim3A_734 = vector.broadcast %broadcast_in_dim3A_733 : i32 to vector<16x1xi32>
        %gather3A_735 = vector.shape_cast %broadcast_in_dim3A_734 : vector<16x1xi32> to vector<16xi32>
        %gather3A_736 = tpu.dynamic_gather %get3A_618[%gather3A_735] in [0] : vector<16xf32>, vector<16xi32> -> vector<16xf32>
        %bitcast_convert_type3A_737 = tpu.bitcast %get3A_723 : vector<16xi32> -> vector<16xf32>
        %mul3A_738 = arith.mulf %gather3A_736, %bitcast_convert_type3A_737 : vector<16xf32>
        %add3A_739 = arith.addf %mul3A_732, %mul3A_738 : vector<16xf32>
        %add3A_740 = arith.addf %add3A_651, %add3A_739 : vector<16xf32>
        %get3A_741 = arith.constant 1 : i32
        %get3A_742 = arith.index_cast %get3A_741 : i32 to index
        %get3A_743 = arith.index_cast %add3A_612 : i32 to index
        %get3A_744 = arith.constant 80 : index
        %get3A_745 = tpu.vector_load %arg9[%get3A_742, %get3A_743, %get3A_744] {strides = array<i32>} : memref<2x80x144xi32, #tpu.memory_space<vmem>>, vector<1x1x16xi32>,
        %get3A_746 = vector.shape_cast %get3A_745 : vector<1x1x16xi32> to vector<16xi32>
        %broadcast_in_dim3A_747 = arith.constant 10 : i32
        %broadcast_in_dim3A_748 = vector.broadcast %broadcast_in_dim3A_747 : i32 to vector<16x1xi32>
        %gather3A_749 = vector.shape_cast %broadcast_in_dim3A_748 : vector<16x1xi32> to vector<16xi32>
        %gather3A_750 = tpu.dynamic_gather %get3A_618[%gather3A_749] in [0] : vector<16xf32>, vector<16xi32> -> vector<16xf32>
        %shift_left3A_751 = arith.constant 16 : i32
        %shift_left3A_752 = vector.broadcast %shift_left3A_751 : i32 to vector<16xi32>
        %shift_left3A_753 = arith.shli %get3A_746, %shift_left3A_752 : vector<16xi32>
        %bitcast_convert_type3A_754 = tpu.bitcast %shift_left3A_753 : vector<16xi32> -> vector<16xf32>
        %mul3A_755 = arith.mulf %gather3A_750, %bitcast_convert_type3A_754 : vector<16xf32>
        %broadcast_in_dim3A_756 = arith.constant 11 : i32
        %broadcast_in_dim3A_757 = vector.broadcast %broadcast_in_dim3A_756 : i32 to vector<16x1xi32>
        %gather3A_758 = vector.shape_cast %broadcast_in_dim3A_757 : vector<16x1xi32> to vector<16xi32>
        %gather3A_759 = tpu.dynamic_gather %get3A_618[%gather3A_758] in [0] : vector<16xf32>, vector<16xi32> -> vector<16xf32>
        %bitcast_convert_type3A_760 = tpu.bitcast %get3A_746 : vector<16xi32> -> vector<16xf32>
        %mul3A_761 = arith.mulf %gather3A_759, %bitcast_convert_type3A_760 : vector<16xf32>
        %add3A_762 = arith.addf %mul3A_755, %mul3A_761 : vector<16xf32>
        %add3A_763 = arith.addf %add3A_673, %add3A_762 : vector<16xf32>
        %get3A_764 = arith.constant 1 : i32
        %get3A_765 = arith.index_cast %get3A_764 : i32 to index
        %get3A_766 = arith.index_cast %add3A_612 : i32 to index
        %get3A_767 = arith.constant 96 : index
        %get3A_768 = tpu.vector_load %arg9[%get3A_765, %get3A_766, %get3A_767] {strides = array<i32>} : memref<2x80x144xi32, #tpu.memory_space<vmem>>, vector<1x1x16xi32>,
        %get3A_769 = vector.shape_cast %get3A_768 : vector<1x1x16xi32> to vector<16xi32>
        %broadcast_in_dim3A_770 = arith.constant 12 : i32
        %broadcast_in_dim3A_771 = vector.broadcast %broadcast_in_dim3A_770 : i32 to vector<16x1xi32>
        %gather3A_772 = vector.shape_cast %broadcast_in_dim3A_771 : vector<16x1xi32> to vector<16xi32>
        %gather3A_773 = tpu.dynamic_gather %get3A_618[%gather3A_772] in [0] : vector<16xf32>, vector<16xi32> -> vector<16xf32>
        %shift_left3A_774 = arith.constant 16 : i32
        %shift_left3A_775 = vector.broadcast %shift_left3A_774 : i32 to vector<16xi32>
        %shift_left3A_776 = arith.shli %get3A_769, %shift_left3A_775 : vector<16xi32>
        %bitcast_convert_type3A_777 = tpu.bitcast %shift_left3A_776 : vector<16xi32> -> vector<16xf32>
        %mul3A_778 = arith.mulf %gather3A_773, %bitcast_convert_type3A_777 : vector<16xf32>
        %broadcast_in_dim3A_779 = arith.constant 13 : i32
        %broadcast_in_dim3A_780 = vector.broadcast %broadcast_in_dim3A_779 : i32 to vector<16x1xi32>
        %gather3A_781 = vector.shape_cast %broadcast_in_dim3A_780 : vector<16x1xi32> to vector<16xi32>
        %gather3A_782 = tpu.dynamic_gather %get3A_618[%gather3A_781] in [0] : vector<16xf32>, vector<16xi32> -> vector<16xf32>
        %bitcast_convert_type3A_783 = tpu.bitcast %get3A_769 : vector<16xi32> -> vector<16xf32>
        %mul3A_784 = arith.mulf %gather3A_782, %bitcast_convert_type3A_783 : vector<16xf32>
        %add3A_785 = arith.addf %mul3A_778, %mul3A_784 : vector<16xf32>
        %add3A_786 = arith.addf %add3A_695, %add3A_785 : vector<16xf32>
        %get3A_787 = arith.constant 1 : i32
        %get3A_788 = arith.index_cast %get3A_787 : i32 to index
        %get3A_789 = arith.index_cast %add3A_612 : i32 to index
        %get3A_790 = arith.constant 112 : index
        %get3A_791 = tpu.vector_load %arg9[%get3A_788, %get3A_789, %get3A_790] {strides = array<i32>} : memref<2x80x144xi32, #tpu.memory_space<vmem>>, vector<1x1x16xi32>,
        %get3A_792 = vector.shape_cast %get3A_791 : vector<1x1x16xi32> to vector<16xi32>
        %broadcast_in_dim3A_793 = arith.constant 14 : i32
        %broadcast_in_dim3A_794 = vector.broadcast %broadcast_in_dim3A_793 : i32 to vector<16x1xi32>
        %gather3A_795 = vector.shape_cast %broadcast_in_dim3A_794 : vector<16x1xi32> to vector<16xi32>
        %gather3A_796 = tpu.dynamic_gather %get3A_618[%gather3A_795] in [0] : vector<16xf32>, vector<16xi32> -> vector<16xf32>
        %shift_left3A_797 = arith.constant 16 : i32
        %shift_left3A_798 = vector.broadcast %shift_left3A_797 : i32 to vector<16xi32>
        %shift_left3A_799 = arith.shli %get3A_792, %shift_left3A_798 : vector<16xi32>
        %bitcast_convert_type3A_800 = tpu.bitcast %shift_left3A_799 : vector<16xi32> -> vector<16xf32>
        %mul3A_801 = arith.mulf %gather3A_796, %bitcast_convert_type3A_800 : vector<16xf32>
        %broadcast_in_dim3A_802 = arith.constant 15 : i32
        %broadcast_in_dim3A_803 = vector.broadcast %broadcast_in_dim3A_802 : i32 to vector<16x1xi32>
        %gather3A_804 = vector.shape_cast %broadcast_in_dim3A_803 : vector<16x1xi32> to vector<16xi32>
        %gather3A_805 = tpu.dynamic_gather %get3A_618[%gather3A_804] in [0] : vector<16xf32>, vector<16xi32> -> vector<16xf32>
        %bitcast_convert_type3A_806 = tpu.bitcast %get3A_792 : vector<16xi32> -> vector<16xf32>
        %mul3A_807 = arith.mulf %gather3A_805, %bitcast_convert_type3A_806 : vector<16xf32>
        %add3A_808 = arith.addf %mul3A_801, %mul3A_807 : vector<16xf32>
        %add3A_809 = arith.addf %add3A_717, %add3A_808 : vector<16xf32>
        %add3A_810 = arith.addf %add3A_740, %add3A_763 : vector<16xf32>
        %add3A_811 = arith.addf %add3A_786, %add3A_809 : vector<16xf32>
        %add3A_812 = arith.addf %add3A_810, %add3A_811 : vector<16xf32>
        %swap3A_813 = arith.index_cast %add3A_612 : i32 to index
        %swap3A_814 = arith.constant 0 : index
        %swap3A_815 = tpu.vector_load %arg10[%swap3A_813, %swap3A_814] {strides = array<i32>} : memref<80x16xf32, #tpu.memory_space<vmem>>, vector<1x16xf32>,
        %swap3A_816 = vector.shape_cast %swap3A_815 : vector<1x16xf32> to vector<16xf32>
        %swap3A_817 = vector.shape_cast %add3A_812 : vector<16xf32> to vector<1x16xf32>
        tpu.vector_store %arg10[%swap3A_813, %swap3A_814], %swap3A_817 {strides = array<i32>} : memref<80x16xf32, #tpu.memory_space<vmem>>, vector<1x16xf32>,
      }
      %scan3A_397 = arith.constant 40 : i32
      %run_scoped3A_398 = arith.constant 1 : i32
      %run_scoped3A_399 = arith.constant 1 : i32
      "tpu.region"() ({
        %run_scoped3A_407 = tpu.sem_alloc : memref<!tpu.dma_semaphore, #tpu.memory_space<semaphore_mem>>
        %dma_start3A_408 = arith.constant 0 : i32
        %dma_start3A_409 = tpu.memref_slice %arg7[%run_scoped3A_398, %run_scoped3A_399, %dma_start3A_408] : memref<2x2x80xi32, #tpu.memory_space<vmem>> -> memref<1x1x80xi32, #tpu.memory_space<vmem>>
        %dma_start3A_410 = tpu.memref_squeeze %dma_start3A_409 : memref<1x1x80xi32, #tpu.memory_space<vmem>> -> memref<80xi32, #tpu.memory_space<vmem>>
        %dma_start3A_411 = arith.constant 0 : i32
        %dma_start3A_412 = arith.constant 0 : i32
        %dma_start3A_413 = tpu.memref_slice %arg12[%dma_start3A_411, %dma_start3A_412] : memref<10112x16xf32, #tpu.memory_space<vmem_shared>> -> memref<10112x16xf32, #tpu.memory_space<vmem_shared>>
        tpu.enqueue_indirect_dma source(%arg10 : memref<80x16xf32, #tpu.memory_space<vmem>>) target(%dma_start3A_413 : memref<10112x16xf32, #tpu.memory_space<vmem_shared>>) offsets(%dma_start3A_410 : memref<80xi32, #tpu.memory_space<vmem>>) semaphore(%run_scoped3A_407 : memref<!tpu.dma_semaphore, #tpu.memory_space<semaphore_mem>>) {add = true}
        %dma_wait3A_414 = arith.constant 0 : i32
        %dma_wait3A_415 = tpu.memref_slice %arg7[%run_scoped3A_398, %run_scoped3A_399, %dma_wait3A_414] : memref<2x2x80xi32, #tpu.memory_space<vmem>> -> memref<1x1x80xi32, #tpu.memory_space<vmem>>
        %dma_wait3A_416 = tpu.memref_squeeze %dma_wait3A_415 : memref<1x1x80xi32, #tpu.memory_space<vmem>> -> memref<80xi32, #tpu.memory_space<vmem>>
        %dma_wait3A_417 = arith.constant 0 : i32
        %dma_wait3A_418 = arith.constant 0 : i32
        %dma_wait3A_419 = tpu.memref_slice %arg12[%dma_wait3A_417, %dma_wait3A_418] : memref<10112x16xf32, #tpu.memory_space<vmem_shared>> -> memref<10112x16xf32, #tpu.memory_space<vmem_shared>>
        tpu.wait_indirect_dma semaphore(%run_scoped3A_407 : memref<!tpu.dma_semaphore, #tpu.memory_space<semaphore_mem>>) src(%arg10 : memref<80x16xf32, #tpu.memory_space<vmem>>) dst(%dma_wait3A_419 : memref<10112x16xf32, #tpu.memory_space<vmem_shared>>)
        tpu.yield
      }) : () -> ()
      %add3A_400 = arith.constant 2 : i32
      %add3A_401 = arith.addi %add3A_293, %add3A_400 : i32
      %lt3A_402 = arith.constant 128 : i32
      %lt3A_403 = arith.cmpi slt, %add3A_401, %lt3A_402 : i32
      %convert_element_type3A_404 = arith.extui %lt3A_403 : i1 to i32
      %cond3A_405 = arith.constant 0 : i32
      %cond3A_406 = arith.cmpi ne, %convert_element_type3A_404, %cond3A_405 : i32
      scf.if %cond3A_406 {
        %add3A_407 = arith.constant 2 : i32
        %add3A_408 = arith.addi %add3A_293, %add3A_407 : i32
        %mul3A_409 = arith.constant 128 : i32
        %mul3A_410 = arith.muli %add3A, %mul3A_409 : i32
        %add3A_411 = arith.addi %mul3A_410, %add3A_408 : i32
        %mul3A_412 = arith.constant 80 : i32
        %mul3A_413 = arith.muli %add3A_411, %mul3A_412 : i32
        %dma_start3A_414 = arith.constant 1 : i32
        %dma_start3A_415 = arith.constant 1 : i32
        %dma_start3A_416 = arith.constant 0 : i32
        %dma_start3A_417 = arith.constant 0 : i32
        %dma_start3A_418 = tpu.memref_slice %arg7[%dma_start3A_414, %dma_start3A_416, %dma_start3A_417] : memref<2x2x80xi32, #tpu.memory_space<vmem>> -> memref<1x2x80xi32, #tpu.memory_space<vmem>>
        %dma_start3A_419 = tpu.memref_squeeze %dma_start3A_418 : memref<1x2x80xi32, #tpu.memory_space<vmem>> -> memref<2x80xi32, #tpu.memory_space<vmem>>
        %dma_start3A_420 = arith.constant 0 : i32
        %dma_start3A_421 = tpu.memref_slice %arg3[%dma_start3A_420, %mul3A_413] : memref<2x327680xi32, #tpu.memory_space<hbm>> -> memref<2x80xi32, #tpu.memory_space<hbm>>
        %dma_start3A_422 = tpu.memref_slice %arg15[%dma_start3A_415] : memref<2x!tpu.dma_semaphore, #tpu.memory_space<semaphore_mem>> -> memref<1x!tpu.dma_semaphore, #tpu.memory_space<semaphore_mem>>
        %dma_start3A_423 = tpu.memref_squeeze %dma_start3A_422 : memref<1x!tpu.dma_semaphore, #tpu.memory_space<semaphore_mem>> -> memref<!tpu.dma_semaphore, #tpu.memory_space<semaphore_mem>>
        %dma_start3A_424 = arith.constant 0 : i32
        %dma_start3A_425 = arith.constant 0 : i32
        %dma_start3A_426 = tpu.memref_slice %arg7[%dma_start3A_414, %dma_start3A_424, %dma_start3A_425] : memref<2x2x80xi32, #tpu.memory_space<vmem>> -> memref<1x2x80xi32, #tpu.memory_space<vmem>>
        %dma_start3A_427 = tpu.memref_squeeze %dma_start3A_426 : memref<1x2x80xi32, #tpu.memory_space<vmem>> -> memref<2x80xi32, #tpu.memory_space<vmem>>
        %dma_start3A_428 = arith.constant 0 : i32
        %dma_start3A_429 = tpu.memref_slice %arg3[%dma_start3A_428, %mul3A_413] : memref<2x327680xi32, #tpu.memory_space<hbm>> -> memref<2x80xi32, #tpu.memory_space<hbm>>
        tpu.enqueue_dma source(%dma_start3A_429 : memref<2x80xi32, #tpu.memory_space<hbm>>) target(%dma_start3A_427 : memref<2x80xi32, #tpu.memory_space<vmem>>) target_semaphore(%dma_start3A_423 : memref<!tpu.dma_semaphore, #tpu.memory_space<semaphore_mem>>)
      } else {
      }
    }
    %scan3A_168 = arith.constant 64 : i32
    %barrier3A_169 = arith.constant 0 : index
    tpu.barrier barrier_id(%barrier3A_169)
    %mul3A_170 = arith.constant 632 : i32
    %mul3A_171 = arith.muli %arg1, %mul3A_170 : i32
    %mul3A_172 = arith.constant 632 : i32
    %mul3A_173 = arith.muli %arg1, %mul3A_172 : i32
    "tpu.region"() ({
      %run_scoped3A = tpu.sem_alloc : memref<!tpu.dma_semaphore, #tpu.memory_space<semaphore_mem>>
      %dma_start3A_174 = arith.constant 0 : i32
      %dma_start3A_175 = tpu.memref_slice %arg6[%arg0, %mul3A_173, %dma_start3A_174] : memref<2x10112x16xf32, #tpu.memory_space<hbm>> -> memref<1x632x16xf32, #tpu.memory_space<hbm>>
      %dma_start3A_176 = tpu.memref_squeeze %dma_start3A_175 : memref<1x632x16xf32, #tpu.memory_space<hbm>> -> memref<632x16xf32, #tpu.memory_space<hbm>>
      %dma_start3A_177 = arith.constant 0 : i32
      %dma_start3A_178 = tpu.memref_slice %arg12[%mul3A_171, %dma_start3A_177] : memref<10112x16xf32, #tpu.memory_space<vmem_shared>> -> memref<632x16xf32, #tpu.memory_space<vmem_shared>>
      tpu.enqueue_dma source(%dma_start3A_178 : memref<632x16xf32, #tpu.memory_space<vmem_shared>>) target(%dma_start3A_176 : memref<632x16xf32, #tpu.memory_space<hbm>>) target_semaphore(%run_scoped3A : memref<!tpu.dma_semaphore, #tpu.memory_space<semaphore_mem>>)
      %dma_wait3A_179 = arith.constant 0 : i32
      %dma_wait3A_180 = tpu.memref_slice %arg6[%arg0, %mul3A_173, %dma_wait3A_179] : memref<2x10112x16xf32, #tpu.memory_space<hbm>> -> memref<1x632x16xf32, #tpu.memory_space<hbm>>
      %dma_wait3A_181 = tpu.memref_squeeze %dma_wait3A_180 : memref<1x632x16xf32, #tpu.memory_space<hbm>> -> memref<632x16xf32, #tpu.memory_space<hbm>>
      %dma_wait3A_182 = arith.constant 0 : i32
      %dma_wait3A_183 = tpu.memref_slice %arg12[%mul3A_171, %dma_wait3A_182] : memref<10112x16xf32, #tpu.memory_space<vmem_shared>> -> memref<632x16xf32, #tpu.memory_space<vmem_shared>>
      tpu.wait_dma2 semaphore(%run_scoped3A : memref<!tpu.dma_semaphore, #tpu.memory_space<semaphore_mem>>) src(%dma_wait3A_183 : memref<632x16xf32, #tpu.memory_space<vmem_shared>>) dst(%dma_wait3A_181 : memref<632x16xf32, #tpu.memory_space<hbm>>)
      tpu.yield
    }) : () -> ()
    return
  }
}

#map = affine_map<(d0, d1) -> (0, 0)>
#map1 = affine_map<(d0, d1) -> (0, 0, 0)>
module attributes {stable_mosaic.version = 14 : i64} {
  func.func @_edge_pass(%arg0: i32, %arg1: i32, %arg2: memref<10000x144xi32, #tpu.memory_space<hbm>>, %arg3: memref<2x327680xi32, #tpu.memory_space<hbm>>, %arg4: memref<320000x16xf32, #tpu.memory_space<hbm>>, %arg5: memref<632x16xf32, #tpu.memory_space<hbm>>, %arg6: memref<2x10112x16xf32, #tpu.memory_space<hbm>>, %arg7: memref<2x2x80xi32, #tpu.memory_space<vmem>>, %arg8: memref<2x80x16xf32, #tpu.memory_space<vmem>>, %arg9: memref<2x80x144xi32, #tpu.memory_space<vmem>>, %arg10: memref<80x16xf32, #tpu.memory_space<vmem>>, %arg11: memref<10000x144xi32, #tpu.memory_space<vmem_shared>>, %arg12: memref<10112x16xf32, #tpu.memory_space<vmem_shared>>, %arg13: memref<2x4x!tpu.dma_semaphore, #tpu.memory_space<semaphore_mem>>, %arg14: memref<2x!tpu.dma_semaphore, #tpu.memory_space<semaphore_mem>>, %arg15: memref<2x!tpu.dma_semaphore, #tpu.memory_space<semaphore_mem>>) attributes {dimension_semantics = [#tpu.dimension_semantics<core_parallel>, #tpu.dimension_semantics<subcore_parallel>], iteration_bounds = array<i64: 2, 16>, scalar_prefetch = 0 : i64, scratch_operands = 9 : i64, tpu.core_type = #tpu.core_type<sc_vector_subcore>, window_params = [{transform_indices = #map}, {transform_indices = #map}, {transform_indices = #map}, {transform_indices = #map}, {transform_indices = #map1}]} {
    %mul3A = arith.constant 2 : i32
    %mul3A_0 = arith.muli %arg1, %mul3A : i32
    %add3A = arith.addi %mul3A_0, %arg0 : i32
    %mul3A_1 = arith.constant 632 : i32
    %mul3A_2 = arith.muli %arg1, %mul3A_1 : i32
    "tpu.region"() ({
      %run_scoped3A = tpu.sem_alloc : memref<!tpu.dma_semaphore, #tpu.memory_space<semaphore_mem>>
      %dma_start3A_174 = arith.constant 0 : i32
      %dma_start3A_175 = tpu.memref_slice %arg12[%mul3A_2, %dma_start3A_174] : memref<10112x16xf32, #tpu.memory_space<vmem_shared>> -> memref<632x16xf32, #tpu.memory_space<vmem_shared>>
      tpu.enqueue_dma source(%arg5 : memref<632x16xf32, #tpu.memory_space<hbm>>) target(%dma_start3A_175 : memref<632x16xf32, #tpu.memory_space<vmem_shared>>) target_semaphore(%run_scoped3A : memref<!tpu.dma_semaphore, #tpu.memory_space<semaphore_mem>>)
      %dma_wait3A_176 = arith.constant 0 : i32
      %dma_wait3A_177 = tpu.memref_slice %arg12[%mul3A_2, %dma_wait3A_176] : memref<10112x16xf32, #tpu.memory_space<vmem_shared>> -> memref<632x16xf32, #tpu.memory_space<vmem_shared>>
      tpu.wait_dma2 semaphore(%run_scoped3A : memref<!tpu.dma_semaphore, #tpu.memory_space<semaphore_mem>>) src(%arg5 : memref<632x16xf32, #tpu.memory_space<hbm>>) dst(%dma_wait3A_177 : memref<632x16xf32, #tpu.memory_space<vmem_shared>>)
      tpu.yield
    }) : () -> ()
    %mul3A_3 = arith.constant 624 : i32
    %mul3A_4 = arith.muli %arg1, %mul3A_3 : i32
    %mul3A_5 = arith.constant 624 : i32
    %mul3A_6 = arith.muli %arg1, %mul3A_5 : i32
    "tpu.region"() ({
      %run_scoped3A = tpu.sem_alloc : memref<!tpu.dma_semaphore, #tpu.memory_space<semaphore_mem>>
      %dma_start3A_174 = arith.constant 0 : i32
      %dma_start3A_175 = tpu.memref_slice %arg11[%mul3A_6, %dma_start3A_174] : memref<10000x144xi32, #tpu.memory_space<vmem_shared>> -> memref<624x144xi32, #tpu.memory_space<vmem_shared>>
      %dma_start3A_176 = arith.constant 0 : i32
      %dma_start3A_177 = tpu.memref_slice %arg2[%mul3A_4, %dma_start3A_176] : memref<10000x144xi32, #tpu.memory_space<hbm>> -> memref<624x144xi32, #tpu.memory_space<hbm>>
      tpu.enqueue_dma source(%dma_start3A_177 : memref<624x144xi32, #tpu.memory_space<hbm>>) target(%dma_start3A_175 : memref<624x144xi32, #tpu.memory_space<vmem_shared>>) target_semaphore(%run_scoped3A : memref<!tpu.dma_semaphore, #tpu.memory_space<semaphore_mem>>)
      %dma_wait3A_178 = arith.constant 0 : i32
      %dma_wait3A_179 = tpu.memref_slice %arg11[%mul3A_6, %dma_wait3A_178] : memref<10000x144xi32, #tpu.memory_space<vmem_shared>> -> memref<624x144xi32, #tpu.memory_space<vmem_shared>>
      %dma_wait3A_180 = arith.constant 0 : i32
      %dma_wait3A_181 = tpu.memref_slice %arg2[%mul3A_4, %dma_wait3A_180] : memref<10000x144xi32, #tpu.memory_space<hbm>> -> memref<624x144xi32, #tpu.memory_space<hbm>>
      tpu.wait_dma2 semaphore(%run_scoped3A : memref<!tpu.dma_semaphore, #tpu.memory_space<semaphore_mem>>) src(%dma_wait3A_181 : memref<624x144xi32, #tpu.memory_space<hbm>>) dst(%dma_wait3A_179 : memref<624x144xi32, #tpu.memory_space<vmem_shared>>)
      tpu.yield
    }) : () -> ()
    %eq3A = arith.constant 0 : i32
    %eq3A_7 = arith.cmpi eq, %arg1, %eq3A : i32
    %convert_element_type3A = arith.extui %eq3A_7 : i1 to i32
    %cond3A = arith.constant 0 : i32
    %cond3A_8 = arith.cmpi ne, %convert_element_type3A, %cond3A : i32
    scf.if %cond3A_8 {
      "tpu.region"() ({
        %run_scoped3A = tpu.sem_alloc : memref<!tpu.dma_semaphore, #tpu.memory_space<semaphore_mem>>
        %dma_start3A_174 = arith.constant 9984 : i32
        %dma_start3A_175 = arith.constant 0 : i32
        %dma_start3A_176 = tpu.memref_slice %arg11[%dma_start3A_174, %dma_start3A_175] : memref<10000x144xi32, #tpu.memory_space<vmem_shared>> -> memref<16x144xi32, #tpu.memory_space<vmem_shared>>
        %dma_start3A_177 = arith.constant 9984 : i32
        %dma_start3A_178 = arith.constant 0 : i32
        %dma_start3A_179 = tpu.memref_slice %arg2[%dma_start3A_177, %dma_start3A_178] : memref<10000x144xi32, #tpu.memory_space<hbm>> -> memref<16x144xi32, #tpu.memory_space<hbm>>
        tpu.enqueue_dma source(%dma_start3A_179 : memref<16x144xi32, #tpu.memory_space<hbm>>) target(%dma_start3A_176 : memref<16x144xi32, #tpu.memory_space<vmem_shared>>) target_semaphore(%run_scoped3A : memref<!tpu.dma_semaphore, #tpu.memory_space<semaphore_mem>>)
        %dma_wait3A_180 = arith.constant 9984 : i32
        %dma_wait3A_181 = arith.constant 0 : i32
        %dma_wait3A_182 = tpu.memref_slice %arg11[%dma_wait3A_180, %dma_wait3A_181] : memref<10000x144xi32, #tpu.memory_space<vmem_shared>> -> memref<16x144xi32, #tpu.memory_space<vmem_shared>>
        %dma_wait3A_183 = arith.constant 9984 : i32
        %dma_wait3A_184 = arith.constant 0 : i32
        %dma_wait3A_185 = tpu.memref_slice %arg2[%dma_wait3A_183, %dma_wait3A_184] : memref<10000x144xi32, #tpu.memory_space<hbm>> -> memref<16x144xi32, #tpu.memory_space<hbm>>
        tpu.wait_dma2 semaphore(%run_scoped3A : memref<!tpu.dma_semaphore, #tpu.memory_space<semaphore_mem>>) src(%dma_wait3A_185 : memref<16x144xi32, #tpu.memory_space<hbm>>) dst(%dma_wait3A_182 : memref<16x144xi32, #tpu.memory_space<vmem_shared>>)
        tpu.yield
      }) : () -> ()
    } else {
    }
    %barrier3A = arith.constant 0 : index
    tpu.barrier barrier_id(%barrier3A)
    %mul3A_9 = arith.constant 128 : i32
    %mul3A_10 = arith.muli %add3A, %mul3A_9 : i32
    %add3A_11 = arith.constant 0 : i32
    %add3A_12 = arith.addi %mul3A_10, %add3A_11 : i32
    %mul3A_13 = arith.constant 80 : i32
    %mul3A_14 = arith.muli %add3A_12, %mul3A_13 : i32
    %dma_start3A = arith.constant 0 : i32
    %dma_start3A_15 = arith.constant 0 : i32
    %dma_start3A_16 = arith.constant 0 : i32
    %dma_start3A_17 = arith.constant 0 : i32
    %dma_start3A_18 = tpu.memref_slice %arg7[%dma_start3A, %dma_start3A_16, %dma_start3A_17] : memref<2x2x80xi32, #tpu.memory_space<vmem>> -> memref<1x2x80xi32, #tpu.memory_space<vmem>>
    %dma_start3A_19 = tpu.memref_squeeze %dma_start3A_18 : memref<1x2x80xi32, #tpu.memory_space<vmem>> -> memref<2x80xi32, #tpu.memory_space<vmem>>
    %dma_start3A_20 = arith.constant 0 : i32
    %dma_start3A_21 = tpu.memref_slice %arg3[%dma_start3A_20, %mul3A_14] : memref<2x327680xi32, #tpu.memory_space<hbm>> -> memref<2x80xi32, #tpu.memory_space<hbm>>
    %dma_start3A_22 = tpu.memref_slice %arg15[%dma_start3A_15] : memref<2x!tpu.dma_semaphore, #tpu.memory_space<semaphore_mem>> -> memref<1x!tpu.dma_semaphore, #tpu.memory_space<semaphore_mem>>
    %dma_start3A_23 = tpu.memref_squeeze %dma_start3A_22 : memref<1x!tpu.dma_semaphore, #tpu.memory_space<semaphore_mem>> -> memref<!tpu.dma_semaphore, #tpu.memory_space<semaphore_mem>>
    %dma_start3A_24 = arith.constant 0 : i32
    %dma_start3A_25 = arith.constant 0 : i32
    %dma_start3A_26 = tpu.memref_slice %arg7[%dma_start3A, %dma_start3A_24, %dma_start3A_25] : memref<2x2x80xi32, #tpu.memory_space<vmem>> -> memref<1x2x80xi32, #tpu.memory_space<vmem>>
    %dma_start3A_27 = tpu.memref_squeeze %dma_start3A_26 : memref<1x2x80xi32, #tpu.memory_space<vmem>> -> memref<2x80xi32, #tpu.memory_space<vmem>>
    %dma_start3A_28 = arith.constant 0 : i32
    %dma_start3A_29 = tpu.memref_slice %arg3[%dma_start3A_28, %mul3A_14] : memref<2x327680xi32, #tpu.memory_space<hbm>> -> memref<2x80xi32, #tpu.memory_space<hbm>>
    tpu.enqueue_dma source(%dma_start3A_29 : memref<2x80xi32, #tpu.memory_space<hbm>>) target(%dma_start3A_27 : memref<2x80xi32, #tpu.memory_space<vmem>>) target_semaphore(%dma_start3A_23 : memref<!tpu.dma_semaphore, #tpu.memory_space<semaphore_mem>>)
    %mul3A_30 = arith.constant 128 : i32
    %mul3A_31 = arith.muli %add3A, %mul3A_30 : i32
    %add3A_32 = arith.constant 0 : i32
    %add3A_33 = arith.addi %mul3A_31, %add3A_32 : i32
    %mul3A_34 = arith.constant 80 : i32
    %mul3A_35 = arith.muli %add3A_33, %mul3A_34 : i32
    %dma_wait3A = arith.constant 0 : i32
    %dma_wait3A_36 = arith.constant 0 : i32
    %dma_wait3A_37 = arith.constant 0 : i32
    %dma_wait3A_38 = arith.constant 0 : i32
    %dma_wait3A_39 = tpu.memref_slice %arg7[%dma_wait3A, %dma_wait3A_37, %dma_wait3A_38] : memref<2x2x80xi32, #tpu.memory_space<vmem>> -> memref<1x2x80xi32, #tpu.memory_space<vmem>>
    %dma_wait3A_40 = tpu.memref_squeeze %dma_wait3A_39 : memref<1x2x80xi32, #tpu.memory_space<vmem>> -> memref<2x80xi32, #tpu.memory_space<vmem>>
    %dma_wait3A_41 = arith.constant 0 : i32
    %dma_wait3A_42 = tpu.memref_slice %arg3[%dma_wait3A_41, %mul3A_35] : memref<2x327680xi32, #tpu.memory_space<hbm>> -> memref<2x80xi32, #tpu.memory_space<hbm>>
    %dma_wait3A_43 = tpu.memref_slice %arg15[%dma_wait3A_36] : memref<2x!tpu.dma_semaphore, #tpu.memory_space<semaphore_mem>> -> memref<1x!tpu.dma_semaphore, #tpu.memory_space<semaphore_mem>>
    %dma_wait3A_44 = tpu.memref_squeeze %dma_wait3A_43 : memref<1x!tpu.dma_semaphore, #tpu.memory_space<semaphore_mem>> -> memref<!tpu.dma_semaphore, #tpu.memory_space<semaphore_mem>>
    %dma_wait3A_45 = arith.constant 0 : i32
    %dma_wait3A_46 = arith.constant 0 : i32
    %dma_wait3A_47 = tpu.memref_slice %arg7[%dma_wait3A, %dma_wait3A_45, %dma_wait3A_46] : memref<2x2x80xi32, #tpu.memory_space<vmem>> -> memref<1x2x80xi32, #tpu.memory_space<vmem>>
    %dma_wait3A_48 = tpu.memref_squeeze %dma_wait3A_47 : memref<1x2x80xi32, #tpu.memory_space<vmem>> -> memref<2x80xi32, #tpu.memory_space<vmem>>
    %dma_wait3A_49 = arith.constant 0 : i32
    %dma_wait3A_50 = tpu.memref_slice %arg3[%dma_wait3A_49, %mul3A_35] : memref<2x327680xi32, #tpu.memory_space<hbm>> -> memref<2x80xi32, #tpu.memory_space<hbm>>
    tpu.wait_dma2 semaphore(%dma_wait3A_44 : memref<!tpu.dma_semaphore, #tpu.memory_space<semaphore_mem>>) src(%dma_wait3A_50 : memref<2x80xi32, #tpu.memory_space<hbm>>) dst(%dma_wait3A_48 : memref<2x80xi32, #tpu.memory_space<vmem>>)
    %mul3A_51 = arith.constant 128 : i32
    %mul3A_52 = arith.muli %add3A, %mul3A_51 : i32
    %add3A_53 = arith.constant 0 : i32
    %add3A_54 = arith.addi %mul3A_52, %add3A_53 : i32
    %mul3A_55 = arith.constant 80 : i32
    %mul3A_56 = arith.muli %add3A_54, %mul3A_55 : i32
    %min3A = arith.constant 319920 : i32
    %min3A_57 = arith.minsi %mul3A_56, %min3A : i32
    %dma_start3A_58 = arith.constant 0 : i32
    %dma_start3A_59 = arith.constant 0 : i32
    %dma_start3A_60 = arith.constant 0 : i32
    %dma_start3A_61 = arith.constant 0 : i32
    %dma_start3A_62 = tpu.memref_slice %arg8[%dma_start3A_58, %dma_start3A_60, %dma_start3A_61] : memref<2x80x16xf32, #tpu.memory_space<vmem>> -> memref<1x80x16xf32, #tpu.memory_space<vmem>>
    %dma_start3A_63 = tpu.memref_squeeze %dma_start3A_62 : memref<1x80x16xf32, #tpu.memory_space<vmem>> -> memref<80x16xf32, #tpu.memory_space<vmem>>
    %dma_start3A_64 = arith.constant 0 : i32
    %dma_start3A_65 = tpu.memref_slice %arg4[%min3A_57, %dma_start3A_64] : memref<320000x16xf32, #tpu.memory_space<hbm>> -> memref<80x16xf32, #tpu.memory_space<hbm>>
    %dma_start3A_66 = tpu.memref_slice %arg14[%dma_start3A_59] : memref<2x!tpu.dma_semaphore, #tpu.memory_space<semaphore_mem>> -> memref<1x!tpu.dma_semaphore, #tpu.memory_space<semaphore_mem>>
    %dma_start3A_67 = tpu.memref_squeeze %dma_start3A_66 : memref<1x!tpu.dma_semaphore, #tpu.memory_space<semaphore_mem>> -> memref<!tpu.dma_semaphore, #tpu.memory_space<semaphore_mem>>
    %dma_start3A_68 = arith.constant 0 : i32
    %dma_start3A_69 = arith.constant 0 : i32
    %dma_start3A_70 = tpu.memref_slice %arg8[%dma_start3A_58, %dma_start3A_68, %dma_start3A_69] : memref<2x80x16xf32, #tpu.memory_space<vmem>> -> memref<1x80x16xf32, #tpu.memory_space<vmem>>
    %dma_start3A_71 = tpu.memref_squeeze %dma_start3A_70 : memref<1x80x16xf32, #tpu.memory_space<vmem>> -> memref<80x16xf32, #tpu.memory_space<vmem>>
    %dma_start3A_72 = arith.constant 0 : i32
    %dma_start3A_73 = tpu.memref_slice %arg4[%min3A_57, %dma_start3A_72] : memref<320000x16xf32, #tpu.memory_space<hbm>> -> memref<80x16xf32, #tpu.memory_space<hbm>>
    tpu.enqueue_dma source(%dma_start3A_73 : memref<80x16xf32, #tpu.memory_space<hbm>>) target(%dma_start3A_71 : memref<80x16xf32, #tpu.memory_space<vmem>>) target_semaphore(%dma_start3A_67 : memref<!tpu.dma_semaphore, #tpu.memory_space<semaphore_mem>>)
    %dma_start3A_74 = arith.constant 0 : i32
    %dma_start3A_75 = arith.constant 0 : i32
    %dma_start3A_76 = arith.constant 0 : i32
    %dma_start3A_77 = arith.constant 0 : i32
    %dma_start3A_78 = arith.constant 0 : i32
    %dma_start3A_79 = arith.constant 0 : i32
    %dma_start3A_80 = arith.constant 0 : i32
    %dma_start3A_81 = tpu.memref_slice %arg9[%dma_start3A_76, %dma_start3A_79, %dma_start3A_80] : memref<2x80x144xi32, #tpu.memory_space<vmem>> -> memref<1x24x144xi32, #tpu.memory_space<vmem>>
    %dma_start3A_82 = tpu.memref_squeeze %dma_start3A_81 : memref<1x24x144xi32, #tpu.memory_space<vmem>> -> memref<24x144xi32, #tpu.memory_space<vmem>>
    %dma_start3A_83 = arith.constant 0 : i32
    %dma_start3A_84 = tpu.memref_slice %arg7[%dma_start3A_74, %dma_start3A_75, %dma_start3A_83] : memref<2x2x80xi32, #tpu.memory_space<vmem>> -> memref<1x1x24xi32, #tpu.memory_space<vmem>>
    %dma_start3A_85 = tpu.memref_squeeze %dma_start3A_84 : memref<1x1x24xi32, #tpu.memory_space<vmem>> -> memref<24xi32, #tpu.memory_space<vmem>>
    %dma_start3A_86 = arith.constant 0 : i32
    %dma_start3A_87 = arith.constant 0 : i32
    %dma_start3A_88 = tpu.memref_slice %arg11[%dma_start3A_86, %dma_start3A_87] : memref<10000x144xi32, #tpu.memory_space<vmem_shared>> -> memref<10000x144xi32, #tpu.memory_space<vmem_shared>>
    %dma_start3A_89 = tpu.memref_slice %arg13[%dma_start3A_77, %dma_start3A_78] : memref<2x4x!tpu.dma_semaphore, #tpu.memory_space<semaphore_mem>> -> memref<1x1x!tpu.dma_semaphore, #tpu.memory_space<semaphore_mem>>
    %dma_start3A_90 = tpu.memref_squeeze %dma_start3A_89 : memref<1x1x!tpu.dma_semaphore, #tpu.memory_space<semaphore_mem>> -> memref<!tpu.dma_semaphore, #tpu.memory_space<semaphore_mem>>
    tpu.enqueue_indirect_dma source(%dma_start3A_88 : memref<10000x144xi32, #tpu.memory_space<vmem_shared>>) target(%dma_start3A_82 : memref<24x144xi32, #tpu.memory_space<vmem>>) offsets(%dma_start3A_85 : memref<24xi32, #tpu.memory_space<vmem>>) semaphore(%dma_start3A_90 : memref<!tpu.dma_semaphore, #tpu.memory_space<semaphore_mem>>)
    %dma_start3A_91 = arith.constant 0 : i32
    %dma_start3A_92 = arith.constant 0 : i32
    %dma_start3A_93 = arith.constant 0 : i32
    %dma_start3A_94 = arith.constant 0 : i32
    %dma_start3A_95 = arith.constant 1 : i32
    %dma_start3A_96 = arith.constant 24 : i32
    %dma_start3A_97 = arith.constant 0 : i32
    %dma_start3A_98 = tpu.memref_slice %arg9[%dma_start3A_93, %dma_start3A_96, %dma_start3A_97] : memref<2x80x144xi32, #tpu.memory_space<vmem>> -> memref<1x24x144xi32, #tpu.memory_space<vmem>>
    %dma_start3A_99 = tpu.memref_squeeze %dma_start3A_98 : memref<1x24x144xi32, #tpu.memory_space<vmem>> -> memref<24x144xi32, #tpu.memory_space<vmem>>
    %dma_start3A_100 = arith.constant 24 : i32
    %dma_start3A_101 = tpu.memref_slice %arg7[%dma_start3A_91, %dma_start3A_92, %dma_start3A_100] : memref<2x2x80xi32, #tpu.memory_space<vmem>> -> memref<1x1x24xi32, #tpu.memory_space<vmem>>
    %dma_start3A_102 = tpu.memref_squeeze %dma_start3A_101 : memref<1x1x24xi32, #tpu.memory_space<vmem>> -> memref<24xi32, #tpu.memory_space<vmem>>
    %dma_start3A_103 = arith.constant 0 : i32
    %dma_start3A_104 = arith.constant 0 : i32
    %dma_start3A_105 = tpu.memref_slice %arg11[%dma_start3A_103, %dma_start3A_104] : memref<10000x144xi32, #tpu.memory_space<vmem_shared>> -> memref<10000x144xi32, #tpu.memory_space<vmem_shared>>
    %dma_start3A_106 = tpu.memref_slice %arg13[%dma_start3A_94, %dma_start3A_95] : memref<2x4x!tpu.dma_semaphore, #tpu.memory_space<semaphore_mem>> -> memref<1x1x!tpu.dma_semaphore, #tpu.memory_space<semaphore_mem>>
    %dma_start3A_107 = tpu.memref_squeeze %dma_start3A_106 : memref<1x1x!tpu.dma_semaphore, #tpu.memory_space<semaphore_mem>> -> memref<!tpu.dma_semaphore, #tpu.memory_space<semaphore_mem>>
    tpu.enqueue_indirect_dma source(%dma_start3A_105 : memref<10000x144xi32, #tpu.memory_space<vmem_shared>>) target(%dma_start3A_99 : memref<24x144xi32, #tpu.memory_space<vmem>>) offsets(%dma_start3A_102 : memref<24xi32, #tpu.memory_space<vmem>>) semaphore(%dma_start3A_107 : memref<!tpu.dma_semaphore, #tpu.memory_space<semaphore_mem>>)
    %dma_start3A_108 = arith.constant 0 : i32
    %dma_start3A_109 = arith.constant 0 : i32
    %dma_start3A_110 = arith.constant 0 : i32
    %dma_start3A_111 = arith.constant 0 : i32
    %dma_start3A_112 = arith.constant 2 : i32
    %dma_start3A_113 = arith.constant 48 : i32
    %dma_start3A_114 = arith.constant 0 : i32
    %dma_start3A_115 = tpu.memref_slice %arg9[%dma_start3A_110, %dma_start3A_113, %dma_start3A_114] : memref<2x80x144xi32, #tpu.memory_space<vmem>> -> memref<1x16x144xi32, #tpu.memory_space<vmem>>
    %dma_start3A_116 = tpu.memref_squeeze %dma_start3A_115 : memref<1x16x144xi32, #tpu.memory_space<vmem>> -> memref<16x144xi32, #tpu.memory_space<vmem>>
    %dma_start3A_117 = arith.constant 48 : i32
    %dma_start3A_118 = tpu.memref_slice %arg7[%dma_start3A_108, %dma_start3A_109, %dma_start3A_117] : memref<2x2x80xi32, #tpu.memory_space<vmem>> -> memref<1x1x16xi32, #tpu.memory_space<vmem>>
    %dma_start3A_119 = tpu.memref_squeeze %dma_start3A_118 : memref<1x1x16xi32, #tpu.memory_space<vmem>> -> memref<16xi32, #tpu.memory_space<vmem>>
    %dma_start3A_120 = arith.constant 0 : i32
    %dma_start3A_121 = arith.constant 0 : i32
    %dma_start3A_122 = tpu.memref_slice %arg11[%dma_start3A_120, %dma_start3A_121] : memref<10000x144xi32, #tpu.memory_space<vmem_shared>> -> memref<10000x144xi32, #tpu.memory_space<vmem_shared>>
    %dma_start3A_123 = tpu.memref_slice %arg13[%dma_start3A_111, %dma_start3A_112] : memref<2x4x!tpu.dma_semaphore, #tpu.memory_space<semaphore_mem>> -> memref<1x1x!tpu.dma_semaphore, #tpu.memory_space<semaphore_mem>>
    %dma_start3A_124 = tpu.memref_squeeze %dma_start3A_123 : memref<1x1x!tpu.dma_semaphore, #tpu.memory_space<semaphore_mem>> -> memref<!tpu.dma_semaphore, #tpu.memory_space<semaphore_mem>>
    tpu.enqueue_indirect_dma source(%dma_start3A_122 : memref<10000x144xi32, #tpu.memory_space<vmem_shared>>) target(%dma_start3A_116 : memref<16x144xi32, #tpu.memory_space<vmem>>) offsets(%dma_start3A_119 : memref<16xi32, #tpu.memory_space<vmem>>) semaphore(%dma_start3A_124 : memref<!tpu.dma_semaphore, #tpu.memory_space<semaphore_mem>>)
    %dma_start3A_125 = arith.constant 0 : i32
    %dma_start3A_126 = arith.constant 0 : i32
    %dma_start3A_127 = arith.constant 0 : i32
    %dma_start3A_128 = arith.constant 0 : i32
    %dma_start3A_129 = arith.constant 3 : i32
    %dma_start3A_130 = arith.constant 64 : i32
    %dma_start3A_131 = arith.constant 0 : i32
    %dma_start3A_132 = tpu.memref_slice %arg9[%dma_start3A_127, %dma_start3A_130, %dma_start3A_131] : memref<2x80x144xi32, #tpu.memory_space<vmem>> -> memref<1x16x144xi32, #tpu.memory_space<vmem>>
    %dma_start3A_133 = tpu.memref_squeeze %dma_start3A_132 : memref<1x16x144xi32, #tpu.memory_space<vmem>> -> memref<16x144xi32, #tpu.memory_space<vmem>>
    %dma_start3A_134 = arith.constant 64 : i32
    %dma_start3A_135 = tpu.memref_slice %arg7[%dma_start3A_125, %dma_start3A_126, %dma_start3A_134] : memref<2x2x80xi32, #tpu.memory_space<vmem>> -> memref<1x1x16xi32, #tpu.memory_space<vmem>>
    %dma_start3A_136 = tpu.memref_squeeze %dma_start3A_135 : memref<1x1x16xi32, #tpu.memory_space<vmem>> -> memref<16xi32, #tpu.memory_space<vmem>>
    %dma_start3A_137 = arith.constant 0 : i32
    %dma_start3A_138 = arith.constant 0 : i32
    %dma_start3A_139 = tpu.memref_slice %arg11[%dma_start3A_137, %dma_start3A_138] : memref<10000x144xi32, #tpu.memory_space<vmem_shared>> -> memref<10000x144xi32, #tpu.memory_space<vmem_shared>>
    %dma_start3A_140 = tpu.memref_slice %arg13[%dma_start3A_128, %dma_start3A_129] : memref<2x4x!tpu.dma_semaphore, #tpu.memory_space<semaphore_mem>> -> memref<1x1x!tpu.dma_semaphore, #tpu.memory_space<semaphore_mem>>
    %dma_start3A_141 = tpu.memref_squeeze %dma_start3A_140 : memref<1x1x!tpu.dma_semaphore, #tpu.memory_space<semaphore_mem>> -> memref<!tpu.dma_semaphore, #tpu.memory_space<semaphore_mem>>
    tpu.enqueue_indirect_dma source(%dma_start3A_139 : memref<10000x144xi32, #tpu.memory_space<vmem_shared>>) target(%dma_start3A_133 : memref<16x144xi32, #tpu.memory_space<vmem>>) offsets(%dma_start3A_136 : memref<16xi32, #tpu.memory_space<vmem>>) semaphore(%dma_start3A_141 : memref<!tpu.dma_semaphore, #tpu.memory_space<semaphore_mem>>)
    %mul3A_142 = arith.constant 128 : i32
    %mul3A_143 = arith.muli %add3A, %mul3A_142 : i32
    %add3A_144 = arith.constant 1 : i32
    %add3A_145 = arith.addi %mul3A_143, %add3A_144 : i32
    %mul3A_146 = arith.constant 80 : i32
    %mul3A_147 = arith.muli %add3A_145, %mul3A_146 : i32
    %dma_start3A_148 = arith.constant 1 : i32
    %dma_start3A_149 = arith.constant 1 : i32
    %dma_start3A_150 = arith.constant 0 : i32
    %dma_start3A_151 = arith.constant 0 : i32
    %dma_start3A_152 = tpu.memref_slice %arg7[%dma_start3A_148, %dma_start3A_150, %dma_start3A_151] : memref<2x2x80xi32, #tpu.memory_space<vmem>> -> memref<1x2x80xi32, #tpu.memory_space<vmem>>
    %dma_start3A_153 = tpu.memref_squeeze %dma_start3A_152 : memref<1x2x80xi32, #tpu.memory_space<vmem>> -> memref<2x80xi32, #tpu.memory_space<vmem>>
    %dma_start3A_154 = arith.constant 0 : i32
    %dma_start3A_155 = tpu.memref_slice %arg3[%dma_start3A_154, %mul3A_147] : memref<2x327680xi32, #tpu.memory_space<hbm>> -> memref<2x80xi32, #tpu.memory_space<hbm>>
    %dma_start3A_156 = tpu.memref_slice %arg15[%dma_start3A_149] : memref<2x!tpu.dma_semaphore, #tpu.memory_space<semaphore_mem>> -> memref<1x!tpu.dma_semaphore, #tpu.memory_space<semaphore_mem>>
    %dma_start3A_157 = tpu.memref_squeeze %dma_start3A_156 : memref<1x!tpu.dma_semaphore, #tpu.memory_space<semaphore_mem>> -> memref<!tpu.dma_semaphore, #tpu.memory_space<semaphore_mem>>
    %dma_start3A_158 = arith.constant 0 : i32
    %dma_start3A_159 = arith.constant 0 : i32
    %dma_start3A_160 = tpu.memref_slice %arg7[%dma_start3A_148, %dma_start3A_158, %dma_start3A_159] : memref<2x2x80xi32, #tpu.memory_space<vmem>> -> memref<1x2x80xi32, #tpu.memory_space<vmem>>
    %dma_start3A_161 = tpu.memref_squeeze %dma_start3A_160 : memref<1x2x80xi32, #tpu.memory_space<vmem>> -> memref<2x80xi32, #tpu.memory_space<vmem>>
    %dma_start3A_162 = arith.constant 0 : i32
    %dma_start3A_163 = tpu.memref_slice %arg3[%dma_start3A_162, %mul3A_147] : memref<2x327680xi32, #tpu.memory_space<hbm>> -> memref<2x80xi32, #tpu.memory_space<hbm>>
    tpu.enqueue_dma source(%dma_start3A_163 : memref<2x80xi32, #tpu.memory_space<hbm>>) target(%dma_start3A_161 : memref<2x80xi32, #tpu.memory_space<vmem>>) target_semaphore(%dma_start3A_157 : memref<!tpu.dma_semaphore, #tpu.memory_space<semaphore_mem>>)
    %scan3A = arith.constant 0 : i32
    %scan3A_164 = arith.constant 0 : i32
    %scan3A_165 = arith.constant 64 : i32
    %scan3A_166 = arith.addi %scan3A_164, %scan3A_165 : i32
    %scan3A_167 = arith.constant 1 : i32
    scf.for %scan3A_174 = %scan3A_164 to %scan3A_166 step %scan3A_167  : i32 {
      %mul3A_175 = arith.constant 2 : i32
      %mul3A_176 = arith.muli %scan3A_174, %mul3A_175 : i32
      %add3A_177 = arith.constant 0 : i32
      %add3A_178 = arith.addi %mul3A_176, %add3A_177 : i32
      %add3A_179 = arith.constant 1 : i32
      %add3A_180 = arith.addi %add3A_178, %add3A_179 : i32
      %lt3A = arith.constant 128 : i32
      %lt3A_181 = arith.cmpi slt, %add3A_180, %lt3A : i32
      %convert_element_type3A_182 = arith.extui %lt3A_181 : i1 to i32
      %cond3A_183 = arith.constant 0 : i32
      %cond3A_184 = arith.cmpi ne, %convert_element_type3A_182, %cond3A_183 : i32
      scf.if %cond3A_184 {
        %add3A_407 = arith.constant 1 : i32
        %add3A_408 = arith.addi %add3A_178, %add3A_407 : i32
        %mul3A_409 = arith.constant 128 : i32
        %mul3A_410 = arith.muli %add3A, %mul3A_409 : i32
        %add3A_411 = arith.addi %mul3A_410, %add3A_408 : i32
        %mul3A_412 = arith.constant 80 : i32
        %mul3A_413 = arith.muli %add3A_411, %mul3A_412 : i32
        %dma_wait3A_414 = arith.constant 1 : i32
        %dma_wait3A_415 = arith.constant 1 : i32
        %dma_wait3A_416 = arith.constant 0 : i32
        %dma_wait3A_417 = arith.constant 0 : i32
        %dma_wait3A_418 = tpu.memref_slice %arg7[%dma_wait3A_414, %dma_wait3A_416, %dma_wait3A_417] : memref<2x2x80xi32, #tpu.memory_space<vmem>> -> memref<1x2x80xi32, #tpu.memory_space<vmem>>
        %dma_wait3A_419 = tpu.memref_squeeze %dma_wait3A_418 : memref<1x2x80xi32, #tpu.memory_space<vmem>> -> memref<2x80xi32, #tpu.memory_space<vmem>>
        %dma_wait3A_420 = arith.constant 0 : i32
        %dma_wait3A_421 = tpu.memref_slice %arg3[%dma_wait3A_420, %mul3A_413] : memref<2x327680xi32, #tpu.memory_space<hbm>> -> memref<2x80xi32, #tpu.memory_space<hbm>>
        %dma_wait3A_422 = tpu.memref_slice %arg15[%dma_wait3A_415] : memref<2x!tpu.dma_semaphore, #tpu.memory_space<semaphore_mem>> -> memref<1x!tpu.dma_semaphore, #tpu.memory_space<semaphore_mem>>
        %dma_wait3A_423 = tpu.memref_squeeze %dma_wait3A_422 : memref<1x!tpu.dma_semaphore, #tpu.memory_space<semaphore_mem>> -> memref<!tpu.dma_semaphore, #tpu.memory_space<semaphore_mem>>
        %dma_wait3A_424 = arith.constant 0 : i32
        %dma_wait3A_425 = arith.constant 0 : i32
        %dma_wait3A_426 = tpu.memref_slice %arg7[%dma_wait3A_414, %dma_wait3A_424, %dma_wait3A_425] : memref<2x2x80xi32, #tpu.memory_space<vmem>> -> memref<1x2x80xi32, #tpu.memory_space<vmem>>
        %dma_wait3A_427 = tpu.memref_squeeze %dma_wait3A_426 : memref<1x2x80xi32, #tpu.memory_space<vmem>> -> memref<2x80xi32, #tpu.memory_space<vmem>>
        %dma_wait3A_428 = arith.constant 0 : i32
        %dma_wait3A_429 = tpu.memref_slice %arg3[%dma_wait3A_428, %mul3A_413] : memref<2x327680xi32, #tpu.memory_space<hbm>> -> memref<2x80xi32, #tpu.memory_space<hbm>>
        tpu.wait_dma2 semaphore(%dma_wait3A_423 : memref<!tpu.dma_semaphore, #tpu.memory_space<semaphore_mem>>) src(%dma_wait3A_429 : memref<2x80xi32, #tpu.memory_space<hbm>>) dst(%dma_wait3A_427 : memref<2x80xi32, #tpu.memory_space<vmem>>)
        %add3A_430 = arith.constant 1 : i32
        %add3A_431 = arith.addi %add3A_178, %add3A_430 : i32
        %mul3A_432 = arith.constant 128 : i32
        %mul3A_433 = arith.muli %add3A, %mul3A_432 : i32
        %add3A_434 = arith.addi %mul3A_433, %add3A_431 : i32
        %mul3A_435 = arith.constant 80 : i32
        %mul3A_436 = arith.muli %add3A_434, %mul3A_435 : i32
        %min3A_437 = arith.constant 319920 : i32
        %min3A_438 = arith.minsi %mul3A_436, %min3A_437 : i32
        %dma_start3A_439 = arith.constant 1 : i32
        %dma_start3A_440 = arith.constant 1 : i32
        %dma_start3A_441 = arith.constant 0 : i32
        %dma_start3A_442 = arith.constant 0 : i32
        %dma_start3A_443 = tpu.memref_slice %arg8[%dma_start3A_439, %dma_start3A_441, %dma_start3A_442] : memref<2x80x16xf32, #tpu.memory_space<vmem>> -> memref<1x80x16xf32, #tpu.memory_space<vmem>>
        %dma_start3A_444 = tpu.memref_squeeze %dma_start3A_443 : memref<1x80x16xf32, #tpu.memory_space<vmem>> -> memref<80x16xf32, #tpu.memory_space<vmem>>
        %dma_start3A_445 = arith.constant 0 : i32
        %dma_start3A_446 = tpu.memref_slice %arg4[%min3A_438, %dma_start3A_445] : memref<320000x16xf32, #tpu.memory_space<hbm>> -> memref<80x16xf32, #tpu.memory_space<hbm>>
        %dma_start3A_447 = tpu.memref_slice %arg14[%dma_start3A_440] : memref<2x!tpu.dma_semaphore, #tpu.memory_space<semaphore_mem>> -> memref<1x!tpu.dma_semaphore, #tpu.memory_space<semaphore_mem>>
        %dma_start3A_448 = tpu.memref_squeeze %dma_start3A_447 : memref<1x!tpu.dma_semaphore, #tpu.memory_space<semaphore_mem>> -> memref<!tpu.dma_semaphore, #tpu.memory_space<semaphore_mem>>
        %dma_start3A_449 = arith.constant 0 : i32
        %dma_start3A_450 = arith.constant 0 : i32
        %dma_start3A_451 = tpu.memref_slice %arg8[%dma_start3A_439, %dma_start3A_449, %dma_start3A_450] : memref<2x80x16xf32, #tpu.memory_space<vmem>> -> memref<1x80x16xf32, #tpu.memory_space<vmem>>
        %dma_start3A_452 = tpu.memref_squeeze %dma_start3A_451 : memref<1x80x16xf32, #tpu.memory_space<vmem>> -> memref<80x16xf32, #tpu.memory_space<vmem>>
        %dma_start3A_453 = arith.constant 0 : i32
        %dma_start3A_454 = tpu.memref_slice %arg4[%min3A_438, %dma_start3A_453] : memref<320000x16xf32, #tpu.memory_space<hbm>> -> memref<80x16xf32, #tpu.memory_space<hbm>>
        tpu.enqueue_dma source(%dma_start3A_454 : memref<80x16xf32, #tpu.memory_space<hbm>>) target(%dma_start3A_452 : memref<80x16xf32, #tpu.memory_space<vmem>>) target_semaphore(%dma_start3A_448 : memref<!tpu.dma_semaphore, #tpu.memory_space<semaphore_mem>>)
        %dma_start3A_455 = arith.constant 1 : i32
        %dma_start3A_456 = arith.constant 0 : i32
        %dma_start3A_457 = arith.constant 1 : i32
        %dma_start3A_458 = arith.constant 1 : i32
        %dma_start3A_459 = arith.constant 0 : i32
        %dma_start3A_460 = arith.constant 0 : i32
        %dma_start3A_461 = arith.constant 0 : i32
        %dma_start3A_462 = tpu.memref_slice %arg9[%dma_start3A_457, %dma_start3A_460, %dma_start3A_461] : memref<2x80x144xi32, #tpu.memory_space<vmem>> -> memref<1x24x144xi32, #tpu.memory_space<vmem>>
        %dma_start3A_463 = tpu.memref_squeeze %dma_start3A_462 : memref<1x24x144xi32, #tpu.memory_space<vmem>> -> memref<24x144xi32, #tpu.memory_space<vmem>>
        %dma_start3A_464 = arith.constant 0 : i32
        %dma_start3A_465 = tpu.memref_slice %arg7[%dma_start3A_455, %dma_start3A_456, %dma_start3A_464] : memref<2x2x80xi32, #tpu.memory_space<vmem>> -> memref<1x1x24xi32, #tpu.memory_space<vmem>>
        %dma_start3A_466 = tpu.memref_squeeze %dma_start3A_465 : memref<1x1x24xi32, #tpu.memory_space<vmem>> -> memref<24xi32, #tpu.memory_space<vmem>>
        %dma_start3A_467 = arith.constant 0 : i32
        %dma_start3A_468 = arith.constant 0 : i32
        %dma_start3A_469 = tpu.memref_slice %arg11[%dma_start3A_467, %dma_start3A_468] : memref<10000x144xi32, #tpu.memory_space<vmem_shared>> -> memref<10000x144xi32, #tpu.memory_space<vmem_shared>>
        %dma_start3A_470 = tpu.memref_slice %arg13[%dma_start3A_458, %dma_start3A_459] : memref<2x4x!tpu.dma_semaphore, #tpu.memory_space<semaphore_mem>> -> memref<1x1x!tpu.dma_semaphore, #tpu.memory_space<semaphore_mem>>
        %dma_start3A_471 = tpu.memref_squeeze %dma_start3A_470 : memref<1x1x!tpu.dma_semaphore, #tpu.memory_space<semaphore_mem>> -> memref<!tpu.dma_semaphore, #tpu.memory_space<semaphore_mem>>
        tpu.enqueue_indirect_dma source(%dma_start3A_469 : memref<10000x144xi32, #tpu.memory_space<vmem_shared>>) target(%dma_start3A_463 : memref<24x144xi32, #tpu.memory_space<vmem>>) offsets(%dma_start3A_466 : memref<24xi32, #tpu.memory_space<vmem>>) semaphore(%dma_start3A_471 : memref<!tpu.dma_semaphore, #tpu.memory_space<semaphore_mem>>)
        %dma_start3A_472 = arith.constant 1 : i32
        %dma_start3A_473 = arith.constant 0 : i32
        %dma_start3A_474 = arith.constant 1 : i32
        %dma_start3A_475 = arith.constant 1 : i32
        %dma_start3A_476 = arith.constant 1 : i32
        %dma_start3A_477 = arith.constant 24 : i32
        %dma_start3A_478 = arith.constant 0 : i32
        %dma_start3A_479 = tpu.memref_slice %arg9[%dma_start3A_474, %dma_start3A_477, %dma_start3A_478] : memref<2x80x144xi32, #tpu.memory_space<vmem>> -> memref<1x24x144xi32, #tpu.memory_space<vmem>>
        %dma_start3A_480 = tpu.memref_squeeze %dma_start3A_479 : memref<1x24x144xi32, #tpu.memory_space<vmem>> -> memref<24x144xi32, #tpu.memory_space<vmem>>
        %dma_start3A_481 = arith.constant 24 : i32
        %dma_start3A_482 = tpu.memref_slice %arg7[%dma_start3A_472, %dma_start3A_473, %dma_start3A_481] : memref<2x2x80xi32, #tpu.memory_space<vmem>> -> memref<1x1x24xi32, #tpu.memory_space<vmem>>
        %dma_start3A_483 = tpu.memref_squeeze %dma_start3A_482 : memref<1x1x24xi32, #tpu.memory_space<vmem>> -> memref<24xi32, #tpu.memory_space<vmem>>
        %dma_start3A_484 = arith.constant 0 : i32
        %dma_start3A_485 = arith.constant 0 : i32
        %dma_start3A_486 = tpu.memref_slice %arg11[%dma_start3A_484, %dma_start3A_485] : memref<10000x144xi32, #tpu.memory_space<vmem_shared>> -> memref<10000x144xi32, #tpu.memory_space<vmem_shared>>
        %dma_start3A_487 = tpu.memref_slice %arg13[%dma_start3A_475, %dma_start3A_476] : memref<2x4x!tpu.dma_semaphore, #tpu.memory_space<semaphore_mem>> -> memref<1x1x!tpu.dma_semaphore, #tpu.memory_space<semaphore_mem>>
        %dma_start3A_488 = tpu.memref_squeeze %dma_start3A_487 : memref<1x1x!tpu.dma_semaphore, #tpu.memory_space<semaphore_mem>> -> memref<!tpu.dma_semaphore, #tpu.memory_space<semaphore_mem>>
        tpu.enqueue_indirect_dma source(%dma_start3A_486 : memref<10000x144xi32, #tpu.memory_space<vmem_shared>>) target(%dma_start3A_480 : memref<24x144xi32, #tpu.memory_space<vmem>>) offsets(%dma_start3A_483 : memref<24xi32, #tpu.memory_space<vmem>>) semaphore(%dma_start3A_488 : memref<!tpu.dma_semaphore, #tpu.memory_space<semaphore_mem>>)
        %dma_start3A_489 = arith.constant 1 : i32
        %dma_start3A_490 = arith.constant 0 : i32
        %dma_start3A_491 = arith.constant 1 : i32
        %dma_start3A_492 = arith.constant 1 : i32
        %dma_start3A_493 = arith.constant 2 : i32
        %dma_start3A_494 = arith.constant 48 : i32
        %dma_start3A_495 = arith.constant 0 : i32
        %dma_start3A_496 = tpu.memref_slice %arg9[%dma_start3A_491, %dma_start3A_494, %dma_start3A_495] : memref<2x80x144xi32, #tpu.memory_space<vmem>> -> memref<1x16x144xi32, #tpu.memory_space<vmem>>
        %dma_start3A_497 = tpu.memref_squeeze %dma_start3A_496 : memref<1x16x144xi32, #tpu.memory_space<vmem>> -> memref<16x144xi32, #tpu.memory_space<vmem>>
        %dma_start3A_498 = arith.constant 48 : i32
        %dma_start3A_499 = tpu.memref_slice %arg7[%dma_start3A_489, %dma_start3A_490, %dma_start3A_498] : memref<2x2x80xi32, #tpu.memory_space<vmem>> -> memref<1x1x16xi32, #tpu.memory_space<vmem>>
        %dma_start3A_500 = tpu.memref_squeeze %dma_start3A_499 : memref<1x1x16xi32, #tpu.memory_space<vmem>> -> memref<16xi32, #tpu.memory_space<vmem>>
        %dma_start3A_501 = arith.constant 0 : i32
        %dma_start3A_502 = arith.constant 0 : i32
        %dma_start3A_503 = tpu.memref_slice %arg11[%dma_start3A_501, %dma_start3A_502] : memref<10000x144xi32, #tpu.memory_space<vmem_shared>> -> memref<10000x144xi32, #tpu.memory_space<vmem_shared>>
        %dma_start3A_504 = tpu.memref_slice %arg13[%dma_start3A_492, %dma_start3A_493] : memref<2x4x!tpu.dma_semaphore, #tpu.memory_space<semaphore_mem>> -> memref<1x1x!tpu.dma_semaphore, #tpu.memory_space<semaphore_mem>>
        %dma_start3A_505 = tpu.memref_squeeze %dma_start3A_504 : memref<1x1x!tpu.dma_semaphore, #tpu.memory_space<semaphore_mem>> -> memref<!tpu.dma_semaphore, #tpu.memory_space<semaphore_mem>>
        tpu.enqueue_indirect_dma source(%dma_start3A_503 : memref<10000x144xi32, #tpu.memory_space<vmem_shared>>) target(%dma_start3A_497 : memref<16x144xi32, #tpu.memory_space<vmem>>) offsets(%dma_start3A_500 : memref<16xi32, #tpu.memory_space<vmem>>) semaphore(%dma_start3A_505 : memref<!tpu.dma_semaphore, #tpu.memory_space<semaphore_mem>>)
        %dma_start3A_506 = arith.constant 1 : i32
        %dma_start3A_507 = arith.constant 0 : i32
        %dma_start3A_508 = arith.constant 1 : i32
        %dma_start3A_509 = arith.constant 1 : i32
        %dma_start3A_510 = arith.constant 3 : i32
        %dma_start3A_511 = arith.constant 64 : i32
        %dma_start3A_512 = arith.constant 0 : i32
        %dma_start3A_513 = tpu.memref_slice %arg9[%dma_start3A_508, %dma_start3A_511, %dma_start3A_512] : memref<2x80x144xi32, #tpu.memory_space<vmem>> -> memref<1x16x144xi32, #tpu.memory_space<vmem>>
        %dma_start3A_514 = tpu.memref_squeeze %dma_start3A_513 : memref<1x16x144xi32, #tpu.memory_space<vmem>> -> memref<16x144xi32, #tpu.memory_space<vmem>>
        %dma_start3A_515 = arith.constant 64 : i32
        %dma_start3A_516 = tpu.memref_slice %arg7[%dma_start3A_506, %dma_start3A_507, %dma_start3A_515] : memref<2x2x80xi32, #tpu.memory_space<vmem>> -> memref<1x1x16xi32, #tpu.memory_space<vmem>>
        %dma_start3A_517 = tpu.memref_squeeze %dma_start3A_516 : memref<1x1x16xi32, #tpu.memory_space<vmem>> -> memref<16xi32, #tpu.memory_space<vmem>>
        %dma_start3A_518 = arith.constant 0 : i32
        %dma_start3A_519 = arith.constant 0 : i32
        %dma_start3A_520 = tpu.memref_slice %arg11[%dma_start3A_518, %dma_start3A_519] : memref<10000x144xi32, #tpu.memory_space<vmem_shared>> -> memref<10000x144xi32, #tpu.memory_space<vmem_shared>>
        %dma_start3A_521 = tpu.memref_slice %arg13[%dma_start3A_509, %dma_start3A_510] : memref<2x4x!tpu.dma_semaphore, #tpu.memory_space<semaphore_mem>> -> memref<1x1x!tpu.dma_semaphore, #tpu.memory_space<semaphore_mem>>
        %dma_start3A_522 = tpu.memref_squeeze %dma_start3A_521 : memref<1x1x!tpu.dma_semaphore, #tpu.memory_space<semaphore_mem>> -> memref<!tpu.dma_semaphore, #tpu.memory_space<semaphore_mem>>
        tpu.enqueue_indirect_dma source(%dma_start3A_520 : memref<10000x144xi32, #tpu.memory_space<vmem_shared>>) target(%dma_start3A_514 : memref<16x144xi32, #tpu.memory_space<vmem>>) offsets(%dma_start3A_517 : memref<16xi32, #tpu.memory_space<vmem>>) semaphore(%dma_start3A_522 : memref<!tpu.dma_semaphore, #tpu.memory_space<semaphore_mem>>)
      } else {
      }
      %mul3A_185 = arith.constant 128 : i32
      %mul3A_186 = arith.muli %add3A, %mul3A_185 : i32
      %add3A_187 = arith.addi %mul3A_186, %add3A_178 : i32
      %mul3A_188 = arith.constant 80 : i32
      %mul3A_189 = arith.muli %add3A_187, %mul3A_188 : i32
      %min3A_190 = arith.constant 319920 : i32
      %min3A_191 = arith.minsi %mul3A_189, %min3A_190 : i32
      %dma_wait3A_192 = arith.constant 0 : i32
      %dma_wait3A_193 = arith.constant 0 : i32
      %dma_wait3A_194 = arith.constant 0 : i32
      %dma_wait3A_195 = arith.constant 0 : i32
      %dma_wait3A_196 = tpu.memref_slice %arg8[%dma_wait3A_192, %dma_wait3A_194, %dma_wait3A_195] : memref<2x80x16xf32, #tpu.memory_space<vmem>> -> memref<1x80x16xf32, #tpu.memory_space<vmem>>
      %dma_wait3A_197 = tpu.memref_squeeze %dma_wait3A_196 : memref<1x80x16xf32, #tpu.memory_space<vmem>> -> memref<80x16xf32, #tpu.memory_space<vmem>>
      %dma_wait3A_198 = arith.constant 0 : i32
      %dma_wait3A_199 = tpu.memref_slice %arg4[%min3A_191, %dma_wait3A_198] : memref<320000x16xf32, #tpu.memory_space<hbm>> -> memref<80x16xf32, #tpu.memory_space<hbm>>
      %dma_wait3A_200 = tpu.memref_slice %arg14[%dma_wait3A_193] : memref<2x!tpu.dma_semaphore, #tpu.memory_space<semaphore_mem>> -> memref<1x!tpu.dma_semaphore, #tpu.memory_space<semaphore_mem>>
      %dma_wait3A_201 = tpu.memref_squeeze %dma_wait3A_200 : memref<1x!tpu.dma_semaphore, #tpu.memory_space<semaphore_mem>> -> memref<!tpu.dma_semaphore, #tpu.memory_space<semaphore_mem>>
      %dma_wait3A_202 = arith.constant 0 : i32
      %dma_wait3A_203 = arith.constant 0 : i32
      %dma_wait3A_204 = tpu.memref_slice %arg8[%dma_wait3A_192, %dma_wait3A_202, %dma_wait3A_203] : memref<2x80x16xf32, #tpu.memory_space<vmem>> -> memref<1x80x16xf32, #tpu.memory_space<vmem>>
      %dma_wait3A_205 = tpu.memref_squeeze %dma_wait3A_204 : memref<1x80x16xf32, #tpu.memory_space<vmem>> -> memref<80x16xf32, #tpu.memory_space<vmem>>
      %dma_wait3A_206 = arith.constant 0 : i32
      %dma_wait3A_207 = tpu.memref_slice %arg4[%min3A_191, %dma_wait3A_206] : memref<320000x16xf32, #tpu.memory_space<hbm>> -> memref<80x16xf32, #tpu.memory_space<hbm>>
      tpu.wait_dma2 semaphore(%dma_wait3A_201 : memref<!tpu.dma_semaphore, #tpu.memory_space<semaphore_mem>>) src(%dma_wait3A_207 : memref<80x16xf32, #tpu.memory_space<hbm>>) dst(%dma_wait3A_205 : memref<80x16xf32, #tpu.memory_space<vmem>>)
      %dma_wait3A_208 = arith.constant 0 : i32
      %dma_wait3A_209 = arith.constant 0 : i32
      %dma_wait3A_210 = arith.constant 0 : i32
      %dma_wait3A_211 = arith.constant 0 : i32
      %dma_wait3A_212 = arith.constant 0 : i32
      %dma_wait3A_213 = arith.constant 0 : i32
      %dma_wait3A_214 = arith.constant 0 : i32
      %dma_wait3A_215 = tpu.memref_slice %arg9[%dma_wait3A_210, %dma_wait3A_213, %dma_wait3A_214] : memref<2x80x144xi32, #tpu.memory_space<vmem>> -> memref<1x24x144xi32, #tpu.memory_space<vmem>>
      %dma_wait3A_216 = tpu.memref_squeeze %dma_wait3A_215 : memref<1x24x144xi32, #tpu.memory_space<vmem>> -> memref<24x144xi32, #tpu.memory_space<vmem>>
      %dma_wait3A_217 = arith.constant 0 : i32
      %dma_wait3A_218 = tpu.memref_slice %arg7[%dma_wait3A_208, %dma_wait3A_209, %dma_wait3A_217] : memref<2x2x80xi32, #tpu.memory_space<vmem>> -> memref<1x1x24xi32, #tpu.memory_space<vmem>>
      %dma_wait3A_219 = tpu.memref_squeeze %dma_wait3A_218 : memref<1x1x24xi32, #tpu.memory_space<vmem>> -> memref<24xi32, #tpu.memory_space<vmem>>
      %dma_wait3A_220 = arith.constant 0 : i32
      %dma_wait3A_221 = arith.constant 0 : i32
      %dma_wait3A_222 = tpu.memref_slice %arg11[%dma_wait3A_220, %dma_wait3A_221] : memref<10000x144xi32, #tpu.memory_space<vmem_shared>> -> memref<10000x144xi32, #tpu.memory_space<vmem_shared>>
      %dma_wait3A_223 = tpu.memref_slice %arg13[%dma_wait3A_211, %dma_wait3A_212] : memref<2x4x!tpu.dma_semaphore, #tpu.memory_space<semaphore_mem>> -> memref<1x1x!tpu.dma_semaphore, #tpu.memory_space<semaphore_mem>>
      %dma_wait3A_224 = tpu.memref_squeeze %dma_wait3A_223 : memref<1x1x!tpu.dma_semaphore, #tpu.memory_space<semaphore_mem>> -> memref<!tpu.dma_semaphore, #tpu.memory_space<semaphore_mem>>
      tpu.wait_indirect_dma semaphore(%dma_wait3A_224 : memref<!tpu.dma_semaphore, #tpu.memory_space<semaphore_mem>>) src(%dma_wait3A_222 : memref<10000x144xi32, #tpu.memory_space<vmem_shared>>) dst(%dma_wait3A_216 : memref<24x144xi32, #tpu.memory_space<vmem>>)
      %dma_wait3A_225 = arith.constant 0 : i32
      %dma_wait3A_226 = arith.constant 0 : i32
      %dma_wait3A_227 = arith.constant 0 : i32
      %dma_wait3A_228 = arith.constant 0 : i32
      %dma_wait3A_229 = arith.constant 1 : i32
      %dma_wait3A_230 = arith.constant 24 : i32
      %dma_wait3A_231 = arith.constant 0 : i32
      %dma_wait3A_232 = tpu.memref_slice %arg9[%dma_wait3A_227, %dma_wait3A_230, %dma_wait3A_231] : memref<2x80x144xi32, #tpu.memory_space<vmem>> -> memref<1x24x144xi32, #tpu.memory_space<vmem>>
      %dma_wait3A_233 = tpu.memref_squeeze %dma_wait3A_232 : memref<1x24x144xi32, #tpu.memory_space<vmem>> -> memref<24x144xi32, #tpu.memory_space<vmem>>
      %dma_wait3A_234 = arith.constant 24 : i32
      %dma_wait3A_235 = tpu.memref_slice %arg7[%dma_wait3A_225, %dma_wait3A_226, %dma_wait3A_234] : memref<2x2x80xi32, #tpu.memory_space<vmem>> -> memref<1x1x24xi32, #tpu.memory_space<vmem>>
      %dma_wait3A_236 = tpu.memref_squeeze %dma_wait3A_235 : memref<1x1x24xi32, #tpu.memory_space<vmem>> -> memref<24xi32, #tpu.memory_space<vmem>>
      %dma_wait3A_237 = arith.constant 0 : i32
      %dma_wait3A_238 = arith.constant 0 : i32
      %dma_wait3A_239 = tpu.memref_slice %arg11[%dma_wait3A_237, %dma_wait3A_238] : memref<10000x144xi32, #tpu.memory_space<vmem_shared>> -> memref<10000x144xi32, #tpu.memory_space<vmem_shared>>
      %dma_wait3A_240 = tpu.memref_slice %arg13[%dma_wait3A_228, %dma_wait3A_229] : memref<2x4x!tpu.dma_semaphore, #tpu.memory_space<semaphore_mem>> -> memref<1x1x!tpu.dma_semaphore, #tpu.memory_space<semaphore_mem>>
      %dma_wait3A_241 = tpu.memref_squeeze %dma_wait3A_240 : memref<1x1x!tpu.dma_semaphore, #tpu.memory_space<semaphore_mem>> -> memref<!tpu.dma_semaphore, #tpu.memory_space<semaphore_mem>>
      tpu.wait_indirect_dma semaphore(%dma_wait3A_241 : memref<!tpu.dma_semaphore, #tpu.memory_space<semaphore_mem>>) src(%dma_wait3A_239 : memref<10000x144xi32, #tpu.memory_space<vmem_shared>>) dst(%dma_wait3A_233 : memref<24x144xi32, #tpu.memory_space<vmem>>)
      %dma_wait3A_242 = arith.constant 0 : i32
      %dma_wait3A_243 = arith.constant 0 : i32
      %dma_wait3A_244 = arith.constant 0 : i32
      %dma_wait3A_245 = arith.constant 0 : i32
      %dma_wait3A_246 = arith.constant 2 : i32
      %dma_wait3A_247 = arith.constant 48 : i32
      %dma_wait3A_248 = arith.constant 0 : i32
      %dma_wait3A_249 = tpu.memref_slice %arg9[%dma_wait3A_244, %dma_wait3A_247, %dma_wait3A_248] : memref<2x80x144xi32, #tpu.memory_space<vmem>> -> memref<1x16x144xi32, #tpu.memory_space<vmem>>
      %dma_wait3A_250 = tpu.memref_squeeze %dma_wait3A_249 : memref<1x16x144xi32, #tpu.memory_space<vmem>> -> memref<16x144xi32, #tpu.memory_space<vmem>>
      %dma_wait3A_251 = arith.constant 48 : i32
      %dma_wait3A_252 = tpu.memref_slice %arg7[%dma_wait3A_242, %dma_wait3A_243, %dma_wait3A_251] : memref<2x2x80xi32, #tpu.memory_space<vmem>> -> memref<1x1x16xi32, #tpu.memory_space<vmem>>
      %dma_wait3A_253 = tpu.memref_squeeze %dma_wait3A_252 : memref<1x1x16xi32, #tpu.memory_space<vmem>> -> memref<16xi32, #tpu.memory_space<vmem>>
      %dma_wait3A_254 = arith.constant 0 : i32
      %dma_wait3A_255 = arith.constant 0 : i32
      %dma_wait3A_256 = tpu.memref_slice %arg11[%dma_wait3A_254, %dma_wait3A_255] : memref<10000x144xi32, #tpu.memory_space<vmem_shared>> -> memref<10000x144xi32, #tpu.memory_space<vmem_shared>>
      %dma_wait3A_257 = tpu.memref_slice %arg13[%dma_wait3A_245, %dma_wait3A_246] : memref<2x4x!tpu.dma_semaphore, #tpu.memory_space<semaphore_mem>> -> memref<1x1x!tpu.dma_semaphore, #tpu.memory_space<semaphore_mem>>
      %dma_wait3A_258 = tpu.memref_squeeze %dma_wait3A_257 : memref<1x1x!tpu.dma_semaphore, #tpu.memory_space<semaphore_mem>> -> memref<!tpu.dma_semaphore, #tpu.memory_space<semaphore_mem>>
      tpu.wait_indirect_dma semaphore(%dma_wait3A_258 : memref<!tpu.dma_semaphore, #tpu.memory_space<semaphore_mem>>) src(%dma_wait3A_256 : memref<10000x144xi32, #tpu.memory_space<vmem_shared>>) dst(%dma_wait3A_250 : memref<16x144xi32, #tpu.memory_space<vmem>>)
      %dma_wait3A_259 = arith.constant 0 : i32
      %dma_wait3A_260 = arith.constant 0 : i32
      %dma_wait3A_261 = arith.constant 0 : i32
      %dma_wait3A_262 = arith.constant 0 : i32
      %dma_wait3A_263 = arith.constant 3 : i32
      %dma_wait3A_264 = arith.constant 64 : i32
      %dma_wait3A_265 = arith.constant 0 : i32
      %dma_wait3A_266 = tpu.memref_slice %arg9[%dma_wait3A_261, %dma_wait3A_264, %dma_wait3A_265] : memref<2x80x144xi32, #tpu.memory_space<vmem>> -> memref<1x16x144xi32, #tpu.memory_space<vmem>>
      %dma_wait3A_267 = tpu.memref_squeeze %dma_wait3A_266 : memref<1x16x144xi32, #tpu.memory_space<vmem>> -> memref<16x144xi32, #tpu.memory_space<vmem>>
      %dma_wait3A_268 = arith.constant 64 : i32
      %dma_wait3A_269 = tpu.memref_slice %arg7[%dma_wait3A_259, %dma_wait3A_260, %dma_wait3A_268] : memref<2x2x80xi32, #tpu.memory_space<vmem>> -> memref<1x1x16xi32, #tpu.memory_space<vmem>>
      %dma_wait3A_270 = tpu.memref_squeeze %dma_wait3A_269 : memref<1x1x16xi32, #tpu.memory_space<vmem>> -> memref<16xi32, #tpu.memory_space<vmem>>
      %dma_wait3A_271 = arith.constant 0 : i32
      %dma_wait3A_272 = arith.constant 0 : i32
      %dma_wait3A_273 = tpu.memref_slice %arg11[%dma_wait3A_271, %dma_wait3A_272] : memref<10000x144xi32, #tpu.memory_space<vmem_shared>> -> memref<10000x144xi32, #tpu.memory_space<vmem_shared>>
      %dma_wait3A_274 = tpu.memref_slice %arg13[%dma_wait3A_262, %dma_wait3A_263] : memref<2x4x!tpu.dma_semaphore, #tpu.memory_space<semaphore_mem>> -> memref<1x1x!tpu.dma_semaphore, #tpu.memory_space<semaphore_mem>>
      %dma_wait3A_275 = tpu.memref_squeeze %dma_wait3A_274 : memref<1x1x!tpu.dma_semaphore, #tpu.memory_space<semaphore_mem>> -> memref<!tpu.dma_semaphore, #tpu.memory_space<semaphore_mem>>
      tpu.wait_indirect_dma semaphore(%dma_wait3A_275 : memref<!tpu.dma_semaphore, #tpu.memory_space<semaphore_mem>>) src(%dma_wait3A_273 : memref<10000x144xi32, #tpu.memory_space<vmem_shared>>) dst(%dma_wait3A_267 : memref<16x144xi32, #tpu.memory_space<vmem>>)
      %scan3A_276 = arith.constant 0 : i32
      %scan3A_277 = arith.constant 0 : i32
      %scan3A_278 = arith.constant 40 : i32
      %scan3A_279 = arith.addi %scan3A_277, %scan3A_278 : i32
      %scan3A_280 = arith.constant 1 : i32
      scf.for %scan3A_407 = %scan3A_277 to %scan3A_279 step %scan3A_280  : i32 {
        %mul3A_408 = arith.constant 2 : i32
        %mul3A_409 = arith.muli %mul3A_408, %scan3A_407 : i32
        %get3A = arith.constant 0 : i32
        %get3A_410 = arith.index_cast %get3A : i32 to index
        %get3A_411 = arith.index_cast %mul3A_409 : i32 to index
        %get3A_412 = arith.constant 0 : index
        %get3A_413 = tpu.vector_load %arg8[%get3A_410, %get3A_411, %get3A_412] {strides = array<i32>} : memref<2x80x16xf32, #tpu.memory_space<vmem>>, vector<1x1x16xf32>,
        %get3A_414 = vector.shape_cast %get3A_413 : vector<1x1x16xf32> to vector<16xf32>
        %get3A_415 = arith.constant 0 : i32
        %get3A_416 = arith.index_cast %get3A_415 : i32 to index
        %get3A_417 = arith.index_cast %mul3A_409 : i32 to index
        %get3A_418 = arith.constant 128 : index
        %get3A_419 = tpu.vector_load %arg9[%get3A_416, %get3A_417, %get3A_418] {strides = array<i32>} : memref<2x80x144xi32, #tpu.memory_space<vmem>>, vector<1x1x16xi32>,
        %get3A_420 = vector.shape_cast %get3A_419 : vector<1x1x16xi32> to vector<16xi32>
        %shift_left3A = arith.constant 16 : i32
        %shift_left3A_421 = vector.broadcast %shift_left3A : i32 to vector<16xi32>
        %shift_left3A_422 = arith.shli %get3A_420, %shift_left3A_421 : vector<16xi32>
        %bitcast_convert_type3A = tpu.bitcast %shift_left3A_422 : vector<16xi32> -> vector<16xf32>
        %get3A_423 = arith.constant 0 : i32
        %get3A_424 = arith.index_cast %get3A_423 : i32 to index
        %get3A_425 = arith.index_cast %mul3A_409 : i32 to index
        %get3A_426 = arith.constant 0 : index
        %get3A_427 = tpu.vector_load %arg9[%get3A_424, %get3A_425, %get3A_426] {strides = array<i32>} : memref<2x80x144xi32, #tpu.memory_space<vmem>>, vector<1x1x16xi32>,
        %get3A_428 = vector.shape_cast %get3A_427 : vector<1x1x16xi32> to vector<16xi32>
        %broadcast_in_dim3A = arith.constant 0 : i32
        %broadcast_in_dim3A_429 = vector.broadcast %broadcast_in_dim3A : i32 to vector<16x1xi32>
        %gather3A = vector.shape_cast %broadcast_in_dim3A_429 : vector<16x1xi32> to vector<16xi32>
        %gather3A_430 = tpu.dynamic_gather %get3A_414[%gather3A] in [0] : vector<16xf32>, vector<16xi32> -> vector<16xf32>
        %shift_left3A_431 = arith.constant 16 : i32
        %shift_left3A_432 = vector.broadcast %shift_left3A_431 : i32 to vector<16xi32>
        %shift_left3A_433 = arith.shli %get3A_428, %shift_left3A_432 : vector<16xi32>
        %bitcast_convert_type3A_434 = tpu.bitcast %shift_left3A_433 : vector<16xi32> -> vector<16xf32>
        %mul3A_435 = arith.mulf %gather3A_430, %bitcast_convert_type3A_434 : vector<16xf32>
        %broadcast_in_dim3A_436 = arith.constant 1 : i32
        %broadcast_in_dim3A_437 = vector.broadcast %broadcast_in_dim3A_436 : i32 to vector<16x1xi32>
        %gather3A_438 = vector.shape_cast %broadcast_in_dim3A_437 : vector<16x1xi32> to vector<16xi32>
        %gather3A_439 = tpu.dynamic_gather %get3A_414[%gather3A_438] in [0] : vector<16xf32>, vector<16xi32> -> vector<16xf32>
        %bitcast_convert_type3A_440 = tpu.bitcast %get3A_428 : vector<16xi32> -> vector<16xf32>
        %mul3A_441 = arith.mulf %gather3A_439, %bitcast_convert_type3A_440 : vector<16xf32>
        %add3A_442 = arith.addf %mul3A_435, %mul3A_441 : vector<16xf32>
        %add3A_443 = arith.addf %bitcast_convert_type3A, %add3A_442 : vector<16xf32>
        %get3A_444 = arith.constant 0 : i32
        %get3A_445 = arith.index_cast %get3A_444 : i32 to index
        %get3A_446 = arith.index_cast %mul3A_409 : i32 to index
        %get3A_447 = arith.constant 16 : index
        %get3A_448 = tpu.vector_load %arg9[%get3A_445, %get3A_446, %get3A_447] {strides = array<i32>} : memref<2x80x144xi32, #tpu.memory_space<vmem>>, vector<1x1x16xi32>,
        %get3A_449 = vector.shape_cast %get3A_448 : vector<1x1x16xi32> to vector<16xi32>
        %broadcast_in_dim3A_450 = arith.constant 2 : i32
        %broadcast_in_dim3A_451 = vector.broadcast %broadcast_in_dim3A_450 : i32 to vector<16x1xi32>
        %gather3A_452 = vector.shape_cast %broadcast_in_dim3A_451 : vector<16x1xi32> to vector<16xi32>
        %gather3A_453 = tpu.dynamic_gather %get3A_414[%gather3A_452] in [0] : vector<16xf32>, vector<16xi32> -> vector<16xf32>
        %shift_left3A_454 = arith.constant 16 : i32
        %shift_left3A_455 = vector.broadcast %shift_left3A_454 : i32 to vector<16xi32>
        %shift_left3A_456 = arith.shli %get3A_449, %shift_left3A_455 : vector<16xi32>
        %bitcast_convert_type3A_457 = tpu.bitcast %shift_left3A_456 : vector<16xi32> -> vector<16xf32>
        %mul3A_458 = arith.mulf %gather3A_453, %bitcast_convert_type3A_457 : vector<16xf32>
        %broadcast_in_dim3A_459 = arith.constant 3 : i32
        %broadcast_in_dim3A_460 = vector.broadcast %broadcast_in_dim3A_459 : i32 to vector<16x1xi32>
        %gather3A_461 = vector.shape_cast %broadcast_in_dim3A_460 : vector<16x1xi32> to vector<16xi32>
        %gather3A_462 = tpu.dynamic_gather %get3A_414[%gather3A_461] in [0] : vector<16xf32>, vector<16xi32> -> vector<16xf32>
        %bitcast_convert_type3A_463 = tpu.bitcast %get3A_449 : vector<16xi32> -> vector<16xf32>
        %mul3A_464 = arith.mulf %gather3A_462, %bitcast_convert_type3A_463 : vector<16xf32>
        %add3A_465 = arith.addf %mul3A_458, %mul3A_464 : vector<16xf32>
        %get3A_466 = arith.constant 0 : i32
        %get3A_467 = arith.index_cast %get3A_466 : i32 to index
        %get3A_468 = arith.index_cast %mul3A_409 : i32 to index
        %get3A_469 = arith.constant 32 : index
        %get3A_470 = tpu.vector_load %arg9[%get3A_467, %get3A_468, %get3A_469] {strides = array<i32>} : memref<2x80x144xi32, #tpu.memory_space<vmem>>, vector<1x1x16xi32>,
        %get3A_471 = vector.shape_cast %get3A_470 : vector<1x1x16xi32> to vector<16xi32>
        %broadcast_in_dim3A_472 = arith.constant 4 : i32
        %broadcast_in_dim3A_473 = vector.broadcast %broadcast_in_dim3A_472 : i32 to vector<16x1xi32>
        %gather3A_474 = vector.shape_cast %broadcast_in_dim3A_473 : vector<16x1xi32> to vector<16xi32>
        %gather3A_475 = tpu.dynamic_gather %get3A_414[%gather3A_474] in [0] : vector<16xf32>, vector<16xi32> -> vector<16xf32>
        %shift_left3A_476 = arith.constant 16 : i32
        %shift_left3A_477 = vector.broadcast %shift_left3A_476 : i32 to vector<16xi32>
        %shift_left3A_478 = arith.shli %get3A_471, %shift_left3A_477 : vector<16xi32>
        %bitcast_convert_type3A_479 = tpu.bitcast %shift_left3A_478 : vector<16xi32> -> vector<16xf32>
        %mul3A_480 = arith.mulf %gather3A_475, %bitcast_convert_type3A_479 : vector<16xf32>
        %broadcast_in_dim3A_481 = arith.constant 5 : i32
        %broadcast_in_dim3A_482 = vector.broadcast %broadcast_in_dim3A_481 : i32 to vector<16x1xi32>
        %gather3A_483 = vector.shape_cast %broadcast_in_dim3A_482 : vector<16x1xi32> to vector<16xi32>
        %gather3A_484 = tpu.dynamic_gather %get3A_414[%gather3A_483] in [0] : vector<16xf32>, vector<16xi32> -> vector<16xf32>
        %bitcast_convert_type3A_485 = tpu.bitcast %get3A_471 : vector<16xi32> -> vector<16xf32>
        %mul3A_486 = arith.mulf %gather3A_484, %bitcast_convert_type3A_485 : vector<16xf32>
        %add3A_487 = arith.addf %mul3A_480, %mul3A_486 : vector<16xf32>
        %get3A_488 = arith.constant 0 : i32
        %get3A_489 = arith.index_cast %get3A_488 : i32 to index
        %get3A_490 = arith.index_cast %mul3A_409 : i32 to index
        %get3A_491 = arith.constant 48 : index
        %get3A_492 = tpu.vector_load %arg9[%get3A_489, %get3A_490, %get3A_491] {strides = array<i32>} : memref<2x80x144xi32, #tpu.memory_space<vmem>>, vector<1x1x16xi32>,
        %get3A_493 = vector.shape_cast %get3A_492 : vector<1x1x16xi32> to vector<16xi32>
        %broadcast_in_dim3A_494 = arith.constant 6 : i32
        %broadcast_in_dim3A_495 = vector.broadcast %broadcast_in_dim3A_494 : i32 to vector<16x1xi32>
        %gather3A_496 = vector.shape_cast %broadcast_in_dim3A_495 : vector<16x1xi32> to vector<16xi32>
        %gather3A_497 = tpu.dynamic_gather %get3A_414[%gather3A_496] in [0] : vector<16xf32>, vector<16xi32> -> vector<16xf32>
        %shift_left3A_498 = arith.constant 16 : i32
        %shift_left3A_499 = vector.broadcast %shift_left3A_498 : i32 to vector<16xi32>
        %shift_left3A_500 = arith.shli %get3A_493, %shift_left3A_499 : vector<16xi32>
        %bitcast_convert_type3A_501 = tpu.bitcast %shift_left3A_500 : vector<16xi32> -> vector<16xf32>
        %mul3A_502 = arith.mulf %gather3A_497, %bitcast_convert_type3A_501 : vector<16xf32>
        %broadcast_in_dim3A_503 = arith.constant 7 : i32
        %broadcast_in_dim3A_504 = vector.broadcast %broadcast_in_dim3A_503 : i32 to vector<16x1xi32>
        %gather3A_505 = vector.shape_cast %broadcast_in_dim3A_504 : vector<16x1xi32> to vector<16xi32>
        %gather3A_506 = tpu.dynamic_gather %get3A_414[%gather3A_505] in [0] : vector<16xf32>, vector<16xi32> -> vector<16xf32>
        %bitcast_convert_type3A_507 = tpu.bitcast %get3A_493 : vector<16xi32> -> vector<16xf32>
        %mul3A_508 = arith.mulf %gather3A_506, %bitcast_convert_type3A_507 : vector<16xf32>
        %add3A_509 = arith.addf %mul3A_502, %mul3A_508 : vector<16xf32>
        %get3A_510 = arith.constant 0 : i32
        %get3A_511 = arith.index_cast %get3A_510 : i32 to index
        %get3A_512 = arith.index_cast %mul3A_409 : i32 to index
        %get3A_513 = arith.constant 64 : index
        %get3A_514 = tpu.vector_load %arg9[%get3A_511, %get3A_512, %get3A_513] {strides = array<i32>} : memref<2x80x144xi32, #tpu.memory_space<vmem>>, vector<1x1x16xi32>,
        %get3A_515 = vector.shape_cast %get3A_514 : vector<1x1x16xi32> to vector<16xi32>
        %broadcast_in_dim3A_516 = arith.constant 8 : i32
        %broadcast_in_dim3A_517 = vector.broadcast %broadcast_in_dim3A_516 : i32 to vector<16x1xi32>
        %gather3A_518 = vector.shape_cast %broadcast_in_dim3A_517 : vector<16x1xi32> to vector<16xi32>
        %gather3A_519 = tpu.dynamic_gather %get3A_414[%gather3A_518] in [0] : vector<16xf32>, vector<16xi32> -> vector<16xf32>
        %shift_left3A_520 = arith.constant 16 : i32
        %shift_left3A_521 = vector.broadcast %shift_left3A_520 : i32 to vector<16xi32>
        %shift_left3A_522 = arith.shli %get3A_515, %shift_left3A_521 : vector<16xi32>
        %bitcast_convert_type3A_523 = tpu.bitcast %shift_left3A_522 : vector<16xi32> -> vector<16xf32>
        %mul3A_524 = arith.mulf %gather3A_519, %bitcast_convert_type3A_523 : vector<16xf32>
        %broadcast_in_dim3A_525 = arith.constant 9 : i32
        %broadcast_in_dim3A_526 = vector.broadcast %broadcast_in_dim3A_525 : i32 to vector<16x1xi32>
        %gather3A_527 = vector.shape_cast %broadcast_in_dim3A_526 : vector<16x1xi32> to vector<16xi32>
        %gather3A_528 = tpu.dynamic_gather %get3A_414[%gather3A_527] in [0] : vector<16xf32>, vector<16xi32> -> vector<16xf32>
        %bitcast_convert_type3A_529 = tpu.bitcast %get3A_515 : vector<16xi32> -> vector<16xf32>
        %mul3A_530 = arith.mulf %gather3A_528, %bitcast_convert_type3A_529 : vector<16xf32>
        %add3A_531 = arith.addf %mul3A_524, %mul3A_530 : vector<16xf32>
        %add3A_532 = arith.addf %add3A_443, %add3A_531 : vector<16xf32>
        %get3A_533 = arith.constant 0 : i32
        %get3A_534 = arith.index_cast %get3A_533 : i32 to index
        %get3A_535 = arith.index_cast %mul3A_409 : i32 to index
        %get3A_536 = arith.constant 80 : index
        %get3A_537 = tpu.vector_load %arg9[%get3A_534, %get3A_535, %get3A_536] {strides = array<i32>} : memref<2x80x144xi32, #tpu.memory_space<vmem>>, vector<1x1x16xi32>,
        %get3A_538 = vector.shape_cast %get3A_537 : vector<1x1x16xi32> to vector<16xi32>
        %broadcast_in_dim3A_539 = arith.constant 10 : i32
        %broadcast_in_dim3A_540 = vector.broadcast %broadcast_in_dim3A_539 : i32 to vector<16x1xi32>
        %gather3A_541 = vector.shape_cast %broadcast_in_dim3A_540 : vector<16x1xi32> to vector<16xi32>
        %gather3A_542 = tpu.dynamic_gather %get3A_414[%gather3A_541] in [0] : vector<16xf32>, vector<16xi32> -> vector<16xf32>
        %shift_left3A_543 = arith.constant 16 : i32
        %shift_left3A_544 = vector.broadcast %shift_left3A_543 : i32 to vector<16xi32>
        %shift_left3A_545 = arith.shli %get3A_538, %shift_left3A_544 : vector<16xi32>
        %bitcast_convert_type3A_546 = tpu.bitcast %shift_left3A_545 : vector<16xi32> -> vector<16xf32>
        %mul3A_547 = arith.mulf %gather3A_542, %bitcast_convert_type3A_546 : vector<16xf32>
        %broadcast_in_dim3A_548 = arith.constant 11 : i32
        %broadcast_in_dim3A_549 = vector.broadcast %broadcast_in_dim3A_548 : i32 to vector<16x1xi32>
        %gather3A_550 = vector.shape_cast %broadcast_in_dim3A_549 : vector<16x1xi32> to vector<16xi32>
        %gather3A_551 = tpu.dynamic_gather %get3A_414[%gather3A_550] in [0] : vector<16xf32>, vector<16xi32> -> vector<16xf32>
        %bitcast_convert_type3A_552 = tpu.bitcast %get3A_538 : vector<16xi32> -> vector<16xf32>
        %mul3A_553 = arith.mulf %gather3A_551, %bitcast_convert_type3A_552 : vector<16xf32>
        %add3A_554 = arith.addf %mul3A_547, %mul3A_553 : vector<16xf32>
        %add3A_555 = arith.addf %add3A_465, %add3A_554 : vector<16xf32>
        %get3A_556 = arith.constant 0 : i32
        %get3A_557 = arith.index_cast %get3A_556 : i32 to index
        %get3A_558 = arith.index_cast %mul3A_409 : i32 to index
        %get3A_559 = arith.constant 96 : index
        %get3A_560 = tpu.vector_load %arg9[%get3A_557, %get3A_558, %get3A_559] {strides = array<i32>} : memref<2x80x144xi32, #tpu.memory_space<vmem>>, vector<1x1x16xi32>,
        %get3A_561 = vector.shape_cast %get3A_560 : vector<1x1x16xi32> to vector<16xi32>
        %broadcast_in_dim3A_562 = arith.constant 12 : i32
        %broadcast_in_dim3A_563 = vector.broadcast %broadcast_in_dim3A_562 : i32 to vector<16x1xi32>
        %gather3A_564 = vector.shape_cast %broadcast_in_dim3A_563 : vector<16x1xi32> to vector<16xi32>
        %gather3A_565 = tpu.dynamic_gather %get3A_414[%gather3A_564] in [0] : vector<16xf32>, vector<16xi32> -> vector<16xf32>
        %shift_left3A_566 = arith.constant 16 : i32
        %shift_left3A_567 = vector.broadcast %shift_left3A_566 : i32 to vector<16xi32>
        %shift_left3A_568 = arith.shli %get3A_561, %shift_left3A_567 : vector<16xi32>
        %bitcast_convert_type3A_569 = tpu.bitcast %shift_left3A_568 : vector<16xi32> -> vector<16xf32>
        %mul3A_570 = arith.mulf %gather3A_565, %bitcast_convert_type3A_569 : vector<16xf32>
        %broadcast_in_dim3A_571 = arith.constant 13 : i32
        %broadcast_in_dim3A_572 = vector.broadcast %broadcast_in_dim3A_571 : i32 to vector<16x1xi32>
        %gather3A_573 = vector.shape_cast %broadcast_in_dim3A_572 : vector<16x1xi32> to vector<16xi32>
        %gather3A_574 = tpu.dynamic_gather %get3A_414[%gather3A_573] in [0] : vector<16xf32>, vector<16xi32> -> vector<16xf32>
        %bitcast_convert_type3A_575 = tpu.bitcast %get3A_561 : vector<16xi32> -> vector<16xf32>
        %mul3A_576 = arith.mulf %gather3A_574, %bitcast_convert_type3A_575 : vector<16xf32>
        %add3A_577 = arith.addf %mul3A_570, %mul3A_576 : vector<16xf32>
        %add3A_578 = arith.addf %add3A_487, %add3A_577 : vector<16xf32>
        %get3A_579 = arith.constant 0 : i32
        %get3A_580 = arith.index_cast %get3A_579 : i32 to index
        %get3A_581 = arith.index_cast %mul3A_409 : i32 to index
        %get3A_582 = arith.constant 112 : index
        %get3A_583 = tpu.vector_load %arg9[%get3A_580, %get3A_581, %get3A_582] {strides = array<i32>} : memref<2x80x144xi32, #tpu.memory_space<vmem>>, vector<1x1x16xi32>,
        %get3A_584 = vector.shape_cast %get3A_583 : vector<1x1x16xi32> to vector<16xi32>
        %broadcast_in_dim3A_585 = arith.constant 14 : i32
        %broadcast_in_dim3A_586 = vector.broadcast %broadcast_in_dim3A_585 : i32 to vector<16x1xi32>
        %gather3A_587 = vector.shape_cast %broadcast_in_dim3A_586 : vector<16x1xi32> to vector<16xi32>
        %gather3A_588 = tpu.dynamic_gather %get3A_414[%gather3A_587] in [0] : vector<16xf32>, vector<16xi32> -> vector<16xf32>
        %shift_left3A_589 = arith.constant 16 : i32
        %shift_left3A_590 = vector.broadcast %shift_left3A_589 : i32 to vector<16xi32>
        %shift_left3A_591 = arith.shli %get3A_584, %shift_left3A_590 : vector<16xi32>
        %bitcast_convert_type3A_592 = tpu.bitcast %shift_left3A_591 : vector<16xi32> -> vector<16xf32>
        %mul3A_593 = arith.mulf %gather3A_588, %bitcast_convert_type3A_592 : vector<16xf32>
        %broadcast_in_dim3A_594 = arith.constant 15 : i32
        %broadcast_in_dim3A_595 = vector.broadcast %broadcast_in_dim3A_594 : i32 to vector<16x1xi32>
        %gather3A_596 = vector.shape_cast %broadcast_in_dim3A_595 : vector<16x1xi32> to vector<16xi32>
        %gather3A_597 = tpu.dynamic_gather %get3A_414[%gather3A_596] in [0] : vector<16xf32>, vector<16xi32> -> vector<16xf32>
        %bitcast_convert_type3A_598 = tpu.bitcast %get3A_584 : vector<16xi32> -> vector<16xf32>
        %mul3A_599 = arith.mulf %gather3A_597, %bitcast_convert_type3A_598 : vector<16xf32>
        %add3A_600 = arith.addf %mul3A_593, %mul3A_599 : vector<16xf32>
        %add3A_601 = arith.addf %add3A_509, %add3A_600 : vector<16xf32>
        %add3A_602 = arith.addf %add3A_532, %add3A_555 : vector<16xf32>
        %add3A_603 = arith.addf %add3A_578, %add3A_601 : vector<16xf32>
        %add3A_604 = arith.addf %add3A_602, %add3A_603 : vector<16xf32>
        %swap3A = arith.index_cast %mul3A_409 : i32 to index
        %swap3A_605 = arith.constant 0 : index
        %swap3A_606 = tpu.vector_load %arg10[%swap3A, %swap3A_605] {strides = array<i32>} : memref<80x16xf32, #tpu.memory_space<vmem>>, vector<1x16xf32>,
        %swap3A_607 = vector.shape_cast %swap3A_606 : vector<1x16xf32> to vector<16xf32>
        %swap3A_608 = vector.shape_cast %add3A_604 : vector<16xf32> to vector<1x16xf32>
        tpu.vector_store %arg10[%swap3A, %swap3A_605], %swap3A_608 {strides = array<i32>} : memref<80x16xf32, #tpu.memory_space<vmem>>, vector<1x16xf32>,
        %mul3A_609 = arith.constant 2 : i32
        %mul3A_610 = arith.muli %mul3A_609, %scan3A_407 : i32
        %add3A_611 = arith.constant 1 : i32
        %add3A_612 = arith.addi %mul3A_610, %add3A_611 : i32
        %get3A_613 = arith.constant 0 : i32
        %get3A_614 = arith.index_cast %get3A_613 : i32 to index
        %get3A_615 = arith.index_cast %add3A_612 : i32 to index
        %get3A_616 = arith.constant 0 : index
        %get3A_617 = tpu.vector_load %arg8[%get3A_614, %get3A_615, %get3A_616] {strides = array<i32>} : memref<2x80x16xf32, #tpu.memory_space<vmem>>, vector<1x1x16xf32>,
        %get3A_618 = vector.shape_cast %get3A_617 : vector<1x1x16xf32> to vector<16xf32>
        %get3A_619 = arith.constant 0 : i32
        %get3A_620 = arith.index_cast %get3A_619 : i32 to index
        %get3A_621 = arith.index_cast %add3A_612 : i32 to index
        %get3A_622 = arith.constant 128 : index
        %get3A_623 = tpu.vector_load %arg9[%get3A_620, %get3A_621, %get3A_622] {strides = array<i32>} : memref<2x80x144xi32, #tpu.memory_space<vmem>>, vector<1x1x16xi32>,
        %get3A_624 = vector.shape_cast %get3A_623 : vector<1x1x16xi32> to vector<16xi32>
        %shift_left3A_625 = arith.constant 16 : i32
        %shift_left3A_626 = vector.broadcast %shift_left3A_625 : i32 to vector<16xi32>
        %shift_left3A_627 = arith.shli %get3A_624, %shift_left3A_626 : vector<16xi32>
        %bitcast_convert_type3A_628 = tpu.bitcast %shift_left3A_627 : vector<16xi32> -> vector<16xf32>
        %get3A_629 = arith.constant 0 : i32
        %get3A_630 = arith.index_cast %get3A_629 : i32 to index
        %get3A_631 = arith.index_cast %add3A_612 : i32 to index
        %get3A_632 = arith.constant 0 : index
        %get3A_633 = tpu.vector_load %arg9[%get3A_630, %get3A_631, %get3A_632] {strides = array<i32>} : memref<2x80x144xi32, #tpu.memory_space<vmem>>, vector<1x1x16xi32>,
        %get3A_634 = vector.shape_cast %get3A_633 : vector<1x1x16xi32> to vector<16xi32>
        %broadcast_in_dim3A_635 = arith.constant 0 : i32
        %broadcast_in_dim3A_636 = vector.broadcast %broadcast_in_dim3A_635 : i32 to vector<16x1xi32>
        %gather3A_637 = vector.shape_cast %broadcast_in_dim3A_636 : vector<16x1xi32> to vector<16xi32>
        %gather3A_638 = tpu.dynamic_gather %get3A_618[%gather3A_637] in [0] : vector<16xf32>, vector<16xi32> -> vector<16xf32>
        %shift_left3A_639 = arith.constant 16 : i32
        %shift_left3A_640 = vector.broadcast %shift_left3A_639 : i32 to vector<16xi32>
        %shift_left3A_641 = arith.shli %get3A_634, %shift_left3A_640 : vector<16xi32>
        %bitcast_convert_type3A_642 = tpu.bitcast %shift_left3A_641 : vector<16xi32> -> vector<16xf32>
        %mul3A_643 = arith.mulf %gather3A_638, %bitcast_convert_type3A_642 : vector<16xf32>
        %broadcast_in_dim3A_644 = arith.constant 1 : i32
        %broadcast_in_dim3A_645 = vector.broadcast %broadcast_in_dim3A_644 : i32 to vector<16x1xi32>
        %gather3A_646 = vector.shape_cast %broadcast_in_dim3A_645 : vector<16x1xi32> to vector<16xi32>
        %gather3A_647 = tpu.dynamic_gather %get3A_618[%gather3A_646] in [0] : vector<16xf32>, vector<16xi32> -> vector<16xf32>
        %bitcast_convert_type3A_648 = tpu.bitcast %get3A_634 : vector<16xi32> -> vector<16xf32>
        %mul3A_649 = arith.mulf %gather3A_647, %bitcast_convert_type3A_648 : vector<16xf32>
        %add3A_650 = arith.addf %mul3A_643, %mul3A_649 : vector<16xf32>
        %add3A_651 = arith.addf %bitcast_convert_type3A_628, %add3A_650 : vector<16xf32>
        %get3A_652 = arith.constant 0 : i32
        %get3A_653 = arith.index_cast %get3A_652 : i32 to index
        %get3A_654 = arith.index_cast %add3A_612 : i32 to index
        %get3A_655 = arith.constant 16 : index
        %get3A_656 = tpu.vector_load %arg9[%get3A_653, %get3A_654, %get3A_655] {strides = array<i32>} : memref<2x80x144xi32, #tpu.memory_space<vmem>>, vector<1x1x16xi32>,
        %get3A_657 = vector.shape_cast %get3A_656 : vector<1x1x16xi32> to vector<16xi32>
        %broadcast_in_dim3A_658 = arith.constant 2 : i32
        %broadcast_in_dim3A_659 = vector.broadcast %broadcast_in_dim3A_658 : i32 to vector<16x1xi32>
        %gather3A_660 = vector.shape_cast %broadcast_in_dim3A_659 : vector<16x1xi32> to vector<16xi32>
        %gather3A_661 = tpu.dynamic_gather %get3A_618[%gather3A_660] in [0] : vector<16xf32>, vector<16xi32> -> vector<16xf32>
        %shift_left3A_662 = arith.constant 16 : i32
        %shift_left3A_663 = vector.broadcast %shift_left3A_662 : i32 to vector<16xi32>
        %shift_left3A_664 = arith.shli %get3A_657, %shift_left3A_663 : vector<16xi32>
        %bitcast_convert_type3A_665 = tpu.bitcast %shift_left3A_664 : vector<16xi32> -> vector<16xf32>
        %mul3A_666 = arith.mulf %gather3A_661, %bitcast_convert_type3A_665 : vector<16xf32>
        %broadcast_in_dim3A_667 = arith.constant 3 : i32
        %broadcast_in_dim3A_668 = vector.broadcast %broadcast_in_dim3A_667 : i32 to vector<16x1xi32>
        %gather3A_669 = vector.shape_cast %broadcast_in_dim3A_668 : vector<16x1xi32> to vector<16xi32>
        %gather3A_670 = tpu.dynamic_gather %get3A_618[%gather3A_669] in [0] : vector<16xf32>, vector<16xi32> -> vector<16xf32>
        %bitcast_convert_type3A_671 = tpu.bitcast %get3A_657 : vector<16xi32> -> vector<16xf32>
        %mul3A_672 = arith.mulf %gather3A_670, %bitcast_convert_type3A_671 : vector<16xf32>
        %add3A_673 = arith.addf %mul3A_666, %mul3A_672 : vector<16xf32>
        %get3A_674 = arith.constant 0 : i32
        %get3A_675 = arith.index_cast %get3A_674 : i32 to index
        %get3A_676 = arith.index_cast %add3A_612 : i32 to index
        %get3A_677 = arith.constant 32 : index
        %get3A_678 = tpu.vector_load %arg9[%get3A_675, %get3A_676, %get3A_677] {strides = array<i32>} : memref<2x80x144xi32, #tpu.memory_space<vmem>>, vector<1x1x16xi32>,
        %get3A_679 = vector.shape_cast %get3A_678 : vector<1x1x16xi32> to vector<16xi32>
        %broadcast_in_dim3A_680 = arith.constant 4 : i32
        %broadcast_in_dim3A_681 = vector.broadcast %broadcast_in_dim3A_680 : i32 to vector<16x1xi32>
        %gather3A_682 = vector.shape_cast %broadcast_in_dim3A_681 : vector<16x1xi32> to vector<16xi32>
        %gather3A_683 = tpu.dynamic_gather %get3A_618[%gather3A_682] in [0] : vector<16xf32>, vector<16xi32> -> vector<16xf32>
        %shift_left3A_684 = arith.constant 16 : i32
        %shift_left3A_685 = vector.broadcast %shift_left3A_684 : i32 to vector<16xi32>
        %shift_left3A_686 = arith.shli %get3A_679, %shift_left3A_685 : vector<16xi32>
        %bitcast_convert_type3A_687 = tpu.bitcast %shift_left3A_686 : vector<16xi32> -> vector<16xf32>
        %mul3A_688 = arith.mulf %gather3A_683, %bitcast_convert_type3A_687 : vector<16xf32>
        %broadcast_in_dim3A_689 = arith.constant 5 : i32
        %broadcast_in_dim3A_690 = vector.broadcast %broadcast_in_dim3A_689 : i32 to vector<16x1xi32>
        %gather3A_691 = vector.shape_cast %broadcast_in_dim3A_690 : vector<16x1xi32> to vector<16xi32>
        %gather3A_692 = tpu.dynamic_gather %get3A_618[%gather3A_691] in [0] : vector<16xf32>, vector<16xi32> -> vector<16xf32>
        %bitcast_convert_type3A_693 = tpu.bitcast %get3A_679 : vector<16xi32> -> vector<16xf32>
        %mul3A_694 = arith.mulf %gather3A_692, %bitcast_convert_type3A_693 : vector<16xf32>
        %add3A_695 = arith.addf %mul3A_688, %mul3A_694 : vector<16xf32>
        %get3A_696 = arith.constant 0 : i32
        %get3A_697 = arith.index_cast %get3A_696 : i32 to index
        %get3A_698 = arith.index_cast %add3A_612 : i32 to index
        %get3A_699 = arith.constant 48 : index
        %get3A_700 = tpu.vector_load %arg9[%get3A_697, %get3A_698, %get3A_699] {strides = array<i32>} : memref<2x80x144xi32, #tpu.memory_space<vmem>>, vector<1x1x16xi32>,
        %get3A_701 = vector.shape_cast %get3A_700 : vector<1x1x16xi32> to vector<16xi32>
        %broadcast_in_dim3A_702 = arith.constant 6 : i32
        %broadcast_in_dim3A_703 = vector.broadcast %broadcast_in_dim3A_702 : i32 to vector<16x1xi32>
        %gather3A_704 = vector.shape_cast %broadcast_in_dim3A_703 : vector<16x1xi32> to vector<16xi32>
        %gather3A_705 = tpu.dynamic_gather %get3A_618[%gather3A_704] in [0] : vector<16xf32>, vector<16xi32> -> vector<16xf32>
        %shift_left3A_706 = arith.constant 16 : i32
        %shift_left3A_707 = vector.broadcast %shift_left3A_706 : i32 to vector<16xi32>
        %shift_left3A_708 = arith.shli %get3A_701, %shift_left3A_707 : vector<16xi32>
        %bitcast_convert_type3A_709 = tpu.bitcast %shift_left3A_708 : vector<16xi32> -> vector<16xf32>
        %mul3A_710 = arith.mulf %gather3A_705, %bitcast_convert_type3A_709 : vector<16xf32>
        %broadcast_in_dim3A_711 = arith.constant 7 : i32
        %broadcast_in_dim3A_712 = vector.broadcast %broadcast_in_dim3A_711 : i32 to vector<16x1xi32>
        %gather3A_713 = vector.shape_cast %broadcast_in_dim3A_712 : vector<16x1xi32> to vector<16xi32>
        %gather3A_714 = tpu.dynamic_gather %get3A_618[%gather3A_713] in [0] : vector<16xf32>, vector<16xi32> -> vector<16xf32>
        %bitcast_convert_type3A_715 = tpu.bitcast %get3A_701 : vector<16xi32> -> vector<16xf32>
        %mul3A_716 = arith.mulf %gather3A_714, %bitcast_convert_type3A_715 : vector<16xf32>
        %add3A_717 = arith.addf %mul3A_710, %mul3A_716 : vector<16xf32>
        %get3A_718 = arith.constant 0 : i32
        %get3A_719 = arith.index_cast %get3A_718 : i32 to index
        %get3A_720 = arith.index_cast %add3A_612 : i32 to index
        %get3A_721 = arith.constant 64 : index
        %get3A_722 = tpu.vector_load %arg9[%get3A_719, %get3A_720, %get3A_721] {strides = array<i32>} : memref<2x80x144xi32, #tpu.memory_space<vmem>>, vector<1x1x16xi32>,
        %get3A_723 = vector.shape_cast %get3A_722 : vector<1x1x16xi32> to vector<16xi32>
        %broadcast_in_dim3A_724 = arith.constant 8 : i32
        %broadcast_in_dim3A_725 = vector.broadcast %broadcast_in_dim3A_724 : i32 to vector<16x1xi32>
        %gather3A_726 = vector.shape_cast %broadcast_in_dim3A_725 : vector<16x1xi32> to vector<16xi32>
        %gather3A_727 = tpu.dynamic_gather %get3A_618[%gather3A_726] in [0] : vector<16xf32>, vector<16xi32> -> vector<16xf32>
        %shift_left3A_728 = arith.constant 16 : i32
        %shift_left3A_729 = vector.broadcast %shift_left3A_728 : i32 to vector<16xi32>
        %shift_left3A_730 = arith.shli %get3A_723, %shift_left3A_729 : vector<16xi32>
        %bitcast_convert_type3A_731 = tpu.bitcast %shift_left3A_730 : vector<16xi32> -> vector<16xf32>
        %mul3A_732 = arith.mulf %gather3A_727, %bitcast_convert_type3A_731 : vector<16xf32>
        %broadcast_in_dim3A_733 = arith.constant 9 : i32
        %broadcast_in_dim3A_734 = vector.broadcast %broadcast_in_dim3A_733 : i32 to vector<16x1xi32>
        %gather3A_735 = vector.shape_cast %broadcast_in_dim3A_734 : vector<16x1xi32> to vector<16xi32>
        %gather3A_736 = tpu.dynamic_gather %get3A_618[%gather3A_735] in [0] : vector<16xf32>, vector<16xi32> -> vector<16xf32>
        %bitcast_convert_type3A_737 = tpu.bitcast %get3A_723 : vector<16xi32> -> vector<16xf32>
        %mul3A_738 = arith.mulf %gather3A_736, %bitcast_convert_type3A_737 : vector<16xf32>
        %add3A_739 = arith.addf %mul3A_732, %mul3A_738 : vector<16xf32>
        %add3A_740 = arith.addf %add3A_651, %add3A_739 : vector<16xf32>
        %get3A_741 = arith.constant 0 : i32
        %get3A_742 = arith.index_cast %get3A_741 : i32 to index
        %get3A_743 = arith.index_cast %add3A_612 : i32 to index
        %get3A_744 = arith.constant 80 : index
        %get3A_745 = tpu.vector_load %arg9[%get3A_742, %get3A_743, %get3A_744] {strides = array<i32>} : memref<2x80x144xi32, #tpu.memory_space<vmem>>, vector<1x1x16xi32>,
        %get3A_746 = vector.shape_cast %get3A_745 : vector<1x1x16xi32> to vector<16xi32>
        %broadcast_in_dim3A_747 = arith.constant 10 : i32
        %broadcast_in_dim3A_748 = vector.broadcast %broadcast_in_dim3A_747 : i32 to vector<16x1xi32>
        %gather3A_749 = vector.shape_cast %broadcast_in_dim3A_748 : vector<16x1xi32> to vector<16xi32>
        %gather3A_750 = tpu.dynamic_gather %get3A_618[%gather3A_749] in [0] : vector<16xf32>, vector<16xi32> -> vector<16xf32>
        %shift_left3A_751 = arith.constant 16 : i32
        %shift_left3A_752 = vector.broadcast %shift_left3A_751 : i32 to vector<16xi32>
        %shift_left3A_753 = arith.shli %get3A_746, %shift_left3A_752 : vector<16xi32>
        %bitcast_convert_type3A_754 = tpu.bitcast %shift_left3A_753 : vector<16xi32> -> vector<16xf32>
        %mul3A_755 = arith.mulf %gather3A_750, %bitcast_convert_type3A_754 : vector<16xf32>
        %broadcast_in_dim3A_756 = arith.constant 11 : i32
        %broadcast_in_dim3A_757 = vector.broadcast %broadcast_in_dim3A_756 : i32 to vector<16x1xi32>
        %gather3A_758 = vector.shape_cast %broadcast_in_dim3A_757 : vector<16x1xi32> to vector<16xi32>
        %gather3A_759 = tpu.dynamic_gather %get3A_618[%gather3A_758] in [0] : vector<16xf32>, vector<16xi32> -> vector<16xf32>
        %bitcast_convert_type3A_760 = tpu.bitcast %get3A_746 : vector<16xi32> -> vector<16xf32>
        %mul3A_761 = arith.mulf %gather3A_759, %bitcast_convert_type3A_760 : vector<16xf32>
        %add3A_762 = arith.addf %mul3A_755, %mul3A_761 : vector<16xf32>
        %add3A_763 = arith.addf %add3A_673, %add3A_762 : vector<16xf32>
        %get3A_764 = arith.constant 0 : i32
        %get3A_765 = arith.index_cast %get3A_764 : i32 to index
        %get3A_766 = arith.index_cast %add3A_612 : i32 to index
        %get3A_767 = arith.constant 96 : index
        %get3A_768 = tpu.vector_load %arg9[%get3A_765, %get3A_766, %get3A_767] {strides = array<i32>} : memref<2x80x144xi32, #tpu.memory_space<vmem>>, vector<1x1x16xi32>,
        %get3A_769 = vector.shape_cast %get3A_768 : vector<1x1x16xi32> to vector<16xi32>
        %broadcast_in_dim3A_770 = arith.constant 12 : i32
        %broadcast_in_dim3A_771 = vector.broadcast %broadcast_in_dim3A_770 : i32 to vector<16x1xi32>
        %gather3A_772 = vector.shape_cast %broadcast_in_dim3A_771 : vector<16x1xi32> to vector<16xi32>
        %gather3A_773 = tpu.dynamic_gather %get3A_618[%gather3A_772] in [0] : vector<16xf32>, vector<16xi32> -> vector<16xf32>
        %shift_left3A_774 = arith.constant 16 : i32
        %shift_left3A_775 = vector.broadcast %shift_left3A_774 : i32 to vector<16xi32>
        %shift_left3A_776 = arith.shli %get3A_769, %shift_left3A_775 : vector<16xi32>
        %bitcast_convert_type3A_777 = tpu.bitcast %shift_left3A_776 : vector<16xi32> -> vector<16xf32>
        %mul3A_778 = arith.mulf %gather3A_773, %bitcast_convert_type3A_777 : vector<16xf32>
        %broadcast_in_dim3A_779 = arith.constant 13 : i32
        %broadcast_in_dim3A_780 = vector.broadcast %broadcast_in_dim3A_779 : i32 to vector<16x1xi32>
        %gather3A_781 = vector.shape_cast %broadcast_in_dim3A_780 : vector<16x1xi32> to vector<16xi32>
        %gather3A_782 = tpu.dynamic_gather %get3A_618[%gather3A_781] in [0] : vector<16xf32>, vector<16xi32> -> vector<16xf32>
        %bitcast_convert_type3A_783 = tpu.bitcast %get3A_769 : vector<16xi32> -> vector<16xf32>
        %mul3A_784 = arith.mulf %gather3A_782, %bitcast_convert_type3A_783 : vector<16xf32>
        %add3A_785 = arith.addf %mul3A_778, %mul3A_784 : vector<16xf32>
        %add3A_786 = arith.addf %add3A_695, %add3A_785 : vector<16xf32>
        %get3A_787 = arith.constant 0 : i32
        %get3A_788 = arith.index_cast %get3A_787 : i32 to index
        %get3A_789 = arith.index_cast %add3A_612 : i32 to index
        %get3A_790 = arith.constant 112 : index
        %get3A_791 = tpu.vector_load %arg9[%get3A_788, %get3A_789, %get3A_790] {strides = array<i32>} : memref<2x80x144xi32, #tpu.memory_space<vmem>>, vector<1x1x16xi32>,
        %get3A_792 = vector.shape_cast %get3A_791 : vector<1x1x16xi32> to vector<16xi32>
        %broadcast_in_dim3A_793 = arith.constant 14 : i32
        %broadcast_in_dim3A_794 = vector.broadcast %broadcast_in_dim3A_793 : i32 to vector<16x1xi32>
        %gather3A_795 = vector.shape_cast %broadcast_in_dim3A_794 : vector<16x1xi32> to vector<16xi32>
        %gather3A_796 = tpu.dynamic_gather %get3A_618[%gather3A_795] in [0] : vector<16xf32>, vector<16xi32> -> vector<16xf32>
        %shift_left3A_797 = arith.constant 16 : i32
        %shift_left3A_798 = vector.broadcast %shift_left3A_797 : i32 to vector<16xi32>
        %shift_left3A_799 = arith.shli %get3A_792, %shift_left3A_798 : vector<16xi32>
        %bitcast_convert_type3A_800 = tpu.bitcast %shift_left3A_799 : vector<16xi32> -> vector<16xf32>
        %mul3A_801 = arith.mulf %gather3A_796, %bitcast_convert_type3A_800 : vector<16xf32>
        %broadcast_in_dim3A_802 = arith.constant 15 : i32
        %broadcast_in_dim3A_803 = vector.broadcast %broadcast_in_dim3A_802 : i32 to vector<16x1xi32>
        %gather3A_804 = vector.shape_cast %broadcast_in_dim3A_803 : vector<16x1xi32> to vector<16xi32>
        %gather3A_805 = tpu.dynamic_gather %get3A_618[%gather3A_804] in [0] : vector<16xf32>, vector<16xi32> -> vector<16xf32>
        %bitcast_convert_type3A_806 = tpu.bitcast %get3A_792 : vector<16xi32> -> vector<16xf32>
        %mul3A_807 = arith.mulf %gather3A_805, %bitcast_convert_type3A_806 : vector<16xf32>
        %add3A_808 = arith.addf %mul3A_801, %mul3A_807 : vector<16xf32>
        %add3A_809 = arith.addf %add3A_717, %add3A_808 : vector<16xf32>
        %add3A_810 = arith.addf %add3A_740, %add3A_763 : vector<16xf32>
        %add3A_811 = arith.addf %add3A_786, %add3A_809 : vector<16xf32>
        %add3A_812 = arith.addf %add3A_810, %add3A_811 : vector<16xf32>
        %swap3A_813 = arith.index_cast %add3A_612 : i32 to index
        %swap3A_814 = arith.constant 0 : index
        %swap3A_815 = tpu.vector_load %arg10[%swap3A_813, %swap3A_814] {strides = array<i32>} : memref<80x16xf32, #tpu.memory_space<vmem>>, vector<1x16xf32>,
        %swap3A_816 = vector.shape_cast %swap3A_815 : vector<1x16xf32> to vector<16xf32>
        %swap3A_817 = vector.shape_cast %add3A_812 : vector<16xf32> to vector<1x16xf32>
        tpu.vector_store %arg10[%swap3A_813, %swap3A_814], %swap3A_817 {strides = array<i32>} : memref<80x16xf32, #tpu.memory_space<vmem>>, vector<1x16xf32>,
      }
      %scan3A_281 = arith.constant 40 : i32
      %run_scoped3A = arith.constant 0 : i32
      %run_scoped3A_282 = arith.constant 1 : i32
      "tpu.region"() ({
        %run_scoped3A_407 = tpu.sem_alloc : memref<!tpu.dma_semaphore, #tpu.memory_space<semaphore_mem>>
        %dma_start3A_408 = arith.constant 0 : i32
        %dma_start3A_409 = tpu.memref_slice %arg7[%run_scoped3A, %run_scoped3A_282, %dma_start3A_408] : memref<2x2x80xi32, #tpu.memory_space<vmem>> -> memref<1x1x80xi32, #tpu.memory_space<vmem>>
        %dma_start3A_410 = tpu.memref_squeeze %dma_start3A_409 : memref<1x1x80xi32, #tpu.memory_space<vmem>> -> memref<80xi32, #tpu.memory_space<vmem>>
        %dma_start3A_411 = arith.constant 0 : i32
        %dma_start3A_412 = arith.constant 0 : i32
        %dma_start3A_413 = tpu.memref_slice %arg12[%dma_start3A_411, %dma_start3A_412] : memref<10112x16xf32, #tpu.memory_space<vmem_shared>> -> memref<10112x16xf32, #tpu.memory_space<vmem_shared>>
        tpu.enqueue_indirect_dma source(%arg10 : memref<80x16xf32, #tpu.memory_space<vmem>>) target(%dma_start3A_413 : memref<10112x16xf32, #tpu.memory_space<vmem_shared>>) offsets(%dma_start3A_410 : memref<80xi32, #tpu.memory_space<vmem>>) semaphore(%run_scoped3A_407 : memref<!tpu.dma_semaphore, #tpu.memory_space<semaphore_mem>>) {add = true}
        %dma_wait3A_414 = arith.constant 0 : i32
        %dma_wait3A_415 = tpu.memref_slice %arg7[%run_scoped3A, %run_scoped3A_282, %dma_wait3A_414] : memref<2x2x80xi32, #tpu.memory_space<vmem>> -> memref<1x1x80xi32, #tpu.memory_space<vmem>>
        %dma_wait3A_416 = tpu.memref_squeeze %dma_wait3A_415 : memref<1x1x80xi32, #tpu.memory_space<vmem>> -> memref<80xi32, #tpu.memory_space<vmem>>
        %dma_wait3A_417 = arith.constant 0 : i32
        %dma_wait3A_418 = arith.constant 0 : i32
        %dma_wait3A_419 = tpu.memref_slice %arg12[%dma_wait3A_417, %dma_wait3A_418] : memref<10112x16xf32, #tpu.memory_space<vmem_shared>> -> memref<10112x16xf32, #tpu.memory_space<vmem_shared>>
        tpu.wait_indirect_dma semaphore(%run_scoped3A_407 : memref<!tpu.dma_semaphore, #tpu.memory_space<semaphore_mem>>) src(%arg10 : memref<80x16xf32, #tpu.memory_space<vmem>>) dst(%dma_wait3A_419 : memref<10112x16xf32, #tpu.memory_space<vmem_shared>>)
        tpu.yield
      }) : () -> ()
      %add3A_283 = arith.constant 2 : i32
      %add3A_284 = arith.addi %add3A_178, %add3A_283 : i32
      %lt3A_285 = arith.constant 128 : i32
      %lt3A_286 = arith.cmpi slt, %add3A_284, %lt3A_285 : i32
      %convert_element_type3A_287 = arith.extui %lt3A_286 : i1 to i32
      %cond3A_288 = arith.constant 0 : i32
      %cond3A_289 = arith.cmpi ne, %convert_element_type3A_287, %cond3A_288 : i32
      scf.if %cond3A_289 {
        %add3A_407 = arith.constant 2 : i32
        %add3A_408 = arith.addi %add3A_178, %add3A_407 : i32
        %mul3A_409 = arith.constant 128 : i32
        %mul3A_410 = arith.muli %add3A, %mul3A_409 : i32
        %add3A_411 = arith.addi %mul3A_410, %add3A_408 : i32
        %mul3A_412 = arith.constant 80 : i32
        %mul3A_413 = arith.muli %add3A_411, %mul3A_412 : i32
        %dma_start3A_414 = arith.constant 0 : i32
        %dma_start3A_415 = arith.constant 0 : i32
        %dma_start3A_416 = arith.constant 0 : i32
        %dma_start3A_417 = arith.constant 0 : i32
        %dma_start3A_418 = tpu.memref_slice %arg7[%dma_start3A_414, %dma_start3A_416, %dma_start3A_417] : memref<2x2x80xi32, #tpu.memory_space<vmem>> -> memref<1x2x80xi32, #tpu.memory_space<vmem>>
        %dma_start3A_419 = tpu.memref_squeeze %dma_start3A_418 : memref<1x2x80xi32, #tpu.memory_space<vmem>> -> memref<2x80xi32, #tpu.memory_space<vmem>>
        %dma_start3A_420 = arith.constant 0 : i32
        %dma_start3A_421 = tpu.memref_slice %arg3[%dma_start3A_420, %mul3A_413] : memref<2x327680xi32, #tpu.memory_space<hbm>> -> memref<2x80xi32, #tpu.memory_space<hbm>>
        %dma_start3A_422 = tpu.memref_slice %arg15[%dma_start3A_415] : memref<2x!tpu.dma_semaphore, #tpu.memory_space<semaphore_mem>> -> memref<1x!tpu.dma_semaphore, #tpu.memory_space<semaphore_mem>>
        %dma_start3A_423 = tpu.memref_squeeze %dma_start3A_422 : memref<1x!tpu.dma_semaphore, #tpu.memory_space<semaphore_mem>> -> memref<!tpu.dma_semaphore, #tpu.memory_space<semaphore_mem>>
        %dma_start3A_424 = arith.constant 0 : i32
        %dma_start3A_425 = arith.constant 0 : i32
        %dma_start3A_426 = tpu.memref_slice %arg7[%dma_start3A_414, %dma_start3A_424, %dma_start3A_425] : memref<2x2x80xi32, #tpu.memory_space<vmem>> -> memref<1x2x80xi32, #tpu.memory_space<vmem>>
        %dma_start3A_427 = tpu.memref_squeeze %dma_start3A_426 : memref<1x2x80xi32, #tpu.memory_space<vmem>> -> memref<2x80xi32, #tpu.memory_space<vmem>>
        %dma_start3A_428 = arith.constant 0 : i32
        %dma_start3A_429 = tpu.memref_slice %arg3[%dma_start3A_428, %mul3A_413] : memref<2x327680xi32, #tpu.memory_space<hbm>> -> memref<2x80xi32, #tpu.memory_space<hbm>>
        tpu.enqueue_dma source(%dma_start3A_429 : memref<2x80xi32, #tpu.memory_space<hbm>>) target(%dma_start3A_427 : memref<2x80xi32, #tpu.memory_space<vmem>>) target_semaphore(%dma_start3A_423 : memref<!tpu.dma_semaphore, #tpu.memory_space<semaphore_mem>>)
      } else {
      }
      %mul3A_290 = arith.constant 2 : i32
      %mul3A_291 = arith.muli %scan3A_174, %mul3A_290 : i32
      %add3A_292 = arith.constant 1 : i32
      %add3A_293 = arith.addi %mul3A_291, %add3A_292 : i32
      %add3A_294 = arith.constant 1 : i32
      %add3A_295 = arith.addi %add3A_293, %add3A_294 : i32
      %lt3A_296 = arith.constant 128 : i32
      %lt3A_297 = arith.cmpi slt, %add3A_295, %lt3A_296 : i32
      %convert_element_type3A_298 = arith.extui %lt3A_297 : i1 to i32
      %cond3A_299 = arith.constant 0 : i32
      %cond3A_300 = arith.cmpi ne, %convert_element_type3A_298, %cond3A_299 : i32
      scf.if %cond3A_300 {
        %add3A_407 = arith.constant 1 : i32
        %add3A_408 = arith.addi %add3A_293, %add3A_407 : i32
        %mul3A_409 = arith.constant 128 : i32
        %mul3A_410 = arith.muli %add3A, %mul3A_409 : i32
        %add3A_411 = arith.addi %mul3A_410, %add3A_408 : i32
        %mul3A_412 = arith.constant 80 : i32
        %mul3A_413 = arith.muli %add3A_411, %mul3A_412 : i32
        %dma_wait3A_414 = arith.constant 0 : i32
        %dma_wait3A_415 = arith.constant 0 : i32
        %dma_wait3A_416 = arith.constant 0 : i32
        %dma_wait3A_417 = arith.constant 0 : i32
        %dma_wait3A_418 = tpu.memref_slice %arg7[%dma_wait3A_414, %dma_wait3A_416, %dma_wait3A_417] : memref<2x2x80xi32, #tpu.memory_space<vmem>> -> memref<1x2x80xi32, #tpu.memory_space<vmem>>
        %dma_wait3A_419 = tpu.memref_squeeze %dma_wait3A_418 : memref<1x2x80xi32, #tpu.memory_space<vmem>> -> memref<2x80xi32, #tpu.memory_space<vmem>>
        %dma_wait3A_420 = arith.constant 0 : i32
        %dma_wait3A_421 = tpu.memref_slice %arg3[%dma_wait3A_420, %mul3A_413] : memref<2x327680xi32, #tpu.memory_space<hbm>> -> memref<2x80xi32, #tpu.memory_space<hbm>>
        %dma_wait3A_422 = tpu.memref_slice %arg15[%dma_wait3A_415] : memref<2x!tpu.dma_semaphore, #tpu.memory_space<semaphore_mem>> -> memref<1x!tpu.dma_semaphore, #tpu.memory_space<semaphore_mem>>
        %dma_wait3A_423 = tpu.memref_squeeze %dma_wait3A_422 : memref<1x!tpu.dma_semaphore, #tpu.memory_space<semaphore_mem>> -> memref<!tpu.dma_semaphore, #tpu.memory_space<semaphore_mem>>
        %dma_wait3A_424 = arith.constant 0 : i32
        %dma_wait3A_425 = arith.constant 0 : i32
        %dma_wait3A_426 = tpu.memref_slice %arg7[%dma_wait3A_414, %dma_wait3A_424, %dma_wait3A_425] : memref<2x2x80xi32, #tpu.memory_space<vmem>> -> memref<1x2x80xi32, #tpu.memory_space<vmem>>
        %dma_wait3A_427 = tpu.memref_squeeze %dma_wait3A_426 : memref<1x2x80xi32, #tpu.memory_space<vmem>> -> memref<2x80xi32, #tpu.memory_space<vmem>>
        %dma_wait3A_428 = arith.constant 0 : i32
        %dma_wait3A_429 = tpu.memref_slice %arg3[%dma_wait3A_428, %mul3A_413] : memref<2x327680xi32, #tpu.memory_space<hbm>> -> memref<2x80xi32, #tpu.memory_space<hbm>>
        tpu.wait_dma2 semaphore(%dma_wait3A_423 : memref<!tpu.dma_semaphore, #tpu.memory_space<semaphore_mem>>) src(%dma_wait3A_429 : memref<2x80xi32, #tpu.memory_space<hbm>>) dst(%dma_wait3A_427 : memref<2x80xi32, #tpu.memory_space<vmem>>)
        %add3A_430 = arith.constant 1 : i32
        %add3A_431 = arith.addi %add3A_293, %add3A_430 : i32
        %mul3A_432 = arith.constant 128 : i32
        %mul3A_433 = arith.muli %add3A, %mul3A_432 : i32
        %add3A_434 = arith.addi %mul3A_433, %add3A_431 : i32
        %mul3A_435 = arith.constant 80 : i32
        %mul3A_436 = arith.muli %add3A_434, %mul3A_435 : i32
        %min3A_437 = arith.constant 319920 : i32
        %min3A_438 = arith.minsi %mul3A_436, %min3A_437 : i32
        %dma_start3A_439 = arith.constant 0 : i32
        %dma_start3A_440 = arith.constant 0 : i32
        %dma_start3A_441 = arith.constant 0 : i32
        %dma_start3A_442 = arith.constant 0 : i32
        %dma_start3A_443 = tpu.memref_slice %arg8[%dma_start3A_439, %dma_start3A_441, %dma_start3A_442] : memref<2x80x16xf32, #tpu.memory_space<vmem>> -> memref<1x80x16xf32, #tpu.memory_space<vmem>>
        %dma_start3A_444 = tpu.memref_squeeze %dma_start3A_443 : memref<1x80x16xf32, #tpu.memory_space<vmem>> -> memref<80x16xf32, #tpu.memory_space<vmem>>
        %dma_start3A_445 = arith.constant 0 : i32
        %dma_start3A_446 = tpu.memref_slice %arg4[%min3A_438, %dma_start3A_445] : memref<320000x16xf32, #tpu.memory_space<hbm>> -> memref<80x16xf32, #tpu.memory_space<hbm>>
        %dma_start3A_447 = tpu.memref_slice %arg14[%dma_start3A_440] : memref<2x!tpu.dma_semaphore, #tpu.memory_space<semaphore_mem>> -> memref<1x!tpu.dma_semaphore, #tpu.memory_space<semaphore_mem>>
        %dma_start3A_448 = tpu.memref_squeeze %dma_start3A_447 : memref<1x!tpu.dma_semaphore, #tpu.memory_space<semaphore_mem>> -> memref<!tpu.dma_semaphore, #tpu.memory_space<semaphore_mem>>
        %dma_start3A_449 = arith.constant 0 : i32
        %dma_start3A_450 = arith.constant 0 : i32
        %dma_start3A_451 = tpu.memref_slice %arg8[%dma_start3A_439, %dma_start3A_449, %dma_start3A_450] : memref<2x80x16xf32, #tpu.memory_space<vmem>> -> memref<1x80x16xf32, #tpu.memory_space<vmem>>
        %dma_start3A_452 = tpu.memref_squeeze %dma_start3A_451 : memref<1x80x16xf32, #tpu.memory_space<vmem>> -> memref<80x16xf32, #tpu.memory_space<vmem>>
        %dma_start3A_453 = arith.constant 0 : i32
        %dma_start3A_454 = tpu.memref_slice %arg4[%min3A_438, %dma_start3A_453] : memref<320000x16xf32, #tpu.memory_space<hbm>> -> memref<80x16xf32, #tpu.memory_space<hbm>>
        tpu.enqueue_dma source(%dma_start3A_454 : memref<80x16xf32, #tpu.memory_space<hbm>>) target(%dma_start3A_452 : memref<80x16xf32, #tpu.memory_space<vmem>>) target_semaphore(%dma_start3A_448 : memref<!tpu.dma_semaphore, #tpu.memory_space<semaphore_mem>>)
        %dma_start3A_455 = arith.constant 0 : i32
        %dma_start3A_456 = arith.constant 0 : i32
        %dma_start3A_457 = arith.constant 0 : i32
        %dma_start3A_458 = arith.constant 0 : i32
        %dma_start3A_459 = arith.constant 0 : i32
        %dma_start3A_460 = arith.constant 0 : i32
        %dma_start3A_461 = arith.constant 0 : i32
        %dma_start3A_462 = tpu.memref_slice %arg9[%dma_start3A_457, %dma_start3A_460, %dma_start3A_461] : memref<2x80x144xi32, #tpu.memory_space<vmem>> -> memref<1x24x144xi32, #tpu.memory_space<vmem>>
        %dma_start3A_463 = tpu.memref_squeeze %dma_start3A_462 : memref<1x24x144xi32, #tpu.memory_space<vmem>> -> memref<24x144xi32, #tpu.memory_space<vmem>>
        %dma_start3A_464 = arith.constant 0 : i32
        %dma_start3A_465 = tpu.memref_slice %arg7[%dma_start3A_455, %dma_start3A_456, %dma_start3A_464] : memref<2x2x80xi32, #tpu.memory_space<vmem>> -> memref<1x1x24xi32, #tpu.memory_space<vmem>>
        %dma_start3A_466 = tpu.memref_squeeze %dma_start3A_465 : memref<1x1x24xi32, #tpu.memory_space<vmem>> -> memref<24xi32, #tpu.memory_space<vmem>>
        %dma_start3A_467 = arith.constant 0 : i32
        %dma_start3A_468 = arith.constant 0 : i32
        %dma_start3A_469 = tpu.memref_slice %arg11[%dma_start3A_467, %dma_start3A_468] : memref<10000x144xi32, #tpu.memory_space<vmem_shared>> -> memref<10000x144xi32, #tpu.memory_space<vmem_shared>>
        %dma_start3A_470 = tpu.memref_slice %arg13[%dma_start3A_458, %dma_start3A_459] : memref<2x4x!tpu.dma_semaphore, #tpu.memory_space<semaphore_mem>> -> memref<1x1x!tpu.dma_semaphore, #tpu.memory_space<semaphore_mem>>
        %dma_start3A_471 = tpu.memref_squeeze %dma_start3A_470 : memref<1x1x!tpu.dma_semaphore, #tpu.memory_space<semaphore_mem>> -> memref<!tpu.dma_semaphore, #tpu.memory_space<semaphore_mem>>
        tpu.enqueue_indirect_dma source(%dma_start3A_469 : memref<10000x144xi32, #tpu.memory_space<vmem_shared>>) target(%dma_start3A_463 : memref<24x144xi32, #tpu.memory_space<vmem>>) offsets(%dma_start3A_466 : memref<24xi32, #tpu.memory_space<vmem>>) semaphore(%dma_start3A_471 : memref<!tpu.dma_semaphore, #tpu.memory_space<semaphore_mem>>)
        %dma_start3A_472 = arith.constant 0 : i32
        %dma_start3A_473 = arith.constant 0 : i32
        %dma_start3A_474 = arith.constant 0 : i32
        %dma_start3A_475 = arith.constant 0 : i32
        %dma_start3A_476 = arith.constant 1 : i32
        %dma_start3A_477 = arith.constant 24 : i32
        %dma_start3A_478 = arith.constant 0 : i32
        %dma_start3A_479 = tpu.memref_slice %arg9[%dma_start3A_474, %dma_start3A_477, %dma_start3A_478] : memref<2x80x144xi32, #tpu.memory_space<vmem>> -> memref<1x24x144xi32, #tpu.memory_space<vmem>>
        %dma_start3A_480 = tpu.memref_squeeze %dma_start3A_479 : memref<1x24x144xi32, #tpu.memory_space<vmem>> -> memref<24x144xi32, #tpu.memory_space<vmem>>
        %dma_start3A_481 = arith.constant 24 : i32
        %dma_start3A_482 = tpu.memref_slice %arg7[%dma_start3A_472, %dma_start3A_473, %dma_start3A_481] : memref<2x2x80xi32, #tpu.memory_space<vmem>> -> memref<1x1x24xi32, #tpu.memory_space<vmem>>
        %dma_start3A_483 = tpu.memref_squeeze %dma_start3A_482 : memref<1x1x24xi32, #tpu.memory_space<vmem>> -> memref<24xi32, #tpu.memory_space<vmem>>
        %dma_start3A_484 = arith.constant 0 : i32
        %dma_start3A_485 = arith.constant 0 : i32
        %dma_start3A_486 = tpu.memref_slice %arg11[%dma_start3A_484, %dma_start3A_485] : memref<10000x144xi32, #tpu.memory_space<vmem_shared>> -> memref<10000x144xi32, #tpu.memory_space<vmem_shared>>
        %dma_start3A_487 = tpu.memref_slice %arg13[%dma_start3A_475, %dma_start3A_476] : memref<2x4x!tpu.dma_semaphore, #tpu.memory_space<semaphore_mem>> -> memref<1x1x!tpu.dma_semaphore, #tpu.memory_space<semaphore_mem>>
        %dma_start3A_488 = tpu.memref_squeeze %dma_start3A_487 : memref<1x1x!tpu.dma_semaphore, #tpu.memory_space<semaphore_mem>> -> memref<!tpu.dma_semaphore, #tpu.memory_space<semaphore_mem>>
        tpu.enqueue_indirect_dma source(%dma_start3A_486 : memref<10000x144xi32, #tpu.memory_space<vmem_shared>>) target(%dma_start3A_480 : memref<24x144xi32, #tpu.memory_space<vmem>>) offsets(%dma_start3A_483 : memref<24xi32, #tpu.memory_space<vmem>>) semaphore(%dma_start3A_488 : memref<!tpu.dma_semaphore, #tpu.memory_space<semaphore_mem>>)
        %dma_start3A_489 = arith.constant 0 : i32
        %dma_start3A_490 = arith.constant 0 : i32
        %dma_start3A_491 = arith.constant 0 : i32
        %dma_start3A_492 = arith.constant 0 : i32
        %dma_start3A_493 = arith.constant 2 : i32
        %dma_start3A_494 = arith.constant 48 : i32
        %dma_start3A_495 = arith.constant 0 : i32
        %dma_start3A_496 = tpu.memref_slice %arg9[%dma_start3A_491, %dma_start3A_494, %dma_start3A_495] : memref<2x80x144xi32, #tpu.memory_space<vmem>> -> memref<1x16x144xi32, #tpu.memory_space<vmem>>
        %dma_start3A_497 = tpu.memref_squeeze %dma_start3A_496 : memref<1x16x144xi32, #tpu.memory_space<vmem>> -> memref<16x144xi32, #tpu.memory_space<vmem>>
        %dma_start3A_498 = arith.constant 48 : i32
        %dma_start3A_499 = tpu.memref_slice %arg7[%dma_start3A_489, %dma_start3A_490, %dma_start3A_498] : memref<2x2x80xi32, #tpu.memory_space<vmem>> -> memref<1x1x16xi32, #tpu.memory_space<vmem>>
        %dma_start3A_500 = tpu.memref_squeeze %dma_start3A_499 : memref<1x1x16xi32, #tpu.memory_space<vmem>> -> memref<16xi32, #tpu.memory_space<vmem>>
        %dma_start3A_501 = arith.constant 0 : i32
        %dma_start3A_502 = arith.constant 0 : i32
        %dma_start3A_503 = tpu.memref_slice %arg11[%dma_start3A_501, %dma_start3A_502] : memref<10000x144xi32, #tpu.memory_space<vmem_shared>> -> memref<10000x144xi32, #tpu.memory_space<vmem_shared>>
        %dma_start3A_504 = tpu.memref_slice %arg13[%dma_start3A_492, %dma_start3A_493] : memref<2x4x!tpu.dma_semaphore, #tpu.memory_space<semaphore_mem>> -> memref<1x1x!tpu.dma_semaphore, #tpu.memory_space<semaphore_mem>>
        %dma_start3A_505 = tpu.memref_squeeze %dma_start3A_504 : memref<1x1x!tpu.dma_semaphore, #tpu.memory_space<semaphore_mem>> -> memref<!tpu.dma_semaphore, #tpu.memory_space<semaphore_mem>>
        tpu.enqueue_indirect_dma source(%dma_start3A_503 : memref<10000x144xi32, #tpu.memory_space<vmem_shared>>) target(%dma_start3A_497 : memref<16x144xi32, #tpu.memory_space<vmem>>) offsets(%dma_start3A_500 : memref<16xi32, #tpu.memory_space<vmem>>) semaphore(%dma_start3A_505 : memref<!tpu.dma_semaphore, #tpu.memory_space<semaphore_mem>>)
        %dma_start3A_506 = arith.constant 0 : i32
        %dma_start3A_507 = arith.constant 0 : i32
        %dma_start3A_508 = arith.constant 0 : i32
        %dma_start3A_509 = arith.constant 0 : i32
        %dma_start3A_510 = arith.constant 3 : i32
        %dma_start3A_511 = arith.constant 64 : i32
        %dma_start3A_512 = arith.constant 0 : i32
        %dma_start3A_513 = tpu.memref_slice %arg9[%dma_start3A_508, %dma_start3A_511, %dma_start3A_512] : memref<2x80x144xi32, #tpu.memory_space<vmem>> -> memref<1x16x144xi32, #tpu.memory_space<vmem>>
        %dma_start3A_514 = tpu.memref_squeeze %dma_start3A_513 : memref<1x16x144xi32, #tpu.memory_space<vmem>> -> memref<16x144xi32, #tpu.memory_space<vmem>>
        %dma_start3A_515 = arith.constant 64 : i32
        %dma_start3A_516 = tpu.memref_slice %arg7[%dma_start3A_506, %dma_start3A_507, %dma_start3A_515] : memref<2x2x80xi32, #tpu.memory_space<vmem>> -> memref<1x1x16xi32, #tpu.memory_space<vmem>>
        %dma_start3A_517 = tpu.memref_squeeze %dma_start3A_516 : memref<1x1x16xi32, #tpu.memory_space<vmem>> -> memref<16xi32, #tpu.memory_space<vmem>>
        %dma_start3A_518 = arith.constant 0 : i32
        %dma_start3A_519 = arith.constant 0 : i32
        %dma_start3A_520 = tpu.memref_slice %arg11[%dma_start3A_518, %dma_start3A_519] : memref<10000x144xi32, #tpu.memory_space<vmem_shared>> -> memref<10000x144xi32, #tpu.memory_space<vmem_shared>>
        %dma_start3A_521 = tpu.memref_slice %arg13[%dma_start3A_509, %dma_start3A_510] : memref<2x4x!tpu.dma_semaphore, #tpu.memory_space<semaphore_mem>> -> memref<1x1x!tpu.dma_semaphore, #tpu.memory_space<semaphore_mem>>
        %dma_start3A_522 = tpu.memref_squeeze %dma_start3A_521 : memref<1x1x!tpu.dma_semaphore, #tpu.memory_space<semaphore_mem>> -> memref<!tpu.dma_semaphore, #tpu.memory_space<semaphore_mem>>
        tpu.enqueue_indirect_dma source(%dma_start3A_520 : memref<10000x144xi32, #tpu.memory_space<vmem_shared>>) target(%dma_start3A_514 : memref<16x144xi32, #tpu.memory_space<vmem>>) offsets(%dma_start3A_517 : memref<16xi32, #tpu.memory_space<vmem>>) semaphore(%dma_start3A_522 : memref<!tpu.dma_semaphore, #tpu.memory_space<semaphore_mem>>)
      } else {
      }
      %mul3A_301 = arith.constant 128 : i32
      %mul3A_302 = arith.muli %add3A, %mul3A_301 : i32
      %add3A_303 = arith.addi %mul3A_302, %add3A_293 : i32
      %mul3A_304 = arith.constant 80 : i32
      %mul3A_305 = arith.muli %add3A_303, %mul3A_304 : i32
      %min3A_306 = arith.constant 319920 : i32
      %min3A_307 = arith.minsi %mul3A_305, %min3A_306 : i32
      %dma_wait3A_308 = arith.constant 1 : i32
      %dma_wait3A_309 = arith.constant 1 : i32
      %dma_wait3A_310 = arith.constant 0 : i32
      %dma_wait3A_311 = arith.constant 0 : i32
      %dma_wait3A_312 = tpu.memref_slice %arg8[%dma_wait3A_308, %dma_wait3A_310, %dma_wait3A_311] : memref<2x80x16xf32, #tpu.memory_space<vmem>> -> memref<1x80x16xf32, #tpu.memory_space<vmem>>
      %dma_wait3A_313 = tpu.memref_squeeze %dma_wait3A_312 : memref<1x80x16xf32, #tpu.memory_space<vmem>> -> memref<80x16xf32, #tpu.memory_space<vmem>>
      %dma_wait3A_314 = arith.constant 0 : i32
      %dma_wait3A_315 = tpu.memref_slice %arg4[%min3A_307, %dma_wait3A_314] : memref<320000x16xf32, #tpu.memory_space<hbm>> -> memref<80x16xf32, #tpu.memory_space<hbm>>
      %dma_wait3A_316 = tpu.memref_slice %arg14[%dma_wait3A_309] : memref<2x!tpu.dma_semaphore, #tpu.memory_space<semaphore_mem>> -> memref<1x!tpu.dma_semaphore, #tpu.memory_space<semaphore_mem>>
      %dma_wait3A_317 = tpu.memref_squeeze %dma_wait3A_316 : memref<1x!tpu.dma_semaphore, #tpu.memory_space<semaphore_mem>> -> memref<!tpu.dma_semaphore, #tpu.memory_space<semaphore_mem>>
      %dma_wait3A_318 = arith.constant 0 : i32
      %dma_wait3A_319 = arith.constant 0 : i32
      %dma_wait3A_320 = tpu.memref_slice %arg8[%dma_wait3A_308, %dma_wait3A_318, %dma_wait3A_319] : memref<2x80x16xf32, #tpu.memory_space<vmem>> -> memref<1x80x16xf32, #tpu.memory_space<vmem>>
      %dma_wait3A_321 = tpu.memref_squeeze %dma_wait3A_320 : memref<1x80x16xf32, #tpu.memory_space<vmem>> -> memref<80x16xf32, #tpu.memory_space<vmem>>
      %dma_wait3A_322 = arith.constant 0 : i32
      %dma_wait3A_323 = tpu.memref_slice %arg4[%min3A_307, %dma_wait3A_322] : memref<320000x16xf32, #tpu.memory_space<hbm>> -> memref<80x16xf32, #tpu.memory_space<hbm>>
      tpu.wait_dma2 semaphore(%dma_wait3A_317 : memref<!tpu.dma_semaphore, #tpu.memory_space<semaphore_mem>>) src(%dma_wait3A_323 : memref<80x16xf32, #tpu.memory_space<hbm>>) dst(%dma_wait3A_321 : memref<80x16xf32, #tpu.memory_space<vmem>>)
      %dma_wait3A_324 = arith.constant 1 : i32
      %dma_wait3A_325 = arith.constant 0 : i32
      %dma_wait3A_326 = arith.constant 1 : i32
      %dma_wait3A_327 = arith.constant 1 : i32
      %dma_wait3A_328 = arith.constant 0 : i32
      %dma_wait3A_329 = arith.constant 0 : i32
      %dma_wait3A_330 = arith.constant 0 : i32
      %dma_wait3A_331 = tpu.memref_slice %arg9[%dma_wait3A_326, %dma_wait3A_329, %dma_wait3A_330] : memref<2x80x144xi32, #tpu.memory_space<vmem>> -> memref<1x24x144xi32, #tpu.memory_space<vmem>>
      %dma_wait3A_332 = tpu.memref_squeeze %dma_wait3A_331 : memref<1x24x144xi32, #tpu.memory_space<vmem>> -> memref<24x144xi32, #tpu.memory_space<vmem>>
      %dma_wait3A_333 = arith.constant 0 : i32
      %dma_wait3A_334 = tpu.memref_slice %arg7[%dma_wait3A_324, %dma_wait3A_325, %dma_wait3A_333] : memref<2x2x80xi32, #tpu.memory_space<vmem>> -> memref<1x1x24xi32, #tpu.memory_space<vmem>>
      %dma_wait3A_335 = tpu.memref_squeeze %dma_wait3A_334 : memref<1x1x24xi32, #tpu.memory_space<vmem>> -> memref<24xi32, #tpu.memory_space<vmem>>
      %dma_wait3A_336 = arith.constant 0 : i32
      %dma_wait3A_337 = arith.constant 0 : i32
      %dma_wait3A_338 = tpu.memref_slice %arg11[%dma_wait3A_336, %dma_wait3A_337] : memref<10000x144xi32, #tpu.memory_space<vmem_shared>> -> memref<10000x144xi32, #tpu.memory_space<vmem_shared>>
      %dma_wait3A_339 = tpu.memref_slice %arg13[%dma_wait3A_327, %dma_wait3A_328] : memref<2x4x!tpu.dma_semaphore, #tpu.memory_space<semaphore_mem>> -> memref<1x1x!tpu.dma_semaphore, #tpu.memory_space<semaphore_mem>>
      %dma_wait3A_340 = tpu.memref_squeeze %dma_wait3A_339 : memref<1x1x!tpu.dma_semaphore, #tpu.memory_space<semaphore_mem>> -> memref<!tpu.dma_semaphore, #tpu.memory_space<semaphore_mem>>
      tpu.wait_indirect_dma semaphore(%dma_wait3A_340 : memref<!tpu.dma_semaphore, #tpu.memory_space<semaphore_mem>>) src(%dma_wait3A_338 : memref<10000x144xi32, #tpu.memory_space<vmem_shared>>) dst(%dma_wait3A_332 : memref<24x144xi32, #tpu.memory_space<vmem>>)
      %dma_wait3A_341 = arith.constant 1 : i32
      %dma_wait3A_342 = arith.constant 0 : i32
      %dma_wait3A_343 = arith.constant 1 : i32
      %dma_wait3A_344 = arith.constant 1 : i32
      %dma_wait3A_345 = arith.constant 1 : i32
      %dma_wait3A_346 = arith.constant 24 : i32
      %dma_wait3A_347 = arith.constant 0 : i32
      %dma_wait3A_348 = tpu.memref_slice %arg9[%dma_wait3A_343, %dma_wait3A_346, %dma_wait3A_347] : memref<2x80x144xi32, #tpu.memory_space<vmem>> -> memref<1x24x144xi32, #tpu.memory_space<vmem>>
      %dma_wait3A_349 = tpu.memref_squeeze %dma_wait3A_348 : memref<1x24x144xi32, #tpu.memory_space<vmem>> -> memref<24x144xi32, #tpu.memory_space<vmem>>
      %dma_wait3A_350 = arith.constant 24 : i32
      %dma_wait3A_351 = tpu.memref_slice %arg7[%dma_wait3A_341, %dma_wait3A_342, %dma_wait3A_350] : memref<2x2x80xi32, #tpu.memory_space<vmem>> -> memref<1x1x24xi32, #tpu.memory_space<vmem>>
      %dma_wait3A_352 = tpu.memref_squeeze %dma_wait3A_351 : memref<1x1x24xi32, #tpu.memory_space<vmem>> -> memref<24xi32, #tpu.memory_space<vmem>>
      %dma_wait3A_353 = arith.constant 0 : i32
      %dma_wait3A_354 = arith.constant 0 : i32
      %dma_wait3A_355 = tpu.memref_slice %arg11[%dma_wait3A_353, %dma_wait3A_354] : memref<10000x144xi32, #tpu.memory_space<vmem_shared>> -> memref<10000x144xi32, #tpu.memory_space<vmem_shared>>
      %dma_wait3A_356 = tpu.memref_slice %arg13[%dma_wait3A_344, %dma_wait3A_345] : memref<2x4x!tpu.dma_semaphore, #tpu.memory_space<semaphore_mem>> -> memref<1x1x!tpu.dma_semaphore, #tpu.memory_space<semaphore_mem>>
      %dma_wait3A_357 = tpu.memref_squeeze %dma_wait3A_356 : memref<1x1x!tpu.dma_semaphore, #tpu.memory_space<semaphore_mem>> -> memref<!tpu.dma_semaphore, #tpu.memory_space<semaphore_mem>>
      tpu.wait_indirect_dma semaphore(%dma_wait3A_357 : memref<!tpu.dma_semaphore, #tpu.memory_space<semaphore_mem>>) src(%dma_wait3A_355 : memref<10000x144xi32, #tpu.memory_space<vmem_shared>>) dst(%dma_wait3A_349 : memref<24x144xi32, #tpu.memory_space<vmem>>)
      %dma_wait3A_358 = arith.constant 1 : i32
      %dma_wait3A_359 = arith.constant 0 : i32
      %dma_wait3A_360 = arith.constant 1 : i32
      %dma_wait3A_361 = arith.constant 1 : i32
      %dma_wait3A_362 = arith.constant 2 : i32
      %dma_wait3A_363 = arith.constant 48 : i32
      %dma_wait3A_364 = arith.constant 0 : i32
      %dma_wait3A_365 = tpu.memref_slice %arg9[%dma_wait3A_360, %dma_wait3A_363, %dma_wait3A_364] : memref<2x80x144xi32, #tpu.memory_space<vmem>> -> memref<1x16x144xi32, #tpu.memory_space<vmem>>
      %dma_wait3A_366 = tpu.memref_squeeze %dma_wait3A_365 : memref<1x16x144xi32, #tpu.memory_space<vmem>> -> memref<16x144xi32, #tpu.memory_space<vmem>>
      %dma_wait3A_367 = arith.constant 48 : i32
      %dma_wait3A_368 = tpu.memref_slice %arg7[%dma_wait3A_358, %dma_wait3A_359, %dma_wait3A_367] : memref<2x2x80xi32, #tpu.memory_space<vmem>> -> memref<1x1x16xi32, #tpu.memory_space<vmem>>
      %dma_wait3A_369 = tpu.memref_squeeze %dma_wait3A_368 : memref<1x1x16xi32, #tpu.memory_space<vmem>> -> memref<16xi32, #tpu.memory_space<vmem>>
      %dma_wait3A_370 = arith.constant 0 : i32
      %dma_wait3A_371 = arith.constant 0 : i32
      %dma_wait3A_372 = tpu.memref_slice %arg11[%dma_wait3A_370, %dma_wait3A_371] : memref<10000x144xi32, #tpu.memory_space<vmem_shared>> -> memref<10000x144xi32, #tpu.memory_space<vmem_shared>>
      %dma_wait3A_373 = tpu.memref_slice %arg13[%dma_wait3A_361, %dma_wait3A_362] : memref<2x4x!tpu.dma_semaphore, #tpu.memory_space<semaphore_mem>> -> memref<1x1x!tpu.dma_semaphore, #tpu.memory_space<semaphore_mem>>
      %dma_wait3A_374 = tpu.memref_squeeze %dma_wait3A_373 : memref<1x1x!tpu.dma_semaphore, #tpu.memory_space<semaphore_mem>> -> memref<!tpu.dma_semaphore, #tpu.memory_space<semaphore_mem>>
      tpu.wait_indirect_dma semaphore(%dma_wait3A_374 : memref<!tpu.dma_semaphore, #tpu.memory_space<semaphore_mem>>) src(%dma_wait3A_372 : memref<10000x144xi32, #tpu.memory_space<vmem_shared>>) dst(%dma_wait3A_366 : memref<16x144xi32, #tpu.memory_space<vmem>>)
      %dma_wait3A_375 = arith.constant 1 : i32
      %dma_wait3A_376 = arith.constant 0 : i32
      %dma_wait3A_377 = arith.constant 1 : i32
      %dma_wait3A_378 = arith.constant 1 : i32
      %dma_wait3A_379 = arith.constant 3 : i32
      %dma_wait3A_380 = arith.constant 64 : i32
      %dma_wait3A_381 = arith.constant 0 : i32
      %dma_wait3A_382 = tpu.memref_slice %arg9[%dma_wait3A_377, %dma_wait3A_380, %dma_wait3A_381] : memref<2x80x144xi32, #tpu.memory_space<vmem>> -> memref<1x16x144xi32, #tpu.memory_space<vmem>>
      %dma_wait3A_383 = tpu.memref_squeeze %dma_wait3A_382 : memref<1x16x144xi32, #tpu.memory_space<vmem>> -> memref<16x144xi32, #tpu.memory_space<vmem>>
      %dma_wait3A_384 = arith.constant 64 : i32
      %dma_wait3A_385 = tpu.memref_slice %arg7[%dma_wait3A_375, %dma_wait3A_376, %dma_wait3A_384] : memref<2x2x80xi32, #tpu.memory_space<vmem>> -> memref<1x1x16xi32, #tpu.memory_space<vmem>>
      %dma_wait3A_386 = tpu.memref_squeeze %dma_wait3A_385 : memref<1x1x16xi32, #tpu.memory_space<vmem>> -> memref<16xi32, #tpu.memory_space<vmem>>
      %dma_wait3A_387 = arith.constant 0 : i32
      %dma_wait3A_388 = arith.constant 0 : i32
      %dma_wait3A_389 = tpu.memref_slice %arg11[%dma_wait3A_387, %dma_wait3A_388] : memref<10000x144xi32, #tpu.memory_space<vmem_shared>> -> memref<10000x144xi32, #tpu.memory_space<vmem_shared>>
      %dma_wait3A_390 = tpu.memref_slice %arg13[%dma_wait3A_378, %dma_wait3A_379] : memref<2x4x!tpu.dma_semaphore, #tpu.memory_space<semaphore_mem>> -> memref<1x1x!tpu.dma_semaphore, #tpu.memory_space<semaphore_mem>>
      %dma_wait3A_391 = tpu.memref_squeeze %dma_wait3A_390 : memref<1x1x!tpu.dma_semaphore, #tpu.memory_space<semaphore_mem>> -> memref<!tpu.dma_semaphore, #tpu.memory_space<semaphore_mem>>
      tpu.wait_indirect_dma semaphore(%dma_wait3A_391 : memref<!tpu.dma_semaphore, #tpu.memory_space<semaphore_mem>>) src(%dma_wait3A_389 : memref<10000x144xi32, #tpu.memory_space<vmem_shared>>) dst(%dma_wait3A_383 : memref<16x144xi32, #tpu.memory_space<vmem>>)
      %scan3A_392 = arith.constant 0 : i32
      %scan3A_393 = arith.constant 0 : i32
      %scan3A_394 = arith.constant 40 : i32
      %scan3A_395 = arith.addi %scan3A_393, %scan3A_394 : i32
      %scan3A_396 = arith.constant 1 : i32
      scf.for %scan3A_407 = %scan3A_393 to %scan3A_395 step %scan3A_396  : i32 {
        %mul3A_408 = arith.constant 2 : i32
        %mul3A_409 = arith.muli %mul3A_408, %scan3A_407 : i32
        %get3A = arith.constant 1 : i32
        %get3A_410 = arith.index_cast %get3A : i32 to index
        %get3A_411 = arith.index_cast %mul3A_409 : i32 to index
        %get3A_412 = arith.constant 0 : index
        %get3A_413 = tpu.vector_load %arg8[%get3A_410, %get3A_411, %get3A_412] {strides = array<i32>} : memref<2x80x16xf32, #tpu.memory_space<vmem>>, vector<1x1x16xf32>,
        %get3A_414 = vector.shape_cast %get3A_413 : vector<1x1x16xf32> to vector<16xf32>
        %get3A_415 = arith.constant 1 : i32
        %get3A_416 = arith.index_cast %get3A_415 : i32 to index
        %get3A_417 = arith.index_cast %mul3A_409 : i32 to index
        %get3A_418 = arith.constant 128 : index
        %get3A_419 = tpu.vector_load %arg9[%get3A_416, %get3A_417, %get3A_418] {strides = array<i32>} : memref<2x80x144xi32, #tpu.memory_space<vmem>>, vector<1x1x16xi32>,
        %get3A_420 = vector.shape_cast %get3A_419 : vector<1x1x16xi32> to vector<16xi32>
        %shift_left3A = arith.constant 16 : i32
        %shift_left3A_421 = vector.broadcast %shift_left3A : i32 to vector<16xi32>
        %shift_left3A_422 = arith.shli %get3A_420, %shift_left3A_421 : vector<16xi32>
        %bitcast_convert_type3A = tpu.bitcast %shift_left3A_422 : vector<16xi32> -> vector<16xf32>
        %get3A_423 = arith.constant 1 : i32
        %get3A_424 = arith.index_cast %get3A_423 : i32 to index
        %get3A_425 = arith.index_cast %mul3A_409 : i32 to index
        %get3A_426 = arith.constant 0 : index
        %get3A_427 = tpu.vector_load %arg9[%get3A_424, %get3A_425, %get3A_426] {strides = array<i32>} : memref<2x80x144xi32, #tpu.memory_space<vmem>>, vector<1x1x16xi32>,
        %get3A_428 = vector.shape_cast %get3A_427 : vector<1x1x16xi32> to vector<16xi32>
        %broadcast_in_dim3A = arith.constant 0 : i32
        %broadcast_in_dim3A_429 = vector.broadcast %broadcast_in_dim3A : i32 to vector<16x1xi32>
        %gather3A = vector.shape_cast %broadcast_in_dim3A_429 : vector<16x1xi32> to vector<16xi32>
        %gather3A_430 = tpu.dynamic_gather %get3A_414[%gather3A] in [0] : vector<16xf32>, vector<16xi32> -> vector<16xf32>
        %shift_left3A_431 = arith.constant 16 : i32
        %shift_left3A_432 = vector.broadcast %shift_left3A_431 : i32 to vector<16xi32>
        %shift_left3A_433 = arith.shli %get3A_428, %shift_left3A_432 : vector<16xi32>
        %bitcast_convert_type3A_434 = tpu.bitcast %shift_left3A_433 : vector<16xi32> -> vector<16xf32>
        %mul3A_435 = arith.mulf %gather3A_430, %bitcast_convert_type3A_434 : vector<16xf32>
        %broadcast_in_dim3A_436 = arith.constant 1 : i32
        %broadcast_in_dim3A_437 = vector.broadcast %broadcast_in_dim3A_436 : i32 to vector<16x1xi32>
        %gather3A_438 = vector.shape_cast %broadcast_in_dim3A_437 : vector<16x1xi32> to vector<16xi32>
        %gather3A_439 = tpu.dynamic_gather %get3A_414[%gather3A_438] in [0] : vector<16xf32>, vector<16xi32> -> vector<16xf32>
        %bitcast_convert_type3A_440 = tpu.bitcast %get3A_428 : vector<16xi32> -> vector<16xf32>
        %mul3A_441 = arith.mulf %gather3A_439, %bitcast_convert_type3A_440 : vector<16xf32>
        %add3A_442 = arith.addf %mul3A_435, %mul3A_441 : vector<16xf32>
        %add3A_443 = arith.addf %bitcast_convert_type3A, %add3A_442 : vector<16xf32>
        %get3A_444 = arith.constant 1 : i32
        %get3A_445 = arith.index_cast %get3A_444 : i32 to index
        %get3A_446 = arith.index_cast %mul3A_409 : i32 to index
        %get3A_447 = arith.constant 16 : index
        %get3A_448 = tpu.vector_load %arg9[%get3A_445, %get3A_446, %get3A_447] {strides = array<i32>} : memref<2x80x144xi32, #tpu.memory_space<vmem>>, vector<1x1x16xi32>,
        %get3A_449 = vector.shape_cast %get3A_448 : vector<1x1x16xi32> to vector<16xi32>
        %broadcast_in_dim3A_450 = arith.constant 2 : i32
        %broadcast_in_dim3A_451 = vector.broadcast %broadcast_in_dim3A_450 : i32 to vector<16x1xi32>
        %gather3A_452 = vector.shape_cast %broadcast_in_dim3A_451 : vector<16x1xi32> to vector<16xi32>
        %gather3A_453 = tpu.dynamic_gather %get3A_414[%gather3A_452] in [0] : vector<16xf32>, vector<16xi32> -> vector<16xf32>
        %shift_left3A_454 = arith.constant 16 : i32
        %shift_left3A_455 = vector.broadcast %shift_left3A_454 : i32 to vector<16xi32>
        %shift_left3A_456 = arith.shli %get3A_449, %shift_left3A_455 : vector<16xi32>
        %bitcast_convert_type3A_457 = tpu.bitcast %shift_left3A_456 : vector<16xi32> -> vector<16xf32>
        %mul3A_458 = arith.mulf %gather3A_453, %bitcast_convert_type3A_457 : vector<16xf32>
        %broadcast_in_dim3A_459 = arith.constant 3 : i32
        %broadcast_in_dim3A_460 = vector.broadcast %broadcast_in_dim3A_459 : i32 to vector<16x1xi32>
        %gather3A_461 = vector.shape_cast %broadcast_in_dim3A_460 : vector<16x1xi32> to vector<16xi32>
        %gather3A_462 = tpu.dynamic_gather %get3A_414[%gather3A_461] in [0] : vector<16xf32>, vector<16xi32> -> vector<16xf32>
        %bitcast_convert_type3A_463 = tpu.bitcast %get3A_449 : vector<16xi32> -> vector<16xf32>
        %mul3A_464 = arith.mulf %gather3A_462, %bitcast_convert_type3A_463 : vector<16xf32>
        %add3A_465 = arith.addf %mul3A_458, %mul3A_464 : vector<16xf32>
        %get3A_466 = arith.constant 1 : i32
        %get3A_467 = arith.index_cast %get3A_466 : i32 to index
        %get3A_468 = arith.index_cast %mul3A_409 : i32 to index
        %get3A_469 = arith.constant 32 : index
        %get3A_470 = tpu.vector_load %arg9[%get3A_467, %get3A_468, %get3A_469] {strides = array<i32>} : memref<2x80x144xi32, #tpu.memory_space<vmem>>, vector<1x1x16xi32>,
        %get3A_471 = vector.shape_cast %get3A_470 : vector<1x1x16xi32> to vector<16xi32>
        %broadcast_in_dim3A_472 = arith.constant 4 : i32
        %broadcast_in_dim3A_473 = vector.broadcast %broadcast_in_dim3A_472 : i32 to vector<16x1xi32>
        %gather3A_474 = vector.shape_cast %broadcast_in_dim3A_473 : vector<16x1xi32> to vector<16xi32>
        %gather3A_475 = tpu.dynamic_gather %get3A_414[%gather3A_474] in [0] : vector<16xf32>, vector<16xi32> -> vector<16xf32>
        %shift_left3A_476 = arith.constant 16 : i32
        %shift_left3A_477 = vector.broadcast %shift_left3A_476 : i32 to vector<16xi32>
        %shift_left3A_478 = arith.shli %get3A_471, %shift_left3A_477 : vector<16xi32>
        %bitcast_convert_type3A_479 = tpu.bitcast %shift_left3A_478 : vector<16xi32> -> vector<16xf32>
        %mul3A_480 = arith.mulf %gather3A_475, %bitcast_convert_type3A_479 : vector<16xf32>
        %broadcast_in_dim3A_481 = arith.constant 5 : i32
        %broadcast_in_dim3A_482 = vector.broadcast %broadcast_in_dim3A_481 : i32 to vector<16x1xi32>
        %gather3A_483 = vector.shape_cast %broadcast_in_dim3A_482 : vector<16x1xi32> to vector<16xi32>
        %gather3A_484 = tpu.dynamic_gather %get3A_414[%gather3A_483] in [0] : vector<16xf32>, vector<16xi32> -> vector<16xf32>
        %bitcast_convert_type3A_485 = tpu.bitcast %get3A_471 : vector<16xi32> -> vector<16xf32>
        %mul3A_486 = arith.mulf %gather3A_484, %bitcast_convert_type3A_485 : vector<16xf32>
        %add3A_487 = arith.addf %mul3A_480, %mul3A_486 : vector<16xf32>
        %get3A_488 = arith.constant 1 : i32
        %get3A_489 = arith.index_cast %get3A_488 : i32 to index
        %get3A_490 = arith.index_cast %mul3A_409 : i32 to index
        %get3A_491 = arith.constant 48 : index
        %get3A_492 = tpu.vector_load %arg9[%get3A_489, %get3A_490, %get3A_491] {strides = array<i32>} : memref<2x80x144xi32, #tpu.memory_space<vmem>>, vector<1x1x16xi32>,
        %get3A_493 = vector.shape_cast %get3A_492 : vector<1x1x16xi32> to vector<16xi32>
        %broadcast_in_dim3A_494 = arith.constant 6 : i32
        %broadcast_in_dim3A_495 = vector.broadcast %broadcast_in_dim3A_494 : i32 to vector<16x1xi32>
        %gather3A_496 = vector.shape_cast %broadcast_in_dim3A_495 : vector<16x1xi32> to vector<16xi32>
        %gather3A_497 = tpu.dynamic_gather %get3A_414[%gather3A_496] in [0] : vector<16xf32>, vector<16xi32> -> vector<16xf32>
        %shift_left3A_498 = arith.constant 16 : i32
        %shift_left3A_499 = vector.broadcast %shift_left3A_498 : i32 to vector<16xi32>
        %shift_left3A_500 = arith.shli %get3A_493, %shift_left3A_499 : vector<16xi32>
        %bitcast_convert_type3A_501 = tpu.bitcast %shift_left3A_500 : vector<16xi32> -> vector<16xf32>
        %mul3A_502 = arith.mulf %gather3A_497, %bitcast_convert_type3A_501 : vector<16xf32>
        %broadcast_in_dim3A_503 = arith.constant 7 : i32
        %broadcast_in_dim3A_504 = vector.broadcast %broadcast_in_dim3A_503 : i32 to vector<16x1xi32>
        %gather3A_505 = vector.shape_cast %broadcast_in_dim3A_504 : vector<16x1xi32> to vector<16xi32>
        %gather3A_506 = tpu.dynamic_gather %get3A_414[%gather3A_505] in [0] : vector<16xf32>, vector<16xi32> -> vector<16xf32>
        %bitcast_convert_type3A_507 = tpu.bitcast %get3A_493 : vector<16xi32> -> vector<16xf32>
        %mul3A_508 = arith.mulf %gather3A_506, %bitcast_convert_type3A_507 : vector<16xf32>
        %add3A_509 = arith.addf %mul3A_502, %mul3A_508 : vector<16xf32>
        %get3A_510 = arith.constant 1 : i32
        %get3A_511 = arith.index_cast %get3A_510 : i32 to index
        %get3A_512 = arith.index_cast %mul3A_409 : i32 to index
        %get3A_513 = arith.constant 64 : index
        %get3A_514 = tpu.vector_load %arg9[%get3A_511, %get3A_512, %get3A_513] {strides = array<i32>} : memref<2x80x144xi32, #tpu.memory_space<vmem>>, vector<1x1x16xi32>,
        %get3A_515 = vector.shape_cast %get3A_514 : vector<1x1x16xi32> to vector<16xi32>
        %broadcast_in_dim3A_516 = arith.constant 8 : i32
        %broadcast_in_dim3A_517 = vector.broadcast %broadcast_in_dim3A_516 : i32 to vector<16x1xi32>
        %gather3A_518 = vector.shape_cast %broadcast_in_dim3A_517 : vector<16x1xi32> to vector<16xi32>
        %gather3A_519 = tpu.dynamic_gather %get3A_414[%gather3A_518] in [0] : vector<16xf32>, vector<16xi32> -> vector<16xf32>
        %shift_left3A_520 = arith.constant 16 : i32
        %shift_left3A_521 = vector.broadcast %shift_left3A_520 : i32 to vector<16xi32>
        %shift_left3A_522 = arith.shli %get3A_515, %shift_left3A_521 : vector<16xi32>
        %bitcast_convert_type3A_523 = tpu.bitcast %shift_left3A_522 : vector<16xi32> -> vector<16xf32>
        %mul3A_524 = arith.mulf %gather3A_519, %bitcast_convert_type3A_523 : vector<16xf32>
        %broadcast_in_dim3A_525 = arith.constant 9 : i32
        %broadcast_in_dim3A_526 = vector.broadcast %broadcast_in_dim3A_525 : i32 to vector<16x1xi32>
        %gather3A_527 = vector.shape_cast %broadcast_in_dim3A_526 : vector<16x1xi32> to vector<16xi32>
        %gather3A_528 = tpu.dynamic_gather %get3A_414[%gather3A_527] in [0] : vector<16xf32>, vector<16xi32> -> vector<16xf32>
        %bitcast_convert_type3A_529 = tpu.bitcast %get3A_515 : vector<16xi32> -> vector<16xf32>
        %mul3A_530 = arith.mulf %gather3A_528, %bitcast_convert_type3A_529 : vector<16xf32>
        %add3A_531 = arith.addf %mul3A_524, %mul3A_530 : vector<16xf32>
        %add3A_532 = arith.addf %add3A_443, %add3A_531 : vector<16xf32>
        %get3A_533 = arith.constant 1 : i32
        %get3A_534 = arith.index_cast %get3A_533 : i32 to index
        %get3A_535 = arith.index_cast %mul3A_409 : i32 to index
        %get3A_536 = arith.constant 80 : index
        %get3A_537 = tpu.vector_load %arg9[%get3A_534, %get3A_535, %get3A_536] {strides = array<i32>} : memref<2x80x144xi32, #tpu.memory_space<vmem>>, vector<1x1x16xi32>,
        %get3A_538 = vector.shape_cast %get3A_537 : vector<1x1x16xi32> to vector<16xi32>
        %broadcast_in_dim3A_539 = arith.constant 10 : i32
        %broadcast_in_dim3A_540 = vector.broadcast %broadcast_in_dim3A_539 : i32 to vector<16x1xi32>
        %gather3A_541 = vector.shape_cast %broadcast_in_dim3A_540 : vector<16x1xi32> to vector<16xi32>
        %gather3A_542 = tpu.dynamic_gather %get3A_414[%gather3A_541] in [0] : vector<16xf32>, vector<16xi32> -> vector<16xf32>
        %shift_left3A_543 = arith.constant 16 : i32
        %shift_left3A_544 = vector.broadcast %shift_left3A_543 : i32 to vector<16xi32>
        %shift_left3A_545 = arith.shli %get3A_538, %shift_left3A_544 : vector<16xi32>
        %bitcast_convert_type3A_546 = tpu.bitcast %shift_left3A_545 : vector<16xi32> -> vector<16xf32>
        %mul3A_547 = arith.mulf %gather3A_542, %bitcast_convert_type3A_546 : vector<16xf32>
        %broadcast_in_dim3A_548 = arith.constant 11 : i32
        %broadcast_in_dim3A_549 = vector.broadcast %broadcast_in_dim3A_548 : i32 to vector<16x1xi32>
        %gather3A_550 = vector.shape_cast %broadcast_in_dim3A_549 : vector<16x1xi32> to vector<16xi32>
        %gather3A_551 = tpu.dynamic_gather %get3A_414[%gather3A_550] in [0] : vector<16xf32>, vector<16xi32> -> vector<16xf32>
        %bitcast_convert_type3A_552 = tpu.bitcast %get3A_538 : vector<16xi32> -> vector<16xf32>
        %mul3A_553 = arith.mulf %gather3A_551, %bitcast_convert_type3A_552 : vector<16xf32>
        %add3A_554 = arith.addf %mul3A_547, %mul3A_553 : vector<16xf32>
        %add3A_555 = arith.addf %add3A_465, %add3A_554 : vector<16xf32>
        %get3A_556 = arith.constant 1 : i32
        %get3A_557 = arith.index_cast %get3A_556 : i32 to index
        %get3A_558 = arith.index_cast %mul3A_409 : i32 to index
        %get3A_559 = arith.constant 96 : index
        %get3A_560 = tpu.vector_load %arg9[%get3A_557, %get3A_558, %get3A_559] {strides = array<i32>} : memref<2x80x144xi32, #tpu.memory_space<vmem>>, vector<1x1x16xi32>,
        %get3A_561 = vector.shape_cast %get3A_560 : vector<1x1x16xi32> to vector<16xi32>
        %broadcast_in_dim3A_562 = arith.constant 12 : i32
        %broadcast_in_dim3A_563 = vector.broadcast %broadcast_in_dim3A_562 : i32 to vector<16x1xi32>
        %gather3A_564 = vector.shape_cast %broadcast_in_dim3A_563 : vector<16x1xi32> to vector<16xi32>
        %gather3A_565 = tpu.dynamic_gather %get3A_414[%gather3A_564] in [0] : vector<16xf32>, vector<16xi32> -> vector<16xf32>
        %shift_left3A_566 = arith.constant 16 : i32
        %shift_left3A_567 = vector.broadcast %shift_left3A_566 : i32 to vector<16xi32>
        %shift_left3A_568 = arith.shli %get3A_561, %shift_left3A_567 : vector<16xi32>
        %bitcast_convert_type3A_569 = tpu.bitcast %shift_left3A_568 : vector<16xi32> -> vector<16xf32>
        %mul3A_570 = arith.mulf %gather3A_565, %bitcast_convert_type3A_569 : vector<16xf32>
        %broadcast_in_dim3A_571 = arith.constant 13 : i32
        %broadcast_in_dim3A_572 = vector.broadcast %broadcast_in_dim3A_571 : i32 to vector<16x1xi32>
        %gather3A_573 = vector.shape_cast %broadcast_in_dim3A_572 : vector<16x1xi32> to vector<16xi32>
        %gather3A_574 = tpu.dynamic_gather %get3A_414[%gather3A_573] in [0] : vector<16xf32>, vector<16xi32> -> vector<16xf32>
        %bitcast_convert_type3A_575 = tpu.bitcast %get3A_561 : vector<16xi32> -> vector<16xf32>
        %mul3A_576 = arith.mulf %gather3A_574, %bitcast_convert_type3A_575 : vector<16xf32>
        %add3A_577 = arith.addf %mul3A_570, %mul3A_576 : vector<16xf32>
        %add3A_578 = arith.addf %add3A_487, %add3A_577 : vector<16xf32>
        %get3A_579 = arith.constant 1 : i32
        %get3A_580 = arith.index_cast %get3A_579 : i32 to index
        %get3A_581 = arith.index_cast %mul3A_409 : i32 to index
        %get3A_582 = arith.constant 112 : index
        %get3A_583 = tpu.vector_load %arg9[%get3A_580, %get3A_581, %get3A_582] {strides = array<i32>} : memref<2x80x144xi32, #tpu.memory_space<vmem>>, vector<1x1x16xi32>,
        %get3A_584 = vector.shape_cast %get3A_583 : vector<1x1x16xi32> to vector<16xi32>
        %broadcast_in_dim3A_585 = arith.constant 14 : i32
        %broadcast_in_dim3A_586 = vector.broadcast %broadcast_in_dim3A_585 : i32 to vector<16x1xi32>
        %gather3A_587 = vector.shape_cast %broadcast_in_dim3A_586 : vector<16x1xi32> to vector<16xi32>
        %gather3A_588 = tpu.dynamic_gather %get3A_414[%gather3A_587] in [0] : vector<16xf32>, vector<16xi32> -> vector<16xf32>
        %shift_left3A_589 = arith.constant 16 : i32
        %shift_left3A_590 = vector.broadcast %shift_left3A_589 : i32 to vector<16xi32>
        %shift_left3A_591 = arith.shli %get3A_584, %shift_left3A_590 : vector<16xi32>
        %bitcast_convert_type3A_592 = tpu.bitcast %shift_left3A_591 : vector<16xi32> -> vector<16xf32>
        %mul3A_593 = arith.mulf %gather3A_588, %bitcast_convert_type3A_592 : vector<16xf32>
        %broadcast_in_dim3A_594 = arith.constant 15 : i32
        %broadcast_in_dim3A_595 = vector.broadcast %broadcast_in_dim3A_594 : i32 to vector<16x1xi32>
        %gather3A_596 = vector.shape_cast %broadcast_in_dim3A_595 : vector<16x1xi32> to vector<16xi32>
        %gather3A_597 = tpu.dynamic_gather %get3A_414[%gather3A_596] in [0] : vector<16xf32>, vector<16xi32> -> vector<16xf32>
        %bitcast_convert_type3A_598 = tpu.bitcast %get3A_584 : vector<16xi32> -> vector<16xf32>
        %mul3A_599 = arith.mulf %gather3A_597, %bitcast_convert_type3A_598 : vector<16xf32>
        %add3A_600 = arith.addf %mul3A_593, %mul3A_599 : vector<16xf32>
        %add3A_601 = arith.addf %add3A_509, %add3A_600 : vector<16xf32>
        %add3A_602 = arith.addf %add3A_532, %add3A_555 : vector<16xf32>
        %add3A_603 = arith.addf %add3A_578, %add3A_601 : vector<16xf32>
        %add3A_604 = arith.addf %add3A_602, %add3A_603 : vector<16xf32>
        %swap3A = arith.index_cast %mul3A_409 : i32 to index
        %swap3A_605 = arith.constant 0 : index
        %swap3A_606 = tpu.vector_load %arg10[%swap3A, %swap3A_605] {strides = array<i32>} : memref<80x16xf32, #tpu.memory_space<vmem>>, vector<1x16xf32>,
        %swap3A_607 = vector.shape_cast %swap3A_606 : vector<1x16xf32> to vector<16xf32>
        %swap3A_608 = vector.shape_cast %add3A_604 : vector<16xf32> to vector<1x16xf32>
        tpu.vector_store %arg10[%swap3A, %swap3A_605], %swap3A_608 {strides = array<i32>} : memref<80x16xf32, #tpu.memory_space<vmem>>, vector<1x16xf32>,
        %mul3A_609 = arith.constant 2 : i32
        %mul3A_610 = arith.muli %mul3A_609, %scan3A_407 : i32
        %add3A_611 = arith.constant 1 : i32
        %add3A_612 = arith.addi %mul3A_610, %add3A_611 : i32
        %get3A_613 = arith.constant 1 : i32
        %get3A_614 = arith.index_cast %get3A_613 : i32 to index
        %get3A_615 = arith.index_cast %add3A_612 : i32 to index
        %get3A_616 = arith.constant 0 : index
        %get3A_617 = tpu.vector_load %arg8[%get3A_614, %get3A_615, %get3A_616] {strides = array<i32>} : memref<2x80x16xf32, #tpu.memory_space<vmem>>, vector<1x1x16xf32>,
        %get3A_618 = vector.shape_cast %get3A_617 : vector<1x1x16xf32> to vector<16xf32>
        %get3A_619 = arith.constant 1 : i32
        %get3A_620 = arith.index_cast %get3A_619 : i32 to index
        %get3A_621 = arith.index_cast %add3A_612 : i32 to index
        %get3A_622 = arith.constant 128 : index
        %get3A_623 = tpu.vector_load %arg9[%get3A_620, %get3A_621, %get3A_622] {strides = array<i32>} : memref<2x80x144xi32, #tpu.memory_space<vmem>>, vector<1x1x16xi32>,
        %get3A_624 = vector.shape_cast %get3A_623 : vector<1x1x16xi32> to vector<16xi32>
        %shift_left3A_625 = arith.constant 16 : i32
        %shift_left3A_626 = vector.broadcast %shift_left3A_625 : i32 to vector<16xi32>
        %shift_left3A_627 = arith.shli %get3A_624, %shift_left3A_626 : vector<16xi32>
        %bitcast_convert_type3A_628 = tpu.bitcast %shift_left3A_627 : vector<16xi32> -> vector<16xf32>
        %get3A_629 = arith.constant 1 : i32
        %get3A_630 = arith.index_cast %get3A_629 : i32 to index
        %get3A_631 = arith.index_cast %add3A_612 : i32 to index
        %get3A_632 = arith.constant 0 : index
        %get3A_633 = tpu.vector_load %arg9[%get3A_630, %get3A_631, %get3A_632] {strides = array<i32>} : memref<2x80x144xi32, #tpu.memory_space<vmem>>, vector<1x1x16xi32>,
        %get3A_634 = vector.shape_cast %get3A_633 : vector<1x1x16xi32> to vector<16xi32>
        %broadcast_in_dim3A_635 = arith.constant 0 : i32
        %broadcast_in_dim3A_636 = vector.broadcast %broadcast_in_dim3A_635 : i32 to vector<16x1xi32>
        %gather3A_637 = vector.shape_cast %broadcast_in_dim3A_636 : vector<16x1xi32> to vector<16xi32>
        %gather3A_638 = tpu.dynamic_gather %get3A_618[%gather3A_637] in [0] : vector<16xf32>, vector<16xi32> -> vector<16xf32>
        %shift_left3A_639 = arith.constant 16 : i32
        %shift_left3A_640 = vector.broadcast %shift_left3A_639 : i32 to vector<16xi32>
        %shift_left3A_641 = arith.shli %get3A_634, %shift_left3A_640 : vector<16xi32>
        %bitcast_convert_type3A_642 = tpu.bitcast %shift_left3A_641 : vector<16xi32> -> vector<16xf32>
        %mul3A_643 = arith.mulf %gather3A_638, %bitcast_convert_type3A_642 : vector<16xf32>
        %broadcast_in_dim3A_644 = arith.constant 1 : i32
        %broadcast_in_dim3A_645 = vector.broadcast %broadcast_in_dim3A_644 : i32 to vector<16x1xi32>
        %gather3A_646 = vector.shape_cast %broadcast_in_dim3A_645 : vector<16x1xi32> to vector<16xi32>
        %gather3A_647 = tpu.dynamic_gather %get3A_618[%gather3A_646] in [0] : vector<16xf32>, vector<16xi32> -> vector<16xf32>
        %bitcast_convert_type3A_648 = tpu.bitcast %get3A_634 : vector<16xi32> -> vector<16xf32>
        %mul3A_649 = arith.mulf %gather3A_647, %bitcast_convert_type3A_648 : vector<16xf32>
        %add3A_650 = arith.addf %mul3A_643, %mul3A_649 : vector<16xf32>
        %add3A_651 = arith.addf %bitcast_convert_type3A_628, %add3A_650 : vector<16xf32>
        %get3A_652 = arith.constant 1 : i32
        %get3A_653 = arith.index_cast %get3A_652 : i32 to index
        %get3A_654 = arith.index_cast %add3A_612 : i32 to index
        %get3A_655 = arith.constant 16 : index
        %get3A_656 = tpu.vector_load %arg9[%get3A_653, %get3A_654, %get3A_655] {strides = array<i32>} : memref<2x80x144xi32, #tpu.memory_space<vmem>>, vector<1x1x16xi32>,
        %get3A_657 = vector.shape_cast %get3A_656 : vector<1x1x16xi32> to vector<16xi32>
        %broadcast_in_dim3A_658 = arith.constant 2 : i32
        %broadcast_in_dim3A_659 = vector.broadcast %broadcast_in_dim3A_658 : i32 to vector<16x1xi32>
        %gather3A_660 = vector.shape_cast %broadcast_in_dim3A_659 : vector<16x1xi32> to vector<16xi32>
        %gather3A_661 = tpu.dynamic_gather %get3A_618[%gather3A_660] in [0] : vector<16xf32>, vector<16xi32> -> vector<16xf32>
        %shift_left3A_662 = arith.constant 16 : i32
        %shift_left3A_663 = vector.broadcast %shift_left3A_662 : i32 to vector<16xi32>
        %shift_left3A_664 = arith.shli %get3A_657, %shift_left3A_663 : vector<16xi32>
        %bitcast_convert_type3A_665 = tpu.bitcast %shift_left3A_664 : vector<16xi32> -> vector<16xf32>
        %mul3A_666 = arith.mulf %gather3A_661, %bitcast_convert_type3A_665 : vector<16xf32>
        %broadcast_in_dim3A_667 = arith.constant 3 : i32
        %broadcast_in_dim3A_668 = vector.broadcast %broadcast_in_dim3A_667 : i32 to vector<16x1xi32>
        %gather3A_669 = vector.shape_cast %broadcast_in_dim3A_668 : vector<16x1xi32> to vector<16xi32>
        %gather3A_670 = tpu.dynamic_gather %get3A_618[%gather3A_669] in [0] : vector<16xf32>, vector<16xi32> -> vector<16xf32>
        %bitcast_convert_type3A_671 = tpu.bitcast %get3A_657 : vector<16xi32> -> vector<16xf32>
        %mul3A_672 = arith.mulf %gather3A_670, %bitcast_convert_type3A_671 : vector<16xf32>
        %add3A_673 = arith.addf %mul3A_666, %mul3A_672 : vector<16xf32>
        %get3A_674 = arith.constant 1 : i32
        %get3A_675 = arith.index_cast %get3A_674 : i32 to index
        %get3A_676 = arith.index_cast %add3A_612 : i32 to index
        %get3A_677 = arith.constant 32 : index
        %get3A_678 = tpu.vector_load %arg9[%get3A_675, %get3A_676, %get3A_677] {strides = array<i32>} : memref<2x80x144xi32, #tpu.memory_space<vmem>>, vector<1x1x16xi32>,
        %get3A_679 = vector.shape_cast %get3A_678 : vector<1x1x16xi32> to vector<16xi32>
        %broadcast_in_dim3A_680 = arith.constant 4 : i32
        %broadcast_in_dim3A_681 = vector.broadcast %broadcast_in_dim3A_680 : i32 to vector<16x1xi32>
        %gather3A_682 = vector.shape_cast %broadcast_in_dim3A_681 : vector<16x1xi32> to vector<16xi32>
        %gather3A_683 = tpu.dynamic_gather %get3A_618[%gather3A_682] in [0] : vector<16xf32>, vector<16xi32> -> vector<16xf32>
        %shift_left3A_684 = arith.constant 16 : i32
        %shift_left3A_685 = vector.broadcast %shift_left3A_684 : i32 to vector<16xi32>
        %shift_left3A_686 = arith.shli %get3A_679, %shift_left3A_685 : vector<16xi32>
        %bitcast_convert_type3A_687 = tpu.bitcast %shift_left3A_686 : vector<16xi32> -> vector<16xf32>
        %mul3A_688 = arith.mulf %gather3A_683, %bitcast_convert_type3A_687 : vector<16xf32>
        %broadcast_in_dim3A_689 = arith.constant 5 : i32
        %broadcast_in_dim3A_690 = vector.broadcast %broadcast_in_dim3A_689 : i32 to vector<16x1xi32>
        %gather3A_691 = vector.shape_cast %broadcast_in_dim3A_690 : vector<16x1xi32> to vector<16xi32>
        %gather3A_692 = tpu.dynamic_gather %get3A_618[%gather3A_691] in [0] : vector<16xf32>, vector<16xi32> -> vector<16xf32>
        %bitcast_convert_type3A_693 = tpu.bitcast %get3A_679 : vector<16xi32> -> vector<16xf32>
        %mul3A_694 = arith.mulf %gather3A_692, %bitcast_convert_type3A_693 : vector<16xf32>
        %add3A_695 = arith.addf %mul3A_688, %mul3A_694 : vector<16xf32>
        %get3A_696 = arith.constant 1 : i32
        %get3A_697 = arith.index_cast %get3A_696 : i32 to index
        %get3A_698 = arith.index_cast %add3A_612 : i32 to index
        %get3A_699 = arith.constant 48 : index
        %get3A_700 = tpu.vector_load %arg9[%get3A_697, %get3A_698, %get3A_699] {strides = array<i32>} : memref<2x80x144xi32, #tpu.memory_space<vmem>>, vector<1x1x16xi32>,
        %get3A_701 = vector.shape_cast %get3A_700 : vector<1x1x16xi32> to vector<16xi32>
        %broadcast_in_dim3A_702 = arith.constant 6 : i32
        %broadcast_in_dim3A_703 = vector.broadcast %broadcast_in_dim3A_702 : i32 to vector<16x1xi32>
        %gather3A_704 = vector.shape_cast %broadcast_in_dim3A_703 : vector<16x1xi32> to vector<16xi32>
        %gather3A_705 = tpu.dynamic_gather %get3A_618[%gather3A_704] in [0] : vector<16xf32>, vector<16xi32> -> vector<16xf32>
        %shift_left3A_706 = arith.constant 16 : i32
        %shift_left3A_707 = vector.broadcast %shift_left3A_706 : i32 to vector<16xi32>
        %shift_left3A_708 = arith.shli %get3A_701, %shift_left3A_707 : vector<16xi32>
        %bitcast_convert_type3A_709 = tpu.bitcast %shift_left3A_708 : vector<16xi32> -> vector<16xf32>
        %mul3A_710 = arith.mulf %gather3A_705, %bitcast_convert_type3A_709 : vector<16xf32>
        %broadcast_in_dim3A_711 = arith.constant 7 : i32
        %broadcast_in_dim3A_712 = vector.broadcast %broadcast_in_dim3A_711 : i32 to vector<16x1xi32>
        %gather3A_713 = vector.shape_cast %broadcast_in_dim3A_712 : vector<16x1xi32> to vector<16xi32>
        %gather3A_714 = tpu.dynamic_gather %get3A_618[%gather3A_713] in [0] : vector<16xf32>, vector<16xi32> -> vector<16xf32>
        %bitcast_convert_type3A_715 = tpu.bitcast %get3A_701 : vector<16xi32> -> vector<16xf32>
        %mul3A_716 = arith.mulf %gather3A_714, %bitcast_convert_type3A_715 : vector<16xf32>
        %add3A_717 = arith.addf %mul3A_710, %mul3A_716 : vector<16xf32>
        %get3A_718 = arith.constant 1 : i32
        %get3A_719 = arith.index_cast %get3A_718 : i32 to index
        %get3A_720 = arith.index_cast %add3A_612 : i32 to index
        %get3A_721 = arith.constant 64 : index
        %get3A_722 = tpu.vector_load %arg9[%get3A_719, %get3A_720, %get3A_721] {strides = array<i32>} : memref<2x80x144xi32, #tpu.memory_space<vmem>>, vector<1x1x16xi32>,
        %get3A_723 = vector.shape_cast %get3A_722 : vector<1x1x16xi32> to vector<16xi32>
        %broadcast_in_dim3A_724 = arith.constant 8 : i32
        %broadcast_in_dim3A_725 = vector.broadcast %broadcast_in_dim3A_724 : i32 to vector<16x1xi32>
        %gather3A_726 = vector.shape_cast %broadcast_in_dim3A_725 : vector<16x1xi32> to vector<16xi32>
        %gather3A_727 = tpu.dynamic_gather %get3A_618[%gather3A_726] in [0] : vector<16xf32>, vector<16xi32> -> vector<16xf32>
        %shift_left3A_728 = arith.constant 16 : i32
        %shift_left3A_729 = vector.broadcast %shift_left3A_728 : i32 to vector<16xi32>
        %shift_left3A_730 = arith.shli %get3A_723, %shift_left3A_729 : vector<16xi32>
        %bitcast_convert_type3A_731 = tpu.bitcast %shift_left3A_730 : vector<16xi32> -> vector<16xf32>
        %mul3A_732 = arith.mulf %gather3A_727, %bitcast_convert_type3A_731 : vector<16xf32>
        %broadcast_in_dim3A_733 = arith.constant 9 : i32
        %broadcast_in_dim3A_734 = vector.broadcast %broadcast_in_dim3A_733 : i32 to vector<16x1xi32>
        %gather3A_735 = vector.shape_cast %broadcast_in_dim3A_734 : vector<16x1xi32> to vector<16xi32>
        %gather3A_736 = tpu.dynamic_gather %get3A_618[%gather3A_735] in [0] : vector<16xf32>, vector<16xi32> -> vector<16xf32>
        %bitcast_convert_type3A_737 = tpu.bitcast %get3A_723 : vector<16xi32> -> vector<16xf32>
        %mul3A_738 = arith.mulf %gather3A_736, %bitcast_convert_type3A_737 : vector<16xf32>
        %add3A_739 = arith.addf %mul3A_732, %mul3A_738 : vector<16xf32>
        %add3A_740 = arith.addf %add3A_651, %add3A_739 : vector<16xf32>
        %get3A_741 = arith.constant 1 : i32
        %get3A_742 = arith.index_cast %get3A_741 : i32 to index
        %get3A_743 = arith.index_cast %add3A_612 : i32 to index
        %get3A_744 = arith.constant 80 : index
        %get3A_745 = tpu.vector_load %arg9[%get3A_742, %get3A_743, %get3A_744] {strides = array<i32>} : memref<2x80x144xi32, #tpu.memory_space<vmem>>, vector<1x1x16xi32>,
        %get3A_746 = vector.shape_cast %get3A_745 : vector<1x1x16xi32> to vector<16xi32>
        %broadcast_in_dim3A_747 = arith.constant 10 : i32
        %broadcast_in_dim3A_748 = vector.broadcast %broadcast_in_dim3A_747 : i32 to vector<16x1xi32>
        %gather3A_749 = vector.shape_cast %broadcast_in_dim3A_748 : vector<16x1xi32> to vector<16xi32>
        %gather3A_750 = tpu.dynamic_gather %get3A_618[%gather3A_749] in [0] : vector<16xf32>, vector<16xi32> -> vector<16xf32>
        %shift_left3A_751 = arith.constant 16 : i32
        %shift_left3A_752 = vector.broadcast %shift_left3A_751 : i32 to vector<16xi32>
        %shift_left3A_753 = arith.shli %get3A_746, %shift_left3A_752 : vector<16xi32>
        %bitcast_convert_type3A_754 = tpu.bitcast %shift_left3A_753 : vector<16xi32> -> vector<16xf32>
        %mul3A_755 = arith.mulf %gather3A_750, %bitcast_convert_type3A_754 : vector<16xf32>
        %broadcast_in_dim3A_756 = arith.constant 11 : i32
        %broadcast_in_dim3A_757 = vector.broadcast %broadcast_in_dim3A_756 : i32 to vector<16x1xi32>
        %gather3A_758 = vector.shape_cast %broadcast_in_dim3A_757 : vector<16x1xi32> to vector<16xi32>
        %gather3A_759 = tpu.dynamic_gather %get3A_618[%gather3A_758] in [0] : vector<16xf32>, vector<16xi32> -> vector<16xf32>
        %bitcast_convert_type3A_760 = tpu.bitcast %get3A_746 : vector<16xi32> -> vector<16xf32>
        %mul3A_761 = arith.mulf %gather3A_759, %bitcast_convert_type3A_760 : vector<16xf32>
        %add3A_762 = arith.addf %mul3A_755, %mul3A_761 : vector<16xf32>
        %add3A_763 = arith.addf %add3A_673, %add3A_762 : vector<16xf32>
        %get3A_764 = arith.constant 1 : i32
        %get3A_765 = arith.index_cast %get3A_764 : i32 to index
        %get3A_766 = arith.index_cast %add3A_612 : i32 to index
        %get3A_767 = arith.constant 96 : index
        %get3A_768 = tpu.vector_load %arg9[%get3A_765, %get3A_766, %get3A_767] {strides = array<i32>} : memref<2x80x144xi32, #tpu.memory_space<vmem>>, vector<1x1x16xi32>,
        %get3A_769 = vector.shape_cast %get3A_768 : vector<1x1x16xi32> to vector<16xi32>
        %broadcast_in_dim3A_770 = arith.constant 12 : i32
        %broadcast_in_dim3A_771 = vector.broadcast %broadcast_in_dim3A_770 : i32 to vector<16x1xi32>
        %gather3A_772 = vector.shape_cast %broadcast_in_dim3A_771 : vector<16x1xi32> to vector<16xi32>
        %gather3A_773 = tpu.dynamic_gather %get3A_618[%gather3A_772] in [0] : vector<16xf32>, vector<16xi32> -> vector<16xf32>
        %shift_left3A_774 = arith.constant 16 : i32
        %shift_left3A_775 = vector.broadcast %shift_left3A_774 : i32 to vector<16xi32>
        %shift_left3A_776 = arith.shli %get3A_769, %shift_left3A_775 : vector<16xi32>
        %bitcast_convert_type3A_777 = tpu.bitcast %shift_left3A_776 : vector<16xi32> -> vector<16xf32>
        %mul3A_778 = arith.mulf %gather3A_773, %bitcast_convert_type3A_777 : vector<16xf32>
        %broadcast_in_dim3A_779 = arith.constant 13 : i32
        %broadcast_in_dim3A_780 = vector.broadcast %broadcast_in_dim3A_779 : i32 to vector<16x1xi32>
        %gather3A_781 = vector.shape_cast %broadcast_in_dim3A_780 : vector<16x1xi32> to vector<16xi32>
        %gather3A_782 = tpu.dynamic_gather %get3A_618[%gather3A_781] in [0] : vector<16xf32>, vector<16xi32> -> vector<16xf32>
        %bitcast_convert_type3A_783 = tpu.bitcast %get3A_769 : vector<16xi32> -> vector<16xf32>
        %mul3A_784 = arith.mulf %gather3A_782, %bitcast_convert_type3A_783 : vector<16xf32>
        %add3A_785 = arith.addf %mul3A_778, %mul3A_784 : vector<16xf32>
        %add3A_786 = arith.addf %add3A_695, %add3A_785 : vector<16xf32>
        %get3A_787 = arith.constant 1 : i32
        %get3A_788 = arith.index_cast %get3A_787 : i32 to index
        %get3A_789 = arith.index_cast %add3A_612 : i32 to index
        %get3A_790 = arith.constant 112 : index
        %get3A_791 = tpu.vector_load %arg9[%get3A_788, %get3A_789, %get3A_790] {strides = array<i32>} : memref<2x80x144xi32, #tpu.memory_space<vmem>>, vector<1x1x16xi32>,
        %get3A_792 = vector.shape_cast %get3A_791 : vector<1x1x16xi32> to vector<16xi32>
        %broadcast_in_dim3A_793 = arith.constant 14 : i32
        %broadcast_in_dim3A_794 = vector.broadcast %broadcast_in_dim3A_793 : i32 to vector<16x1xi32>
        %gather3A_795 = vector.shape_cast %broadcast_in_dim3A_794 : vector<16x1xi32> to vector<16xi32>
        %gather3A_796 = tpu.dynamic_gather %get3A_618[%gather3A_795] in [0] : vector<16xf32>, vector<16xi32> -> vector<16xf32>
        %shift_left3A_797 = arith.constant 16 : i32
        %shift_left3A_798 = vector.broadcast %shift_left3A_797 : i32 to vector<16xi32>
        %shift_left3A_799 = arith.shli %get3A_792, %shift_left3A_798 : vector<16xi32>
        %bitcast_convert_type3A_800 = tpu.bitcast %shift_left3A_799 : vector<16xi32> -> vector<16xf32>
        %mul3A_801 = arith.mulf %gather3A_796, %bitcast_convert_type3A_800 : vector<16xf32>
        %broadcast_in_dim3A_802 = arith.constant 15 : i32
        %broadcast_in_dim3A_803 = vector.broadcast %broadcast_in_dim3A_802 : i32 to vector<16x1xi32>
        %gather3A_804 = vector.shape_cast %broadcast_in_dim3A_803 : vector<16x1xi32> to vector<16xi32>
        %gather3A_805 = tpu.dynamic_gather %get3A_618[%gather3A_804] in [0] : vector<16xf32>, vector<16xi32> -> vector<16xf32>
        %bitcast_convert_type3A_806 = tpu.bitcast %get3A_792 : vector<16xi32> -> vector<16xf32>
        %mul3A_807 = arith.mulf %gather3A_805, %bitcast_convert_type3A_806 : vector<16xf32>
        %add3A_808 = arith.addf %mul3A_801, %mul3A_807 : vector<16xf32>
        %add3A_809 = arith.addf %add3A_717, %add3A_808 : vector<16xf32>
        %add3A_810 = arith.addf %add3A_740, %add3A_763 : vector<16xf32>
        %add3A_811 = arith.addf %add3A_786, %add3A_809 : vector<16xf32>
        %add3A_812 = arith.addf %add3A_810, %add3A_811 : vector<16xf32>
        %swap3A_813 = arith.index_cast %add3A_612 : i32 to index
        %swap3A_814 = arith.constant 0 : index
        %swap3A_815 = tpu.vector_load %arg10[%swap3A_813, %swap3A_814] {strides = array<i32>} : memref<80x16xf32, #tpu.memory_space<vmem>>, vector<1x16xf32>,
        %swap3A_816 = vector.shape_cast %swap3A_815 : vector<1x16xf32> to vector<16xf32>
        %swap3A_817 = vector.shape_cast %add3A_812 : vector<16xf32> to vector<1x16xf32>
        tpu.vector_store %arg10[%swap3A_813, %swap3A_814], %swap3A_817 {strides = array<i32>} : memref<80x16xf32, #tpu.memory_space<vmem>>, vector<1x16xf32>,
      }
      %scan3A_397 = arith.constant 40 : i32
      %run_scoped3A_398 = arith.constant 1 : i32
      %run_scoped3A_399 = arith.constant 1 : i32
      "tpu.region"() ({
        %run_scoped3A_407 = tpu.sem_alloc : memref<!tpu.dma_semaphore, #tpu.memory_space<semaphore_mem>>
        %dma_start3A_408 = arith.constant 0 : i32
        %dma_start3A_409 = tpu.memref_slice %arg7[%run_scoped3A_398, %run_scoped3A_399, %dma_start3A_408] : memref<2x2x80xi32, #tpu.memory_space<vmem>> -> memref<1x1x80xi32, #tpu.memory_space<vmem>>
        %dma_start3A_410 = tpu.memref_squeeze %dma_start3A_409 : memref<1x1x80xi32, #tpu.memory_space<vmem>> -> memref<80xi32, #tpu.memory_space<vmem>>
        %dma_start3A_411 = arith.constant 0 : i32
        %dma_start3A_412 = arith.constant 0 : i32
        %dma_start3A_413 = tpu.memref_slice %arg12[%dma_start3A_411, %dma_start3A_412] : memref<10112x16xf32, #tpu.memory_space<vmem_shared>> -> memref<10112x16xf32, #tpu.memory_space<vmem_shared>>
        tpu.enqueue_indirect_dma source(%arg10 : memref<80x16xf32, #tpu.memory_space<vmem>>) target(%dma_start3A_413 : memref<10112x16xf32, #tpu.memory_space<vmem_shared>>) offsets(%dma_start3A_410 : memref<80xi32, #tpu.memory_space<vmem>>) semaphore(%run_scoped3A_407 : memref<!tpu.dma_semaphore, #tpu.memory_space<semaphore_mem>>) {add = true}
        %dma_wait3A_414 = arith.constant 0 : i32
        %dma_wait3A_415 = tpu.memref_slice %arg7[%run_scoped3A_398, %run_scoped3A_399, %dma_wait3A_414] : memref<2x2x80xi32, #tpu.memory_space<vmem>> -> memref<1x1x80xi32, #tpu.memory_space<vmem>>
        %dma_wait3A_416 = tpu.memref_squeeze %dma_wait3A_415 : memref<1x1x80xi32, #tpu.memory_space<vmem>> -> memref<80xi32, #tpu.memory_space<vmem>>
        %dma_wait3A_417 = arith.constant 0 : i32
        %dma_wait3A_418 = arith.constant 0 : i32
        %dma_wait3A_419 = tpu.memref_slice %arg12[%dma_wait3A_417, %dma_wait3A_418] : memref<10112x16xf32, #tpu.memory_space<vmem_shared>> -> memref<10112x16xf32, #tpu.memory_space<vmem_shared>>
        tpu.wait_indirect_dma semaphore(%run_scoped3A_407 : memref<!tpu.dma_semaphore, #tpu.memory_space<semaphore_mem>>) src(%arg10 : memref<80x16xf32, #tpu.memory_space<vmem>>) dst(%dma_wait3A_419 : memref<10112x16xf32, #tpu.memory_space<vmem_shared>>)
        tpu.yield
      }) : () -> ()
      %add3A_400 = arith.constant 2 : i32
      %add3A_401 = arith.addi %add3A_293, %add3A_400 : i32
      %lt3A_402 = arith.constant 128 : i32
      %lt3A_403 = arith.cmpi slt, %add3A_401, %lt3A_402 : i32
      %convert_element_type3A_404 = arith.extui %lt3A_403 : i1 to i32
      %cond3A_405 = arith.constant 0 : i32
      %cond3A_406 = arith.cmpi ne, %convert_element_type3A_404, %cond3A_405 : i32
      scf.if %cond3A_406 {
        %add3A_407 = arith.constant 2 : i32
        %add3A_408 = arith.addi %add3A_293, %add3A_407 : i32
        %mul3A_409 = arith.constant 128 : i32
        %mul3A_410 = arith.muli %add3A, %mul3A_409 : i32
        %add3A_411 = arith.addi %mul3A_410, %add3A_408 : i32
        %mul3A_412 = arith.constant 80 : i32
        %mul3A_413 = arith.muli %add3A_411, %mul3A_412 : i32
        %dma_start3A_414 = arith.constant 1 : i32
        %dma_start3A_415 = arith.constant 1 : i32
        %dma_start3A_416 = arith.constant 0 : i32
        %dma_start3A_417 = arith.constant 0 : i32
        %dma_start3A_418 = tpu.memref_slice %arg7[%dma_start3A_414, %dma_start3A_416, %dma_start3A_417] : memref<2x2x80xi32, #tpu.memory_space<vmem>> -> memref<1x2x80xi32, #tpu.memory_space<vmem>>
        %dma_start3A_419 = tpu.memref_squeeze %dma_start3A_418 : memref<1x2x80xi32, #tpu.memory_space<vmem>> -> memref<2x80xi32, #tpu.memory_space<vmem>>
        %dma_start3A_420 = arith.constant 0 : i32
        %dma_start3A_421 = tpu.memref_slice %arg3[%dma_start3A_420, %mul3A_413] : memref<2x327680xi32, #tpu.memory_space<hbm>> -> memref<2x80xi32, #tpu.memory_space<hbm>>
        %dma_start3A_422 = tpu.memref_slice %arg15[%dma_start3A_415] : memref<2x!tpu.dma_semaphore, #tpu.memory_space<semaphore_mem>> -> memref<1x!tpu.dma_semaphore, #tpu.memory_space<semaphore_mem>>
        %dma_start3A_423 = tpu.memref_squeeze %dma_start3A_422 : memref<1x!tpu.dma_semaphore, #tpu.memory_space<semaphore_mem>> -> memref<!tpu.dma_semaphore, #tpu.memory_space<semaphore_mem>>
        %dma_start3A_424 = arith.constant 0 : i32
        %dma_start3A_425 = arith.constant 0 : i32
        %dma_start3A_426 = tpu.memref_slice %arg7[%dma_start3A_414, %dma_start3A_424, %dma_start3A_425] : memref<2x2x80xi32, #tpu.memory_space<vmem>> -> memref<1x2x80xi32, #tpu.memory_space<vmem>>
        %dma_start3A_427 = tpu.memref_squeeze %dma_start3A_426 : memref<1x2x80xi32, #tpu.memory_space<vmem>> -> memref<2x80xi32, #tpu.memory_space<vmem>>
        %dma_start3A_428 = arith.constant 0 : i32
        %dma_start3A_429 = tpu.memref_slice %arg3[%dma_start3A_428, %mul3A_413] : memref<2x327680xi32, #tpu.memory_space<hbm>> -> memref<2x80xi32, #tpu.memory_space<hbm>>
        tpu.enqueue_dma source(%dma_start3A_429 : memref<2x80xi32, #tpu.memory_space<hbm>>) target(%dma_start3A_427 : memref<2x80xi32, #tpu.memory_space<vmem>>) target_semaphore(%dma_start3A_423 : memref<!tpu.dma_semaphore, #tpu.memory_space<semaphore_mem>>)
      } else {
      }
    }
    %scan3A_168 = arith.constant 64 : i32
    %barrier3A_169 = arith.constant 0 : index
    tpu.barrier barrier_id(%barrier3A_169)
    %mul3A_170 = arith.constant 632 : i32
    %mul3A_171 = arith.muli %arg1, %mul3A_170 : i32
    %mul3A_172 = arith.constant 632 : i32
    %mul3A_173 = arith.muli %arg1, %mul3A_172 : i32
    "tpu.region"() ({
      %run_scoped3A = tpu.sem_alloc : memref<!tpu.dma_semaphore, #tpu.memory_space<semaphore_mem>>
      %dma_start3A_174 = arith.constant 0 : i32
      %dma_start3A_175 = tpu.memref_slice %arg6[%arg0, %mul3A_173, %dma_start3A_174] : memref<2x10112x16xf32, #tpu.memory_space<hbm>> -> memref<1x632x16xf32, #tpu.memory_space<hbm>>
      %dma_start3A_176 = tpu.memref_squeeze %dma_start3A_175 : memref<1x632x16xf32, #tpu.memory_space<hbm>> -> memref<632x16xf32, #tpu.memory_space<hbm>>
      %dma_start3A_177 = arith.constant 0 : i32
      %dma_start3A_178 = tpu.memref_slice %arg12[%mul3A_171, %dma_start3A_177] : memref<10112x16xf32, #tpu.memory_space<vmem_shared>> -> memref<632x16xf32, #tpu.memory_space<vmem_shared>>
      tpu.enqueue_dma source(%dma_start3A_178 : memref<632x16xf32, #tpu.memory_space<vmem_shared>>) target(%dma_start3A_176 : memref<632x16xf32, #tpu.memory_space<hbm>>) target_semaphore(%run_scoped3A : memref<!tpu.dma_semaphore, #tpu.memory_space<semaphore_mem>>)
      %dma_wait3A_179 = arith.constant 0 : i32
      %dma_wait3A_180 = tpu.memref_slice %arg6[%arg0, %mul3A_173, %dma_wait3A_179] : memref<2x10112x16xf32, #tpu.memory_space<hbm>> -> memref<1x632x16xf32, #tpu.memory_space<hbm>>
      %dma_wait3A_181 = tpu.memref_squeeze %dma_wait3A_180 : memref<1x632x16xf32, #tpu.memory_space<hbm>> -> memref<632x16xf32, #tpu.memory_space<hbm>>
      %dma_wait3A_182 = arith.constant 0 : i32
      %dma_wait3A_183 = tpu.memref_slice %arg12[%mul3A_171, %dma_wait3A_182] : memref<10112x16xf32, #tpu.memory_space<vmem_shared>> -> memref<632x16xf32, #tpu.memory_space<vmem_shared>>
      tpu.wait_dma2 semaphore(%run_scoped3A : memref<!tpu.dma_semaphore, #tpu.memory_space<semaphore_mem>>) src(%dma_wait3A_183 : memref<632x16xf32, #tpu.memory_space<vmem_shared>>) dst(%dma_wait3A_181 : memref<632x16xf32, #tpu.memory_space<hbm>>)
      tpu.yield
    }) : () -> ()
    return
  }
}

module attributes {stable_mosaic.version = 14 : i64} {
  func.func @_mm_body(%arg0: memref<10000x128xf32, #tpu.memory_space<vmem>>, %arg1: memref<128x288xf32, #tpu.memory_space<vmem>>, %arg2: memref<10000x144xi32, #tpu.memory_space<vmem>>) attributes {dimension_semantics = [], scalar_prefetch = 0 : i64, scratch_operands = 0 : i64, tpu.core_type = #tpu.core_type<tc>} {
    %get3A = arith.constant 0 : index
    %get3A_0 = arith.constant 0 : index
    %get3A_1 = vector.load %arg0[%get3A, %get3A_0] : memref<10000x128xf32, #tpu.memory_space<vmem>>, vector<10000x128xf32>
    %get3A_2 = arith.constant 0 : index
    %get3A_3 = arith.constant 0 : index
    %get3A_4 = vector.load %arg1[%get3A_2, %get3A_3] : memref<128x288xf32, #tpu.memory_space<vmem>>, vector<128x288xf32>
    %dot_general3A = arith.constant dense<0.000000e+00> : vector<10000x288xf32>
    %dot_general3A_5 = tpu.matmul %get3A_1, %get3A_4, %dot_general3A {dimension_numbers = #tpu.dot_dimension_numbers<[1], [0], [0], [1], [0, 0, 1, 1], [], []>, transpose_lhs_hint = false} : vector<10000x128xf32>, vector<128x288xf32>, vector<10000x288xf32> -> vector<10000x288xf32>
    %slice3A = vector.extract_strided_slice %dot_general3A_5 {offsets = [0, 0], sizes = [10000, 144], strides = [1, 1]} : vector<10000x288xf32> to vector<10000x144xf32>
    %convert_element_type3A = arith.truncf %slice3A : vector<10000x144xf32> to vector<10000x144xbf16>
    %bitcast_convert_type3A = tpu.bitcast %convert_element_type3A : vector<10000x144xbf16> -> vector<10000x144xi16>
    %convert_element_type3A_6 = arith.extui %bitcast_convert_type3A : vector<10000x144xi16> to vector<10000x144xi32>
    %slice3A_7 = vector.extract_strided_slice %dot_general3A_5 {offsets = [0, 144], sizes = [10000, 144], strides = [1, 1]} : vector<10000x288xf32> to vector<10000x144xf32>
    %convert_element_type3A_8 = arith.truncf %slice3A_7 : vector<10000x144xf32> to vector<10000x144xbf16>
    %bitcast_convert_type3A_9 = tpu.bitcast %convert_element_type3A_8 : vector<10000x144xbf16> -> vector<10000x144xi16>
    %convert_element_type3A_10 = arith.extui %bitcast_convert_type3A_9 : vector<10000x144xi16> to vector<10000x144xi32>
    %shift_left3A = arith.constant 16 : i32
    %shift_left3A_11 = vector.broadcast %shift_left3A : i32 to vector<10000x144xi32>
    %shift_left3A_12 = arith.shli %convert_element_type3A_10, %shift_left3A_11 : vector<10000x144xi32>
    %or3A = arith.ori %convert_element_type3A_6, %shift_left3A_12 : vector<10000x144xi32>
    %swap3A = arith.constant 0 : index
    %swap3A_13 = arith.constant 0 : index
    %swap3A_14 = vector.load %arg2[%swap3A, %swap3A_13] : memref<10000x144xi32, #tpu.memory_space<vmem>>, vector<10000x144xi32>
    tpu.vector_store %arg2[%swap3A, %swap3A_13], %or3A {strides = array<i32>} : memref<10000x144xi32, #tpu.memory_space<vmem>>, vector<10000x144xi32>,
    return
  }
}

module attributes {stable_mosaic.version = 14 : i64} {
  func.func @_sd_body(%arg0: memref<2x320000xi32, #tpu.memory_space<vmem>>, %arg1: memref<2x327680xi32, #tpu.memory_space<vmem>>) attributes {dimension_semantics = [], scalar_prefetch = 0 : i64, scratch_operands = 0 : i64, tpu.core_type = #tpu.core_type<tc>} {
    %get3A = arith.constant 0 : index
    %get3A_0 = arith.constant 0 : index
    %get3A_1 = vector.load %arg0[%get3A, %get3A_0] : memref<2x320000xi32, #tpu.memory_space<vmem>>, vector<1x320000xi32>
    %swap3A = arith.constant 0 : index
    %swap3A_2 = arith.constant 0 : index
    %swap3A_3 = vector.load %arg1[%swap3A, %swap3A_2] : memref<2x327680xi32, #tpu.memory_space<vmem>>, vector<1x320000xi32>
    tpu.vector_store %arg1[%swap3A, %swap3A_2], %get3A_1 {strides = array<i32>} : memref<2x327680xi32, #tpu.memory_space<vmem>>, vector<1x320000xi32>,
    %get3A_4 = arith.constant 1 : index
    %get3A_5 = arith.constant 0 : index
    %get3A_6 = vector.load %arg0[%get3A_4, %get3A_5] : memref<2x320000xi32, #tpu.memory_space<vmem>>, vector<1x320000xi32>
    %swap3A_7 = arith.constant 1 : index
    %swap3A_8 = arith.constant 0 : index
    %swap3A_9 = vector.load %arg1[%swap3A_7, %swap3A_8] : memref<2x327680xi32, #tpu.memory_space<vmem>>, vector<1x320000xi32>
    tpu.vector_store %arg1[%swap3A_7, %swap3A_8], %get3A_6 {strides = array<i32>} : memref<2x327680xi32, #tpu.memory_space<vmem>>, vector<1x320000xi32>,
    %broadcast_in_dim3A = arith.constant 0 : i32
    %broadcast_in_dim3A_10 = vector.broadcast %broadcast_in_dim3A : i32 to vector<1x7680xi32>
    %swap3A_11 = arith.constant 0 : index
    %swap3A_12 = arith.constant 320000 : index
    %swap3A_13 = vector.load %arg1[%swap3A_11, %swap3A_12] : memref<2x327680xi32, #tpu.memory_space<vmem>>, vector<1x7680xi32>
    tpu.vector_store %arg1[%swap3A_11, %swap3A_12], %broadcast_in_dim3A_10 {strides = array<i32>} : memref<2x327680xi32, #tpu.memory_space<vmem>>, vector<1x7680xi32>,
    %broadcast_in_dim3A_14 = arith.constant 10000 : i32
    %broadcast_in_dim3A_15 = vector.broadcast %broadcast_in_dim3A_14 : i32 to vector<1x7680xi32>
    %swap3A_16 = arith.constant 1 : index
    %swap3A_17 = arith.constant 320000 : index
    %swap3A_18 = vector.load %arg1[%swap3A_16, %swap3A_17] : memref<2x327680xi32, #tpu.memory_space<vmem>>, vector<1x7680xi32>
    tpu.vector_store %arg1[%swap3A_16, %swap3A_17], %broadcast_in_dim3A_15 {strides = array<i32>} : memref<2x327680xi32, #tpu.memory_space<vmem>>, vector<1x7680xi32>,
    return
  }
}

module attributes {stable_mosaic.version = 14 : i64} {
  func.func @_combine_body(%arg0: memref<2x10112x16xf32, #tpu.memory_space<vmem>>, %arg1: memref<10000x128xf32, #tpu.memory_space<vmem>>, %arg2: memref<128x16xf32, #tpu.memory_space<vmem>>, %arg3: memref<1x16xf32, #tpu.memory_space<vmem>>, %arg4: memref<1x16xf32, #tpu.memory_space<vmem>>, %arg5: memref<1x16xf32, #tpu.memory_space<vmem>>, %arg6: memref<16x288xf32, #tpu.memory_space<vmem>>, %arg7: memref<10000x16xf32, #tpu.memory_space<vmem>>, %arg8: memref<10000x144xi32, #tpu.memory_space<vmem>>) attributes {dimension_semantics = [], scalar_prefetch = 0 : i64, scratch_operands = 0 : i64, tpu.core_type = #tpu.core_type<tc>} {
    %get3A = arith.constant 0 : index
    %get3A_0 = arith.constant 0 : index
    %get3A_1 = arith.constant 0 : index
    %get3A_2 = vector.load %arg0[%get3A, %get3A_0, %get3A_1] : memref<2x10112x16xf32, #tpu.memory_space<vmem>>, vector<1x10000x16xf32>
    %get3A_3 = vector.shape_cast %get3A_2 : vector<1x10000x16xf32> to vector<10000x16xf32>
    %get3A_4 = arith.constant 1 : index
    %get3A_5 = arith.constant 0 : index
    %get3A_6 = arith.constant 0 : index
    %get3A_7 = vector.load %arg0[%get3A_4, %get3A_5, %get3A_6] : memref<2x10112x16xf32, #tpu.memory_space<vmem>>, vector<1x10000x16xf32>
    %get3A_8 = vector.shape_cast %get3A_7 : vector<1x10000x16xf32> to vector<10000x16xf32>
    %add3A = arith.addf %get3A_3, %get3A_8 : vector<10000x16xf32>
    %get3A_9 = arith.constant 0 : index
    %get3A_10 = arith.constant 0 : index
    %get3A_11 = vector.load %arg1[%get3A_9, %get3A_10] : memref<10000x128xf32, #tpu.memory_space<vmem>>, vector<10000x128xf32>
    %get3A_12 = arith.constant 0 : index
    %get3A_13 = arith.constant 0 : index
    %get3A_14 = vector.load %arg2[%get3A_12, %get3A_13] : memref<128x16xf32, #tpu.memory_space<vmem>>, vector<128x16xf32>
    %dot_general3A = arith.constant dense<0.000000e+00> : vector<10000x16xf32>
    %dot_general3A_15 = tpu.matmul %get3A_11, %get3A_14, %dot_general3A {dimension_numbers = #tpu.dot_dimension_numbers<[1], [0], [0], [1], [0, 0, 1, 1], [], []>, transpose_lhs_hint = false} : vector<10000x128xf32>, vector<128x16xf32>, vector<10000x16xf32> -> vector<10000x16xf32>
    %add3A_16 = arith.addf %add3A, %dot_general3A_15 : vector<10000x16xf32>
    %get3A_17 = arith.constant 0 : index
    %get3A_18 = arith.constant 0 : index
    %get3A_19 = vector.load %arg3[%get3A_17, %get3A_18] : memref<1x16xf32, #tpu.memory_space<vmem>>, vector<1x16xf32>
    %add3A_20 = vector.broadcast %get3A_19 : vector<1x16xf32> to vector<10000x16xf32>
    %add3A_21 = arith.addf %add3A_16, %add3A_20 : vector<10000x16xf32>
    %reduce_sum3A = arith.constant dense<0.000000e+00> : vector<16xf32>
    %reduce_sum3A_22 = vector.multi_reduction <add>, %add3A_21, %reduce_sum3A [0] : vector<10000x16xf32> to vector<16xf32>
    %broadcast_in_dim3A = vector.shape_cast %reduce_sum3A_22 : vector<16xf32> to vector<1x16xf32>
    %div3A = arith.constant 1.000000e+04 : f32
    %div3A_23 = vector.broadcast %div3A : f32 to vector<1x16xf32>
    %div3A_24 = arith.divf %broadcast_in_dim3A, %div3A_23 : vector<1x16xf32>
    %sub3A = vector.broadcast %div3A_24 : vector<1x16xf32> to vector<10000x16xf32>
    %sub3A_25 = arith.subf %add3A_21, %sub3A : vector<10000x16xf32>
    %mul3A = arith.mulf %sub3A_25, %sub3A_25 : vector<10000x16xf32>
    %reduce_sum3A_26 = arith.constant dense<0.000000e+00> : vector<16xf32>
    %reduce_sum3A_27 = vector.multi_reduction <add>, %mul3A, %reduce_sum3A_26 [0] : vector<10000x16xf32> to vector<16xf32>
    %broadcast_in_dim3A_28 = vector.shape_cast %reduce_sum3A_27 : vector<16xf32> to vector<1x16xf32>
    %div3A_29 = arith.constant 1.000000e+04 : f32
    %div3A_30 = vector.broadcast %div3A_29 : f32 to vector<1x16xf32>
    %div3A_31 = arith.divf %broadcast_in_dim3A_28, %div3A_30 : vector<1x16xf32>
    %add3A_32 = arith.constant 9.99999974E-6 : f32
    %add3A_33 = vector.broadcast %add3A_32 : f32 to vector<1x16xf32>
    %add3A_34 = arith.addf %div3A_31, %add3A_33 : vector<1x16xf32>
    %rsqrt3A = math.rsqrt %add3A_34 : vector<1x16xf32>
    %mul3A_35 = vector.broadcast %rsqrt3A : vector<1x16xf32> to vector<10000x16xf32>
    %mul3A_36 = arith.mulf %sub3A_25, %mul3A_35 : vector<10000x16xf32>
    %get3A_37 = arith.constant 0 : index
    %get3A_38 = arith.constant 0 : index
    %get3A_39 = vector.load %arg4[%get3A_37, %get3A_38] : memref<1x16xf32, #tpu.memory_space<vmem>>, vector<1x16xf32>
    %mul3A_40 = vector.broadcast %get3A_39 : vector<1x16xf32> to vector<10000x16xf32>
    %mul3A_41 = arith.mulf %mul3A_36, %mul3A_40 : vector<10000x16xf32>
    %get3A_42 = arith.constant 0 : index
    %get3A_43 = arith.constant 0 : index
    %get3A_44 = vector.load %arg5[%get3A_42, %get3A_43] : memref<1x16xf32, #tpu.memory_space<vmem>>, vector<1x16xf32>
    %add3A_45 = vector.broadcast %get3A_44 : vector<1x16xf32> to vector<10000x16xf32>
    %add3A_46 = arith.addf %mul3A_41, %add3A_45 : vector<10000x16xf32>
    %gt3A = arith.constant 0.000000e+00 : f32
    %gt3A_47 = vector.broadcast %gt3A : f32 to vector<10000x16xf32>
    %gt3A_48 = arith.cmpf ogt, %add3A_46, %gt3A_47 : vector<10000x16xf32>
    %mul3A_49 = arith.constant 0.00999999977 : f32
    %mul3A_50 = vector.broadcast %mul3A_49 : f32 to vector<10000x16xf32>
    %mul3A_51 = arith.mulf %mul3A_50, %add3A_46 : vector<10000x16xf32>
    %select_n3A = arith.select %gt3A_48, %add3A_46, %mul3A_51 : vector<10000x16xi1>, vector<10000x16xf32>
    %swap3A = arith.constant 0 : index
    %swap3A_52 = arith.constant 0 : index
    %swap3A_53 = vector.load %arg7[%swap3A, %swap3A_52] : memref<10000x16xf32, #tpu.memory_space<vmem>>, vector<10000x16xf32>
    tpu.vector_store %arg7[%swap3A, %swap3A_52], %select_n3A {strides = array<i32>} : memref<10000x16xf32, #tpu.memory_space<vmem>>, vector<10000x16xf32>,
    %get3A_54 = arith.constant 0 : index
    %get3A_55 = arith.constant 0 : index
    %get3A_56 = vector.load %arg6[%get3A_54, %get3A_55] : memref<16x288xf32, #tpu.memory_space<vmem>>, vector<16x288xf32>
    %dot_general3A_57 = arith.constant dense<0.000000e+00> : vector<10000x288xf32>
    %dot_general3A_58 = tpu.matmul %select_n3A, %get3A_56, %dot_general3A_57 {dimension_numbers = #tpu.dot_dimension_numbers<[1], [0], [0], [1], [0, 0, 1, 1], [], []>, transpose_lhs_hint = false} : vector<10000x16xf32>, vector<16x288xf32>, vector<10000x288xf32> -> vector<10000x288xf32>
    %slice3A = vector.extract_strided_slice %dot_general3A_58 {offsets = [0, 0], sizes = [10000, 144], strides = [1, 1]} : vector<10000x288xf32> to vector<10000x144xf32>
    %convert_element_type3A = arith.truncf %slice3A : vector<10000x144xf32> to vector<10000x144xbf16>
    %bitcast_convert_type3A = tpu.bitcast %convert_element_type3A : vector<10000x144xbf16> -> vector<10000x144xi16>
    %convert_element_type3A_59 = arith.extui %bitcast_convert_type3A : vector<10000x144xi16> to vector<10000x144xi32>
    %slice3A_60 = vector.extract_strided_slice %dot_general3A_58 {offsets = [0, 144], sizes = [10000, 144], strides = [1, 1]} : vector<10000x288xf32> to vector<10000x144xf32>
    %convert_element_type3A_61 = arith.truncf %slice3A_60 : vector<10000x144xf32> to vector<10000x144xbf16>
    %bitcast_convert_type3A_62 = tpu.bitcast %convert_element_type3A_61 : vector<10000x144xbf16> -> vector<10000x144xi16>
    %convert_element_type3A_63 = arith.extui %bitcast_convert_type3A_62 : vector<10000x144xi16> to vector<10000x144xi32>
    %shift_left3A = arith.constant 16 : i32
    %shift_left3A_64 = vector.broadcast %shift_left3A : i32 to vector<10000x144xi32>
    %shift_left3A_65 = arith.shli %convert_element_type3A_63, %shift_left3A_64 : vector<10000x144xi32>
    %or3A = arith.ori %convert_element_type3A_59, %shift_left3A_65 : vector<10000x144xi32>
    %swap3A_66 = arith.constant 0 : index
    %swap3A_67 = arith.constant 0 : index
    %swap3A_68 = vector.load %arg8[%swap3A_66, %swap3A_67] : memref<10000x144xi32, #tpu.memory_space<vmem>>, vector<10000x144xi32>
    tpu.vector_store %arg8[%swap3A_66, %swap3A_67], %or3A {strides = array<i32>} : memref<10000x144xi32, #tpu.memory_space<vmem>>, vector<10000x144xi32>,
    return
  }
}

module attributes {stable_mosaic.version = 14 : i64} {
  func.func @_combine_body(%arg0: memref<2x10112x16xf32, #tpu.memory_space<vmem>>, %arg1: memref<10000x16xf32, #tpu.memory_space<vmem>>, %arg2: memref<16x16xf32, #tpu.memory_space<vmem>>, %arg3: memref<1x16xf32, #tpu.memory_space<vmem>>, %arg4: memref<1x16xf32, #tpu.memory_space<vmem>>, %arg5: memref<1x16xf32, #tpu.memory_space<vmem>>, %arg6: memref<16x288xf32, #tpu.memory_space<vmem>>, %arg7: memref<10000x16xf32, #tpu.memory_space<vmem>>) attributes {dimension_semantics = [], scalar_prefetch = 0 : i64, scratch_operands = 0 : i64, tpu.core_type = #tpu.core_type<tc>} {
    %get3A = arith.constant 0 : index
    %get3A_0 = arith.constant 0 : index
    %get3A_1 = arith.constant 0 : index
    %get3A_2 = vector.load %arg0[%get3A, %get3A_0, %get3A_1] : memref<2x10112x16xf32, #tpu.memory_space<vmem>>, vector<1x10000x16xf32>
    %get3A_3 = vector.shape_cast %get3A_2 : vector<1x10000x16xf32> to vector<10000x16xf32>
    %get3A_4 = arith.constant 1 : index
    %get3A_5 = arith.constant 0 : index
    %get3A_6 = arith.constant 0 : index
    %get3A_7 = vector.load %arg0[%get3A_4, %get3A_5, %get3A_6] : memref<2x10112x16xf32, #tpu.memory_space<vmem>>, vector<1x10000x16xf32>
    %get3A_8 = vector.shape_cast %get3A_7 : vector<1x10000x16xf32> to vector<10000x16xf32>
    %add3A = arith.addf %get3A_3, %get3A_8 : vector<10000x16xf32>
    %get3A_9 = arith.constant 0 : index
    %get3A_10 = arith.constant 0 : index
    %get3A_11 = vector.load %arg1[%get3A_9, %get3A_10] : memref<10000x16xf32, #tpu.memory_space<vmem>>, vector<10000x16xf32>
    %get3A_12 = arith.constant 0 : index
    %get3A_13 = arith.constant 0 : index
    %get3A_14 = vector.load %arg2[%get3A_12, %get3A_13] : memref<16x16xf32, #tpu.memory_space<vmem>>, vector<16x16xf32>
    %dot_general3A = arith.constant dense<0.000000e+00> : vector<10000x16xf32>
    %dot_general3A_15 = tpu.matmul %get3A_11, %get3A_14, %dot_general3A {dimension_numbers = #tpu.dot_dimension_numbers<[1], [0], [0], [1], [0, 0, 1, 1], [], []>, transpose_lhs_hint = false} : vector<10000x16xf32>, vector<16x16xf32>, vector<10000x16xf32> -> vector<10000x16xf32>
    %add3A_16 = arith.addf %add3A, %dot_general3A_15 : vector<10000x16xf32>
    %get3A_17 = arith.constant 0 : index
    %get3A_18 = arith.constant 0 : index
    %get3A_19 = vector.load %arg3[%get3A_17, %get3A_18] : memref<1x16xf32, #tpu.memory_space<vmem>>, vector<1x16xf32>
    %add3A_20 = vector.broadcast %get3A_19 : vector<1x16xf32> to vector<10000x16xf32>
    %add3A_21 = arith.addf %add3A_16, %add3A_20 : vector<10000x16xf32>
    %reduce_sum3A = arith.constant dense<0.000000e+00> : vector<16xf32>
    %reduce_sum3A_22 = vector.multi_reduction <add>, %add3A_21, %reduce_sum3A [0] : vector<10000x16xf32> to vector<16xf32>
    %broadcast_in_dim3A = vector.shape_cast %reduce_sum3A_22 : vector<16xf32> to vector<1x16xf32>
    %div3A = arith.constant 1.000000e+04 : f32
    %div3A_23 = vector.broadcast %div3A : f32 to vector<1x16xf32>
    %div3A_24 = arith.divf %broadcast_in_dim3A, %div3A_23 : vector<1x16xf32>
    %sub3A = vector.broadcast %div3A_24 : vector<1x16xf32> to vector<10000x16xf32>
    %sub3A_25 = arith.subf %add3A_21, %sub3A : vector<10000x16xf32>
    %mul3A = arith.mulf %sub3A_25, %sub3A_25 : vector<10000x16xf32>
    %reduce_sum3A_26 = arith.constant dense<0.000000e+00> : vector<16xf32>
    %reduce_sum3A_27 = vector.multi_reduction <add>, %mul3A, %reduce_sum3A_26 [0] : vector<10000x16xf32> to vector<16xf32>
    %broadcast_in_dim3A_28 = vector.shape_cast %reduce_sum3A_27 : vector<16xf32> to vector<1x16xf32>
    %div3A_29 = arith.constant 1.000000e+04 : f32
    %div3A_30 = vector.broadcast %div3A_29 : f32 to vector<1x16xf32>
    %div3A_31 = arith.divf %broadcast_in_dim3A_28, %div3A_30 : vector<1x16xf32>
    %add3A_32 = arith.constant 9.99999974E-6 : f32
    %add3A_33 = vector.broadcast %add3A_32 : f32 to vector<1x16xf32>
    %add3A_34 = arith.addf %div3A_31, %add3A_33 : vector<1x16xf32>
    %rsqrt3A = math.rsqrt %add3A_34 : vector<1x16xf32>
    %mul3A_35 = vector.broadcast %rsqrt3A : vector<1x16xf32> to vector<10000x16xf32>
    %mul3A_36 = arith.mulf %sub3A_25, %mul3A_35 : vector<10000x16xf32>
    %get3A_37 = arith.constant 0 : index
    %get3A_38 = arith.constant 0 : index
    %get3A_39 = vector.load %arg4[%get3A_37, %get3A_38] : memref<1x16xf32, #tpu.memory_space<vmem>>, vector<1x16xf32>
    %mul3A_40 = vector.broadcast %get3A_39 : vector<1x16xf32> to vector<10000x16xf32>
    %mul3A_41 = arith.mulf %mul3A_36, %mul3A_40 : vector<10000x16xf32>
    %get3A_42 = arith.constant 0 : index
    %get3A_43 = arith.constant 0 : index
    %get3A_44 = vector.load %arg5[%get3A_42, %get3A_43] : memref<1x16xf32, #tpu.memory_space<vmem>>, vector<1x16xf32>
    %add3A_45 = vector.broadcast %get3A_44 : vector<1x16xf32> to vector<10000x16xf32>
    %add3A_46 = arith.addf %mul3A_41, %add3A_45 : vector<10000x16xf32>
    %gt3A = arith.constant 0.000000e+00 : f32
    %gt3A_47 = vector.broadcast %gt3A : f32 to vector<10000x16xf32>
    %gt3A_48 = arith.cmpf ogt, %add3A_46, %gt3A_47 : vector<10000x16xf32>
    %mul3A_49 = arith.constant 0.00999999977 : f32
    %mul3A_50 = vector.broadcast %mul3A_49 : f32 to vector<10000x16xf32>
    %mul3A_51 = arith.mulf %mul3A_50, %add3A_46 : vector<10000x16xf32>
    %select_n3A = arith.select %gt3A_48, %add3A_46, %mul3A_51 : vector<10000x16xi1>, vector<10000x16xf32>
    %swap3A = arith.constant 0 : index
    %swap3A_52 = arith.constant 0 : index
    %swap3A_53 = vector.load %arg7[%swap3A, %swap3A_52] : memref<10000x16xf32, #tpu.memory_space<vmem>>, vector<10000x16xf32>
    tpu.vector_store %arg7[%swap3A, %swap3A_52], %select_n3A {strides = array<i32>} : memref<10000x16xf32, #tpu.memory_space<vmem>>, vector<10000x16xf32>,
    return
  }
}

module attributes {stable_mosaic.version = 14 : i64} {
  func.func @_mmb_body(%arg0: memref<10000x16xf32, #tpu.memory_space<vmem>>, %arg1: memref<16x128xf32, #tpu.memory_space<vmem>>, %arg2: memref<1x128xf32, #tpu.memory_space<vmem>>, %arg3: memref<10000x128xf32, #tpu.memory_space<vmem>>) attributes {dimension_semantics = [], scalar_prefetch = 0 : i64, scratch_operands = 0 : i64, tpu.core_type = #tpu.core_type<tc>} {
    %get3A = arith.constant 0 : index
    %get3A_0 = arith.constant 0 : index
    %get3A_1 = vector.load %arg0[%get3A, %get3A_0] : memref<10000x16xf32, #tpu.memory_space<vmem>>, vector<10000x16xf32>
    %get3A_2 = arith.constant 0 : index
    %get3A_3 = arith.constant 0 : index
    %get3A_4 = vector.load %arg1[%get3A_2, %get3A_3] : memref<16x128xf32, #tpu.memory_space<vmem>>, vector<16x128xf32>
    %dot_general3A = arith.constant dense<0.000000e+00> : vector<10000x128xf32>
    %dot_general3A_5 = tpu.matmul %get3A_1, %get3A_4, %dot_general3A {dimension_numbers = #tpu.dot_dimension_numbers<[1], [0], [0], [1], [0, 0, 1, 1], [], []>, transpose_lhs_hint = false} : vector<10000x16xf32>, vector<16x128xf32>, vector<10000x128xf32> -> vector<10000x128xf32>
    %get3A_6 = arith.constant 0 : index
    %get3A_7 = arith.constant 0 : index
    %get3A_8 = vector.load %arg2[%get3A_6, %get3A_7] : memref<1x128xf32, #tpu.memory_space<vmem>>, vector<1x128xf32>
    %add3A = vector.broadcast %get3A_8 : vector<1x128xf32> to vector<10000x128xf32>
    %add3A_9 = arith.addf %dot_general3A_5, %add3A : vector<10000x128xf32>
    %swap3A = arith.constant 0 : index
    %swap3A_10 = arith.constant 0 : index
    %swap3A_11 = vector.load %arg3[%swap3A, %swap3A_10] : memref<10000x128xf32, #tpu.memory_space<vmem>>, vector<10000x128xf32>
    tpu.vector_store %arg3[%swap3A, %swap3A_10], %add3A_9 {strides = array<i32>} : memref<10000x128xf32, #tpu.memory_space<vmem>>, vector<10000x128xf32>,
    return
  }
}

</mosaic_0001>

<sc_bundles>
// kernel: kernel.12.cloned.1.call-start
scs
__scs_entry_jumppad:
0x0: {  	(pc) =	sbr.rel $0x88, $3  }
0x1: {  	(tag) =	ssettag $0x0;
	lr =	simm.s32 $0x1  }
0x2: {  	[smem:$0x3F90] =	sst lr;
	_ =	strace $0xD0000000  }
0x3: {  	_ = 	snop  }
0x4: {  	_ = 	snop  }
0x5: {  	_ = 	snop  }
0x6: {  	_ = 	snop  }
0x7: {  	_ = 	snop  }
__scs_overlays_trampoline_lowered:
0x8: {  	[smem:$0x3F9F] =	sst s0  }
0x9: {  	[smem:$0x3FA0] =	sst s1  }
0xa: {  	[smem:$0x3FA1] =	sst s2  }
0xb: {  	[smem:$0x3FA2] =	sst s3  }
0xc: {  	[smem:$0x3FA3] =	sst s4  }
0xd: {  	[smem:$0x3FA4] =	sst s5  }
0xe: {  	[smem:$0x3FA5] =	sst s6  }
0xf: {  	[smem:$0x3FA6] =	sst s7  }
0x10: {  	[smem:$0x3FA7] =	sst s8  }
0x11: {  	[smem:$0x3FA8] =	sst s9;
	s0 =	simm.s32 @!p0 $0x0  }
0x12: {  	s1 =	sld [smem:$0x3F8E];
	s0 =	simm.s32 @p0 $0x1  }
0x13: {  	[smem:$0x3FA9] =	sst s0;
	s0 =	simm.s32 @!p1 $0x0  }
0x14: {  	s2 =	sld [smem:$0x3F8D];
	s0 =	simm.s32 @p1 $0x1  }
0x15: {  	[smem:$0x3FAA] =	sst s0;
	s0 =	simm.s32 @!p2 $0x0  }
0x16: {  	s3 =	sld [smem:$0x3FDB];
	s0 =	simm.s32 @p2 $0x1  }
0x17: {  	s4 =	simm.s32 $0x1BF5;
	[smem:$0x3FAC] =	sst s0  }
0x18: {  	s0 =	sld [smem:$0x3F8F];
	_ =	swait.ge [sflag:s4], $0x0  }
0x19: {  	s7 =	sld [smem:$0x3F90]  }
0x1a: {  	s8 =	sadd.s32 $0xFFFFE003, lr  }
0x1b: {  	s9 =	sadd.s32 $0xFFFFFEF7, lr;
	s5 =	simm.s32 $0xFFFFFFFF;
	p2 =	slt.u32 s8, $0xFFFFF086  }
0x1c: {  	p1 =	slt.u32 s9, $0xF7A;
	s5 =	simm.s32 @!p2 $0x0  }
0x1d: {  	s5 =	simm.s32 @p1 $0x1;
	p0 =	seq.s32 s7, s2  }
0x1e: {  	s7 =	smul.u32 @!p0 $0xF7A, s2;
	p2 =	seq.s32 @!p0 s5, $0x0  }
0x1f: {  	s9 =	smul.u32 $0xF7A, s1;
	s8 =	simm.s32 @!p0 $0x1BF5;
	p2 =	por !p2, p0  }
0x20: {  	[sflag:s8] =	ssyncset.s32 @!p0 $0xFFFFF086;
	s6 =	sadd.s32 @!p0 s3, s7;
	s7 =	simm.s32 @!p0 $0x108  }
0x21: {  	s3 =	sadd.s32 s3, s9;
	s6 =	sadd.s32 @!p0 $0x88, s6;
	s7 =	simm.s32 @p2 $0x1082  }
0x22: {  	[simem:s7], [sflag:s8] =	dma.local @!p0 [hbm:s6], $0xF7A  }
0x23: {  	s9 =	sor.u32 $0xD0000000, s2;
	s6 =	simm.s32 $0x108;
	_ =	swait.ge @!p0 [sflag:s8], $0x0  }
0x24: {  	s3 =	sadd.s32 $0x88, s3;
	s6 =	simm.s32 @!p1 $0x1082;
	[sflag:s4] =	ssyncset.s32 $0xFFFFF086  }
0x25: {  	[simem:s6], [sflag:s4] =	dma.local [hbm:s3], $0xF7A  }
0x26: {  	[smem:$0x3F90] =	sst s1;
	(tag) =	ssettag s2;
	_ =	strace s9  }
0x27: {  	s1 =	sld [smem:$0x3FA0]  }
0x28: {  	s2 =	sld [smem:$0x3FA1]  }
0x29: {  	s4 =	sld [smem:$0x3FA3]  }
0x2a: {  	p0 =	seq.s32 s5, $0x0;
	s5 =	sld [smem:$0x3FA4]  }
0x2b: {  	s6 =	sld [smem:$0x3FA5]  }
0x2c: {  	s7 =	sld [smem:$0x3FA6]  }
0x2d: {  	s3 =	simm.s32 $0x108;
	s8 =	sld [smem:$0x3FA7]  }
0x2e: {  	s3 =	simm.s32 @!p0 $0x1082;
	s9 =	sld [smem:$0x3FA8]  }
0x2f: {  	lr =	sadd.s32 s0, s3;
	s0 =	sld [smem:$0x3F9F]  }
0x30: {  	s3 =	sld [smem:$0x3FA2]  }
0x31: {  	[smem:$0x3FAB] =	sst s10  }
0x32: {  	s10 =	sld [smem:$0x3FA9];
	_ =	sdelay $0x3  }
0x33: {  	p0 =	seq.s32 s10, $0x1;
	s10 =	sld [smem:$0x3FAB];
	_ =	sdelay $0x3  }
0x34: {  	[smem:$0x3FAB] =	sst s10  }
0x35: {  	s10 =	sld [smem:$0x3FAA];
	_ =	sdelay $0x3  }
0x36: {  	p1 =	seq.s32 s10, $0x1;
	s10 =	sld [smem:$0x3FAB];
	_ =	sdelay $0x3  }
0x37: {  	[smem:$0x3FAB] =	sst s10  }
0x38: {  	s10 =	sld [smem:$0x3FAC]  }
0x39: {  	_ = 	snop;
	(pc) =	sbr.ind lr, $3  }
0x3a: {  	_ = 	snop  }
0x3b: {  	_ = 	snop  }
0x3c: {  	p2 =	seq.s32 s10, $0x1;
	s10 =	sld [smem:$0x3FAB]  }
0x3d: {  	_ =	shalt  }
0x3e: {  	_ =	shalt  }
0x3f: {  	_ =	shalt  }
0x40: {  	_ =	shalt  }
0x41: {  	_ =	shalt  }
0x42: {  	_ =	shalt  }
0x43: {  	_ =	shalt  }
0x44: {  	_ =	shalt  }
0x45: {  	_ =	shalt  }
0x46: {  	_ =	shalt  }
0x47: {  	_ =	shalt  }
0x48: {  	_ =	shalt  }
0x49: {  	_ =	shalt  }
0x4a: {  	_ =	shalt  }
0x4b: {  	_ =	shalt  }
0x4c: {  	_ =	shalt  }
0x4d: {  	_ =	shalt  }
0x4e: {  	_ =	shalt  }
0x4f: {  	_ =	shalt  }
0x50: {  	_ =	shalt  }
0x51: {  	_ =	shalt  }
0x52: {  	_ =	shalt  }
0x53: {  	_ =	shalt  }
0x54: {  	_ =	shalt  }
0x55: {  	_ =	shalt  }
0x56: {  	_ =	shalt  }
0x57: {  	_ =	shalt  }
0x58: {  	_ =	shalt  }
0x59: {  	_ =	shalt  }
0x5a: {  	_ =	shalt  }
0x5b: {  	_ =	shalt  }
0x5c: {  	_ =	shalt  }
0x5d: {  	_ =	shalt  }
0x5e: {  	_ =	shalt  }
0x5f: {  	_ =	shalt  }
0x60: {  	_ =	shalt  }
0x61: {  	_ =	shalt  }
0x62: {  	_ =	shalt  }
0x63: {  	_ =	shalt  }
0x64: {  	_ =	shalt  }
0x65: {  	_ =	shalt  }
0x66: {  	_ =	shalt  }
0x67: {  	_ =	shalt  }
0x68: {  	_ =	shalt  }
0x69: {  	_ =	shalt  }
0x6a: {  	_ =	shalt  }
0x6b: {  	_ =	shalt  }
0x6c: {  	_ =	shalt  }
0x6d: {  	_ =	shalt  }
0x6e: {  	_ =	shalt  }
0x6f: {  	_ =	shalt  }
0x70: {  	_ =	shalt  }
0x71: {  	_ =	shalt  }
0x72: {  	_ =	shalt  }
0x73: {  	_ =	shalt  }
0x74: {  	_ =	shalt  }
0x75: {  	_ =	shalt  }
0x76: {  	_ =	shalt  }
0x77: {  	_ =	shalt  }
0x78: {  	_ =	shalt  }
0x79: {  	_ =	shalt  }
0x7a: {  	_ =	shalt  }
0x7b: {  	_ =	shalt  }
0x7c: {  	_ =	shalt  }
0x7d: {  	_ =	shalt  }
0x7e: {  	_ =	shalt  }
0x7f: {  	_ =	shalt  }
0x80: {  	_ =	shalt  }
0x81: {  	_ =	shalt  }
0x82: {  	_ =	shalt  }
0x83: {  	_ =	shalt  }
0x84: {  	_ =	shalt  }
0x85: {  	_ =	shalt  }
0x86: {  	_ =	shalt  }
0x87: {  	_ =	shalt  }
.Lfunc_end0:
.L_simem_size_0:
called_computation.1_lowered:
.L_overlay_start_0:
0x88: {  	s2 =	sld [smem:$0x3FD9]  }
0x89: {  	s3 =	sld [smem:$0x3FFE];
	_ =	sdelay $0x1  }
0x8a: {  	s1 =	srdreg.scid  }
0x8b: {  	s0 =	sand.u32 $0x1, s1  }
0x8c: {  	s17 =	sshll.u32 s0, $0xA;
	s2 =	sadd.s32 s3, s2  }
0x8d: {  	s2 =	sadd.s32 s2, s17  }
0x8e: {  	[smem:$0x3FB7] =	sst s2  }
0x8f: {  	_ = 	snop  }
0x90: {  	s2 =	sld [smem:$0x3FD0];
	(tm) =	ssettm $0x1  }
0x91: {  	s18 =	sld [smem:$0x3FFB];
	_ =	sdelay $0x3  }
0x92: {  	_ =	strace s18  }
0x93: {  	s3 =	sld [smem:$0x3FFC];
	_ =	sdelay $0x3  }
0x94: {  	_ =	strace s3  }
0x95: {  	s3 =	sld [smem:$0x3FFD];
	_ =	sdelay $0x3  }
0x96: {  	_ =	strace s3  }
0x97: {  	_ =	strace $0x8FFFFFFF  }
0x98: {  	s19 =	sld [smem:$0x3FDB];
	_ =	sdelay $0x1  }
0x99: {  	s4 =	simm.s32 $_scs_section_size  }
0x9a: {  	s5 =	simm.s32 $_size__tile_overlayer_lowered;
	s6 =	simm.s32 $_tile_overlayer_lowered  }
0x9b: {  	s22 =	simm.s32 $0x1BFF;
	s21 =	sshll.u32 s6, $0x1;
	s3 =	sadd.s32 s4, s19  }
0x9c: {  	s7 =	simm.s32 $0x0;
	s20 =	sshll.u32 s5, $0x1;
	s5 =	sadd.s32 s21, s3  }
0x9d: {  	[timem:s7], [sflag:s22] =	dma.local [hbm:s5], s20  }
0x9e: {  	_ =	swait.ge [sflag:s22], s20  }
0x9f: {  	s4 =	ssub.s32 $0x0, s20;
	[sflag:s22] =	ssyncset.done $0x0  }
0xa0: {  	[sflag:s22] =	ssyncadd.s32 s4;
	_ =	sdelay $0x1  }
0xa1: {  	s23 =	simm.s32 $0x1B8B  }
0xa2: {  	_ =	swait.ge [sflag:s23], $0x1  }
0xa3: {  	[sflag:s23] =	ssyncset.done $0x0  }
0xa4: {  	s25 =	simm.s32 $0x1B8E;
	s24 =	sld [smem:$0x3FFE];
	[sflag:s23] =	ssyncadd.s32 $0xFFFFFFFF  }
0xa5: {  	s26 =	simm.s32 $execute0_lowered;
	[smem:$0x3FD2] =	sst s25  }
0xa6: {  	s5 =	sshll.u32 s26, $0x1;
	_ =	strace $0x80000049;
	[dreg:$0x1] =	wrdreg $0xFFFFFFFF  }
0xa7: {  	s28 =	simm.s32 $_size_execute0_lowered;
	s3 =	sadd.s32 s3, s5;
	[dreg:$0x0] =	wrdreg $0x0  }
0xa8: {  	s5 =	sshll.u32 s28, $0x1;
	[dreg:$0x2] =	wrdreg s3  }
0xa9: {  	[dreg:$0x3] =	wrdreg s5  }
0xaa: {  	[dreg:$0x4] =	wrdreg $0xC0  }
0xab: {  	_ =	task [dreg:s7], $0x5FFFF  }
0xac: {  	[dreg:$0x1] =	wrdreg $0xFFFFFFFF  }
0xad: {  	[dreg:$0x0] =	wrdreg $0x60  }
0xae: {  	[dreg:$0x2] =	wrdreg s24  }
0xaf: {  	[dreg:$0x3] =	wrdreg s2  }
0xb0: {  	[dreg:$0x4] =	wrdreg $0x1C9D00  }
0xb1: {  	[dreg:$0x5] =	wrdreg $0x6A400  }
0xb2: {  	[dreg:$0x6] =	wrdreg $0x9  }
0xb3: {  	_ =	task.clear_ibuf [dreg:s7], $0x7FFFF;
	_ =	strace $0x90000049  }
0xb4: {  	s29 =	simm.s32 $0x9;
	_ =	strace $0x8000004B  }
0xb5: {  	_ =	swait.ge [sflag:s29], $0x1  }
0xb6: {  	[sflag:s29] =	ssyncadd.s32 $0xFFFFFFFF  }
0xb7: {  	_ =	strace $0x9000004B  }
0xb8: {  	_ =	sfence  }
0xb9: {  	s30 =	sld [smem:$0x0];
	_ =	sdelay $0x2  }
0xba: {  	s31 =	sshll.u32 s1, $0xD;
	s1 =	sshrl.u32 s1, $0x2  }
0xbb: {  	s3 =	sand.u32 $0x4000, s31;
	s1 =	sadd.s32 s1, s30  }
0xbc: {  	s0 =	sor.u32 s3, s0;
	s1 =	sshll.u32 s1, $0x11  }
0xbd: {  	s0 =	sor.u32 s1, s0  }
0xbe: {  	s0 =	sadd.s32 $0x8F2B, s0  }
0xbf: {  	[sflag:s0] =	ssyncadd.remote.s32 $0x1  }
0xc0: {  	_ =	sfence.sel $0xFFFF  }
0xc1: {  	[dreg:$0x0] =	wrdreg $0xFFFFFFFF;
	(pc) =	sbr.abs _section_cstart, $3  }
0xc2: {  	[dreg:$0x1] =	wrdreg $0xFFFFFFFF  }
0xc3: {  	_ =	task.clear_ibuf [dreg:s7], $0x2FFFF;
	_ =	strace $0x9FFFFFFF  }
0xc4: {  	(tm) =	ssettm $0x7FFFFFFF  }
0xc5: {  	_ =	shalt  }
tec
execute0_lowered:
.L_overlay_start_1:
0x0: {  	(tag) =	ssettag $0x1  }
0x1: {  	s0 =	rddreg [dreg:$0x0]  }
0x2: {  	s1 =	rddreg [dreg:$0x1]  }
0x3: {  	s2 =	rddreg [dreg:$0x2]  }
0x4: {  	s3 =	rddreg [dreg:$0x3];
	s4 =	stileid.u32  }
0x5: {  	s5 =	srdreg.scid;
	s9 =	simm.s32 $0x0;
	s30 =	simm.s32 $0x10  }
0x6: {  	s29 =	simm.s32 $0xA0;
	s31 =	simm.s32 $0xC;
	s16 =	simm.s32 $0x9  }
0x7: {  	s28 =	simm.s32 $0x8;
	s6 =	smul.u32 $0x15F00, s4;
	s7 =	sand.u32 $0x1, s5  }
0x8: {  	s8 =	smul.u32 $0x2780, s4;
	[smem:$0x7FF] =	sst s9;
	s5 =	sadd.s32 $0x510E00, s0  }
0x9: {  	s11 =	sadd.s32 $0x2EE00, s0;
	s13 =	sshll.u32 s4, $0x1;
	s20 =	sshll.u32 s4, $0x6  }
0xa: {  	p0 =	sne.s32 s4, $0x0;
	s18 =	smul.u32 $0x27800, s7;
	_ =	strace $0x8000004A  }
0xb: {  	[dreg:$0x5] =	wrdreg s11;
	s19 =	ssub.s32 $0x2, s7;
	s7 =	sor.u32 s7, s13  }
0xc: {  	s23 =	sor.u32 $0x1C0D, s20;
	s20 =	simm.s32 $0x2;
	s17 =	sshrl.u32 s6, $0x3  }
0xd: {  	s12 =	sshrl.u32 s19, $0x1;
	s13 =	smul.u32 $0x500, s7;
	s6 =	sadd.s32 s6, s3  }
0xe: {  	s21 =	smul.u32 $0x5000, s7;
	[dreg:$0x6] =	wrdreg s23;
	s10 =	sadd.s32 s17, s0  }
0xf: {  	s9 =	sadd.s32 s8, s18;
	s11 =	ssub.s32 s19, s12;
	s8 =	sadd.s32 s8, s2  }
0x10: {  	s19 =	simm.s32 $0xD;
	s26 =	sshrl.u32 s6, $0x3;
	s17 =	simm.s32 $0x1  }
0x11: {  	s18 =	simm.s32 $0xA;
	s6 =	simm.s32 $0x0;
	s9 =	sshrl.u32 s9, $0x3  }
0x12: {  	s10 =	sadd.s32 $0x2E00, s10;
	s22 =	sadd.s32 s1, s13;
	[dreg:$0xf] =	wrdreg s26  }
0x13: {  	s12 =	sadd.s32 s5, s21;
	s25 =	smax.u32 s11, $0x1;
	[dreg:$0x7] =	wrdreg s10  }
0x14: {  	s8 =	sshrl.u32 s8, $0x3;
	s26 =	simm.s32 $0x18;
	[dreg:$0xa] =	wrdreg s12  }
0x15: {  	s21 =	simm.s32 $0x3;
	s9 =	sadd.s32 s9, s0;
	[dreg:$0x9] =	wrdreg s22  }
0x16: {  	s10 =	sadd.s32 $0x15F000, s3;
	s0 =	sadd.s32 $0x2EC00, s0;
	[dreg:$0xd] =	wrdreg s25  }
0x17: {  	v0 =	vimm.s32 $0x0;
	s12 =	sshll.u32 s7, $0x7;
	s7 =	simm.s32 $0x5;
	[dreg:$0xe] =	wrdreg s8  }
.Ltmp0:
0x18: {  	v1 =	vimm.s32 $0x1;
	v2 =	vimm.s32 $0x2;
	v3 =	vimm.s32 $0x3;
	s25 =	simm.s32 $0x7;
	[dreg:$0x8] =	wrdreg s0;
	(pc) =	sbr.rel .LBB2_1-.Ltmp0, $4  }
0x19: {  	v4 =	vimm.s32 $0x4;
	v5 =	vimm.s32 $0x5;
	v6 =	vimm.s32 $0x6;
	s0 =	sadd.s32 $0xA, s22;
	s14 =	sor.u32 $0x2, s12;
	s15 =	sor.u32 $0x3, s12  }
0x1a: {  	v7 =	vimm.s32 $0x7;
	v8 =	vimm.s32 $0x8;
	v9 =	vimm.s32 $0x9;
	s24 =	sadd.s32 $0x2F400, s9;
	s22 =	simm.s32 $0x50;
	[dreg:$0xb] =	wrdreg s0  }
0x1b: {  	v10 =	vimm.s32 $0xA;
	v11 =	vimm.s32 $0xB;
	v12 =	vimm.s32 $0xC;
	[dreg:$0xc] =	wrdreg s24;
	s0 =	sshrl.u32 @!p0 s10, $0x3;
	s10 =	simm.s32 $0x4  }
0x1c: {  	v13 =	vimm.s32 $0xD;
	v14 =	vimm.s32 $0xE;
	v15 =	vimm.s32 $0xF;
	s24 =	simm.s32 $0x6540;
	[dreg:$0x10] =	wrdreg s0;
	s0 =	simm.s32 $0x6  }
.LBB2_8:
0x1d: {  	[bflag:$0x0] =	sbarrier.arrive $0xFFFF  }
0x1e: {  	s23 =	rddreg [dreg:$0x6]  }
0x1f: {  	s4 =	rddreg [dreg:$0xc]  }
0x20: {  	s8 =	rddreg [dreg:$0xe]  }
0x21: {  	[hbm:s4], [sflag:s23] =	dma.local [spmem:s8], $0x4F0  }
0x22: {  	_ =	swait.ge [sflag:s19], $0x4F0  }
0x23: {  	s6 =	rddreg [dreg:$0x11]  }
0x24: {  	s13 =	rddreg [dreg:$0xd];
	s6 =	sadd.s32 $0x1, s6  }
0x25: {  	p1 =	sne.s32 s6, s13  }
.Ltmp1:
0x26: {  	_ = 	snop;
	(pc) =	sbr.rel @!p1 .LBB2_9-.Ltmp1, $3  }
0x27: {  	_ =	sdelay $0x1  }
0x28: {  	[sflag:s19] =	ssyncset.done $0x0  }
0x29: {  	[sflag:s19] =	ssyncadd.s32 $0xFFFFFB10  }
.LBB2_1:
0x2a: {  	[dreg:$0x11] =	wrdreg s6  }
0x2b: {  	s4 =	rddreg [dreg:$0x5]  }
0x2c: {  	[spmem:s8], [sflag:s23] =	dma.local [hbm:s4], $0x4F0  }
0x2d: {  	_ =	swait.ge [sflag:s19], $0x4F0  }
0x2e: {  	[sflag:s19] =	ssyncset.done $0x0;
	s11 =	rddreg [dreg:$0x7]  }
0x2f: {  	s13 =	rddreg [dreg:$0xf];
	[sflag:s19] =	ssyncadd.s32 $0xFFFFFB10  }
0x30: {  	[spmem:s13], [sflag:s23] =	dma.local [hbm:s11], $0x2BE0  }
0x31: {  	_ =	swait.ge [sflag:s19], $0x2BE0  }
0x32: {  	[sflag:s19] =	ssyncset.done $0x0;
	s4 =	rddreg [dreg:$0x8]  }
0x33: {  	s6 =	rddreg [dreg:$0x10];
	[sflag:s19] =	ssyncadd.s32 $0xFFFFD420  }
0x34: {  	[spmem:s6], [sflag:s23] =	dma.local @!p0 [hbm:s4], $0x120  }
0x35: {  	s4 =	simm.s32 @!p0 $0xD  }
0x36: {  	_ =	swait.ge @!p0 [sflag:s4], $0x120  }
0x37: {  	[sflag:s4] =	ssyncset.done @!p0 $0x0  }
0x38: {  	[sflag:s4] =	ssyncadd.s32 @!p0 $0xFFFFFEE0  }
0x39: {  	s9 =	simm.s32 $0xB;
	[bflag:$0x0] =	sbarrier.arrive $0xFFFF  }
0x3a: {  	s8 =	simm.s32 $0x50000;
	s4 =	simm.s32 $0x0;
	s23 =	rddreg [dreg:$0x9]  }
0x3b: {  	[tilespmem:s4], [sflag:$0xB] =	stream.strided.gather [hbm4b:s23+s22], $0xA0, s8, s22, $0x38;
	[tilespmem:$0x1F150] =	vst v63  }
0x3c: {  	_ =	swait.ge [sflag:s9], $0xA0  }
0x3d: {  	[sflag:s9] =	ssyncset.done $0x0  }
0x3e: {  	s11 =	rddreg [dreg:$0xa];
	[sflag:s9] =	ssyncadd.s32 $0xFFFFFF60;
	s9 =	simm.s32 $0x140  }
0x3f: {  	[tilespmem:s9], [sflag:$0x9] =	stream.linear.gather [hbm4b:s11+s4], $0x500, $0x38;
	[tilespmem:$0x1F150] =	vst v63  }
0x40: {  	s13 =	simm.s32 $0xB40  }
0x41: {  	[tilespmem:s13], [sflag:$0x1] =	stream.indirect.gather [spmem:s3], $0x90, s4, s26, $0xb8;
	[tilespmem:$0x1F150] =	vst v63  }
0x42: {  	s23 =	simm.s32 $0x18C0  }
0x43: {  	[tilespmem:s23], [sflag:$0x2] =	stream.indirect.gather [spmem:s3], $0x90, s26, s26, $0xb8;
	[tilespmem:$0x1F150] =	vst v63  }
0x44: {  	s6 =	simm.s32 $0x30;
	s9 =	simm.s32 $0x2640  }
0x45: {  	[tilespmem:s9], [sflag:$0x3] =	stream.indirect.gather [spmem:s3], $0x90, s6, s30, $0xb8;
	[tilespmem:$0x1F150] =	vst v63  }
0x46: {  	s11 =	simm.s32 $0x40;
	s13 =	simm.s32 $0x2F40  }
0x47: {  	[tilespmem:s13], [sflag:$0x4] =	stream.indirect.gather [spmem:s3], $0x90, s11, s30, $0xb8;
	[tilespmem:$0x1F150] =	vst v63  }
0x48: {  	s23 =	rddreg [dreg:$0xb]  }
0x49: {  	[tilespmem:s29], [sflag:$0xC] =	stream.strided.gather [hbm4b:s23+s22], $0xA0, s8, s22, $0x38;
	[tilespmem:$0x1F150] =	vst v63  }
0x4a: {  	s8 =	simm.s32 $0x0  }
.LBB2_2:
0x4b: {  	s9 =	sshll.u32 s8, $0x1  }
0x4c: {  	s4 =	sadd.s32 s9, s12  }
0x4d: {  	s4 =	smul.u32 $0x50, s4;
	_ =	sdelay $0x1  }
0x4e: {  	s4 =	sadd.s32 $0x50, s4  }
0x4f: {  	_ =	swait.ge [sflag:s31], $0xA0;
	s4 =	smin.u32 s4, $0x4E1B0  }
0x50: {  	s6 =	simm.s32 $0x0;
	[sflag:s31] =	ssyncset.done $0x0;
	s4 =	sshll.u32 s4, $0x1  }
0x51: {  	s11 =	simm.s32 $0x640;
	[sflag:s31] =	ssyncadd.s32 $0xFFFFFF60;
	s4 =	sadd.s32 s5, s4  }
0x52: {  	[tilespmem:s11], [sflag:$0xA] =	stream.linear.gather [hbm4b:s4+s6], $0x500, $0x38;
	[tilespmem:$0x1F150] =	vst v63  }
0x53: {  	s11 =	simm.s32 $0x3840  }
0x54: {  	[tilespmem:s11], [sflag:$0x5] =	stream.indirect.gather [spmem:s3], $0x90, s29, s26, $0xb8;
	[tilespmem:$0x1F150] =	vst v63  }
0x55: {  	s13 =	simm.s32 $0xB8;
	s23 =	simm.s32 $0x45C0  }
0x56: {  	[tilespmem:s23], [sflag:$0x6] =	stream.indirect.gather [spmem:s3], $0x90, s13, s26, $0xb8;
	[tilespmem:$0x1F150] =	vst v63  }
0x57: {  	s6 =	simm.s32 $0xD0;
	s11 =	simm.s32 $0x5340  }
0x58: {  	[tilespmem:s11], [sflag:$0x7] =	stream.indirect.gather [spmem:s3], $0x90, s6, s30, $0xb8;
	[tilespmem:$0x1F150] =	vst v63  }
0x59: {  	s13 =	simm.s32 $0xE0;
	s23 =	simm.s32 $0x5C40  }
0x5a: {  	[tilespmem:s23], [sflag:$0x8] =	stream.indirect.gather [spmem:s3], $0x90, s13, s30, $0xb8;
	[tilespmem:$0x1F150] =	vst v63  }
0x5b: {  	_ =	swait.ge [sflag:s16], $0x500  }
0x5c: {  	[sflag:s16] =	ssyncset.done $0x0  }
0x5d: {  	[sflag:s16] =	ssyncadd.s32 $0xFFFFFB00  }
0x5e: {  	_ =	swait.ge [sflag:s17], $0xD80  }
0x5f: {  	[sflag:s17] =	ssyncset.done $0x0  }
0x60: {  	[sflag:s17] =	ssyncadd.s32 $0xFFFFF280  }
0x61: {  	_ =	swait.ge [sflag:s20], $0xD80  }
0x62: {  	[sflag:s20] =	ssyncset.done $0x0  }
0x63: {  	[sflag:s20] =	ssyncadd.s32 $0xFFFFF280  }
0x64: {  	_ =	swait.ge [sflag:s21], $0x900  }
0x65: {  	[sflag:s21] =	ssyncset.done $0x0  }
0x66: {  	[sflag:s21] =	ssyncadd.s32 $0xFFFFF700  }
0x67: {  	_ =	swait.ge [sflag:s10], $0x900  }
0x68: {  	[sflag:s10] =	ssyncset.done $0x0  }
0x69: {  	s11 =	simm.s32 $0x10;
	[sflag:s10] =	ssyncadd.s32 $0xFFFFF700  }
0x6a: {  	v19 =	vld [tilespmem:s11+$0x130];
	_ =	sdelay $0x4  }
0x6b: {  	v17 =	vperm.xlane v19, v10  }
0x6c: {  	s13 =	simm.s32 $0xBD0;
	v16 =	vld [tilespmem:s11+$0x140];
	v18 =	vperm.xlane v19, v14;
	v20 =	vperm.xlane v19, v8  }
0x6d: {  	v33 =	vld [tilespmem:s13+$0xFFFFFF80];
	v21 =	vperm.xlane v19, v4;
	v22 =	vperm.xlane v19, v12  }
0x6e: {  	v23 =	vld [tilespmem:s13+$0xFFFFFFD0];
	v24 =	vperm.xlane v19, v9;
	v25 =	vperm.xlane v19, v13  }
0x6f: {  	v35 =	vld [tilespmem:s13+$0xFFFFFFE0];
	v27 =	vperm.xlane v19, v2;
	v28 =	vperm.xlane v19, v7  }
0x70: {  	v38 =	vld [tilespmem:s13+$0xFFFFFFC0];
	v29 =	vperm.xlane v19, v5;
	v30 =	vperm.xlane v19, v6  }
0x71: {  	v32 =	vld [tilespmem:s13+$0xFFFFFF70];
	v34 =	vperm.xlane v19, v1;
	v26 =	vperm.xlane v19, v3  }
0x72: {  	v31 =	vld [tilespmem:s13+$0xFFFFFFA0];
	v37 =	vperm.xlane v19, v0;
	v39 =	vperm.xlane v19, v15  }
0x73: {  	s4 =	simm.s32 $0xBD0;
	s23 =	simm.s32 $0xC0;
	v36 =	vld [tilespmem:s13+$0xFFFFFF90];
	v19 =	vperm.xlane v19, v11;
	v26 =	vmul.f32 v33, v26  }
.LBB2_3:
0x74: {  	p1 =	sne.s32 s23, $0x13C0  }
0x75: {  	v33 =	vshll.u32 v33, $0x10;
	v40 =	vld [tilespmem:s13+$0xFFFFFFB0];
	v41 =	vshll.u32 v23, $0x10;
	v42 =	vshll.u32 v35, $0x10;
	s4 =	sadd.s32 $0x120, s4;
	s6 =	smov.u32 s23;
	s23 =	sadd.s32 $0x80, s23  }
0x76: {  	v35 =	vmul.f32 v35, v39;
	v43 =	vld [tilespmem:s13+$0xFFFFFFF0];
	v44 =	vshll.u32 v38, $0x10;
	v19 =	vmul.f32 v38, v19  }
0x77: {  	v18 =	vmul.f32 v42, v18;
	v38 =	vshll.u32 v32, $0x10;
	v17 =	vmul.f32 v44, v17  }
0x78: {  	v32 =	vmul.f32 v32, v34;
	v37 =	vmul.f32 v38, v37;
	v34 =	vshll.u32 v31, $0x10  }
0x79: {  	v38 =	vshll.u32 v36, $0x10;
	v29 =	vmul.f32 v36, v29;
	v30 =	vmul.f32 v34, v30  }
0x7a: {  	v27 =	vmul.f32 v33, v27;
	v28 =	vmul.f32 v31, v28;
	v32 =	vadd.f32 v32, v37  }
0x7b: {  	v23 =	vmul.f32 v23, v25;
	v18 =	vadd.f32 v35, v18;
	v24 =	vmul.f32 v40, v24  }
0x7c: {  	v22 =	vmul.f32 v41, v22;
	v25 =	vshll.u32 v43, $0x10;
	v28 =	vadd.f32 v28, v30  }
0x7d: {  	v21 =	vmul.f32 v38, v21;
	v30 =	vshll.u32 v40, $0x10;
	v25 =	vadd.f32 v25, v32  }
0x7e: {  	v17 =	vadd.f32 v19, v17;
	v19 =	vadd.f32 v23, v22;
	v20 =	vmul.f32 v30, v20  }
0x7f: {  	v22 =	vadd.f32 v26, v27;
	v21 =	vadd.f32 v29, v21  }
0x80: {  	v18 =	vadd.f32 v18, v28;
	v20 =	vadd.f32 v24, v20  }
0x81: {  	v17 =	vadd.f32 v17, v22;
	v19 =	vadd.f32 v19, v21  }
0x82: {  	v20 =	vadd.f32 v20, v25;
	_ =	sdelay $0x1  }
0x83: {  	s6 =	sshra.s32 s6, $0x2;
	v18 =	vadd.f32 v18, v19;
	v17 =	vadd.f32 v17, v20  }
0x84: {  	v19 =	vld [tilespmem:s6+$0x130]  }
0x85: {  	v21 =	vperm.xlane v16, v6;
	v17 =	vadd.f32 v18, v17;
	v20 =	vld [tilespmem:s6+$0x140]  }
0x86: {  	v23 =	vperm.xlane v16, v15;
	v22 =	vperm.xlane v16, v4  }
0x87: {  	v24 =	vperm.xlane v16, v5;
	v25 =	vperm.xlane v16, v8;
	[tilespmem:s11+$0x6530] =	vst v17  }
0x88: {  	v26 =	vperm.xlane v16, v0;
	v27 =	vperm.xlane v16, v9;
	v28 =	vld [tilespmem:s13+$0x60]  }
0x89: {  	v17 =	vperm.xlane v19, v10;
	v18 =	vperm.xlane v19, v14;
	v29 =	vld [tilespmem:s13+$0x10]  }
0x8a: {  	v30 =	vperm.xlane v16, v7;
	v32 =	vperm.xlane v16, v14;
	v31 =	vld [tilespmem:s13+$0x50]  }
0x8b: {  	v35 =	vperm.xlane v16, v11;
	v34 =	vperm.xlane v16, v10;
	v33 =	vld [tilespmem:s13+$0x30]  }
0x8c: {  	v36 =	vperm.xlane v16, v12;
	v37 =	vperm.xlane v16, v13  }
0x8d: {  	v39 =	vperm.xlane v16, v3;
	v38 =	vperm.xlane v16, v2;
	v40 =	vshll.u32 v28, $0x10;
	v41 =	vld [tilespmem:s13+$0x70]  }
0x8e: {  	v28 =	vmul.f32 v28, v37;
	v42 =	vld [tilespmem:s13+$0x0];
	v43 =	vshll.u32 v29, $0x10;
	v36 =	vmul.f32 v40, v36  }
0x8f: {  	v29 =	vmul.f32 v29, v39;
	v37 =	vmul.f32 v43, v38;
	v38 =	vld [tilespmem:s13+$0x40];
	v39 =	vshll.u32 v31, $0x10  }
0x90: {  	v31 =	vmul.f32 v31, v35;
	v40 =	vld [tilespmem:s13+$0x20];
	v34 =	vmul.f32 v39, v34;
	v28 =	vadd.f32 v28, v36  }
0x91: {  	v35 =	vperm.xlane v16, v1;
	v16 =	vmovc v20;
	v30 =	vmul.f32 v33, v30;
	v29 =	vadd.f32 v29, v37  }
0x92: {  	v33 =	vshll.u32 v33, $0x10;
	v20 =	vld [tilespmem:s13+$0x80];
	v31 =	vadd.f32 v31, v34;
	v34 =	vshll.u32 v41, $0x10;
	s13 =	smov.u32 s4  }
0x93: {  	v36 =	vshll.u32 v42, $0x10;
	v35 =	vmul.f32 v42, v35;
	v32 =	vmul.f32 v34, v32  }
0x94: {  	v26 =	vmul.f32 v36, v26;
	v34 =	vshll.u32 v38, $0x10;
	v27 =	vmul.f32 v38, v27  }
0x95: {  	v36 =	vshll.u32 v40, $0x10;
	v24 =	vmul.f32 v40, v24;
	v25 =	vmul.f32 v34, v25  }
0x96: {  	v23 =	vmul.f32 v41, v23;
	v26 =	vadd.f32 v35, v26;
	v22 =	vmul.f32 v36, v22  }
0x97: {  	v21 =	vmul.f32 v33, v21;
	v20 =	vshll.u32 v20, $0x10;
	v25 =	vadd.f32 v27, v25  }
0x98: {  	v20 =	vadd.f32 v20, v26;
	v22 =	vadd.f32 v24, v22  }
0x99: {  	v23 =	vadd.f32 v23, v32;
	v24 =	vadd.f32 v31, v29  }
0x9a: {  	v21 =	vadd.f32 v30, v21;
	v20 =	vadd.f32 v25, v20  }
0x9b: {  	v22 =	vadd.f32 v28, v22  }
0x9c: {  	v21 =	vadd.f32 v23, v21;
	v20 =	vadd.f32 v24, v20;
	_ =	sdelay $0x1  }
0x9d: {  	v21 =	vadd.f32 v21, v22;
	_ =	sdelay $0x1  }
0x9e: {  	v21 =	vadd.f32 v21, v20;
	_ =	sdelay $0x1  }
0x9f: {  	v20 =	vperm.xlane v19, v8;
	[tilespmem:s11+$0x6540] =	vst v21;
	s11 =	smov.u32 s6  }
0xa0: {  	v22 =	vperm.xlane v19, v12;
	v21 =	vperm.xlane v19, v4;
	v33 =	vld [tilespmem:s4+$0xFFFFFF80]  }
0xa1: {  	v25 =	vperm.xlane v19, v13;
	v24 =	vperm.xlane v19, v9;
	v23 =	vld [tilespmem:s4+$0xFFFFFFD0]  }
.Ltmp2:
0xa2: {  	v27 =	vperm.xlane v19, v2;
	v28 =	vperm.xlane v19, v7;
	v35 =	vld [tilespmem:s4+$0xFFFFFFE0];
	(pc) =	sbr.rel @p1 .LBB2_3-.Ltmp2, $4  }
0xa3: {  	v30 =	vperm.xlane v19, v6;
	v29 =	vperm.xlane v19, v5;
	v38 =	vld [tilespmem:s4+$0xFFFFFFC0]  }
0xa4: {  	v34 =	vperm.xlane v19, v1;
	v26 =	vperm.xlane v19, v3;
	v32 =	vld [tilespmem:s4+$0xFFFFFF70]  }
0xa5: {  	v39 =	vperm.xlane v19, v15;
	v37 =	vperm.xlane v19, v0;
	v31 =	vld [tilespmem:s4+$0xFFFFFFA0]  }
0xa6: {  	v19 =	vperm.xlane v19, v11;
	v26 =	vmul.f32 v33, v26;
	v36 =	vld [tilespmem:s4+$0xFFFFFF90]  }
0xa7: {  	v33 =	vshll.u32 v33, $0x10;
	v40 =	vshll.u32 v35, $0x10;
	v43 =	vmul.f32 v35, v39  }
0xa8: {  	v48 =	vshll.u32 v23, $0x10;
	v23 =	vmul.f32 v23, v25;
	v19 =	vmul.f32 v38, v19  }
0xa9: {  	v42 =	vshll.u32 v38, $0x10;
	v18 =	vmul.f32 v40, v18;
	v27 =	vmul.f32 v33, v27  }
0xaa: {  	v41 =	vld [tilespmem:s13+$0xFFFFFFB0];
	v22 =	vmul.f32 v48, v22;
	v45 =	vshll.u32 v32, $0x10;
	v17 =	vmul.f32 v42, v17  }
0xab: {  	v44 =	vld [tilespmem:s13+$0xFFFFFFF0];
	v46 =	vmul.f32 v32, v34;
	v37 =	vmul.f32 v45, v37  }
0xac: {  	v47 =	vshll.u32 v31, $0x10;
	v28 =	vmul.f32 v31, v28;
	v18 =	vadd.f32 v43, v18  }
0xad: {  	v29 =	vmul.f32 v36, v29;
	v30 =	vmul.f32 v47, v30;
	v17 =	vadd.f32 v19, v17  }
0xae: {  	v49 =	vshll.u32 v36, $0x10;
	v19 =	vadd.f32 v23, v22;
	v31 =	vadd.f32 v46, v37  }
0xaf: {  	v24 =	vmul.f32 v41, v24;
	v28 =	vadd.f32 v28, v30;
	v30 =	vshll.u32 v41, $0x10  }
0xb0: {  	v25 =	vshll.u32 v44, $0x10;
	v21 =	vmul.f32 v49, v21;
	v20 =	vmul.f32 v30, v20  }
0xb1: {  	v22 =	vadd.f32 v26, v27;
	v25 =	vadd.f32 v25, v31  }
0xb2: {  	v21 =	vadd.f32 v29, v21;
	v20 =	vadd.f32 v24, v20  }
0xb3: {  	v17 =	vadd.f32 v17, v22;
	v18 =	vadd.f32 v18, v28  }
0xb4: {  	v19 =	vadd.f32 v19, v21;
	v20 =	vadd.f32 v20, v25;
	_ =	sdelay $0x1  }
0xb5: {  	v18 =	vadd.f32 v18, v19;
	v17 =	vadd.f32 v17, v20;
	_ =	sdelay $0x1  }
0xb6: {  	v17 =	vadd.f32 v18, v17;
	_ =	sdelay $0x1  }
0xb7: {  	[tilespmem:s11+$0x6530] =	vst v17  }
0xb8: {  	v22 =	vld [tilespmem:s13+$0x60]  }
0xb9: {  	v50 =	vperm.xlane v16, v12;
	v51 =	vperm.xlane v16, v13;
	v25 =	vld [tilespmem:s13+$0x10]  }
0xba: {  	v52 =	vperm.xlane v16, v2;
	v53 =	vperm.xlane v16, v3;
	v27 =	vld [tilespmem:s13+$0x50]  }
0xbb: {  	v23 =	vperm.xlane v16, v0;
	v26 =	vperm.xlane v16, v7;
	v31 =	vld [tilespmem:s13+$0x30]  }
0xbc: {  	v29 =	vperm.xlane v16, v10;
	v30 =	vperm.xlane v16, v11;
	v55 =	vld [tilespmem:s13+$0x70]  }
0xbd: {  	v28 =	vperm.xlane v16, v14;
	v21 =	vperm.xlane v16, v8;
	v56 =	vld [tilespmem:s13+$0x0]  }
0xbe: {  	v24 =	vperm.xlane v16, v9;
	v19 =	vperm.xlane v16, v4;
	v59 =	vld [tilespmem:s13+$0x40]  }
0xbf: {  	v20 =	vperm.xlane v16, v15;
	v18 =	vperm.xlane v16, v6;
	v61 =	vld [tilespmem:s13+$0x20]  }
0xc0: {  	v17 =	vperm.xlane v16, v5;
	v16 =	vperm.xlane v16, v1;
	v54 =	vshll.u32 v22, $0x10  }
0xc1: {  	v57 =	vshll.u32 v25, $0x10;
	v22 =	vmul.f32 v22, v51;
	v25 =	vmul.f32 v25, v53  }
0xc2: {  	v60 =	vshll.u32 v27, $0x10;
	v27 =	vmul.f32 v27, v30;
	v26 =	vmul.f32 v31, v26  }
0xc3: {  	v16 =	vmul.f32 v56, v16;
	v24 =	vmul.f32 v59, v24  }
0xc4: {  	v31 =	vshll.u32 v31, $0x10;
	v17 =	vmul.f32 v61, v17;
	v20 =	vmul.f32 v55, v20  }
0xc5: {  	v30 =	vld [tilespmem:s13+$0x80];
	v62 =	vshll.u32 v56, $0x10;
	v32 =	vmul.f32 v54, v50;
	v58 =	vmul.f32 v57, v52  }
0xc6: {  	v63 =	vshll.u32 v61, $0x10;
	v29 =	vmul.f32 v60, v29;
	v23 =	vmul.f32 v62, v23  }
0xc7: {  	v19 =	vmul.f32 v63, v19;
	v18 =	vmul.f32 v31, v18;
	v22 =	vadd.f32 v22, v32  }
0xc8: {  	v25 =	vadd.f32 v25, v58;
	v27 =	vadd.f32 v27, v29;
	v29 =	vshll.u32 v55, $0x10  }
0xc9: {  	v16 =	vadd.f32 v16, v23;
	v28 =	vmul.f32 v29, v28;
	v29 =	vshll.u32 v59, $0x10  }
0xca: {  	v17 =	vadd.f32 v17, v19;
	v21 =	vmul.f32 v29, v21;
	v23 =	vshll.u32 v30, $0x10  }
0xcb: {  	v18 =	vadd.f32 v26, v18;
	v16 =	vadd.f32 v23, v16  }
0xcc: {  	v19 =	vadd.f32 v20, v28;
	v21 =	vadd.f32 v24, v21  }
0xcd: {  	v17 =	vadd.f32 v22, v17;
	v20 =	vadd.f32 v27, v25  }
0xce: {  	v18 =	vadd.f32 v19, v18;
	v16 =	vadd.f32 v21, v16;
	_ =	sdelay $0x1  }
0xcf: {  	v17 =	vadd.f32 v18, v17;
	v16 =	vadd.f32 v20, v16;
	_ =	sdelay $0x1  }
0xd0: {  	p1 =	seq.s32 s8, $0x3F;
	v16 =	vadd.f32 v17, v16  }
0xd1: {  	s4 =	sadd.s32 @!p1 s9, s14  }
0xd2: {  	s4 =	smul.u32 @!p1 $0x50, s4;
	[tilespmem:s11+$0x6540] =	vst v16  }
0xd3: {  	[spmem:s2] =	stream.indirect.scatter.add.f32 [tilespmem:s24], [sflag:$0xD], $0x10, s22, s22, $0xb8;
	[tilespmem:$0x1F150] =	vst v63  }
0xd4: {  	s6 =	sshrl.u32 @!p1 s4, $0x3;
	_ =	swait.ge [sflag:s19], $0x500  }
0xd5: {  	s23 =	simm.s32 @!p1 $0x0;
	s6 =	sadd.s32 @!p1 s1, s6;
	[sflag:s19] =	ssyncset.done $0x0  }
0xd6: {  	s13 =	simm.s32 @!p1 $0x50000;
	s11 =	simm.s32 @!p1 $0x50;
	[sflag:s19] =	ssyncadd.s32 $0xFFFFFB00  }
0xd7: {  	[tilespmem:s23], [sflag:$0xB] =	stream.strided.gather @!p1 [hbm4b:s6+s11], $0xA0, s13, s11, $0x38;
	[tilespmem:$0x1F150] =	vst v63  }
0xd8: {  	s6 =	simm.s32 @!p1 $0xB  }
0xd9: {  	s4 =	smin.u32 @!p1 s4, $0x4E1B0;
	_ =	swait.ge @!p1 [sflag:s6], $0xA0  }
0xda: {  	s4 =	sshll.u32 @!p1 s4, $0x1;
	[sflag:s6] =	ssyncset.done @!p1 $0x0  }
0xdb: {  	s4 =	sadd.s32 @!p1 s5, s4;
	[sflag:s6] =	ssyncadd.s32 @!p1 $0xFFFFFF60;
	s6 =	simm.s32 @!p1 $0x140  }
0xdc: {  	[tilespmem:s6], [sflag:$0x9] =	stream.linear.gather @!p1 [hbm4b:s4+s23], $0x500, $0x38;
	[tilespmem:$0x1F150] =	vst v63  }
0xdd: {  	s4 =	simm.s32 @!p1 $0x18;
	s6 =	simm.s32 @!p1 $0xB40  }
0xde: {  	[tilespmem:s6], [sflag:$0x1] =	stream.indirect.gather @!p1 [spmem:s3], $0x90, s23, s4, $0xb8;
	[tilespmem:$0x1F150] =	vst v63  }
0xdf: {  	s6 =	simm.s32 @!p1 $0x18C0  }
0xe0: {  	[tilespmem:s6], [sflag:$0x2] =	stream.indirect.gather @!p1 [spmem:s3], $0x90, s4, s4, $0xb8;
	[tilespmem:$0x1F150] =	vst v63  }
0xe1: {  	s11 =	simm.s32 @!p1 $0x2640;
	s4 =	simm.s32 @!p1 $0x10;
	s6 =	simm.s32 @!p1 $0x30  }
0xe2: {  	[tilespmem:s11], [sflag:$0x3] =	stream.indirect.gather @!p1 [spmem:s3], $0x90, s6, s4, $0xb8;
	[tilespmem:$0x1F150] =	vst v63  }
0xe3: {  	s6 =	simm.s32 @!p1 $0x40;
	s11 =	simm.s32 @!p1 $0x2F40  }
0xe4: {  	[tilespmem:s11], [sflag:$0x4] =	stream.indirect.gather @!p1 [spmem:s3], $0x90, s6, s4, $0xb8;
	[tilespmem:$0x1F150] =	vst v63  }
0xe5: {  	_ =	swait.ge [sflag:s18], $0x500  }
0xe6: {  	[sflag:s18] =	ssyncset.done $0x0  }
0xe7: {  	[sflag:s18] =	ssyncadd.s32 $0xFFFFFB00  }
0xe8: {  	_ =	swait.ge [sflag:s7], $0xD80  }
0xe9: {  	[sflag:s7] =	ssyncset.done $0x0  }
0xea: {  	[sflag:s7] =	ssyncadd.s32 $0xFFFFF280  }
0xeb: {  	_ =	swait.ge [sflag:s0], $0xD80  }
0xec: {  	[sflag:s0] =	ssyncset.done $0x0  }
0xed: {  	[sflag:s0] =	ssyncadd.s32 $0xFFFFF280  }
0xee: {  	_ =	swait.ge [sflag:s25], $0x900  }
0xef: {  	[sflag:s25] =	ssyncset.done $0x0  }
0xf0: {  	[sflag:s25] =	ssyncadd.s32 $0xFFFFF700  }
0xf1: {  	_ =	swait.ge [sflag:s28], $0x900  }
0xf2: {  	[sflag:s28] =	ssyncset.done $0x0  }
0xf3: {  	s11 =	simm.s32 $0x0;
	[sflag:s28] =	ssyncadd.s32 $0xFFFFF700  }
0xf4: {  	v19 =	vld [tilespmem:s11+$0x640];
	_ =	sdelay $0x4  }
0xf5: {  	v17 =	vperm.xlane v19, v10  }
0xf6: {  	s13 =	simm.s32 $0x3950;
	v16 =	vld [tilespmem:s11+$0x650];
	v18 =	vperm.xlane v19, v14;
	v20 =	vperm.xlane v19, v8  }
0xf7: {  	v33 =	vld [tilespmem:s13+$0xFFFFFF00];
	v21 =	vperm.xlane v19, v4;
	v22 =	vperm.xlane v19, v12  }
0xf8: {  	v23 =	vld [tilespmem:s13+$0xFFFFFF50];
	v24 =	vperm.xlane v19, v9;
	v25 =	vperm.xlane v19, v13  }
0xf9: {  	v35 =	vld [tilespmem:s13+$0xFFFFFF60];
	v27 =	vperm.xlane v19, v2;
	v28 =	vperm.xlane v19, v7  }
0xfa: {  	v38 =	vld [tilespmem:s13+$0xFFFFFF40];
	v29 =	vperm.xlane v19, v5;
	v30 =	vperm.xlane v19, v6  }
0xfb: {  	v32 =	vld [tilespmem:s13+$0xFFFFFEF0];
	v34 =	vperm.xlane v19, v1;
	v26 =	vperm.xlane v19, v3  }
0xfc: {  	v31 =	vld [tilespmem:s13+$0xFFFFFF20];
	v37 =	vperm.xlane v19, v0;
	v39 =	vperm.xlane v19, v15  }
0xfd: {  	s23 =	simm.s32 $0x80;
	s4 =	simm.s32 $0x3950;
	v36 =	vld [tilespmem:s13+$0xFFFFFF10];
	v19 =	vperm.xlane v19, v11;
	v26 =	vmul.f32 v33, v26  }
.LBB2_5:
0xfe: {  	p2 =	sne.s32 s23, $0x1380  }
0xff: {  	v33 =	vshll.u32 v33, $0x10;
	v40 =	vld [tilespmem:s13+$0xFFFFFF30];
	v41 =	vshll.u32 v23, $0x10;
	v42 =	vshll.u32 v35, $0x10;
	s4 =	sadd.s32 $0x120, s4;
	s6 =	smov.u32 s23;
	s23 =	sadd.s32 $0x80, s23  }
0x100: {  	v35 =	vmul.f32 v35, v39;
	v43 =	vld [tilespmem:s13+$0xFFFFFF70];
	v44 =	vshll.u32 v38, $0x10;
	v19 =	vmul.f32 v38, v19  }
0x101: {  	v18 =	vmul.f32 v42, v18;
	v38 =	vshll.u32 v32, $0x10;
	v17 =	vmul.f32 v44, v17  }
0x102: {  	v32 =	vmul.f32 v32, v34;
	v37 =	vmul.f32 v38, v37;
	v34 =	vshll.u32 v31, $0x10  }
0x103: {  	v38 =	vshll.u32 v36, $0x10;
	v29 =	vmul.f32 v36, v29;
	v30 =	vmul.f32 v34, v30  }
0x104: {  	v27 =	vmul.f32 v33, v27;
	v28 =	vmul.f32 v31, v28;
	v32 =	vadd.f32 v32, v37  }
0x105: {  	v23 =	vmul.f32 v23, v25;
	v18 =	vadd.f32 v35, v18;
	v24 =	vmul.f32 v40, v24  }
0x106: {  	v22 =	vmul.f32 v41, v22;
	v25 =	vshll.u32 v43, $0x10;
	v28 =	vadd.f32 v28, v30  }
0x107: {  	v21 =	vmul.f32 v38, v21;
	v30 =	vshll.u32 v40, $0x10;
	v25 =	vadd.f32 v25, v32  }
0x108: {  	v17 =	vadd.f32 v19, v17;
	v19 =	vadd.f32 v23, v22;
	v20 =	vmul.f32 v30, v20  }
0x109: {  	v22 =	vadd.f32 v26, v27;
	v21 =	vadd.f32 v29, v21  }
0x10a: {  	v18 =	vadd.f32 v18, v28;
	v20 =	vadd.f32 v24, v20  }
0x10b: {  	v17 =	vadd.f32 v17, v22;
	v19 =	vadd.f32 v19, v21  }
0x10c: {  	v20 =	vadd.f32 v20, v25;
	_ =	sdelay $0x1  }
0x10d: {  	s6 =	sshra.s32 s6, $0x2;
	v18 =	vadd.f32 v18, v19;
	v17 =	vadd.f32 v17, v20  }
0x10e: {  	v19 =	vld [tilespmem:s6+$0x640]  }
0x10f: {  	v21 =	vperm.xlane v16, v6;
	v17 =	vadd.f32 v18, v17;
	v20 =	vld [tilespmem:s6+$0x650]  }
0x110: {  	v23 =	vperm.xlane v16, v15;
	v22 =	vperm.xlane v16, v4  }
0x111: {  	v24 =	vperm.xlane v16, v5;
	v25 =	vperm.xlane v16, v8;
	[tilespmem:s11+$0x6540] =	vst v17  }
0x112: {  	v26 =	vperm.xlane v16, v0;
	v27 =	vperm.xlane v16, v9;
	v28 =	vld [tilespmem:s13+$0xFFFFFFE0]  }
0x113: {  	v17 =	vperm.xlane v19, v10;
	v18 =	vperm.xlane v19, v14;
	v29 =	vld [tilespmem:s13+$0xFFFFFF90]  }
0x114: {  	v30 =	vperm.xlane v16, v7;
	v32 =	vperm.xlane v16, v14;
	v31 =	vld [tilespmem:s13+$0xFFFFFFD0]  }
0x115: {  	v35 =	vperm.xlane v16, v11;
	v34 =	vperm.xlane v16, v10;
	v33 =	vld [tilespmem:s13+$0xFFFFFFB0]  }
0x116: {  	v36 =	vperm.xlane v16, v12;
	v37 =	vperm.xlane v16, v13  }
0x117: {  	v39 =	vperm.xlane v16, v3;
	v38 =	vperm.xlane v16, v2;
	v40 =	vshll.u32 v28, $0x10;
	v41 =	vld [tilespmem:s13+$0xFFFFFFF0]  }
0x118: {  	v28 =	vmul.f32 v28, v37;
	v42 =	vld [tilespmem:s13+$0xFFFFFF80];
	v43 =	vshll.u32 v29, $0x10;
	v36 =	vmul.f32 v40, v36  }
0x119: {  	v29 =	vmul.f32 v29, v39;
	v37 =	vmul.f32 v43, v38;
	v38 =	vld [tilespmem:s13+$0xFFFFFFC0];
	v39 =	vshll.u32 v31, $0x10  }
0x11a: {  	v31 =	vmul.f32 v31, v35;
	v40 =	vld [tilespmem:s13+$0xFFFFFFA0];
	v34 =	vmul.f32 v39, v34;
	v28 =	vadd.f32 v28, v36  }
0x11b: {  	v35 =	vperm.xlane v16, v1;
	v16 =	vmovc v20;
	v30 =	vmul.f32 v33, v30;
	v29 =	vadd.f32 v29, v37  }
0x11c: {  	v33 =	vshll.u32 v33, $0x10;
	v20 =	vld [tilespmem:s13+$0x0];
	v31 =	vadd.f32 v31, v34;
	v34 =	vshll.u32 v41, $0x10;
	s13 =	smov.u32 s4  }
0x11d: {  	v36 =	vshll.u32 v42, $0x10;
	v35 =	vmul.f32 v42, v35;
	v32 =	vmul.f32 v34, v32  }
0x11e: {  	v26 =	vmul.f32 v36, v26;
	v34 =	vshll.u32 v38, $0x10;
	v27 =	vmul.f32 v38, v27  }
0x11f: {  	v36 =	vshll.u32 v40, $0x10;
	v24 =	vmul.f32 v40, v24;
	v25 =	vmul.f32 v34, v25  }
0x120: {  	v23 =	vmul.f32 v41, v23;
	v26 =	vadd.f32 v35, v26;
	v22 =	vmul.f32 v36, v22  }
0x121: {  	v21 =	vmul.f32 v33, v21;
	v20 =	vshll.u32 v20, $0x10;
	v25 =	vadd.f32 v27, v25  }
0x122: {  	v20 =	vadd.f32 v20, v26;
	v22 =	vadd.f32 v24, v22  }
0x123: {  	v23 =	vadd.f32 v23, v32;
	v24 =	vadd.f32 v31, v29  }
0x124: {  	v21 =	vadd.f32 v30, v21;
	v20 =	vadd.f32 v25, v20  }
0x125: {  	v22 =	vadd.f32 v28, v22  }
0x126: {  	v21 =	vadd.f32 v23, v21;
	v20 =	vadd.f32 v24, v20;
	_ =	sdelay $0x1  }
0x127: {  	v21 =	vadd.f32 v21, v22;
	_ =	sdelay $0x1  }
0x128: {  	v21 =	vadd.f32 v21, v20;
	_ =	sdelay $0x1  }
0x129: {  	v20 =	vperm.xlane v19, v8;
	[tilespmem:s11+$0x6550] =	vst v21;
	s11 =	smov.u32 s6  }
0x12a: {  	v22 =	vperm.xlane v19, v12;
	v21 =	vperm.xlane v19, v4;
	v33 =	vld [tilespmem:s4+$0xFFFFFF00]  }
0x12b: {  	v25 =	vperm.xlane v19, v13;
	v24 =	vperm.xlane v19, v9;
	v23 =	vld [tilespmem:s4+$0xFFFFFF50]  }
.Ltmp3:
0x12c: {  	v27 =	vperm.xlane v19, v2;
	v28 =	vperm.xlane v19, v7;
	v35 =	vld [tilespmem:s4+$0xFFFFFF60];
	(pc) =	sbr.rel @p2 .LBB2_5-.Ltmp3, $4  }
0x12d: {  	v30 =	vperm.xlane v19, v6;
	v29 =	vperm.xlane v19, v5;
	v38 =	vld [tilespmem:s4+$0xFFFFFF40]  }
0x12e: {  	v34 =	vperm.xlane v19, v1;
	v26 =	vperm.xlane v19, v3;
	v32 =	vld [tilespmem:s4+$0xFFFFFEF0]  }
0x12f: {  	v39 =	vperm.xlane v19, v15;
	v37 =	vperm.xlane v19, v0;
	v31 =	vld [tilespmem:s4+$0xFFFFFF20]  }
0x130: {  	v19 =	vperm.xlane v19, v11;
	v26 =	vmul.f32 v33, v26;
	v36 =	vld [tilespmem:s4+$0xFFFFFF10]  }
0x131: {  	v33 =	vshll.u32 v33, $0x10;
	v40 =	vshll.u32 v35, $0x10;
	v45 =	vmul.f32 v35, v39  }
0x132: {  	v50 =	vshll.u32 v23, $0x10;
	v53 =	vmul.f32 v23, v25;
	v19 =	vmul.f32 v38, v19  }
0x133: {  	v42 =	vshll.u32 v38, $0x10;
	v18 =	vmul.f32 v40, v18;
	v27 =	vmul.f32 v33, v27  }
0x134: {  	v41 =	vld [tilespmem:s13+$0xFFFFFF30];
	v22 =	vmul.f32 v50, v22;
	v47 =	vshll.u32 v32, $0x10;
	v17 =	vmul.f32 v42, v17  }
0x135: {  	v46 =	vld [tilespmem:s13+$0xFFFFFF70];
	v48 =	vmul.f32 v32, v34;
	v37 =	vmul.f32 v47, v37  }
0x136: {  	v49 =	vshll.u32 v31, $0x10;
	v28 =	vmul.f32 v31, v28;
	v18 =	vadd.f32 v45, v18  }
0x137: {  	v56 =	vadd.f32 v53, v22;
	v57 =	vadd.f32 v26, v27;
	v29 =	vmul.f32 v36, v29  }
0x138: {  	v30 =	vmul.f32 v49, v30;
	v51 =	vshll.u32 v36, $0x10;
	v17 =	vadd.f32 v19, v17  }
0x139: {  	v52 =	vadd.f32 v48, v37;
	v24 =	vmul.f32 v41, v24;
	v55 =	vshll.u32 v41, $0x10  }
0x13a: {  	v54 =	vshll.u32 v46, $0x10;
	v21 =	vmul.f32 v51, v21;
	v20 =	vmul.f32 v55, v20  }
0x13b: {  	v28 =	vadd.f32 v28, v30;
	v25 =	vadd.f32 v54, v52  }
0x13c: {  	v21 =	vadd.f32 v29, v21;
	v20 =	vadd.f32 v24, v20  }
0x13d: {  	v17 =	vadd.f32 v17, v57;
	v18 =	vadd.f32 v18, v28  }
0x13e: {  	v19 =	vadd.f32 v56, v21;
	v20 =	vadd.f32 v20, v25;
	_ =	sdelay $0x1  }
0x13f: {  	v18 =	vadd.f32 v18, v19;
	v17 =	vadd.f32 v17, v20;
	_ =	sdelay $0x1  }
0x140: {  	v17 =	vadd.f32 v18, v17;
	_ =	sdelay $0x1  }
0x141: {  	[tilespmem:s11+$0x6540] =	vst v17  }
0x142: {  	v23 =	vperm.xlane v16, v0;
	v58 =	vld [tilespmem:s13+$0xFFFFFFE0]  }
0x143: {  	v60 =	vperm.xlane v16, v7;
	v62 =	vperm.xlane v16, v14;
	v59 =	vld [tilespmem:s13+$0xFFFFFF90]  }
0x144: {  	v63 =	vperm.xlane v16, v10;
	v44 =	vperm.xlane v16, v12;
	v61 =	vld [tilespmem:s13+$0xFFFFFFD0]  }
0x145: {  	v42 =	vperm.xlane v16, v11;
	v45 =	vperm.xlane v16, v13;
	v43 =	vld [tilespmem:s13+$0xFFFFFFB0]  }
0x146: {  	v47 =	vperm.xlane v16, v3;
	v46 =	vperm.xlane v16, v2;
	v49 =	vld [tilespmem:s13+$0xFFFFFFF0]  }
0x147: {  	v24 =	vperm.xlane v16, v9;
	v21 =	vperm.xlane v16, v8;
	v50 =	vld [tilespmem:s13+$0xFFFFFF80]  }
0x148: {  	v19 =	vperm.xlane v16, v4;
	v20 =	vperm.xlane v16, v15;
	v53 =	vld [tilespmem:s13+$0xFFFFFFC0]  }
0x149: {  	v18 =	vperm.xlane v16, v6;
	v17 =	vperm.xlane v16, v5;
	v55 =	vld [tilespmem:s13+$0xFFFFFFA0]  }
0x14a: {  	v16 =	vperm.xlane v16, v1;
	v48 =	vshll.u32 v58, $0x10;
	v51 =	vshll.u32 v59, $0x10  }
0x14b: {  	v22 =	vmul.f32 v58, v45;
	v25 =	vmul.f32 v59, v47;
	v54 =	vshll.u32 v61, $0x10  }
0x14c: {  	v27 =	vmul.f32 v61, v42;
	v26 =	vmul.f32 v43, v60;
	v31 =	vshll.u32 v43, $0x10  }
0x14d: {  	v57 =	vshll.u32 v49, $0x10;
	v16 =	vmul.f32 v50, v16;
	v24 =	vmul.f32 v53, v24  }
0x14e: {  	v58 =	vshll.u32 v50, $0x10;
	v17 =	vmul.f32 v55, v17;
	v20 =	vmul.f32 v49, v20  }
0x14f: {  	v56 =	vld [tilespmem:s13+$0x0];
	v59 =	vshll.u32 v53, $0x10;
	v32 =	vmul.f32 v48, v44;
	v52 =	vmul.f32 v51, v46  }
0x150: {  	v60 =	vshll.u32 v55, $0x10;
	v29 =	vmul.f32 v54, v63;
	v28 =	vmul.f32 v57, v62  }
0x151: {  	v23 =	vmul.f32 v58, v23;
	v21 =	vmul.f32 v59, v21;
	v22 =	vadd.f32 v22, v32  }
0x152: {  	v19 =	vmul.f32 v60, v19;
	v25 =	vadd.f32 v25, v52;
	v27 =	vadd.f32 v27, v29  }
0x153: {  	v18 =	vmul.f32 v31, v18;
	v16 =	vadd.f32 v16, v23;
	v21 =	vadd.f32 v24, v21  }
0x154: {  	v61 =	vshll.u32 v56, $0x10;
	v17 =	vadd.f32 v17, v19;
	v62 =	vadd.f32 v20, v28  }
0x155: {  	v18 =	vadd.f32 v26, v18;
	v16 =	vadd.f32 v61, v16  }
0x156: {  	v63 =	vadd.f32 v27, v25;
	v17 =	vadd.f32 v22, v17  }
0x157: {  	v18 =	vadd.f32 v62, v18;
	v16 =	vadd.f32 v21, v16;
	_ =	sdelay $0x1  }
0x158: {  	v17 =	vadd.f32 v18, v17;
	v16 =	vadd.f32 v63, v16;
	_ =	sdelay $0x1  }
0x159: {  	v16 =	vadd.f32 v17, v16;
	_ =	sdelay $0x1  }
.Ltmp4:
0x15a: {  	s4 =	simm.s32 $0xF0;
	[tilespmem:s11+$0x6550] =	vst v16;
	(pc) =	sbr.rel @p1 .LBB2_8-.Ltmp4, $4  }
0x15b: {  	[spmem:s2] =	stream.indirect.scatter.add.f32 [tilespmem:s24], [sflag:$0xD], $0x10, s4, s22, $0xb8;
	[tilespmem:$0x1F150] =	vst v63  }
0x15c: {  	_ =	swait.ge [sflag:s19], $0x500  }
0x15d: {  	[sflag:s19] =	ssyncset.done $0x0  }
0x15e: {  	[sflag:s19] =	ssyncadd.s32 $0xFFFFFB00  }
.Ltmp5:
0x15f: {  	s4 =	sadd.s32 s9, s15;
	(pc) =	sbr.rel .LBB2_2-.Ltmp5, $3  }
0x160: {  	s4 =	smul.u32 $0xA, s4;
	_ =	sdelay $0x1  }
0x161: {  	s6 =	simm.s32 $0x50000;
	s8 =	sadd.s32 $0x1, s8;
	s4 =	sadd.s32 s1, s4  }
0x162: {  	[tilespmem:s29], [sflag:$0xC] =	stream.strided.gather [hbm4b:s4+s22], $0xA0, s6, s22, $0x38;
	[tilespmem:$0x1F150] =	vst v63  }
.LBB2_9:
0x163: {  	_ =	sfence.sel $0x180000  }
0x164: {  	[bflag:$0x0] =	sbarrier.arrive $0xFFFF  }
0x165: {  	_ =	strace $0x9000004A  }
0x166: {  	[bflag:$0x2] =	sbarrier.arrive $0xFFFF  }
0x167: {  	s0 =	rddreg [dreg:$0x4]  }
0x168: {  	s0 =	sadd.s32 @!p0 $0x100000, s0  }
0x169: {  	[sflag:s0] =	ssyncadd.tile.s32 @!p0 $0x1;
	_ =	shalt  }
.Lfunc_end2:
_tile_overlayer_lowered:
.L_overlay_start_2:
0x16a: {  	(tag) =	ssettag $0x2  }
0x16b: {  	s0 =	rddreg [dreg:$0x0];
	s2 =	stileid.u32  }
0x16c: {  	s1 =	rddreg [dreg:$0x1];
	p0 =	sne.s32 s2, $0x0  }
0x16d: {  	s3 =	rddreg [dreg:$0x2];
	[bflag:$0x3] =	sbarrier.arrive $0xFFFF;
	s2 =	simm.s32 @!p0 $0x1C0D  }
0x16e: {  	[timem:s3], [sflag:s2] =	dma.local @!p0 [hbm:s0], s1  }
0x16f: {  	s0 =	simm.s32 @!p0 $0xD  }
0x170: {  	_ =	swait.ge @!p0 [sflag:s0], s1  }
0x171: {  	s1 =	ssub.s32 @!p0 $0x0, s1;
	[sflag:s0] =	ssyncset.done @!p0 $0x0  }
0x172: {  	[sflag:s0] =	ssyncadd.s32 @!p0 s1  }
0x173: {  	[bflag:$0x3] =	sbarrier.arrive $0xFFFF  }
0x174: {  	_ =	shalt  }

// kernel: kernel.9.cloned.1.call-start
scs
__scs_entry_jumppad:
0x0: {  	(pc) =	sbr.rel $0x88, $3  }
0x1: {  	(tag) =	ssettag $0x0;
	lr =	simm.s32 $0x1  }
0x2: {  	[smem:$0x3F90] =	sst lr;
	_ =	strace $0xD0000000  }
0x3: {  	_ = 	snop  }
0x4: {  	_ = 	snop  }
0x5: {  	_ = 	snop  }
0x6: {  	_ = 	snop  }
0x7: {  	_ = 	snop  }
__scs_overlays_trampoline_lowered:
0x8: {  	[smem:$0x3F9F] =	sst s0  }
0x9: {  	[smem:$0x3FA0] =	sst s1  }
0xa: {  	[smem:$0x3FA1] =	sst s2  }
0xb: {  	[smem:$0x3FA2] =	sst s3  }
0xc: {  	[smem:$0x3FA3] =	sst s4  }
0xd: {  	[smem:$0x3FA4] =	sst s5  }
0xe: {  	[smem:$0x3FA5] =	sst s6  }
0xf: {  	[smem:$0x3FA6] =	sst s7  }
0x10: {  	[smem:$0x3FA7] =	sst s8  }
0x11: {  	[smem:$0x3FA8] =	sst s9;
	s0 =	simm.s32 @!p0 $0x0  }
0x12: {  	s1 =	sld [smem:$0x3F8E];
	s0 =	simm.s32 @p0 $0x1  }
0x13: {  	[smem:$0x3FA9] =	sst s0;
	s0 =	simm.s32 @!p1 $0x0  }
0x14: {  	s2 =	sld [smem:$0x3F8D];
	s0 =	simm.s32 @p1 $0x1  }
0x15: {  	[smem:$0x3FAA] =	sst s0;
	s0 =	simm.s32 @!p2 $0x0  }
0x16: {  	s3 =	sld [smem:$0x3FDB];
	s0 =	simm.s32 @p2 $0x1  }
0x17: {  	s4 =	simm.s32 $0x1BF5;
	[smem:$0x3FAC] =	sst s0  }
0x18: {  	s0 =	sld [smem:$0x3F8F];
	_ =	swait.ge [sflag:s4], $0x0  }
0x19: {  	s7 =	sld [smem:$0x3F90]  }
0x1a: {  	s8 =	sadd.s32 $0xFFFFE003, lr  }
0x1b: {  	s9 =	sadd.s32 $0xFFFFFEF7, lr;
	s5 =	simm.s32 $0xFFFFFFFF;
	p2 =	slt.u32 s8, $0xFFFFF086  }
0x1c: {  	p1 =	slt.u32 s9, $0xF7A;
	s5 =	simm.s32 @!p2 $0x0  }
0x1d: {  	s5 =	simm.s32 @p1 $0x1;
	p0 =	seq.s32 s7, s2  }
0x1e: {  	s7 =	smul.u32 @!p0 $0xF7A, s2;
	p2 =	seq.s32 @!p0 s5, $0x0  }
0x1f: {  	s9 =	smul.u32 $0xF7A, s1;
	s8 =	simm.s32 @!p0 $0x1BF5;
	p2 =	por !p2, p0  }
0x20: {  	[sflag:s8] =	ssyncset.s32 @!p0 $0xFFFFF086;
	s6 =	sadd.s32 @!p0 s3, s7;
	s7 =	simm.s32 @!p0 $0x108  }
0x21: {  	s3 =	sadd.s32 s3, s9;
	s6 =	sadd.s32 @!p0 $0x88, s6;
	s7 =	simm.s32 @p2 $0x1082  }
0x22: {  	[simem:s7], [sflag:s8] =	dma.local @!p0 [hbm:s6], $0xF7A  }
0x23: {  	s9 =	sor.u32 $0xD0000000, s2;
	s6 =	simm.s32 $0x108;
	_ =	swait.ge @!p0 [sflag:s8], $0x0  }
0x24: {  	s3 =	sadd.s32 $0x88, s3;
	s6 =	simm.s32 @!p1 $0x1082;
	[sflag:s4] =	ssyncset.s32 $0xFFFFF086  }
0x25: {  	[simem:s6], [sflag:s4] =	dma.local [hbm:s3], $0xF7A  }
0x26: {  	[smem:$0x3F90] =	sst s1;
	(tag) =	ssettag s2;
	_ =	strace s9  }
0x27: {  	s1 =	sld [smem:$0x3FA0]  }
0x28: {  	s2 =	sld [smem:$0x3FA1]  }
0x29: {  	s4 =	sld [smem:$0x3FA3]  }
0x2a: {  	p0 =	seq.s32 s5, $0x0;
	s5 =	sld [smem:$0x3FA4]  }
0x2b: {  	s6 =	sld [smem:$0x3FA5]  }
0x2c: {  	s7 =	sld [smem:$0x3FA6]  }
0x2d: {  	s3 =	simm.s32 $0x108;
	s8 =	sld [smem:$0x3FA7]  }
0x2e: {  	s3 =	simm.s32 @!p0 $0x1082;
	s9 =	sld [smem:$0x3FA8]  }
0x2f: {  	lr =	sadd.s32 s0, s3;
	s0 =	sld [smem:$0x3F9F]  }
0x30: {  	s3 =	sld [smem:$0x3FA2]  }
0x31: {  	[smem:$0x3FAB] =	sst s10  }
0x32: {  	s10 =	sld [smem:$0x3FA9];
	_ =	sdelay $0x3  }
0x33: {  	p0 =	seq.s32 s10, $0x1;
	s10 =	sld [smem:$0x3FAB];
	_ =	sdelay $0x3  }
0x34: {  	[smem:$0x3FAB] =	sst s10  }
0x35: {  	s10 =	sld [smem:$0x3FAA];
	_ =	sdelay $0x3  }
0x36: {  	p1 =	seq.s32 s10, $0x1;
	s10 =	sld [smem:$0x3FAB];
	_ =	sdelay $0x3  }
0x37: {  	[smem:$0x3FAB] =	sst s10  }
0x38: {  	s10 =	sld [smem:$0x3FAC]  }
0x39: {  	_ = 	snop;
	(pc) =	sbr.ind lr, $3  }
0x3a: {  	_ = 	snop  }
0x3b: {  	_ = 	snop  }
0x3c: {  	p2 =	seq.s32 s10, $0x1;
	s10 =	sld [smem:$0x3FAB]  }
0x3d: {  	_ =	shalt  }
0x3e: {  	_ =	shalt  }
0x3f: {  	_ =	shalt  }
0x40: {  	_ =	shalt  }
0x41: {  	_ =	shalt  }
0x42: {  	_ =	shalt  }
0x43: {  	_ =	shalt  }
0x44: {  	_ =	shalt  }
0x45: {  	_ =	shalt  }
0x46: {  	_ =	shalt  }
0x47: {  	_ =	shalt  }
0x48: {  	_ =	shalt  }
0x49: {  	_ =	shalt  }
0x4a: {  	_ =	shalt  }
0x4b: {  	_ =	shalt  }
0x4c: {  	_ =	shalt  }
0x4d: {  	_ =	shalt  }
0x4e: {  	_ =	shalt  }
0x4f: {  	_ =	shalt  }
0x50: {  	_ =	shalt  }
0x51: {  	_ =	shalt  }
0x52: {  	_ =	shalt  }
0x53: {  	_ =	shalt  }
0x54: {  	_ =	shalt  }
0x55: {  	_ =	shalt  }
0x56: {  	_ =	shalt  }
0x57: {  	_ =	shalt  }
0x58: {  	_ =	shalt  }
0x59: {  	_ =	shalt  }
0x5a: {  	_ =	shalt  }
0x5b: {  	_ =	shalt  }
0x5c: {  	_ =	shalt  }
0x5d: {  	_ =	shalt  }
0x5e: {  	_ =	shalt  }
0x5f: {  	_ =	shalt  }
0x60: {  	_ =	shalt  }
0x61: {  	_ =	shalt  }
0x62: {  	_ =	shalt  }
0x63: {  	_ =	shalt  }
0x64: {  	_ =	shalt  }
0x65: {  	_ =	shalt  }
0x66: {  	_ =	shalt  }
0x67: {  	_ =	shalt  }
0x68: {  	_ =	shalt  }
0x69: {  	_ =	shalt  }
0x6a: {  	_ =	shalt  }
0x6b: {  	_ =	shalt  }
0x6c: {  	_ =	shalt  }
0x6d: {  	_ =	shalt  }
0x6e: {  	_ =	shalt  }
0x6f: {  	_ =	shalt  }
0x70: {  	_ =	shalt  }
0x71: {  	_ =	shalt  }
0x72: {  	_ =	shalt  }
0x73: {  	_ =	shalt  }
0x74: {  	_ =	shalt  }
0x75: {  	_ =	shalt  }
0x76: {  	_ =	shalt  }
0x77: {  	_ =	shalt  }
0x78: {  	_ =	shalt  }
0x79: {  	_ =	shalt  }
0x7a: {  	_ =	shalt  }
0x7b: {  	_ =	shalt  }
0x7c: {  	_ =	shalt  }
0x7d: {  	_ =	shalt  }
0x7e: {  	_ =	shalt  }
0x7f: {  	_ =	shalt  }
0x80: {  	_ =	shalt  }
0x81: {  	_ =	shalt  }
0x82: {  	_ =	shalt  }
0x83: {  	_ =	shalt  }
0x84: {  	_ =	shalt  }
0x85: {  	_ =	shalt  }
0x86: {  	_ =	shalt  }
0x87: {  	_ =	shalt  }
.Lfunc_end0:
.L_simem_size_0:
called_computation_lowered:
.L_overlay_start_0:
0x88: {  	s2 =	sld [smem:$0x3FD9]  }
0x89: {  	s3 =	sld [smem:$0x3FFE];
	_ =	sdelay $0x1  }
0x8a: {  	s1 =	srdreg.scid  }
0x8b: {  	s0 =	sand.u32 $0x1, s1  }
0x8c: {  	s17 =	sshll.u32 s0, $0xA;
	s2 =	sadd.s32 s3, s2  }
0x8d: {  	s2 =	sadd.s32 s2, s17  }
0x8e: {  	[smem:$0x3FB7] =	sst s2  }
0x8f: {  	_ = 	snop  }
0x90: {  	s2 =	sld [smem:$0x3FD0];
	(tm) =	ssettm $0x1  }
0x91: {  	s18 =	sld [smem:$0x3FFB];
	_ =	sdelay $0x3  }
0x92: {  	_ =	strace s18  }
0x93: {  	s3 =	sld [smem:$0x3FFC];
	_ =	sdelay $0x3  }
0x94: {  	_ =	strace s3  }
0x95: {  	s3 =	sld [smem:$0x3FFD];
	_ =	sdelay $0x3  }
0x96: {  	_ =	strace s3  }
0x97: {  	_ =	strace $0x8FFFFFFF  }
0x98: {  	s19 =	sld [smem:$0x3FDB];
	_ =	sdelay $0x1  }
0x99: {  	s4 =	simm.s32 $_scs_section_size  }
0x9a: {  	s5 =	simm.s32 $_size__tile_overlayer_lowered;
	s6 =	simm.s32 $_tile_overlayer_lowered  }
0x9b: {  	s22 =	simm.s32 $0x1BFF;
	s21 =	sshll.u32 s6, $0x1;
	s3 =	sadd.s32 s4, s19  }
0x9c: {  	s7 =	simm.s32 $0x0;
	s20 =	sshll.u32 s5, $0x1;
	s5 =	sadd.s32 s21, s3  }
0x9d: {  	[timem:s7], [sflag:s22] =	dma.local [hbm:s5], s20  }
0x9e: {  	_ =	swait.ge [sflag:s22], s20  }
0x9f: {  	s4 =	ssub.s32 $0x0, s20;
	[sflag:s22] =	ssyncset.done $0x0  }
0xa0: {  	[sflag:s22] =	ssyncadd.s32 s4;
	_ =	sdelay $0x1  }
0xa1: {  	s23 =	simm.s32 $0x1B8B  }
0xa2: {  	_ =	swait.ge [sflag:s23], $0x1  }
0xa3: {  	[sflag:s23] =	ssyncset.done $0x0  }
0xa4: {  	s25 =	simm.s32 $0x1B8E;
	s24 =	sld [smem:$0x3FFE];
	[sflag:s23] =	ssyncadd.s32 $0xFFFFFFFF  }
0xa5: {  	s26 =	simm.s32 $execute0_lowered;
	[smem:$0x3FD2] =	sst s25  }
0xa6: {  	s5 =	sshll.u32 s26, $0x1;
	_ =	strace $0x80000046;
	[dreg:$0x1] =	wrdreg $0xFFFFFFFF  }
0xa7: {  	s28 =	simm.s32 $_size_execute0_lowered;
	s3 =	sadd.s32 s3, s5;
	[dreg:$0x0] =	wrdreg $0x0  }
0xa8: {  	s5 =	sshll.u32 s28, $0x1;
	[dreg:$0x2] =	wrdreg s3  }
0xa9: {  	[dreg:$0x3] =	wrdreg s5  }
0xaa: {  	[dreg:$0x4] =	wrdreg $0xC0  }
0xab: {  	_ =	task [dreg:s7], $0x5FFFF  }
0xac: {  	[dreg:$0x1] =	wrdreg $0xFFFFFFFF  }
0xad: {  	[dreg:$0x0] =	wrdreg $0x60  }
0xae: {  	[dreg:$0x2] =	wrdreg s24  }
0xaf: {  	[dreg:$0x3] =	wrdreg s2  }
0xb0: {  	[dreg:$0x4] =	wrdreg $0x1C9D00  }
0xb1: {  	[dreg:$0x5] =	wrdreg $0x6A400  }
0xb2: {  	[dreg:$0x6] =	wrdreg $0x9  }
0xb3: {  	_ =	task.clear_ibuf [dreg:s7], $0x7FFFF;
	_ =	strace $0x90000046  }
0xb4: {  	s29 =	simm.s32 $0x9;
	_ =	strace $0x80000048  }
0xb5: {  	_ =	swait.ge [sflag:s29], $0x1  }
0xb6: {  	[sflag:s29] =	ssyncadd.s32 $0xFFFFFFFF  }
0xb7: {  	_ =	strace $0x90000048  }
0xb8: {  	_ =	sfence  }
0xb9: {  	s30 =	sld [smem:$0x0];
	_ =	sdelay $0x2  }
0xba: {  	s31 =	sshll.u32 s1, $0xD;
	s1 =	sshrl.u32 s1, $0x2  }
0xbb: {  	s3 =	sand.u32 $0x4000, s31;
	s1 =	sadd.s32 s1, s30  }
0xbc: {  	s0 =	sor.u32 s3, s0;
	s1 =	sshll.u32 s1, $0x11  }
0xbd: {  	s0 =	sor.u32 s1, s0  }
0xbe: {  	s0 =	sadd.s32 $0x8F2B, s0  }
0xbf: {  	[sflag:s0] =	ssyncadd.remote.s32 $0x1  }
0xc0: {  	_ =	sfence.sel $0xFFFF  }
0xc1: {  	[dreg:$0x0] =	wrdreg $0xFFFFFFFF;
	(pc) =	sbr.abs _section_cstart, $3  }
0xc2: {  	[dreg:$0x1] =	wrdreg $0xFFFFFFFF  }
0xc3: {  	_ =	task.clear_ibuf [dreg:s7], $0x2FFFF;
	_ =	strace $0x9FFFFFFF  }
0xc4: {  	(tm) =	ssettm $0x7FFFFFFF  }
0xc5: {  	_ =	shalt  }
tec
execute0_lowered:
.L_overlay_start_1:
0x0: {  	(tag) =	ssettag $0x1  }
0x1: {  	s0 =	rddreg [dreg:$0x0]  }
0x2: {  	s1 =	rddreg [dreg:$0x1]  }
0x3: {  	s2 =	rddreg [dreg:$0x2]  }
0x4: {  	s3 =	rddreg [dreg:$0x3];
	s4 =	stileid.u32  }
0x5: {  	s5 =	srdreg.scid;
	s9 =	simm.s32 $0x0;
	s30 =	simm.s32 $0x10  }
0x6: {  	s29 =	simm.s32 $0xA0;
	s31 =	simm.s32 $0xC;
	s16 =	simm.s32 $0x9  }
0x7: {  	s28 =	simm.s32 $0x8;
	s6 =	smul.u32 $0x15F00, s4;
	s7 =	sand.u32 $0x1, s5  }
0x8: {  	s8 =	smul.u32 $0x2780, s4;
	[smem:$0x7FF] =	sst s9;
	s5 =	sadd.s32 $0x510E00, s0  }
0x9: {  	s11 =	sadd.s32 $0x2EE00, s0;
	s13 =	sshll.u32 s4, $0x1;
	s20 =	sshll.u32 s4, $0x6  }
0xa: {  	p0 =	sne.s32 s4, $0x0;
	s18 =	smul.u32 $0x27800, s7;
	_ =	strace $0x80000047  }
0xb: {  	[dreg:$0x5] =	wrdreg s11;
	s19 =	ssub.s32 $0x2, s7;
	s7 =	sor.u32 s7, s13  }
0xc: {  	s23 =	sor.u32 $0x1C0D, s20;
	s20 =	simm.s32 $0x2;
	s17 =	sshrl.u32 s6, $0x3  }
0xd: {  	s12 =	sshrl.u32 s19, $0x1;
	s13 =	smul.u32 $0x500, s7;
	s6 =	sadd.s32 s6, s3  }
0xe: {  	s21 =	smul.u32 $0x5000, s7;
	[dreg:$0x6] =	wrdreg s23;
	s10 =	sadd.s32 s17, s0  }
0xf: {  	s9 =	sadd.s32 s8, s18;
	s11 =	ssub.s32 s19, s12;
	s8 =	sadd.s32 s8, s2  }
0x10: {  	s19 =	simm.s32 $0xD;
	s26 =	sshrl.u32 s6, $0x3;
	s17 =	simm.s32 $0x1  }
0x11: {  	s18 =	simm.s32 $0xA;
	s6 =	simm.s32 $0x0;
	s9 =	sshrl.u32 s9, $0x3  }
0x12: {  	s10 =	sadd.s32 $0x2E00, s10;
	s22 =	sadd.s32 s1, s13;
	[dreg:$0xf] =	wrdreg s26  }
0x13: {  	s12 =	sadd.s32 s5, s21;
	s25 =	smax.u32 s11, $0x1;
	[dreg:$0x7] =	wrdreg s10  }
0x14: {  	s8 =	sshrl.u32 s8, $0x3;
	s26 =	simm.s32 $0x18;
	[dreg:$0xa] =	wrdreg s12  }
0x15: {  	s21 =	simm.s32 $0x3;
	s9 =	sadd.s32 s9, s0;
	[dreg:$0x9] =	wrdreg s22  }
0x16: {  	s10 =	sadd.s32 $0x15F000, s3;
	s0 =	sadd.s32 $0x2EC00, s0;
	[dreg:$0xd] =	wrdreg s25  }
0x17: {  	v0 =	vimm.s32 $0x0;
	s12 =	sshll.u32 s7, $0x7;
	s7 =	simm.s32 $0x5;
	[dreg:$0xe] =	wrdreg s8  }
.Ltmp0:
0x18: {  	v1 =	vimm.s32 $0x1;
	v2 =	vimm.s32 $0x2;
	v3 =	vimm.s32 $0x3;
	s25 =	simm.s32 $0x7;
	[dreg:$0x8] =	wrdreg s0;
	(pc) =	sbr.rel .LBB2_1-.Ltmp0, $4  }
0x19: {  	v4 =	vimm.s32 $0x4;
	v5 =	vimm.s32 $0x5;
	v6 =	vimm.s32 $0x6;
	s0 =	sadd.s32 $0xA, s22;
	s14 =	sor.u32 $0x2, s12;
	s15 =	sor.u32 $0x3, s12  }
0x1a: {  	v7 =	vimm.s32 $0x7;
	v8 =	vimm.s32 $0x8;
	v9 =	vimm.s32 $0x9;
	s24 =	sadd.s32 $0x2F400, s9;
	s22 =	simm.s32 $0x50;
	[dreg:$0xb] =	wrdreg s0  }
0x1b: {  	v10 =	vimm.s32 $0xA;
	v11 =	vimm.s32 $0xB;
	v12 =	vimm.s32 $0xC;
	[dreg:$0xc] =	wrdreg s24;
	s0 =	sshrl.u32 @!p0 s10, $0x3;
	s10 =	simm.s32 $0x4  }
0x1c: {  	v13 =	vimm.s32 $0xD;
	v14 =	vimm.s32 $0xE;
	v15 =	vimm.s32 $0xF;
	s24 =	simm.s32 $0x6540;
	[dreg:$0x10] =	wrdreg s0;
	s0 =	simm.s32 $0x6  }
.LBB2_8:
0x1d: {  	[bflag:$0x0] =	sbarrier.arrive $0xFFFF  }
0x1e: {  	s23 =	rddreg [dreg:$0x6]  }
0x1f: {  	s4 =	rddreg [dreg:$0xc]  }
0x20: {  	s8 =	rddreg [dreg:$0xe]  }
0x21: {  	[hbm:s4], [sflag:s23] =	dma.local [spmem:s8], $0x4F0  }
0x22: {  	_ =	swait.ge [sflag:s19], $0x4F0  }
0x23: {  	s6 =	rddreg [dreg:$0x11]  }
0x24: {  	s13 =	rddreg [dreg:$0xd];
	s6 =	sadd.s32 $0x1, s6  }
0x25: {  	p1 =	sne.s32 s6, s13  }
.Ltmp1:
0x26: {  	_ = 	snop;
	(pc) =	sbr.rel @!p1 .LBB2_9-.Ltmp1, $3  }
0x27: {  	_ =	sdelay $0x1  }
0x28: {  	[sflag:s19] =	ssyncset.done $0x0  }
0x29: {  	[sflag:s19] =	ssyncadd.s32 $0xFFFFFB10  }
.LBB2_1:
0x2a: {  	[dreg:$0x11] =	wrdreg s6  }
0x2b: {  	s4 =	rddreg [dreg:$0x5]  }
0x2c: {  	[spmem:s8], [sflag:s23] =	dma.local [hbm:s4], $0x4F0  }
0x2d: {  	_ =	swait.ge [sflag:s19], $0x4F0  }
0x2e: {  	[sflag:s19] =	ssyncset.done $0x0;
	s11 =	rddreg [dreg:$0x7]  }
0x2f: {  	s13 =	rddreg [dreg:$0xf];
	[sflag:s19] =	ssyncadd.s32 $0xFFFFFB10  }
0x30: {  	[spmem:s13], [sflag:s23] =	dma.local [hbm:s11], $0x2BE0  }
0x31: {  	_ =	swait.ge [sflag:s19], $0x2BE0  }
0x32: {  	[sflag:s19] =	ssyncset.done $0x0;
	s4 =	rddreg [dreg:$0x8]  }
0x33: {  	s6 =	rddreg [dreg:$0x10];
	[sflag:s19] =	ssyncadd.s32 $0xFFFFD420  }
0x34: {  	[spmem:s6], [sflag:s23] =	dma.local @!p0 [hbm:s4], $0x120  }
0x35: {  	s4 =	simm.s32 @!p0 $0xD  }
0x36: {  	_ =	swait.ge @!p0 [sflag:s4], $0x120  }
0x37: {  	[sflag:s4] =	ssyncset.done @!p0 $0x0  }
0x38: {  	[sflag:s4] =	ssyncadd.s32 @!p0 $0xFFFFFEE0  }
0x39: {  	s9 =	simm.s32 $0xB;
	[bflag:$0x0] =	sbarrier.arrive $0xFFFF  }
0x3a: {  	s8 =	simm.s32 $0x50000;
	s4 =	simm.s32 $0x0;
	s23 =	rddreg [dreg:$0x9]  }
0x3b: {  	[tilespmem:s4], [sflag:$0xB] =	stream.strided.gather [hbm4b:s23+s22], $0xA0, s8, s22, $0x38;
	[tilespmem:$0x1F150] =	vst v63  }
0x3c: {  	_ =	swait.ge [sflag:s9], $0xA0  }
0x3d: {  	[sflag:s9] =	ssyncset.done $0x0  }
0x3e: {  	s11 =	rddreg [dreg:$0xa];
	[sflag:s9] =	ssyncadd.s32 $0xFFFFFF60;
	s9 =	simm.s32 $0x140  }
0x3f: {  	[tilespmem:s9], [sflag:$0x9] =	stream.linear.gather [hbm4b:s11+s4], $0x500, $0x38;
	[tilespmem:$0x1F150] =	vst v63  }
0x40: {  	s13 =	simm.s32 $0xB40  }
0x41: {  	[tilespmem:s13], [sflag:$0x1] =	stream.indirect.gather [spmem:s3], $0x90, s4, s26, $0xb8;
	[tilespmem:$0x1F150] =	vst v63  }
0x42: {  	s23 =	simm.s32 $0x18C0  }
0x43: {  	[tilespmem:s23], [sflag:$0x2] =	stream.indirect.gather [spmem:s3], $0x90, s26, s26, $0xb8;
	[tilespmem:$0x1F150] =	vst v63  }
0x44: {  	s6 =	simm.s32 $0x30;
	s9 =	simm.s32 $0x2640  }
0x45: {  	[tilespmem:s9], [sflag:$0x3] =	stream.indirect.gather [spmem:s3], $0x90, s6, s30, $0xb8;
	[tilespmem:$0x1F150] =	vst v63  }
0x46: {  	s11 =	simm.s32 $0x40;
	s13 =	simm.s32 $0x2F40  }
0x47: {  	[tilespmem:s13], [sflag:$0x4] =	stream.indirect.gather [spmem:s3], $0x90, s11, s30, $0xb8;
	[tilespmem:$0x1F150] =	vst v63  }
0x48: {  	s23 =	rddreg [dreg:$0xb]  }
0x49: {  	[tilespmem:s29], [sflag:$0xC] =	stream.strided.gather [hbm4b:s23+s22], $0xA0, s8, s22, $0x38;
	[tilespmem:$0x1F150] =	vst v63  }
0x4a: {  	s8 =	simm.s32 $0x0  }
.LBB2_2:
0x4b: {  	s9 =	sshll.u32 s8, $0x1  }
0x4c: {  	s4 =	sadd.s32 s9, s12  }
0x4d: {  	s4 =	smul.u32 $0x50, s4;
	_ =	sdelay $0x1  }
0x4e: {  	s4 =	sadd.s32 $0x50, s4  }
0x4f: {  	_ =	swait.ge [sflag:s31], $0xA0;
	s4 =	smin.u32 s4, $0x4E1B0  }
0x50: {  	s6 =	simm.s32 $0x0;
	[sflag:s31] =	ssyncset.done $0x0;
	s4 =	sshll.u32 s4, $0x1  }
0x51: {  	s11 =	simm.s32 $0x640;
	[sflag:s31] =	ssyncadd.s32 $0xFFFFFF60;
	s4 =	sadd.s32 s5, s4  }
0x52: {  	[tilespmem:s11], [sflag:$0xA] =	stream.linear.gather [hbm4b:s4+s6], $0x500, $0x38;
	[tilespmem:$0x1F150] =	vst v63  }
0x53: {  	s11 =	simm.s32 $0x3840  }
0x54: {  	[tilespmem:s11], [sflag:$0x5] =	stream.indirect.gather [spmem:s3], $0x90, s29, s26, $0xb8;
	[tilespmem:$0x1F150] =	vst v63  }
0x55: {  	s13 =	simm.s32 $0xB8;
	s23 =	simm.s32 $0x45C0  }
0x56: {  	[tilespmem:s23], [sflag:$0x6] =	stream.indirect.gather [spmem:s3], $0x90, s13, s26, $0xb8;
	[tilespmem:$0x1F150] =	vst v63  }
0x57: {  	s6 =	simm.s32 $0xD0;
	s11 =	simm.s32 $0x5340  }
0x58: {  	[tilespmem:s11], [sflag:$0x7] =	stream.indirect.gather [spmem:s3], $0x90, s6, s30, $0xb8;
	[tilespmem:$0x1F150] =	vst v63  }
0x59: {  	s13 =	simm.s32 $0xE0;
	s23 =	simm.s32 $0x5C40  }
0x5a: {  	[tilespmem:s23], [sflag:$0x8] =	stream.indirect.gather [spmem:s3], $0x90, s13, s30, $0xb8;
	[tilespmem:$0x1F150] =	vst v63  }
0x5b: {  	_ =	swait.ge [sflag:s16], $0x500  }
0x5c: {  	[sflag:s16] =	ssyncset.done $0x0  }
0x5d: {  	[sflag:s16] =	ssyncadd.s32 $0xFFFFFB00  }
0x5e: {  	_ =	swait.ge [sflag:s17], $0xD80  }
0x5f: {  	[sflag:s17] =	ssyncset.done $0x0  }
0x60: {  	[sflag:s17] =	ssyncadd.s32 $0xFFFFF280  }
0x61: {  	_ =	swait.ge [sflag:s20], $0xD80  }
0x62: {  	[sflag:s20] =	ssyncset.done $0x0  }
0x63: {  	[sflag:s20] =	ssyncadd.s32 $0xFFFFF280  }
0x64: {  	_ =	swait.ge [sflag:s21], $0x900  }
0x65: {  	[sflag:s21] =	ssyncset.done $0x0  }
0x66: {  	[sflag:s21] =	ssyncadd.s32 $0xFFFFF700  }
0x67: {  	_ =	swait.ge [sflag:s10], $0x900  }
0x68: {  	[sflag:s10] =	ssyncset.done $0x0  }
0x69: {  	s11 =	simm.s32 $0x10;
	[sflag:s10] =	ssyncadd.s32 $0xFFFFF700  }
0x6a: {  	v19 =	vld [tilespmem:s11+$0x130];
	_ =	sdelay $0x4  }
0x6b: {  	v17 =	vperm.xlane v19, v10  }
0x6c: {  	s13 =	simm.s32 $0xBD0;
	v16 =	vld [tilespmem:s11+$0x140];
	v18 =	vperm.xlane v19, v14;
	v20 =	vperm.xlane v19, v8  }
0x6d: {  	v33 =	vld [tilespmem:s13+$0xFFFFFF80];
	v21 =	vperm.xlane v19, v4;
	v22 =	vperm.xlane v19, v12  }
0x6e: {  	v23 =	vld [tilespmem:s13+$0xFFFFFFD0];
	v24 =	vperm.xlane v19, v9;
	v25 =	vperm.xlane v19, v13  }
0x6f: {  	v35 =	vld [tilespmem:s13+$0xFFFFFFE0];
	v27 =	vperm.xlane v19, v2;
	v28 =	vperm.xlane v19, v7  }
0x70: {  	v38 =	vld [tilespmem:s13+$0xFFFFFFC0];
	v29 =	vperm.xlane v19, v5;
	v30 =	vperm.xlane v19, v6  }
0x71: {  	v32 =	vld [tilespmem:s13+$0xFFFFFF70];
	v34 =	vperm.xlane v19, v1;
	v26 =	vperm.xlane v19, v3  }
0x72: {  	v31 =	vld [tilespmem:s13+$0xFFFFFFA0];
	v37 =	vperm.xlane v19, v0;
	v39 =	vperm.xlane v19, v15  }
0x73: {  	s4 =	simm.s32 $0xBD0;
	s23 =	simm.s32 $0xC0;
	v36 =	vld [tilespmem:s13+$0xFFFFFF90];
	v19 =	vperm.xlane v19, v11;
	v26 =	vmul.f32 v33, v26  }
.LBB2_3:
0x74: {  	p1 =	sne.s32 s23, $0x13C0  }
0x75: {  	v33 =	vshll.u32 v33, $0x10;
	v40 =	vld [tilespmem:s13+$0xFFFFFFB0];
	v41 =	vshll.u32 v23, $0x10;
	v42 =	vshll.u32 v35, $0x10;
	s4 =	sadd.s32 $0x120, s4;
	s6 =	smov.u32 s23;
	s23 =	sadd.s32 $0x80, s23  }
0x76: {  	v35 =	vmul.f32 v35, v39;
	v43 =	vld [tilespmem:s13+$0xFFFFFFF0];
	v44 =	vshll.u32 v38, $0x10;
	v19 =	vmul.f32 v38, v19  }
0x77: {  	v18 =	vmul.f32 v42, v18;
	v38 =	vshll.u32 v32, $0x10;
	v17 =	vmul.f32 v44, v17  }
0x78: {  	v32 =	vmul.f32 v32, v34;
	v37 =	vmul.f32 v38, v37;
	v34 =	vshll.u32 v31, $0x10  }
0x79: {  	v38 =	vshll.u32 v36, $0x10;
	v29 =	vmul.f32 v36, v29;
	v30 =	vmul.f32 v34, v30  }
0x7a: {  	v27 =	vmul.f32 v33, v27;
	v28 =	vmul.f32 v31, v28;
	v32 =	vadd.f32 v32, v37  }
0x7b: {  	v23 =	vmul.f32 v23, v25;
	v18 =	vadd.f32 v35, v18;
	v24 =	vmul.f32 v40, v24  }
0x7c: {  	v22 =	vmul.f32 v41, v22;
	v25 =	vshll.u32 v43, $0x10;
	v28 =	vadd.f32 v28, v30  }
0x7d: {  	v21 =	vmul.f32 v38, v21;
	v30 =	vshll.u32 v40, $0x10;
	v25 =	vadd.f32 v25, v32  }
0x7e: {  	v17 =	vadd.f32 v19, v17;
	v19 =	vadd.f32 v23, v22;
	v20 =	vmul.f32 v30, v20  }
0x7f: {  	v22 =	vadd.f32 v26, v27;
	v21 =	vadd.f32 v29, v21  }
0x80: {  	v18 =	vadd.f32 v18, v28;
	v20 =	vadd.f32 v24, v20  }
0x81: {  	v17 =	vadd.f32 v17, v22;
	v19 =	vadd.f32 v19, v21  }
0x82: {  	v20 =	vadd.f32 v20, v25;
	_ =	sdelay $0x1  }
0x83: {  	s6 =	sshra.s32 s6, $0x2;
	v18 =	vadd.f32 v18, v19;
	v17 =	vadd.f32 v17, v20  }
0x84: {  	v19 =	vld [tilespmem:s6+$0x130]  }
0x85: {  	v21 =	vperm.xlane v16, v6;
	v17 =	vadd.f32 v18, v17;
	v20 =	vld [tilespmem:s6+$0x140]  }
0x86: {  	v23 =	vperm.xlane v16, v15;
	v22 =	vperm.xlane v16, v4  }
0x87: {  	v24 =	vperm.xlane v16, v5;
	v25 =	vperm.xlane v16, v8;
	[tilespmem:s11+$0x6530] =	vst v17  }
0x88: {  	v26 =	vperm.xlane v16, v0;
	v27 =	vperm.xlane v16, v9;
	v28 =	vld [tilespmem:s13+$0x60]  }
0x89: {  	v17 =	vperm.xlane v19, v10;
	v18 =	vperm.xlane v19, v14;
	v29 =	vld [tilespmem:s13+$0x10]  }
0x8a: {  	v30 =	vperm.xlane v16, v7;
	v32 =	vperm.xlane v16, v14;
	v31 =	vld [tilespmem:s13+$0x50]  }
0x8b: {  	v35 =	vperm.xlane v16, v11;
	v34 =	vperm.xlane v16, v10;
	v33 =	vld [tilespmem:s13+$0x30]  }
0x8c: {  	v36 =	vperm.xlane v16, v12;
	v37 =	vperm.xlane v16, v13  }
0x8d: {  	v39 =	vperm.xlane v16, v3;
	v38 =	vperm.xlane v16, v2;
	v40 =	vshll.u32 v28, $0x10;
	v41 =	vld [tilespmem:s13+$0x70]  }
0x8e: {  	v28 =	vmul.f32 v28, v37;
	v42 =	vld [tilespmem:s13+$0x0];
	v43 =	vshll.u32 v29, $0x10;
	v36 =	vmul.f32 v40, v36  }
0x8f: {  	v29 =	vmul.f32 v29, v39;
	v37 =	vmul.f32 v43, v38;
	v38 =	vld [tilespmem:s13+$0x40];
	v39 =	vshll.u32 v31, $0x10  }
0x90: {  	v31 =	vmul.f32 v31, v35;
	v40 =	vld [tilespmem:s13+$0x20];
	v34 =	vmul.f32 v39, v34;
	v28 =	vadd.f32 v28, v36  }
0x91: {  	v35 =	vperm.xlane v16, v1;
	v16 =	vmovc v20;
	v30 =	vmul.f32 v33, v30;
	v29 =	vadd.f32 v29, v37  }
0x92: {  	v33 =	vshll.u32 v33, $0x10;
	v20 =	vld [tilespmem:s13+$0x80];
	v31 =	vadd.f32 v31, v34;
	v34 =	vshll.u32 v41, $0x10;
	s13 =	smov.u32 s4  }
0x93: {  	v36 =	vshll.u32 v42, $0x10;
	v35 =	vmul.f32 v42, v35;
	v32 =	vmul.f32 v34, v32  }
0x94: {  	v26 =	vmul.f32 v36, v26;
	v34 =	vshll.u32 v38, $0x10;
	v27 =	vmul.f32 v38, v27  }
0x95: {  	v36 =	vshll.u32 v40, $0x10;
	v24 =	vmul.f32 v40, v24;
	v25 =	vmul.f32 v34, v25  }
0x96: {  	v23 =	vmul.f32 v41, v23;
	v26 =	vadd.f32 v35, v26;
	v22 =	vmul.f32 v36, v22  }
0x97: {  	v21 =	vmul.f32 v33, v21;
	v20 =	vshll.u32 v20, $0x10;
	v25 =	vadd.f32 v27, v25  }
0x98: {  	v20 =	vadd.f32 v20, v26;
	v22 =	vadd.f32 v24, v22  }
0x99: {  	v23 =	vadd.f32 v23, v32;
	v24 =	vadd.f32 v31, v29  }
0x9a: {  	v21 =	vadd.f32 v30, v21;
	v20 =	vadd.f32 v25, v20  }
0x9b: {  	v22 =	vadd.f32 v28, v22  }
0x9c: {  	v21 =	vadd.f32 v23, v21;
	v20 =	vadd.f32 v24, v20;
	_ =	sdelay $0x1  }
0x9d: {  	v21 =	vadd.f32 v21, v22;
	_ =	sdelay $0x1  }
0x9e: {  	v21 =	vadd.f32 v21, v20;
	_ =	sdelay $0x1  }
0x9f: {  	v20 =	vperm.xlane v19, v8;
	[tilespmem:s11+$0x6540] =	vst v21;
	s11 =	smov.u32 s6  }
0xa0: {  	v22 =	vperm.xlane v19, v12;
	v21 =	vperm.xlane v19, v4;
	v33 =	vld [tilespmem:s4+$0xFFFFFF80]  }
0xa1: {  	v25 =	vperm.xlane v19, v13;
	v24 =	vperm.xlane v19, v9;
	v23 =	vld [tilespmem:s4+$0xFFFFFFD0]  }
.Ltmp2:
0xa2: {  	v27 =	vperm.xlane v19, v2;
	v28 =	vperm.xlane v19, v7;
	v35 =	vld [tilespmem:s4+$0xFFFFFFE0];
	(pc) =	sbr.rel @p1 .LBB2_3-.Ltmp2, $4  }
0xa3: {  	v30 =	vperm.xlane v19, v6;
	v29 =	vperm.xlane v19, v5;
	v38 =	vld [tilespmem:s4+$0xFFFFFFC0]  }
0xa4: {  	v34 =	vperm.xlane v19, v1;
	v26 =	vperm.xlane v19, v3;
	v32 =	vld [tilespmem:s4+$0xFFFFFF70]  }
0xa5: {  	v39 =	vperm.xlane v19, v15;
	v37 =	vperm.xlane v19, v0;
	v31 =	vld [tilespmem:s4+$0xFFFFFFA0]  }
0xa6: {  	v19 =	vperm.xlane v19, v11;
	v26 =	vmul.f32 v33, v26;
	v36 =	vld [tilespmem:s4+$0xFFFFFF90]  }
0xa7: {  	v33 =	vshll.u32 v33, $0x10;
	v40 =	vshll.u32 v35, $0x10;
	v43 =	vmul.f32 v35, v39  }
0xa8: {  	v48 =	vshll.u32 v23, $0x10;
	v23 =	vmul.f32 v23, v25;
	v19 =	vmul.f32 v38, v19  }
0xa9: {  	v42 =	vshll.u32 v38, $0x10;
	v18 =	vmul.f32 v40, v18;
	v27 =	vmul.f32 v33, v27  }
0xaa: {  	v41 =	vld [tilespmem:s13+$0xFFFFFFB0];
	v22 =	vmul.f32 v48, v22;
	v45 =	vshll.u32 v32, $0x10;
	v17 =	vmul.f32 v42, v17  }
0xab: {  	v44 =	vld [tilespmem:s13+$0xFFFFFFF0];
	v46 =	vmul.f32 v32, v34;
	v37 =	vmul.f32 v45, v37  }
0xac: {  	v47 =	vshll.u32 v31, $0x10;
	v28 =	vmul.f32 v31, v28;
	v18 =	vadd.f32 v43, v18  }
0xad: {  	v29 =	vmul.f32 v36, v29;
	v30 =	vmul.f32 v47, v30;
	v17 =	vadd.f32 v19, v17  }
0xae: {  	v49 =	vshll.u32 v36, $0x10;
	v19 =	vadd.f32 v23, v22;
	v31 =	vadd.f32 v46, v37  }
0xaf: {  	v24 =	vmul.f32 v41, v24;
	v28 =	vadd.f32 v28, v30;
	v30 =	vshll.u32 v41, $0x10  }
0xb0: {  	v25 =	vshll.u32 v44, $0x10;
	v21 =	vmul.f32 v49, v21;
	v20 =	vmul.f32 v30, v20  }
0xb1: {  	v22 =	vadd.f32 v26, v27;
	v25 =	vadd.f32 v25, v31  }
0xb2: {  	v21 =	vadd.f32 v29, v21;
	v20 =	vadd.f32 v24, v20  }
0xb3: {  	v17 =	vadd.f32 v17, v22;
	v18 =	vadd.f32 v18, v28  }
0xb4: {  	v19 =	vadd.f32 v19, v21;
	v20 =	vadd.f32 v20, v25;
	_ =	sdelay $0x1  }
0xb5: {  	v18 =	vadd.f32 v18, v19;
	v17 =	vadd.f32 v17, v20;
	_ =	sdelay $0x1  }
0xb6: {  	v17 =	vadd.f32 v18, v17;
	_ =	sdelay $0x1  }
0xb7: {  	[tilespmem:s11+$0x6530] =	vst v17  }
0xb8: {  	v22 =	vld [tilespmem:s13+$0x60]  }
0xb9: {  	v50 =	vperm.xlane v16, v12;
	v51 =	vperm.xlane v16, v13;
	v25 =	vld [tilespmem:s13+$0x10]  }
0xba: {  	v52 =	vperm.xlane v16, v2;
	v53 =	vperm.xlane v16, v3;
	v27 =	vld [tilespmem:s13+$0x50]  }
0xbb: {  	v23 =	vperm.xlane v16, v0;
	v26 =	vperm.xlane v16, v7;
	v31 =	vld [tilespmem:s13+$0x30]  }
0xbc: {  	v29 =	vperm.xlane v16, v10;
	v30 =	vperm.xlane v16, v11;
	v55 =	vld [tilespmem:s13+$0x70]  }
0xbd: {  	v28 =	vperm.xlane v16, v14;
	v21 =	vperm.xlane v16, v8;
	v56 =	vld [tilespmem:s13+$0x0]  }
0xbe: {  	v24 =	vperm.xlane v16, v9;
	v19 =	vperm.xlane v16, v4;
	v59 =	vld [tilespmem:s13+$0x40]  }
0xbf: {  	v20 =	vperm.xlane v16, v15;
	v18 =	vperm.xlane v16, v6;
	v61 =	vld [tilespmem:s13+$0x20]  }
0xc0: {  	v17 =	vperm.xlane v16, v5;
	v16 =	vperm.xlane v16, v1;
	v54 =	vshll.u32 v22, $0x10  }
0xc1: {  	v57 =	vshll.u32 v25, $0x10;
	v22 =	vmul.f32 v22, v51;
	v25 =	vmul.f32 v25, v53  }
0xc2: {  	v60 =	vshll.u32 v27, $0x10;
	v27 =	vmul.f32 v27, v30;
	v26 =	vmul.f32 v31, v26  }
0xc3: {  	v16 =	vmul.f32 v56, v16;
	v24 =	vmul.f32 v59, v24  }
0xc4: {  	v31 =	vshll.u32 v31, $0x10;
	v17 =	vmul.f32 v61, v17;
	v20 =	vmul.f32 v55, v20  }
0xc5: {  	v30 =	vld [tilespmem:s13+$0x80];
	v62 =	vshll.u32 v56, $0x10;
	v32 =	vmul.f32 v54, v50;
	v58 =	vmul.f32 v57, v52  }
0xc6: {  	v63 =	vshll.u32 v61, $0x10;
	v29 =	vmul.f32 v60, v29;
	v23 =	vmul.f32 v62, v23  }
0xc7: {  	v19 =	vmul.f32 v63, v19;
	v18 =	vmul.f32 v31, v18;
	v22 =	vadd.f32 v22, v32  }
0xc8: {  	v25 =	vadd.f32 v25, v58;
	v27 =	vadd.f32 v27, v29;
	v29 =	vshll.u32 v55, $0x10  }
0xc9: {  	v16 =	vadd.f32 v16, v23;
	v28 =	vmul.f32 v29, v28;
	v29 =	vshll.u32 v59, $0x10  }
0xca: {  	v17 =	vadd.f32 v17, v19;
	v21 =	vmul.f32 v29, v21;
	v23 =	vshll.u32 v30, $0x10  }
0xcb: {  	v18 =	vadd.f32 v26, v18;
	v16 =	vadd.f32 v23, v16  }
0xcc: {  	v19 =	vadd.f32 v20, v28;
	v21 =	vadd.f32 v24, v21  }
0xcd: {  	v17 =	vadd.f32 v22, v17;
	v20 =	vadd.f32 v27, v25  }
0xce: {  	v18 =	vadd.f32 v19, v18;
	v16 =	vadd.f32 v21, v16;
	_ =	sdelay $0x1  }
0xcf: {  	v17 =	vadd.f32 v18, v17;
	v16 =	vadd.f32 v20, v16;
	_ =	sdelay $0x1  }
0xd0: {  	p1 =	seq.s32 s8, $0x3F;
	v16 =	vadd.f32 v17, v16  }
0xd1: {  	s4 =	sadd.s32 @!p1 s9, s14  }
0xd2: {  	s4 =	smul.u32 @!p1 $0x50, s4;
	[tilespmem:s11+$0x6540] =	vst v16  }
0xd3: {  	[spmem:s2] =	stream.indirect.scatter.add.f32 [tilespmem:s24], [sflag:$0xD], $0x10, s22, s22, $0xb8;
	[tilespmem:$0x1F150] =	vst v63  }
0xd4: {  	s6 =	sshrl.u32 @!p1 s4, $0x3;
	_ =	swait.ge [sflag:s19], $0x500  }
0xd5: {  	s23 =	simm.s32 @!p1 $0x0;
	s6 =	sadd.s32 @!p1 s1, s6;
	[sflag:s19] =	ssyncset.done $0x0  }
0xd6: {  	s13 =	simm.s32 @!p1 $0x50000;
	s11 =	simm.s32 @!p1 $0x50;
	[sflag:s19] =	ssyncadd.s32 $0xFFFFFB00  }
0xd7: {  	[tilespmem:s23], [sflag:$0xB] =	stream.strided.gather @!p1 [hbm4b:s6+s11], $0xA0, s13, s11, $0x38;
	[tilespmem:$0x1F150] =	vst v63  }
0xd8: {  	s6 =	simm.s32 @!p1 $0xB  }
0xd9: {  	s4 =	smin.u32 @!p1 s4, $0x4E1B0;
	_ =	swait.ge @!p1 [sflag:s6], $0xA0  }
0xda: {  	s4 =	sshll.u32 @!p1 s4, $0x1;
	[sflag:s6] =	ssyncset.done @!p1 $0x0  }
0xdb: {  	s4 =	sadd.s32 @!p1 s5, s4;
	[sflag:s6] =	ssyncadd.s32 @!p1 $0xFFFFFF60;
	s6 =	simm.s32 @!p1 $0x140  }
0xdc: {  	[tilespmem:s6], [sflag:$0x9] =	stream.linear.gather @!p1 [hbm4b:s4+s23], $0x500, $0x38;
	[tilespmem:$0x1F150] =	vst v63  }
0xdd: {  	s4 =	simm.s32 @!p1 $0x18;
	s6 =	simm.s32 @!p1 $0xB40  }
0xde: {  	[tilespmem:s6], [sflag:$0x1] =	stream.indirect.gather @!p1 [spmem:s3], $0x90, s23, s4, $0xb8;
	[tilespmem:$0x1F150] =	vst v63  }
0xdf: {  	s6 =	simm.s32 @!p1 $0x18C0  }
0xe0: {  	[tilespmem:s6], [sflag:$0x2] =	stream.indirect.gather @!p1 [spmem:s3], $0x90, s4, s4, $0xb8;
	[tilespmem:$0x1F150] =	vst v63  }
0xe1: {  	s11 =	simm.s32 @!p1 $0x2640;
	s4 =	simm.s32 @!p1 $0x10;
	s6 =	simm.s32 @!p1 $0x30  }
0xe2: {  	[tilespmem:s11], [sflag:$0x3] =	stream.indirect.gather @!p1 [spmem:s3], $0x90, s6, s4, $0xb8;
	[tilespmem:$0x1F150] =	vst v63  }
0xe3: {  	s6 =	simm.s32 @!p1 $0x40;
	s11 =	simm.s32 @!p1 $0x2F40  }
0xe4: {  	[tilespmem:s11], [sflag:$0x4] =	stream.indirect.gather @!p1 [spmem:s3], $0x90, s6, s4, $0xb8;
	[tilespmem:$0x1F150] =	vst v63  }
0xe5: {  	_ =	swait.ge [sflag:s18], $0x500  }
0xe6: {  	[sflag:s18] =	ssyncset.done $0x0  }
0xe7: {  	[sflag:s18] =	ssyncadd.s32 $0xFFFFFB00  }
0xe8: {  	_ =	swait.ge [sflag:s7], $0xD80  }
0xe9: {  	[sflag:s7] =	ssyncset.done $0x0  }
0xea: {  	[sflag:s7] =	ssyncadd.s32 $0xFFFFF280  }
0xeb: {  	_ =	swait.ge [sflag:s0], $0xD80  }
0xec: {  	[sflag:s0] =	ssyncset.done $0x0  }
0xed: {  	[sflag:s0] =	ssyncadd.s32 $0xFFFFF280  }
0xee: {  	_ =	swait.ge [sflag:s25], $0x900  }
0xef: {  	[sflag:s25] =	ssyncset.done $0x0  }
0xf0: {  	[sflag:s25] =	ssyncadd.s32 $0xFFFFF700  }
0xf1: {  	_ =	swait.ge [sflag:s28], $0x900  }
0xf2: {  	[sflag:s28] =	ssyncset.done $0x0  }
0xf3: {  	s11 =	simm.s32 $0x0;
	[sflag:s28] =	ssyncadd.s32 $0xFFFFF700  }
0xf4: {  	v19 =	vld [tilespmem:s11+$0x640];
	_ =	sdelay $0x4  }
0xf5: {  	v17 =	vperm.xlane v19, v10  }
0xf6: {  	s13 =	simm.s32 $0x3950;
	v16 =	vld [tilespmem:s11+$0x650];
	v18 =	vperm.xlane v19, v14;
	v20 =	vperm.xlane v19, v8  }
0xf7: {  	v33 =	vld [tilespmem:s13+$0xFFFFFF00];
	v21 =	vperm.xlane v19, v4;
	v22 =	vperm.xlane v19, v12  }
0xf8: {  	v23 =	vld [tilespmem:s13+$0xFFFFFF50];
	v24 =	vperm.xlane v19, v9;
	v25 =	vperm.xlane v19, v13  }
0xf9: {  	v35 =	vld [tilespmem:s13+$0xFFFFFF60];
	v27 =	vperm.xlane v19, v2;
	v28 =	vperm.xlane v19, v7  }
0xfa: {  	v38 =	vld [tilespmem:s13+$0xFFFFFF40];
	v29 =	vperm.xlane v19, v5;
	v30 =	vperm.xlane v19, v6  }
0xfb: {  	v32 =	vld [tilespmem:s13+$0xFFFFFEF0];
	v34 =	vperm.xlane v19, v1;
	v26 =	vperm.xlane v19, v3  }
0xfc: {  	v31 =	vld [tilespmem:s13+$0xFFFFFF20];
	v37 =	vperm.xlane v19, v0;
	v39 =	vperm.xlane v19, v15  }
0xfd: {  	s23 =	simm.s32 $0x80;
	s4 =	simm.s32 $0x3950;
	v36 =	vld [tilespmem:s13+$0xFFFFFF10];
	v19 =	vperm.xlane v19, v11;
	v26 =	vmul.f32 v33, v26  }
.LBB2_5:
0xfe: {  	p2 =	sne.s32 s23, $0x1380  }
0xff: {  	v33 =	vshll.u32 v33, $0x10;
	v40 =	vld [tilespmem:s13+$0xFFFFFF30];
	v41 =	vshll.u32 v23, $0x10;
	v42 =	vshll.u32 v35, $0x10;
	s4 =	sadd.s32 $0x120, s4;
	s6 =	smov.u32 s23;
	s23 =	sadd.s32 $0x80, s23  }
0x100: {  	v35 =	vmul.f32 v35, v39;
	v43 =	vld [tilespmem:s13+$0xFFFFFF70];
	v44 =	vshll.u32 v38, $0x10;
	v19 =	vmul.f32 v38, v19  }
0x101: {  	v18 =	vmul.f32 v42, v18;
	v38 =	vshll.u32 v32, $0x10;
	v17 =	vmul.f32 v44, v17  }
0x102: {  	v32 =	vmul.f32 v32, v34;
	v37 =	vmul.f32 v38, v37;
	v34 =	vshll.u32 v31, $0x10  }
0x103: {  	v38 =	vshll.u32 v36, $0x10;
	v29 =	vmul.f32 v36, v29;
	v30 =	vmul.f32 v34, v30  }
0x104: {  	v27 =	vmul.f32 v33, v27;
	v28 =	vmul.f32 v31, v28;
	v32 =	vadd.f32 v32, v37  }
0x105: {  	v23 =	vmul.f32 v23, v25;
	v18 =	vadd.f32 v35, v18;
	v24 =	vmul.f32 v40, v24  }
0x106: {  	v22 =	vmul.f32 v41, v22;
	v25 =	vshll.u32 v43, $0x10;
	v28 =	vadd.f32 v28, v30  }
0x107: {  	v21 =	vmul.f32 v38, v21;
	v30 =	vshll.u32 v40, $0x10;
	v25 =	vadd.f32 v25, v32  }
0x108: {  	v17 =	vadd.f32 v19, v17;
	v19 =	vadd.f32 v23, v22;
	v20 =	vmul.f32 v30, v20  }
0x109: {  	v22 =	vadd.f32 v26, v27;
	v21 =	vadd.f32 v29, v21  }
0x10a: {  	v18 =	vadd.f32 v18, v28;
	v20 =	vadd.f32 v24, v20  }
0x10b: {  	v17 =	vadd.f32 v17, v22;
	v19 =	vadd.f32 v19, v21  }
0x10c: {  	v20 =	vadd.f32 v20, v25;
	_ =	sdelay $0x1  }
0x10d: {  	s6 =	sshra.s32 s6, $0x2;
	v18 =	vadd.f32 v18, v19;
	v17 =	vadd.f32 v17, v20  }
0x10e: {  	v19 =	vld [tilespmem:s6+$0x640]  }
0x10f: {  	v21 =	vperm.xlane v16, v6;
	v17 =	vadd.f32 v18, v17;
	v20 =	vld [tilespmem:s6+$0x650]  }
0x110: {  	v23 =	vperm.xlane v16, v15;
	v22 =	vperm.xlane v16, v4  }
0x111: {  	v24 =	vperm.xlane v16, v5;
	v25 =	vperm.xlane v16, v8;
	[tilespmem:s11+$0x6540] =	vst v17  }
0x112: {  	v26 =	vperm.xlane v16, v0;
	v27 =	vperm.xlane v16, v9;
	v28 =	vld [tilespmem:s13+$0xFFFFFFE0]  }
0x113: {  	v17 =	vperm.xlane v19, v10;
	v18 =	vperm.xlane v19, v14;
	v29 =	vld [tilespmem:s13+$0xFFFFFF90]  }
0x114: {  	v30 =	vperm.xlane v16, v7;
	v32 =	vperm.xlane v16, v14;
	v31 =	vld [tilespmem:s13+$0xFFFFFFD0]  }
0x115: {  	v35 =	vperm.xlane v16, v11;
	v34 =	vperm.xlane v16, v10;
	v33 =	vld [tilespmem:s13+$0xFFFFFFB0]  }
0x116: {  	v36 =	vperm.xlane v16, v12;
	v37 =	vperm.xlane v16, v13  }
0x117: {  	v39 =	vperm.xlane v16, v3;
	v38 =	vperm.xlane v16, v2;
	v40 =	vshll.u32 v28, $0x10;
	v41 =	vld [tilespmem:s13+$0xFFFFFFF0]  }
0x118: {  	v28 =	vmul.f32 v28, v37;
	v42 =	vld [tilespmem:s13+$0xFFFFFF80];
	v43 =	vshll.u32 v29, $0x10;
	v36 =	vmul.f32 v40, v36  }
0x119: {  	v29 =	vmul.f32 v29, v39;
	v37 =	vmul.f32 v43, v38;
	v38 =	vld [tilespmem:s13+$0xFFFFFFC0];
	v39 =	vshll.u32 v31, $0x10  }
0x11a: {  	v31 =	vmul.f32 v31, v35;
	v40 =	vld [tilespmem:s13+$0xFFFFFFA0];
	v34 =	vmul.f32 v39, v34;
	v28 =	vadd.f32 v28, v36  }
0x11b: {  	v35 =	vperm.xlane v16, v1;
	v16 =	vmovc v20;
	v30 =	vmul.f32 v33, v30;
	v29 =	vadd.f32 v29, v37  }
0x11c: {  	v33 =	vshll.u32 v33, $0x10;
	v20 =	vld [tilespmem:s13+$0x0];
	v31 =	vadd.f32 v31, v34;
	v34 =	vshll.u32 v41, $0x10;
	s13 =	smov.u32 s4  }
0x11d: {  	v36 =	vshll.u32 v42, $0x10;
	v35 =	vmul.f32 v42, v35;
	v32 =	vmul.f32 v34, v32  }
0x11e: {  	v26 =	vmul.f32 v36, v26;
	v34 =	vshll.u32 v38, $0x10;
	v27 =	vmul.f32 v38, v27  }
0x11f: {  	v36 =	vshll.u32 v40, $0x10;
	v24 =	vmul.f32 v40, v24;
	v25 =	vmul.f32 v34, v25  }
0x120: {  	v23 =	vmul.f32 v41, v23;
	v26 =	vadd.f32 v35, v26;
	v22 =	vmul.f32 v36, v22  }
0x121: {  	v21 =	vmul.f32 v33, v21;
	v20 =	vshll.u32 v20, $0x10;
	v25 =	vadd.f32 v27, v25  }
0x122: {  	v20 =	vadd.f32 v20, v26;
	v22 =	vadd.f32 v24, v22  }
0x123: {  	v23 =	vadd.f32 v23, v32;
	v24 =	vadd.f32 v31, v29  }
0x124: {  	v21 =	vadd.f32 v30, v21;
	v20 =	vadd.f32 v25, v20  }
0x125: {  	v22 =	vadd.f32 v28, v22  }
0x126: {  	v21 =	vadd.f32 v23, v21;
	v20 =	vadd.f32 v24, v20;
	_ =	sdelay $0x1  }
0x127: {  	v21 =	vadd.f32 v21, v22;
	_ =	sdelay $0x1  }
0x128: {  	v21 =	vadd.f32 v21, v20;
	_ =	sdelay $0x1  }
0x129: {  	v20 =	vperm.xlane v19, v8;
	[tilespmem:s11+$0x6550] =	vst v21;
	s11 =	smov.u32 s6  }
0x12a: {  	v22 =	vperm.xlane v19, v12;
	v21 =	vperm.xlane v19, v4;
	v33 =	vld [tilespmem:s4+$0xFFFFFF00]  }
0x12b: {  	v25 =	vperm.xlane v19, v13;
	v24 =	vperm.xlane v19, v9;
	v23 =	vld [tilespmem:s4+$0xFFFFFF50]  }
.Ltmp3:
0x12c: {  	v27 =	vperm.xlane v19, v2;
	v28 =	vperm.xlane v19, v7;
	v35 =	vld [tilespmem:s4+$0xFFFFFF60];
	(pc) =	sbr.rel @p2 .LBB2_5-.Ltmp3, $4  }
0x12d: {  	v30 =	vperm.xlane v19, v6;
	v29 =	vperm.xlane v19, v5;
	v38 =	vld [tilespmem:s4+$0xFFFFFF40]  }
0x12e: {  	v34 =	vperm.xlane v19, v1;
	v26 =	vperm.xlane v19, v3;
	v32 =	vld [tilespmem:s4+$0xFFFFFEF0]  }
0x12f: {  	v39 =	vperm.xlane v19, v15;
	v37 =	vperm.xlane v19, v0;
	v31 =	vld [tilespmem:s4+$0xFFFFFF20]  }
0x130: {  	v19 =	vperm.xlane v19, v11;
	v26 =	vmul.f32 v33, v26;
	v36 =	vld [tilespmem:s4+$0xFFFFFF10]  }
0x131: {  	v33 =	vshll.u32 v33, $0x10;
	v40 =	vshll.u32 v35, $0x10;
	v45 =	vmul.f32 v35, v39  }
0x132: {  	v50 =	vshll.u32 v23, $0x10;
	v53 =	vmul.f32 v23, v25;
	v19 =	vmul.f32 v38, v19  }
0x133: {  	v42 =	vshll.u32 v38, $0x10;
	v18 =	vmul.f32 v40, v18;
	v27 =	vmul.f32 v33, v27  }
0x134: {  	v41 =	vld [tilespmem:s13+$0xFFFFFF30];
	v22 =	vmul.f32 v50, v22;
	v47 =	vshll.u32 v32, $0x10;
	v17 =	vmul.f32 v42, v17  }
0x135: {  	v46 =	vld [tilespmem:s13+$0xFFFFFF70];
	v48 =	vmul.f32 v32, v34;
	v37 =	vmul.f32 v47, v37  }
0x136: {  	v49 =	vshll.u32 v31, $0x10;
	v28 =	vmul.f32 v31, v28;
	v18 =	vadd.f32 v45, v18  }
0x137: {  	v56 =	vadd.f32 v53, v22;
	v57 =	vadd.f32 v26, v27;
	v29 =	vmul.f32 v36, v29  }
0x138: {  	v30 =	vmul.f32 v49, v30;
	v51 =	vshll.u32 v36, $0x10;
	v17 =	vadd.f32 v19, v17  }
0x139: {  	v52 =	vadd.f32 v48, v37;
	v24 =	vmul.f32 v41, v24;
	v55 =	vshll.u32 v41, $0x10  }
0x13a: {  	v54 =	vshll.u32 v46, $0x10;
	v21 =	vmul.f32 v51, v21;
	v20 =	vmul.f32 v55, v20  }
0x13b: {  	v28 =	vadd.f32 v28, v30;
	v25 =	vadd.f32 v54, v52  }
0x13c: {  	v21 =	vadd.f32 v29, v21;
	v20 =	vadd.f32 v24, v20  }
0x13d: {  	v17 =	vadd.f32 v17, v57;
	v18 =	vadd.f32 v18, v28  }
0x13e: {  	v19 =	vadd.f32 v56, v21;
	v20 =	vadd.f32 v20, v25;
	_ =	sdelay $0x1  }
0x13f: {  	v18 =	vadd.f32 v18, v19;
	v17 =	vadd.f32 v17, v20;
	_ =	sdelay $0x1  }
0x140: {  	v17 =	vadd.f32 v18, v17;
	_ =	sdelay $0x1  }
0x141: {  	[tilespmem:s11+$0x6540] =	vst v17  }
0x142: {  	v23 =	vperm.xlane v16, v0;
	v58 =	vld [tilespmem:s13+$0xFFFFFFE0]  }
0x143: {  	v60 =	vperm.xlane v16, v7;
	v62 =	vperm.xlane v16, v14;
	v59 =	vld [tilespmem:s13+$0xFFFFFF90]  }
0x144: {  	v63 =	vperm.xlane v16, v10;
	v44 =	vperm.xlane v16, v12;
	v61 =	vld [tilespmem:s13+$0xFFFFFFD0]  }
0x145: {  	v42 =	vperm.xlane v16, v11;
	v45 =	vperm.xlane v16, v13;
	v43 =	vld [tilespmem:s13+$0xFFFFFFB0]  }
0x146: {  	v47 =	vperm.xlane v16, v3;
	v46 =	vperm.xlane v16, v2;
	v49 =	vld [tilespmem:s13+$0xFFFFFFF0]  }
0x147: {  	v24 =	vperm.xlane v16, v9;
	v21 =	vperm.xlane v16, v8;
	v50 =	vld [tilespmem:s13+$0xFFFFFF80]  }
0x148: {  	v19 =	vperm.xlane v16, v4;
	v20 =	vperm.xlane v16, v15;
	v53 =	vld [tilespmem:s13+$0xFFFFFFC0]  }
0x149: {  	v18 =	vperm.xlane v16, v6;
	v17 =	vperm.xlane v16, v5;
	v55 =	vld [tilespmem:s13+$0xFFFFFFA0]  }
0x14a: {  	v16 =	vperm.xlane v16, v1;
	v48 =	vshll.u32 v58, $0x10;
	v51 =	vshll.u32 v59, $0x10  }
0x14b: {  	v22 =	vmul.f32 v58, v45;
	v25 =	vmul.f32 v59, v47;
	v54 =	vshll.u32 v61, $0x10  }
0x14c: {  	v27 =	vmul.f32 v61, v42;
	v26 =	vmul.f32 v43, v60;
	v31 =	vshll.u32 v43, $0x10  }
0x14d: {  	v57 =	vshll.u32 v49, $0x10;
	v16 =	vmul.f32 v50, v16;
	v24 =	vmul.f32 v53, v24  }
0x14e: {  	v58 =	vshll.u32 v50, $0x10;
	v17 =	vmul.f32 v55, v17;
	v20 =	vmul.f32 v49, v20  }
0x14f: {  	v56 =	vld [tilespmem:s13+$0x0];
	v59 =	vshll.u32 v53, $0x10;
	v32 =	vmul.f32 v48, v44;
	v52 =	vmul.f32 v51, v46  }
0x150: {  	v60 =	vshll.u32 v55, $0x10;
	v29 =	vmul.f32 v54, v63;
	v28 =	vmul.f32 v57, v62  }
0x151: {  	v23 =	vmul.f32 v58, v23;
	v21 =	vmul.f32 v59, v21;
	v22 =	vadd.f32 v22, v32  }
0x152: {  	v19 =	vmul.f32 v60, v19;
	v25 =	vadd.f32 v25, v52;
	v27 =	vadd.f32 v27, v29  }
0x153: {  	v18 =	vmul.f32 v31, v18;
	v16 =	vadd.f32 v16, v23;
	v21 =	vadd.f32 v24, v21  }
0x154: {  	v61 =	vshll.u32 v56, $0x10;
	v17 =	vadd.f32 v17, v19;
	v62 =	vadd.f32 v20, v28  }
0x155: {  	v18 =	vadd.f32 v26, v18;
	v16 =	vadd.f32 v61, v16  }
0x156: {  	v63 =	vadd.f32 v27, v25;
	v17 =	vadd.f32 v22, v17  }
0x157: {  	v18 =	vadd.f32 v62, v18;
	v16 =	vadd.f32 v21, v16;
	_ =	sdelay $0x1  }
0x158: {  	v17 =	vadd.f32 v18, v17;
	v16 =	vadd.f32 v63, v16;
	_ =	sdelay $0x1  }
0x159: {  	v16 =	vadd.f32 v17, v16;
	_ =	sdelay $0x1  }
.Ltmp4:
0x15a: {  	s4 =	simm.s32 $0xF0;
	[tilespmem:s11+$0x6550] =	vst v16;
	(pc) =	sbr.rel @p1 .LBB2_8-.Ltmp4, $4  }
0x15b: {  	[spmem:s2] =	stream.indirect.scatter.add.f32 [tilespmem:s24], [sflag:$0xD], $0x10, s4, s22, $0xb8;
	[tilespmem:$0x1F150] =	vst v63  }
0x15c: {  	_ =	swait.ge [sflag:s19], $0x500  }
0x15d: {  	[sflag:s19] =	ssyncset.done $0x0  }
0x15e: {  	[sflag:s19] =	ssyncadd.s32 $0xFFFFFB00  }
.Ltmp5:
0x15f: {  	s4 =	sadd.s32 s9, s15;
	(pc) =	sbr.rel .LBB2_2-.Ltmp5, $3  }
0x160: {  	s4 =	smul.u32 $0xA, s4;
	_ =	sdelay $0x1  }
0x161: {  	s6 =	simm.s32 $0x50000;
	s8 =	sadd.s32 $0x1, s8;
	s4 =	sadd.s32 s1, s4  }
0x162: {  	[tilespmem:s29], [sflag:$0xC] =	stream.strided.gather [hbm4b:s4+s22], $0xA0, s6, s22, $0x38;
	[tilespmem:$0x1F150] =	vst v63  }
.LBB2_9:
0x163: {  	_ =	sfence.sel $0x180000  }
0x164: {  	[bflag:$0x0] =	sbarrier.arrive $0xFFFF  }
0x165: {  	_ =	strace $0x90000047  }
0x166: {  	[bflag:$0x2] =	sbarrier.arrive $0xFFFF  }
0x167: {  	s0 =	rddreg [dreg:$0x4]  }
0x168: {  	s0 =	sadd.s32 @!p0 $0x100000, s0  }
0x169: {  	[sflag:s0] =	ssyncadd.tile.s32 @!p0 $0x1;
	_ =	shalt  }
.Lfunc_end2:
_tile_overlayer_lowered:
.L_overlay_start_2:
0x16a: {  	(tag) =	ssettag $0x2  }
0x16b: {  	s0 =	rddreg [dreg:$0x0];
	s2 =	stileid.u32  }
0x16c: {  	s1 =	rddreg [dreg:$0x1];
	p0 =	sne.s32 s2, $0x0  }
0x16d: {  	s3 =	rddreg [dreg:$0x2];
	[bflag:$0x3] =	sbarrier.arrive $0xFFFF;
	s2 =	simm.s32 @!p0 $0x1C0D  }
0x16e: {  	[timem:s3], [sflag:s2] =	dma.local @!p0 [hbm:s0], s1  }
0x16f: {  	s0 =	simm.s32 @!p0 $0xD  }
0x170: {  	_ =	swait.ge @!p0 [sflag:s0], s1  }
0x171: {  	s1 =	ssub.s32 @!p0 $0x0, s1;
	[sflag:s0] =	ssyncset.done @!p0 $0x0  }
0x172: {  	[sflag:s0] =	ssyncadd.s32 @!p0 s1  }
0x173: {  	[bflag:$0x3] =	sbarrier.arrive $0xFFFF  }
0x174: {  	_ =	shalt  }

</sc_bundles>
